<compile_context>
chip_gen: v7x
topology: tpu7x:2x2x1
jax: 0.10.2.dev20260603
libtpu: 0.0.44.dev20260713+nightly
codegen_flags: <defaults>
</compile_context>

<pallas_src>
import jax
import jax.numpy as jnp
from jax import lax
from jax.experimental import pallas as pl
from jax.experimental.pallas import tpu as pltpu
from jax.experimental.pallas import tpu_sc as plsc

E = 64
K = 2
D_IN = 768
D_OUT = 768
T = 2048
P = T * K
TILE = 128
N_TILES = P // TILE
NW = 96
SC_CORES = 2
SC_SUBCORES = 16
SC_WORKERS = SC_CORES * SC_SUBCORES


def _gating_kernel(x_ref, wg_ref, pos0_ref, pos1_ref, g0_ref, g1_ref,
                   wt_ref, we_ref, wlo_ref, whi_ref, wfirst_ref, loss_ref):
    logits = jnp.dot(x_ref[...], wg_ref[...],
                     preferred_element_type=jnp.float32)
    eiota = lax.broadcasted_iota(jnp.int32, (T, E), 1)
    l1 = jnp.max(logits, axis=1, keepdims=True)
    i1 = jnp.min(jnp.where(logits == l1, eiota, E), axis=1, keepdims=True)
    is1 = eiota == i1
    l2 = jnp.max(jnp.where(is1, -jnp.inf, logits), axis=1, keepdims=True)
    i2 = jnp.min(jnp.where((logits == l2) & (~is1), eiota, E),
                 axis=1, keepdims=True)
    is2 = eiota == i2
    sexp = jnp.sum(jnp.exp(logits - l1), axis=1, keepdims=True)
    p1 = 1.0 / sexp
    p2 = jnp.exp(l2 - l1) / sexp
    den = p1 + p2 + 1e-6
    g0 = p1 / den
    g1 = p2 / den
    oh0 = is1.astype(jnp.float32)
    oh1 = is2.astype(jnp.float32)
    oh = oh0 + oh1
    tri = (lax.broadcasted_iota(jnp.int32, (T, T), 0) >
           lax.broadcasted_iota(jnp.int32, (T, T), 1)).astype(jnp.bfloat16)
    cb = jnp.dot(tri, oh.astype(jnp.bfloat16),
                 preferred_element_type=jnp.float32)
    r0 = jnp.sum(oh0 * cb, axis=1, keepdims=True)
    r1 = jnp.sum(oh1 * cb, axis=1, keepdims=True)
    counts = jnp.sum(oh, axis=0, keepdims=True)
    imp = jnp.sum(oh0 * g0 + oh1 * g1, axis=0, keepdims=True)
    load = jnp.sum(oh0 * (g0 > 0.0).astype(jnp.float32) +
                   oh1 * (g1 > 0.0).astype(jnp.float32), axis=0, keepdims=True)
    up = (lax.broadcasted_iota(jnp.int32, (E, E), 0) <
          lax.broadcasted_iota(jnp.int32, (E, E), 1)).astype(jnp.float32)
    off = jnp.dot(counts, up, preferred_element_type=jnp.float32,
                  precision=lax.Precision.HIGHEST)
    off_inc = off + counts
    off0 = jnp.sum(jnp.where(is1, off, 0.0), axis=1, keepdims=True)
    off1 = jnp.sum(jnp.where(is2, off, 0.0), axis=1, keepdims=True)
    pos0 = (off0 + r0).astype(jnp.int32)
    pos1 = (off1 + r1).astype(jnp.int32)
    pos0_ref[...] = pos0
    pos1_ref[...] = pos1
    g0_ref[...] = g0
    g1_ref[...] = g1

    inv_tile = 1.0 / TILE
    tile_lo = jnp.floor(off * inv_tile)
    tile_hi = jnp.floor((off_inc - 1.0) * inv_tile)
    n_e = jnp.where(counts > 0.0, tile_hi - tile_lo + 1.0, 0.0)
    cum = jnp.dot(n_e, up, preferred_element_type=jnp.float32,
                  precision=lax.Precision.HIGHEST)
    total = jnp.sum(n_e, axis=1, keepdims=True)
    w_io = lax.broadcasted_iota(jnp.int32, (NW, E), 0).astype(jnp.float32)
    e_io = lax.broadcasted_iota(jnp.int32, (NW, E), 1).astype(jnp.float32)
    w_col = w_io[:, 0:1]
    e_w = jnp.sum((cum <= w_io).astype(jnp.float32), axis=1,
                  keepdims=True) - 1.0
    e_last = jnp.sum((cum <= total - 1.0).astype(jnp.float32),
                     axis=1, keepdims=True) - 1.0
    valid = w_col < total
    e_w = jnp.where(valid, e_w, e_last)
    oh_e = (e_io == e_w).astype(jnp.float32)
    sel = lambda row: jnp.sum(oh_e * row, axis=1, keepdims=True)
    off_w = sel(off)
    offp1_w = sel(off_inc)
    cum_w = sel(cum)
    tile_w = sel(tile_lo) + (w_col - cum_w)
    oh_el = ((lax.broadcasted_iota(jnp.int32, (1, E), 1)
              ).astype(jnp.float32) == e_last).astype(jnp.float32)
    tile_last = (jnp.sum(oh_el * tile_lo, axis=1, keepdims=True) +
                 (total - 1.0 - jnp.sum(oh_el * cum, axis=1, keepdims=True)))
    tile_w = jnp.where(valid, jnp.clip(tile_w, 0.0, N_TILES - 1.0), tile_last)
    lo_w = jnp.where(valid, jnp.maximum(off_w, tile_w * TILE), 0.0)
    hi_w = jnp.where(valid, jnp.minimum(offp1_w, tile_w * TILE + TILE), 0.0)
    first_w = valid & (off_w <= tile_w * TILE)
    wt_ref[...] = tile_w.astype(jnp.int32)
    we_ref[...] = e_w.astype(jnp.int32)
    wlo_ref[...] = lo_w.astype(jnp.int32)
    whi_ref[...] = hi_w.astype(jnp.int32)
    wfirst_ref[...] = first_w.astype(jnp.int32)

    def cv2(v):
        m = jnp.sum(v, axis=1, keepdims=True) / E
        var = jnp.sum((v - m) ** 2, axis=1, keepdims=True) / (E - 1)
        return var / (m * m + 1e-10)

    loss_ref[...] = (cv2(imp) + cv2(load)) * 1e-2


def _run_gating(x, w_gate):
    return pl.pallas_call(
        _gating_kernel,
        out_shape=[
            jax.ShapeDtypeStruct((T, 1), jnp.int32),
            jax.ShapeDtypeStruct((T, 1), jnp.int32),
            jax.ShapeDtypeStruct((T, 1), jnp.float32),
            jax.ShapeDtypeStruct((T, 1), jnp.float32),
            jax.ShapeDtypeStruct((NW, 1), jnp.int32),
            jax.ShapeDtypeStruct((NW, 1), jnp.int32),
            jax.ShapeDtypeStruct((NW, 1), jnp.int32),
            jax.ShapeDtypeStruct((NW, 1), jnp.int32),
            jax.ShapeDtypeStruct((NW, 1), jnp.int32),
            jax.ShapeDtypeStruct((1, 1), jnp.float32),
        ],
    )(x, w_gate)


def _dispatch_body(x_hbm, pos0_hbm, pos1_hbm, xs_hbm,
                   tok_v, pos_v, rows_v, sem_g, sem_s):
    wid = lax.axis_index("s") * SC_CORES + lax.axis_index("c")
    tpw = T // SC_WORKERS
    base_t = wid * tpw
    pltpu.sync_copy(pos0_hbm.at[pl.ds(base_t, tpw)], pos_v.at[pl.ds(0, tpw)])
    pltpu.sync_copy(pos1_hbm.at[pl.ds(base_t, tpw)], pos_v.at[pl.ds(tpw, tpw)])
    ii = lax.iota(jnp.int32, 16)
    for cth in range(tpw // 16):
        tok = base_t + cth * 16 + ii
        tok_v[pl.ds(cth * 16, 16)] = tok
        tok_v[pl.ds(tpw + cth * 16, 16)] = tok
    pltpu.async_copy(x_hbm.at[tok_v], rows_v, sem_g).wait()
    pltpu.async_copy(rows_v, xs_hbm.at[pos_v], sem_s).wait()


def _run_dispatch(x, pos0, pos1):
    mesh = plsc.VectorSubcoreMesh(core_axis_name="c", subcore_axis_name="s",
                                  num_cores=SC_CORES, num_subcores=SC_SUBCORES)
    npw = P // SC_WORKERS
    f = pl.kernel(
        _dispatch_body,
        out_type=jax.ShapeDtypeStruct((P, D_IN), jnp.float32),
        mesh=mesh,
        scratch_types=[
            pltpu.VMEM((npw,), jnp.int32),
            pltpu.VMEM((npw,), jnp.int32),
            pltpu.VMEM((npw, D_IN), jnp.float32),
            pltpu.SemaphoreType.DMA,
            pltpu.SemaphoreType.DMA,
        ],
    )
    return f(x, pos0, pos1)


def _gate_scatter_kernel(pos0_ref, pos1_ref, g0_ref, g1_ref, gs_ref):
    pos0 = pos0_ref[...]
    pos1 = pos1_ref[...]
    g0 = g0_ref[...]
    g1 = g1_ref[...]
    for sc in range(P // 512):
        siota = sc * 512 + lax.broadcasted_iota(jnp.int32, (T, 512), 1)
        gsc = jnp.sum(jnp.where(pos0 == siota, g0, 0.0) +
                      jnp.where(pos1 == siota, g1, 0.0),
                      axis=0, keepdims=True)
        gs_ref[:, pl.ds(sc * 512, 512)] = gsc


def _run_gate_scatter(pos0, pos1, g0, g1):
    return pl.pallas_call(
        _gate_scatter_kernel,
        out_shape=jax.ShapeDtypeStruct((1, P), jnp.float32),
    )(pos0, pos1, g0, g1)


def _expert_mm_kernel(tile_ref, expert_ref, lo_ref, hi_ref, first_ref,
                      xs_ref, w_ref, b_ref, gs_ref, out_ref):
    w = pl.program_id(0)
    tile = tile_ref[w, 0]
    lo = lo_ref[w, 0]
    hi = hi_ref[w, 0]

    @pl.when(hi > lo)
    def _compute():
        rel_lo = lo - tile * TILE
        rel_hi = hi - tile * TILE
        rio = lax.broadcasted_iota(jnp.int32, (TILE, 1), 0)
        active = (rio >= rel_lo) & (rio < rel_hi)
        sl = pl.ds(tile * TILE, TILE)
        xm = jnp.where(active, xs_ref[sl, :], 0.0)
        grow = gs_ref[0:1, pl.ds(tile * TILE, TILE)]
        eye = (lax.broadcasted_iota(jnp.int32, (TILE, TILE), 0) ==
               lax.broadcasted_iota(jnp.int32, (TILE, TILE), 1))
        g = jnp.sum(jnp.where(eye, grow, 0.0), axis=1, keepdims=True)
        z = g * jnp.dot(xm.astype(jnp.bfloat16),
                        w_ref[0].astype(jnp.bfloat16),
                        preferred_element_type=jnp.float32)
        z = z + jnp.where(active, g * b_ref[0], 0.0)
        first = first_ref[w, 0] > 0
        out_ref[sl, :] = jnp.where(first, z, out_ref[sl, :] + z)


def _run_expert_mm(xs, expert_w, expert_b, gs,
                   wi_tile, wi_expert, wi_lo, wi_hi, wi_first):
    grid_spec = pltpu.PrefetchScalarGridSpec(
        num_scalar_prefetch=5,
        grid=(NW,),
        in_specs=[
            pl.BlockSpec((P, D_IN), lambda w, t, e, lo, hi, f: (0, 0)),
            pl.BlockSpec((1, D_IN, D_OUT),
                         lambda w, t, e, lo, hi, f: (e[w, 0], 0, 0)),
            pl.BlockSpec((1, 1, D_OUT),
                         lambda w, t, e, lo, hi, f: (e[w, 0], 0, 0)),
            pl.BlockSpec((1, P), lambda w, t, e, lo, hi, f: (0, 0)),
        ],
        out_specs=pl.BlockSpec((P, D_OUT),
                               lambda w, t, e, lo, hi, f: (0, 0)),
    )
    return pl.pallas_call(
        _expert_mm_kernel,
        grid_spec=grid_spec,
        out_shape=jax.ShapeDtypeStruct((P, D_OUT), jnp.float32),
    )(wi_tile, wi_expert, wi_lo, wi_hi, wi_first, xs, expert_w,
      expert_b.reshape(E, 1, D_OUT), gs)


def _combine_body(pout_hbm, pos0_hbm, pos1_hbm, y_hbm,
                  idx0a_v, idx1a_v, idx0b_v, idx1b_v,
                  r0a_v, r1a_v, r0b_v, r1b_v, y_v,
                  sem0a, sem1a, sem0b, sem1b):
    wid = lax.axis_index("s") * SC_CORES + lax.axis_index("c")
    tpw = T // SC_WORKERS
    base = wid * tpw
    pltpu.sync_copy(pos0_hbm.at[pl.ds(base, 32)], idx0a_v)
    pltpu.sync_copy(pos1_hbm.at[pl.ds(base, 32)], idx1a_v)
    pltpu.sync_copy(pos0_hbm.at[pl.ds(base + 32, 32)], idx0b_v)
    pltpu.sync_copy(pos1_hbm.at[pl.ds(base + 32, 32)], idx1b_v)
    cp0a = pltpu.async_copy(pout_hbm.at[idx0a_v], r0a_v, sem0a)
    cp1a = pltpu.async_copy(pout_hbm.at[idx1a_v], r1a_v, sem1a)
    cp0b = pltpu.async_copy(pout_hbm.at[idx0b_v], r0b_v, sem0b)
    cp1b = pltpu.async_copy(pout_hbm.at[idx1b_v], r1b_v, sem1b)

    def add_store(r0_v, r1_v, out_base):
        def body(i, carry):
            for c in range(D_OUT // 16):
                sl = pl.ds(c * 16, 16)
                y_v[i, sl] = r0_v[i, sl] + r1_v[i, sl]
            return carry

        lax.fori_loop(0, 32, body, 0)
        pltpu.sync_copy(y_v, y_hbm.at[pl.ds(out_base, 32)])

    cp0a.wait()
    cp1a.wait()
    add_store(r0a_v, r1a_v, base)
    cp0b.wait()
    cp1b.wait()
    add_store(r0b_v, r1b_v, base + 32)


def _run_combine(pout, pos0, pos1):
    mesh = plsc.VectorSubcoreMesh(core_axis_name="c", subcore_axis_name="s",
                                  num_cores=SC_CORES, num_subcores=SC_SUBCORES)
    f = pl.kernel(
        _combine_body,
        out_type=jax.ShapeDtypeStruct((T, D_OUT), jnp.float32),
        mesh=mesh,
        scratch_types=[
            pltpu.VMEM((32,), jnp.int32),
            pltpu.VMEM((32,), jnp.int32),
            pltpu.VMEM((32,), jnp.int32),
            pltpu.VMEM((32,), jnp.int32),
            pltpu.VMEM((32, D_OUT), jnp.float32),
            pltpu.VMEM((32, D_OUT), jnp.float32),
            pltpu.VMEM((32, D_OUT), jnp.float32),
            pltpu.VMEM((32, D_OUT), jnp.float32),
            pltpu.VMEM((32, D_OUT), jnp.float32),
            pltpu.SemaphoreType.DMA,
            pltpu.SemaphoreType.DMA,
            pltpu.SemaphoreType.DMA,
            pltpu.SemaphoreType.DMA,
        ],
    )
    return f(pout, pos0, pos1)


def kernel(x, w_gate, expert_w, expert_b):
    (pos0, pos1, g0, g1,
     wt, we, wlo, whi, wfirst, loss) = _run_gating(x, w_gate)
    pos0f = pos0.reshape(T)
    pos1f = pos1.reshape(T)
    xs = _run_dispatch(x, pos0f, pos1f)
    gs = _run_gate_scatter(pos0, pos1, g0, g1)
    pout = _run_expert_mm(xs, expert_w, expert_b, gs,
                          wt, we, wlo, whi, wfirst)
    y = _run_combine(pout, pos0f, pos1f)
    return y, loss[0, 0]

# --- scband reference (transcript-rebuilt; emitter-appended) ---
"""Pipeline reference for scband-mo-e-180388627385 (READ-ONLY COPY).

The authoritative reference and input builder live on the scoring server;
editing this copy changes nothing except your own understanding.
"""

import jax, jax.numpy as jnp
import numpy as np

E = 64
K = 2
D_IN = 768
D_OUT = 768
T = 2048


def setup_inputs(seed: int = 0) -> dict:
    key = jax.random.key(seed)
    k1, k2, k3 = jax.random.split(key, 3)
    x = jax.random.normal(k1, (T, D_IN), dtype=jnp.float32)
    # learned parameters (w_gate is zeros-init in torch, but we use small random
    # values so routing is non-degenerate; expert linears are [E, in, out] + bias)
    w_gate = jax.random.normal(k2, (D_IN, E), dtype=jnp.float32) * 0.02
    expert_w = jax.random.normal(k3, (E, D_IN, D_OUT), dtype=jnp.float32) * 0.02
    expert_b = jnp.zeros((E, D_OUT), dtype=jnp.float32)
    return {"x": x, "w_gate": w_gate, "expert_w": expert_w, "expert_b": expert_b}


def _cv_squared(v):
    # torch: x.float().var() / (x.float().mean()**2 + eps), var is unbiased (ddof=1)
    eps = 1e-10
    v = v.astype(jnp.float32)
    return jnp.var(v, ddof=1) / (jnp.mean(v) ** 2 + eps)


def reference(x, w_gate, expert_w, expert_b):
    # --- noisy_top_k_gating with train=False (eval path: no noise) ---
    clean_logits = x @ w_gate                      # [T, E]
    probs = jax.nn.softmax(clean_logits, axis=-1)  # softmax before top-k
    m = min(K + 1, E)
    top_logits, top_indices = jax.lax.top_k(probs, m)
    top_k_logits = top_logits[:, :K]
    top_k_indices = top_indices[:, :K]
    top_k_gates = top_k_logits / (jnp.sum(top_k_logits, axis=1, keepdims=True) + 1e-6)
    rows = jnp.arange(x.shape[0])[:, None]
    gates = jnp.zeros((x.shape[0], E), dtype=x.dtype).at[rows, top_k_indices].set(top_k_gates)
    # eval path: load = _gates_to_load(gates)
    load = jnp.sum((gates > 0).astype(jnp.float32), axis=0)
    importance = jnp.sum(gates, axis=0)
    loss = (_cv_squared(importance) + _cv_squared(load)) * 1e-2
    # --- dispatch / expert compute / combine ---
    # SparseDispatcher semantics: y_t = sum_e gates[t, e] * expert_e(x_t) over the
    # k selected experts; gates are exactly zero elsewhere so the dense einsum is
    # mathematically identical (bias is also scaled by gate in combine since
    # unselected tokens never reach the expert).
    expert_out = jnp.einsum('td,edf->tef', x, expert_w) + expert_b[None, :, :]
    y = jnp.einsum('te,tef->tf', gates, expert_out)
    return y, loss

if __name__ == "__main__":
    import jax
    _d = setup_inputs()
    print(jax.jit(kernel)(*tuple(_d.values())))

</pallas_src>

<mosaic_0001>
#map = affine_map<(d0, d1) -> (0, 0)>
#map1 = affine_map<(d0, d1) -> (0)>
module attributes {stable_mosaic.version = 14 : i64} {
  func.func @_combine_body(%arg0: i32, %arg1: i32, %arg2: memref<4096x768xf32, #tpu.memory_space<hbm>>, %arg3: memref<2048xi32, #tpu.memory_space<hbm>>, %arg4: memref<2048xi32, #tpu.memory_space<hbm>>, %arg5: memref<2048x768xf32, #tpu.memory_space<hbm>>, %arg6: memref<32xi32, #tpu.memory_space<vmem>>, %arg7: memref<32xi32, #tpu.memory_space<vmem>>, %arg8: memref<32xi32, #tpu.memory_space<vmem>>, %arg9: memref<32xi32, #tpu.memory_space<vmem>>, %arg10: memref<32x768xf32, #tpu.memory_space<vmem>>, %arg11: memref<32x768xf32, #tpu.memory_space<vmem>>, %arg12: memref<32x768xf32, #tpu.memory_space<vmem>>, %arg13: memref<32x768xf32, #tpu.memory_space<vmem>>, %arg14: memref<32x768xf32, #tpu.memory_space<vmem>>, %arg15: memref<!tpu.dma_semaphore, #tpu.memory_space<semaphore_mem>>, %arg16: memref<!tpu.dma_semaphore, #tpu.memory_space<semaphore_mem>>, %arg17: memref<!tpu.dma_semaphore, #tpu.memory_space<semaphore_mem>>, %arg18: memref<!tpu.dma_semaphore, #tpu.memory_space<semaphore_mem>>) attributes {dimension_semantics = [#tpu.dimension_semantics<core_parallel>, #tpu.dimension_semantics<subcore_parallel>], iteration_bounds = array<i64: 2, 16>, scalar_prefetch = 0 : i64, scratch_operands = 13 : i64, tpu.core_type = #tpu.core_type<sc_vector_subcore>, window_params = [{transform_indices = #map}, {transform_indices = #map1}, {transform_indices = #map1}, {transform_indices = #map}]} {
    %mul3A = arith.constant 2 : i32
    %mul3A_0 = arith.muli %arg1, %mul3A : i32
    %add3A = arith.addi %mul3A_0, %arg0 : i32
    %mul3A_1 = arith.constant 64 : i32
    %mul3A_2 = arith.muli %add3A, %mul3A_1 : i32
    "tpu.region"() ({
      %run_scoped3A = tpu.sem_alloc : memref<!tpu.dma_semaphore, #tpu.memory_space<semaphore_mem>>
      %dma_start3A_42 = tpu.memref_slice %arg3[%mul3A_2] : memref<2048xi32, #tpu.memory_space<hbm>> -> memref<32xi32, #tpu.memory_space<hbm>>
      %dma_start3A_43 = tpu.memref_slice %arg3[%mul3A_2] : memref<2048xi32, #tpu.memory_space<hbm>> -> memref<32xi32, #tpu.memory_space<hbm>>
      tpu.enqueue_dma source(%dma_start3A_43 : memref<32xi32, #tpu.memory_space<hbm>>) target(%arg6 : memref<32xi32, #tpu.memory_space<vmem>>) target_semaphore(%run_scoped3A : memref<!tpu.dma_semaphore, #tpu.memory_space<semaphore_mem>>)
      %dma_wait3A_44 = tpu.memref_slice %arg3[%mul3A_2] : memref<2048xi32, #tpu.memory_space<hbm>> -> memref<32xi32, #tpu.memory_space<hbm>>
      %dma_wait3A_45 = tpu.memref_slice %arg3[%mul3A_2] : memref<2048xi32, #tpu.memory_space<hbm>> -> memref<32xi32, #tpu.memory_space<hbm>>
      tpu.wait_dma2 semaphore(%run_scoped3A : memref<!tpu.dma_semaphore, #tpu.memory_space<semaphore_mem>>) src(%dma_wait3A_45 : memref<32xi32, #tpu.memory_space<hbm>>) dst(%arg6 : memref<32xi32, #tpu.memory_space<vmem>>)
      tpu.yield
    }) : () -> ()
    "tpu.region"() ({
      %run_scoped3A = tpu.sem_alloc : memref<!tpu.dma_semaphore, #tpu.memory_space<semaphore_mem>>
      %dma_start3A_42 = tpu.memref_slice %arg4[%mul3A_2] : memref<2048xi32, #tpu.memory_space<hbm>> -> memref<32xi32, #tpu.memory_space<hbm>>
      %dma_start3A_43 = tpu.memref_slice %arg4[%mul3A_2] : memref<2048xi32, #tpu.memory_space<hbm>> -> memref<32xi32, #tpu.memory_space<hbm>>
      tpu.enqueue_dma source(%dma_start3A_43 : memref<32xi32, #tpu.memory_space<hbm>>) target(%arg7 : memref<32xi32, #tpu.memory_space<vmem>>) target_semaphore(%run_scoped3A : memref<!tpu.dma_semaphore, #tpu.memory_space<semaphore_mem>>)
      %dma_wait3A_44 = tpu.memref_slice %arg4[%mul3A_2] : memref<2048xi32, #tpu.memory_space<hbm>> -> memref<32xi32, #tpu.memory_space<hbm>>
      %dma_wait3A_45 = tpu.memref_slice %arg4[%mul3A_2] : memref<2048xi32, #tpu.memory_space<hbm>> -> memref<32xi32, #tpu.memory_space<hbm>>
      tpu.wait_dma2 semaphore(%run_scoped3A : memref<!tpu.dma_semaphore, #tpu.memory_space<semaphore_mem>>) src(%dma_wait3A_45 : memref<32xi32, #tpu.memory_space<hbm>>) dst(%arg7 : memref<32xi32, #tpu.memory_space<vmem>>)
      tpu.yield
    }) : () -> ()
    %add3A_3 = arith.constant 32 : i32
    %add3A_4 = arith.addi %mul3A_2, %add3A_3 : i32
    "tpu.region"() ({
      %run_scoped3A = tpu.sem_alloc : memref<!tpu.dma_semaphore, #tpu.memory_space<semaphore_mem>>
      %dma_start3A_42 = tpu.memref_slice %arg3[%add3A_4] : memref<2048xi32, #tpu.memory_space<hbm>> -> memref<32xi32, #tpu.memory_space<hbm>>
      %dma_start3A_43 = tpu.memref_slice %arg3[%add3A_4] : memref<2048xi32, #tpu.memory_space<hbm>> -> memref<32xi32, #tpu.memory_space<hbm>>
      tpu.enqueue_dma source(%dma_start3A_43 : memref<32xi32, #tpu.memory_space<hbm>>) target(%arg8 : memref<32xi32, #tpu.memory_space<vmem>>) target_semaphore(%run_scoped3A : memref<!tpu.dma_semaphore, #tpu.memory_space<semaphore_mem>>)
      %dma_wait3A_44 = tpu.memref_slice %arg3[%add3A_4] : memref<2048xi32, #tpu.memory_space<hbm>> -> memref<32xi32, #tpu.memory_space<hbm>>
      %dma_wait3A_45 = tpu.memref_slice %arg3[%add3A_4] : memref<2048xi32, #tpu.memory_space<hbm>> -> memref<32xi32, #tpu.memory_space<hbm>>
      tpu.wait_dma2 semaphore(%run_scoped3A : memref<!tpu.dma_semaphore, #tpu.memory_space<semaphore_mem>>) src(%dma_wait3A_45 : memref<32xi32, #tpu.memory_space<hbm>>) dst(%arg8 : memref<32xi32, #tpu.memory_space<vmem>>)
      tpu.yield
    }) : () -> ()
    %add3A_5 = arith.constant 32 : i32
    %add3A_6 = arith.addi %mul3A_2, %add3A_5 : i32
    "tpu.region"() ({
      %run_scoped3A = tpu.sem_alloc : memref<!tpu.dma_semaphore, #tpu.memory_space<semaphore_mem>>
      %dma_start3A_42 = tpu.memref_slice %arg4[%add3A_6] : memref<2048xi32, #tpu.memory_space<hbm>> -> memref<32xi32, #tpu.memory_space<hbm>>
      %dma_start3A_43 = tpu.memref_slice %arg4[%add3A_6] : memref<2048xi32, #tpu.memory_space<hbm>> -> memref<32xi32, #tpu.memory_space<hbm>>
      tpu.enqueue_dma source(%dma_start3A_43 : memref<32xi32, #tpu.memory_space<hbm>>) target(%arg9 : memref<32xi32, #tpu.memory_space<vmem>>) target_semaphore(%run_scoped3A : memref<!tpu.dma_semaphore, #tpu.memory_space<semaphore_mem>>)
      %dma_wait3A_44 = tpu.memref_slice %arg4[%add3A_6] : memref<2048xi32, #tpu.memory_space<hbm>> -> memref<32xi32, #tpu.memory_space<hbm>>
      %dma_wait3A_45 = tpu.memref_slice %arg4[%add3A_6] : memref<2048xi32, #tpu.memory_space<hbm>> -> memref<32xi32, #tpu.memory_space<hbm>>
      tpu.wait_dma2 semaphore(%run_scoped3A : memref<!tpu.dma_semaphore, #tpu.memory_space<semaphore_mem>>) src(%dma_wait3A_45 : memref<32xi32, #tpu.memory_space<hbm>>) dst(%arg9 : memref<32xi32, #tpu.memory_space<vmem>>)
      tpu.yield
    }) : () -> ()
    %dma_start3A = arith.constant 0 : i32
    %dma_start3A_7 = arith.constant 0 : i32
    %dma_start3A_8 = tpu.memref_slice %arg2[%dma_start3A, %dma_start3A_7] : memref<4096x768xf32, #tpu.memory_space<hbm>> -> memref<4096x768xf32, #tpu.memory_space<hbm>>
    tpu.enqueue_indirect_dma source(%dma_start3A_8 : memref<4096x768xf32, #tpu.memory_space<hbm>>) target(%arg10 : memref<32x768xf32, #tpu.memory_space<vmem>>) offsets(%arg6 : memref<32xi32, #tpu.memory_space<vmem>>) semaphore(%arg15 : memref<!tpu.dma_semaphore, #tpu.memory_space<semaphore_mem>>)
    %dma_start3A_9 = arith.constant 0 : i32
    %dma_start3A_10 = arith.constant 0 : i32
    %dma_start3A_11 = tpu.memref_slice %arg2[%dma_start3A_9, %dma_start3A_10] : memref<4096x768xf32, #tpu.memory_space<hbm>> -> memref<4096x768xf32, #tpu.memory_space<hbm>>
    tpu.enqueue_indirect_dma source(%dma_start3A_11 : memref<4096x768xf32, #tpu.memory_space<hbm>>) target(%arg11 : memref<32x768xf32, #tpu.memory_space<vmem>>) offsets(%arg7 : memref<32xi32, #tpu.memory_space<vmem>>) semaphore(%arg16 : memref<!tpu.dma_semaphore, #tpu.memory_space<semaphore_mem>>)
    %dma_start3A_12 = arith.constant 0 : i32
    %dma_start3A_13 = arith.constant 0 : i32
    %dma_start3A_14 = tpu.memref_slice %arg2[%dma_start3A_12, %dma_start3A_13] : memref<4096x768xf32, #tpu.memory_space<hbm>> -> memref<4096x768xf32, #tpu.memory_space<hbm>>
    tpu.enqueue_indirect_dma source(%dma_start3A_14 : memref<4096x768xf32, #tpu.memory_space<hbm>>) target(%arg12 : memref<32x768xf32, #tpu.memory_space<vmem>>) offsets(%arg8 : memref<32xi32, #tpu.memory_space<vmem>>) semaphore(%arg17 : memref<!tpu.dma_semaphore, #tpu.memory_space<semaphore_mem>>)
    %dma_start3A_15 = arith.constant 0 : i32
    %dma_start3A_16 = arith.constant 0 : i32
    %dma_start3A_17 = tpu.memref_slice %arg2[%dma_start3A_15, %dma_start3A_16] : memref<4096x768xf32, #tpu.memory_space<hbm>> -> memref<4096x768xf32, #tpu.memory_space<hbm>>
    tpu.enqueue_indirect_dma source(%dma_start3A_17 : memref<4096x768xf32, #tpu.memory_space<hbm>>) target(%arg13 : memref<32x768xf32, #tpu.memory_space<vmem>>) offsets(%arg9 : memref<32xi32, #tpu.memory_space<vmem>>) semaphore(%arg18 : memref<!tpu.dma_semaphore, #tpu.memory_space<semaphore_mem>>)
    %dma_wait3A = arith.constant 0 : i32
    %dma_wait3A_18 = arith.constant 0 : i32
    %dma_wait3A_19 = tpu.memref_slice %arg2[%dma_wait3A, %dma_wait3A_18] : memref<4096x768xf32, #tpu.memory_space<hbm>> -> memref<4096x768xf32, #tpu.memory_space<hbm>>
    tpu.wait_indirect_dma semaphore(%arg15 : memref<!tpu.dma_semaphore, #tpu.memory_space<semaphore_mem>>) src(%dma_wait3A_19 : memref<4096x768xf32, #tpu.memory_space<hbm>>) dst(%arg10 : memref<32x768xf32, #tpu.memory_space<vmem>>)
    %dma_wait3A_20 = arith.constant 0 : i32
    %dma_wait3A_21 = arith.constant 0 : i32
    %dma_wait3A_22 = tpu.memref_slice %arg2[%dma_wait3A_20, %dma_wait3A_21] : memref<4096x768xf32, #tpu.memory_space<hbm>> -> memref<4096x768xf32, #tpu.memory_space<hbm>>
    tpu.wait_indirect_dma semaphore(%arg16 : memref<!tpu.dma_semaphore, #tpu.memory_space<semaphore_mem>>) src(%dma_wait3A_22 : memref<4096x768xf32, #tpu.memory_space<hbm>>) dst(%arg11 : memref<32x768xf32, #tpu.memory_space<vmem>>)
    %scan3A = arith.constant 0 : i32
    %scan3A_23 = arith.constant 0 : i32
    %scan3A_24 = arith.constant 32 : i32
    %scan3A_25 = arith.addi %scan3A_23, %scan3A_24 : i32
    %scan3A_26 = arith.constant 1 : i32
    scf.for %scan3A_42 = %scan3A_23 to %scan3A_25 step %scan3A_26  : i32 {
      %get3A = arith.index_cast %scan3A_42 : i32 to index
      %get3A_43 = arith.constant 0 : index
      %get3A_44 = tpu.vector_load %arg10[%get3A, %get3A_43] {strides = array<i32>} : memref<32x768xf32, #tpu.memory_space<vmem>>, vector<1x16xf32>,
      %get3A_45 = vector.shape_cast %get3A_44 : vector<1x16xf32> to vector<16xf32>
      %get3A_46 = arith.index_cast %scan3A_42 : i32 to index
      %get3A_47 = arith.constant 0 : index
      %get3A_48 = tpu.vector_load %arg11[%get3A_46, %get3A_47] {strides = array<i32>} : memref<32x768xf32, #tpu.memory_space<vmem>>, vector<1x16xf32>,
      %get3A_49 = vector.shape_cast %get3A_48 : vector<1x16xf32> to vector<16xf32>
      %add3A_50 = arith.addf %get3A_45, %get3A_49 : vector<16xf32>
      %swap3A = arith.index_cast %scan3A_42 : i32 to index
      %swap3A_51 = arith.constant 0 : index
      %swap3A_52 = tpu.vector_load %arg14[%swap3A, %swap3A_51] {strides = array<i32>} : memref<32x768xf32, #tpu.memory_space<vmem>>, vector<1x16xf32>,
      %swap3A_53 = vector.shape_cast %swap3A_52 : vector<1x16xf32> to vector<16xf32>
      %swap3A_54 = vector.shape_cast %add3A_50 : vector<16xf32> to vector<1x16xf32>
      tpu.vector_store %arg14[%swap3A, %swap3A_51], %swap3A_54 {strides = array<i32>} : memref<32x768xf32, #tpu.memory_space<vmem>>, vector<1x16xf32>,
      %get3A_55 = arith.index_cast %scan3A_42 : i32 to index
      %get3A_56 = arith.constant 16 : index
      %get3A_57 = tpu.vector_load %arg10[%get3A_55, %get3A_56] {strides = array<i32>} : memref<32x768xf32, #tpu.memory_space<vmem>>, vector<1x16xf32>,
      %get3A_58 = vector.shape_cast %get3A_57 : vector<1x16xf32> to vector<16xf32>
      %get3A_59 = arith.index_cast %scan3A_42 : i32 to index
      %get3A_60 = arith.constant 16 : index
      %get3A_61 = tpu.vector_load %arg11[%get3A_59, %get3A_60] {strides = array<i32>} : memref<32x768xf32, #tpu.memory_space<vmem>>, vector<1x16xf32>,
      %get3A_62 = vector.shape_cast %get3A_61 : vector<1x16xf32> to vector<16xf32>
      %add3A_63 = arith.addf %get3A_58, %get3A_62 : vector<16xf32>
      %swap3A_64 = arith.index_cast %scan3A_42 : i32 to index
      %swap3A_65 = arith.constant 16 : index
      %swap3A_66 = tpu.vector_load %arg14[%swap3A_64, %swap3A_65] {strides = array<i32>} : memref<32x768xf32, #tpu.memory_space<vmem>>, vector<1x16xf32>,
      %swap3A_67 = vector.shape_cast %swap3A_66 : vector<1x16xf32> to vector<16xf32>
      %swap3A_68 = vector.shape_cast %add3A_63 : vector<16xf32> to vector<1x16xf32>
      tpu.vector_store %arg14[%swap3A_64, %swap3A_65], %swap3A_68 {strides = array<i32>} : memref<32x768xf32, #tpu.memory_space<vmem>>, vector<1x16xf32>,
      %get3A_69 = arith.index_cast %scan3A_42 : i32 to index
      %get3A_70 = arith.constant 32 : index
      %get3A_71 = tpu.vector_load %arg10[%get3A_69, %get3A_70] {strides = array<i32>} : memref<32x768xf32, #tpu.memory_space<vmem>>, vector<1x16xf32>,
      %get3A_72 = vector.shape_cast %get3A_71 : vector<1x16xf32> to vector<16xf32>
      %get3A_73 = arith.index_cast %scan3A_42 : i32 to index
      %get3A_74 = arith.constant 32 : index
      %get3A_75 = tpu.vector_load %arg11[%get3A_73, %get3A_74] {strides = array<i32>} : memref<32x768xf32, #tpu.memory_space<vmem>>, vector<1x16xf32>,
      %get3A_76 = vector.shape_cast %get3A_75 : vector<1x16xf32> to vector<16xf32>
      %add3A_77 = arith.addf %get3A_72, %get3A_76 : vector<16xf32>
      %swap3A_78 = arith.index_cast %scan3A_42 : i32 to index
      %swap3A_79 = arith.constant 32 : index
      %swap3A_80 = tpu.vector_load %arg14[%swap3A_78, %swap3A_79] {strides = array<i32>} : memref<32x768xf32, #tpu.memory_space<vmem>>, vector<1x16xf32>,
      %swap3A_81 = vector.shape_cast %swap3A_80 : vector<1x16xf32> to vector<16xf32>
      %swap3A_82 = vector.shape_cast %add3A_77 : vector<16xf32> to vector<1x16xf32>
      tpu.vector_store %arg14[%swap3A_78, %swap3A_79], %swap3A_82 {strides = array<i32>} : memref<32x768xf32, #tpu.memory_space<vmem>>, vector<1x16xf32>,
      %get3A_83 = arith.index_cast %scan3A_42 : i32 to index
      %get3A_84 = arith.constant 48 : index
      %get3A_85 = tpu.vector_load %arg10[%get3A_83, %get3A_84] {strides = array<i32>} : memref<32x768xf32, #tpu.memory_space<vmem>>, vector<1x16xf32>,
      %get3A_86 = vector.shape_cast %get3A_85 : vector<1x16xf32> to vector<16xf32>
      %get3A_87 = arith.index_cast %scan3A_42 : i32 to index
      %get3A_88 = arith.constant 48 : index
      %get3A_89 = tpu.vector_load %arg11[%get3A_87, %get3A_88] {strides = array<i32>} : memref<32x768xf32, #tpu.memory_space<vmem>>, vector<1x16xf32>,
      %get3A_90 = vector.shape_cast %get3A_89 : vector<1x16xf32> to vector<16xf32>
      %add3A_91 = arith.addf %get3A_86, %get3A_90 : vector<16xf32>
      %swap3A_92 = arith.index_cast %scan3A_42 : i32 to index
      %swap3A_93 = arith.constant 48 : index
      %swap3A_94 = tpu.vector_load %arg14[%swap3A_92, %swap3A_93] {strides = array<i32>} : memref<32x768xf32, #tpu.memory_space<vmem>>, vector<1x16xf32>,
      %swap3A_95 = vector.shape_cast %swap3A_94 : vector<1x16xf32> to vector<16xf32>
      %swap3A_96 = vector.shape_cast %add3A_91 : vector<16xf32> to vector<1x16xf32>
      tpu.vector_store %arg14[%swap3A_92, %swap3A_93], %swap3A_96 {strides = array<i32>} : memref<32x768xf32, #tpu.memory_space<vmem>>, vector<1x16xf32>,
      %get3A_97 = arith.index_cast %scan3A_42 : i32 to index
      %get3A_98 = arith.constant 64 : index
      %get3A_99 = tpu.vector_load %arg10[%get3A_97, %get3A_98] {strides = array<i32>} : memref<32x768xf32, #tpu.memory_space<vmem>>, vector<1x16xf32>,
      %get3A_100 = vector.shape_cast %get3A_99 : vector<1x16xf32> to vector<16xf32>
      %get3A_101 = arith.index_cast %scan3A_42 : i32 to index
      %get3A_102 = arith.constant 64 : index
      %get3A_103 = tpu.vector_load %arg11[%get3A_101, %get3A_102] {strides = array<i32>} : memref<32x768xf32, #tpu.memory_space<vmem>>, vector<1x16xf32>,
      %get3A_104 = vector.shape_cast %get3A_103 : vector<1x16xf32> to vector<16xf32>
      %add3A_105 = arith.addf %get3A_100, %get3A_104 : vector<16xf32>
      %swap3A_106 = arith.index_cast %scan3A_42 : i32 to index
      %swap3A_107 = arith.constant 64 : index
      %swap3A_108 = tpu.vector_load %arg14[%swap3A_106, %swap3A_107] {strides = array<i32>} : memref<32x768xf32, #tpu.memory_space<vmem>>, vector<1x16xf32>,
      %swap3A_109 = vector.shape_cast %swap3A_108 : vector<1x16xf32> to vector<16xf32>
      %swap3A_110 = vector.shape_cast %add3A_105 : vector<16xf32> to vector<1x16xf32>
      tpu.vector_store %arg14[%swap3A_106, %swap3A_107], %swap3A_110 {strides = array<i32>} : memref<32x768xf32, #tpu.memory_space<vmem>>, vector<1x16xf32>,
      %get3A_111 = arith.index_cast %scan3A_42 : i32 to index
      %get3A_112 = arith.constant 80 : index
      %get3A_113 = tpu.vector_load %arg10[%get3A_111, %get3A_112] {strides = array<i32>} : memref<32x768xf32, #tpu.memory_space<vmem>>, vector<1x16xf32>,
      %get3A_114 = vector.shape_cast %get3A_113 : vector<1x16xf32> to vector<16xf32>
      %get3A_115 = arith.index_cast %scan3A_42 : i32 to index
      %get3A_116 = arith.constant 80 : index
      %get3A_117 = tpu.vector_load %arg11[%get3A_115, %get3A_116] {strides = array<i32>} : memref<32x768xf32, #tpu.memory_space<vmem>>, vector<1x16xf32>,
      %get3A_118 = vector.shape_cast %get3A_117 : vector<1x16xf32> to vector<16xf32>
      %add3A_119 = arith.addf %get3A_114, %get3A_118 : vector<16xf32>
      %swap3A_120 = arith.index_cast %scan3A_42 : i32 to index
      %swap3A_121 = arith.constant 80 : index
      %swap3A_122 = tpu.vector_load %arg14[%swap3A_120, %swap3A_121] {strides = array<i32>} : memref<32x768xf32, #tpu.memory_space<vmem>>, vector<1x16xf32>,
      %swap3A_123 = vector.shape_cast %swap3A_122 : vector<1x16xf32> to vector<16xf32>
      %swap3A_124 = vector.shape_cast %add3A_119 : vector<16xf32> to vector<1x16xf32>
      tpu.vector_store %arg14[%swap3A_120, %swap3A_121], %swap3A_124 {strides = array<i32>} : memref<32x768xf32, #tpu.memory_space<vmem>>, vector<1x16xf32>,
      %get3A_125 = arith.index_cast %scan3A_42 : i32 to index
      %get3A_126 = arith.constant 96 : index
      %get3A_127 = tpu.vector_load %arg10[%get3A_125, %get3A_126] {strides = array<i32>} : memref<32x768xf32, #tpu.memory_space<vmem>>, vector<1x16xf32>,
      %get3A_128 = vector.shape_cast %get3A_127 : vector<1x16xf32> to vector<16xf32>
      %get3A_129 = arith.index_cast %scan3A_42 : i32 to index
      %get3A_130 = arith.constant 96 : index
      %get3A_131 = tpu.vector_load %arg11[%get3A_129, %get3A_130] {strides = array<i32>} : memref<32x768xf32, #tpu.memory_space<vmem>>, vector<1x16xf32>,
      %get3A_132 = vector.shape_cast %get3A_131 : vector<1x16xf32> to vector<16xf32>
      %add3A_133 = arith.addf %get3A_128, %get3A_132 : vector<16xf32>
      %swap3A_134 = arith.index_cast %scan3A_42 : i32 to index
      %swap3A_135 = arith.constant 96 : index
      %swap3A_136 = tpu.vector_load %arg14[%swap3A_134, %swap3A_135] {strides = array<i32>} : memref<32x768xf32, #tpu.memory_space<vmem>>, vector<1x16xf32>,
      %swap3A_137 = vector.shape_cast %swap3A_136 : vector<1x16xf32> to vector<16xf32>
      %swap3A_138 = vector.shape_cast %add3A_133 : vector<16xf32> to vector<1x16xf32>
      tpu.vector_store %arg14[%swap3A_134, %swap3A_135], %swap3A_138 {strides = array<i32>} : memref<32x768xf32, #tpu.memory_space<vmem>>, vector<1x16xf32>,
      %get3A_139 = arith.index_cast %scan3A_42 : i32 to index
      %get3A_140 = arith.constant 112 : index
      %get3A_141 = tpu.vector_load %arg10[%get3A_139, %get3A_140] {strides = array<i32>} : memref<32x768xf32, #tpu.memory_space<vmem>>, vector<1x16xf32>,
      %get3A_142 = vector.shape_cast %get3A_141 : vector<1x16xf32> to vector<16xf32>
      %get3A_143 = arith.index_cast %scan3A_42 : i32 to index
      %get3A_144 = arith.constant 112 : index
      %get3A_145 = tpu.vector_load %arg11[%get3A_143, %get3A_144] {strides = array<i32>} : memref<32x768xf32, #tpu.memory_space<vmem>>, vector<1x16xf32>,
      %get3A_146 = vector.shape_cast %get3A_145 : vector<1x16xf32> to vector<16xf32>
      %add3A_147 = arith.addf %get3A_142, %get3A_146 : vector<16xf32>
      %swap3A_148 = arith.index_cast %scan3A_42 : i32 to index
      %swap3A_149 = arith.constant 112 : index
      %swap3A_150 = tpu.vector_load %arg14[%swap3A_148, %swap3A_149] {strides = array<i32>} : memref<32x768xf32, #tpu.memory_space<vmem>>, vector<1x16xf32>,
      %swap3A_151 = vector.shape_cast %swap3A_150 : vector<1x16xf32> to vector<16xf32>
      %swap3A_152 = vector.shape_cast %add3A_147 : vector<16xf32> to vector<1x16xf32>
      tpu.vector_store %arg14[%swap3A_148, %swap3A_149], %swap3A_152 {strides = array<i32>} : memref<32x768xf32, #tpu.memory_space<vmem>>, vector<1x16xf32>,
      %get3A_153 = arith.index_cast %scan3A_42 : i32 to index
      %get3A_154 = arith.constant 128 : index
      %get3A_155 = tpu.vector_load %arg10[%get3A_153, %get3A_154] {strides = array<i32>} : memref<32x768xf32, #tpu.memory_space<vmem>>, vector<1x16xf32>,
      %get3A_156 = vector.shape_cast %get3A_155 : vector<1x16xf32> to vector<16xf32>
      %get3A_157 = arith.index_cast %scan3A_42 : i32 to index
      %get3A_158 = arith.constant 128 : index
      %get3A_159 = tpu.vector_load %arg11[%get3A_157, %get3A_158] {strides = array<i32>} : memref<32x768xf32, #tpu.memory_space<vmem>>, vector<1x16xf32>,
      %get3A_160 = vector.shape_cast %get3A_159 : vector<1x16xf32> to vector<16xf32>
      %add3A_161 = arith.addf %get3A_156, %get3A_160 : vector<16xf32>
      %swap3A_162 = arith.index_cast %scan3A_42 : i32 to index
      %swap3A_163 = arith.constant 128 : index
      %swap3A_164 = tpu.vector_load %arg14[%swap3A_162, %swap3A_163] {strides = array<i32>} : memref<32x768xf32, #tpu.memory_space<vmem>>, vector<1x16xf32>,
      %swap3A_165 = vector.shape_cast %swap3A_164 : vector<1x16xf32> to vector<16xf32>
      %swap3A_166 = vector.shape_cast %add3A_161 : vector<16xf32> to vector<1x16xf32>
      tpu.vector_store %arg14[%swap3A_162, %swap3A_163], %swap3A_166 {strides = array<i32>} : memref<32x768xf32, #tpu.memory_space<vmem>>, vector<1x16xf32>,
      %get3A_167 = arith.index_cast %scan3A_42 : i32 to index
      %get3A_168 = arith.constant 144 : index
      %get3A_169 = tpu.vector_load %arg10[%get3A_167, %get3A_168] {strides = array<i32>} : memref<32x768xf32, #tpu.memory_space<vmem>>, vector<1x16xf32>,
      %get3A_170 = vector.shape_cast %get3A_169 : vector<1x16xf32> to vector<16xf32>
      %get3A_171 = arith.index_cast %scan3A_42 : i32 to index
      %get3A_172 = arith.constant 144 : index
      %get3A_173 = tpu.vector_load %arg11[%get3A_171, %get3A_172] {strides = array<i32>} : memref<32x768xf32, #tpu.memory_space<vmem>>, vector<1x16xf32>,
      %get3A_174 = vector.shape_cast %get3A_173 : vector<1x16xf32> to vector<16xf32>
      %add3A_175 = arith.addf %get3A_170, %get3A_174 : vector<16xf32>
      %swap3A_176 = arith.index_cast %scan3A_42 : i32 to index
      %swap3A_177 = arith.constant 144 : index
      %swap3A_178 = tpu.vector_load %arg14[%swap3A_176, %swap3A_177] {strides = array<i32>} : memref<32x768xf32, #tpu.memory_space<vmem>>, vector<1x16xf32>,
      %swap3A_179 = vector.shape_cast %swap3A_178 : vector<1x16xf32> to vector<16xf32>
      %swap3A_180 = vector.shape_cast %add3A_175 : vector<16xf32> to vector<1x16xf32>
      tpu.vector_store %arg14[%swap3A_176, %swap3A_177], %swap3A_180 {strides = array<i32>} : memref<32x768xf32, #tpu.memory_space<vmem>>, vector<1x16xf32>,
      %get3A_181 = arith.index_cast %scan3A_42 : i32 to index
      %get3A_182 = arith.constant 160 : index
      %get3A_183 = tpu.vector_load %arg10[%get3A_181, %get3A_182] {strides = array<i32>} : memref<32x768xf32, #tpu.memory_space<vmem>>, vector<1x16xf32>,
      %get3A_184 = vector.shape_cast %get3A_183 : vector<1x16xf32> to vector<16xf32>
      %get3A_185 = arith.index_cast %scan3A_42 : i32 to index
      %get3A_186 = arith.constant 160 : index
      %get3A_187 = tpu.vector_load %arg11[%get3A_185, %get3A_186] {strides = array<i32>} : memref<32x768xf32, #tpu.memory_space<vmem>>, vector<1x16xf32>,
      %get3A_188 = vector.shape_cast %get3A_187 : vector<1x16xf32> to vector<16xf32>
      %add3A_189 = arith.addf %get3A_184, %get3A_188 : vector<16xf32>
      %swap3A_190 = arith.index_cast %scan3A_42 : i32 to index
      %swap3A_191 = arith.constant 160 : index
      %swap3A_192 = tpu.vector_load %arg14[%swap3A_190, %swap3A_191] {strides = array<i32>} : memref<32x768xf32, #tpu.memory_space<vmem>>, vector<1x16xf32>,
      %swap3A_193 = vector.shape_cast %swap3A_192 : vector<1x16xf32> to vector<16xf32>
      %swap3A_194 = vector.shape_cast %add3A_189 : vector<16xf32> to vector<1x16xf32>
      tpu.vector_store %arg14[%swap3A_190, %swap3A_191], %swap3A_194 {strides = array<i32>} : memref<32x768xf32, #tpu.memory_space<vmem>>, vector<1x16xf32>,
      %get3A_195 = arith.index_cast %scan3A_42 : i32 to index
      %get3A_196 = arith.constant 176 : index
      %get3A_197 = tpu.vector_load %arg10[%get3A_195, %get3A_196] {strides = array<i32>} : memref<32x768xf32, #tpu.memory_space<vmem>>, vector<1x16xf32>,
      %get3A_198 = vector.shape_cast %get3A_197 : vector<1x16xf32> to vector<16xf32>
      %get3A_199 = arith.index_cast %scan3A_42 : i32 to index
      %get3A_200 = arith.constant 176 : index
      %get3A_201 = tpu.vector_load %arg11[%get3A_199, %get3A_200] {strides = array<i32>} : memref<32x768xf32, #tpu.memory_space<vmem>>, vector<1x16xf32>,
      %get3A_202 = vector.shape_cast %get3A_201 : vector<1x16xf32> to vector<16xf32>
      %add3A_203 = arith.addf %get3A_198, %get3A_202 : vector<16xf32>
      %swap3A_204 = arith.index_cast %scan3A_42 : i32 to index
      %swap3A_205 = arith.constant 176 : index
      %swap3A_206 = tpu.vector_load %arg14[%swap3A_204, %swap3A_205] {strides = array<i32>} : memref<32x768xf32, #tpu.memory_space<vmem>>, vector<1x16xf32>,
      %swap3A_207 = vector.shape_cast %swap3A_206 : vector<1x16xf32> to vector<16xf32>
      %swap3A_208 = vector.shape_cast %add3A_203 : vector<16xf32> to vector<1x16xf32>
      tpu.vector_store %arg14[%swap3A_204, %swap3A_205], %swap3A_208 {strides = array<i32>} : memref<32x768xf32, #tpu.memory_space<vmem>>, vector<1x16xf32>,
      %get3A_209 = arith.index_cast %scan3A_42 : i32 to index
      %get3A_210 = arith.constant 192 : index
      %get3A_211 = tpu.vector_load %arg10[%get3A_209, %get3A_210] {strides = array<i32>} : memref<32x768xf32, #tpu.memory_space<vmem>>, vector<1x16xf32>,
      %get3A_212 = vector.shape_cast %get3A_211 : vector<1x16xf32> to vector<16xf32>
      %get3A_213 = arith.index_cast %scan3A_42 : i32 to index
      %get3A_214 = arith.constant 192 : index
      %get3A_215 = tpu.vector_load %arg11[%get3A_213, %get3A_214] {strides = array<i32>} : memref<32x768xf32, #tpu.memory_space<vmem>>, vector<1x16xf32>,
      %get3A_216 = vector.shape_cast %get3A_215 : vector<1x16xf32> to vector<16xf32>
      %add3A_217 = arith.addf %get3A_212, %get3A_216 : vector<16xf32>
      %swap3A_218 = arith.index_cast %scan3A_42 : i32 to index
      %swap3A_219 = arith.constant 192 : index
      %swap3A_220 = tpu.vector_load %arg14[%swap3A_218, %swap3A_219] {strides = array<i32>} : memref<32x768xf32, #tpu.memory_space<vmem>>, vector<1x16xf32>,
      %swap3A_221 = vector.shape_cast %swap3A_220 : vector<1x16xf32> to vector<16xf32>
      %swap3A_222 = vector.shape_cast %add3A_217 : vector<16xf32> to vector<1x16xf32>
      tpu.vector_store %arg14[%swap3A_218, %swap3A_219], %swap3A_222 {strides = array<i32>} : memref<32x768xf32, #tpu.memory_space<vmem>>, vector<1x16xf32>,
      %get3A_223 = arith.index_cast %scan3A_42 : i32 to index
      %get3A_224 = arith.constant 208 : index
      %get3A_225 = tpu.vector_load %arg10[%get3A_223, %get3A_224] {strides = array<i32>} : memref<32x768xf32, #tpu.memory_space<vmem>>, vector<1x16xf32>,
      %get3A_226 = vector.shape_cast %get3A_225 : vector<1x16xf32> to vector<16xf32>
      %get3A_227 = arith.index_cast %scan3A_42 : i32 to index
      %get3A_228 = arith.constant 208 : index
      %get3A_229 = tpu.vector_load %arg11[%get3A_227, %get3A_228] {strides = array<i32>} : memref<32x768xf32, #tpu.memory_space<vmem>>, vector<1x16xf32>,
      %get3A_230 = vector.shape_cast %get3A_229 : vector<1x16xf32> to vector<16xf32>
      %add3A_231 = arith.addf %get3A_226, %get3A_230 : vector<16xf32>
      %swap3A_232 = arith.index_cast %scan3A_42 : i32 to index
      %swap3A_233 = arith.constant 208 : index
      %swap3A_234 = tpu.vector_load %arg14[%swap3A_232, %swap3A_233] {strides = array<i32>} : memref<32x768xf32, #tpu.memory_space<vmem>>, vector<1x16xf32>,
      %swap3A_235 = vector.shape_cast %swap3A_234 : vector<1x16xf32> to vector<16xf32>
      %swap3A_236 = vector.shape_cast %add3A_231 : vector<16xf32> to vector<1x16xf32>
      tpu.vector_store %arg14[%swap3A_232, %swap3A_233], %swap3A_236 {strides = array<i32>} : memref<32x768xf32, #tpu.memory_space<vmem>>, vector<1x16xf32>,
      %get3A_237 = arith.index_cast %scan3A_42 : i32 to index
      %get3A_238 = arith.constant 224 : index
      %get3A_239 = tpu.vector_load %arg10[%get3A_237, %get3A_238] {strides = array<i32>} : memref<32x768xf32, #tpu.memory_space<vmem>>, vector<1x16xf32>,
      %get3A_240 = vector.shape_cast %get3A_239 : vector<1x16xf32> to vector<16xf32>
      %get3A_241 = arith.index_cast %scan3A_42 : i32 to index
      %get3A_242 = arith.constant 224 : index
      %get3A_243 = tpu.vector_load %arg11[%get3A_241, %get3A_242] {strides = array<i32>} : memref<32x768xf32, #tpu.memory_space<vmem>>, vector<1x16xf32>,
      %get3A_244 = vector.shape_cast %get3A_243 : vector<1x16xf32> to vector<16xf32>
      %add3A_245 = arith.addf %get3A_240, %get3A_244 : vector<16xf32>
      %swap3A_246 = arith.index_cast %scan3A_42 : i32 to index
      %swap3A_247 = arith.constant 224 : index
      %swap3A_248 = tpu.vector_load %arg14[%swap3A_246, %swap3A_247] {strides = array<i32>} : memref<32x768xf32, #tpu.memory_space<vmem>>, vector<1x16xf32>,
      %swap3A_249 = vector.shape_cast %swap3A_248 : vector<1x16xf32> to vector<16xf32>
      %swap3A_250 = vector.shape_cast %add3A_245 : vector<16xf32> to vector<1x16xf32>
      tpu.vector_store %arg14[%swap3A_246, %swap3A_247], %swap3A_250 {strides = array<i32>} : memref<32x768xf32, #tpu.memory_space<vmem>>, vector<1x16xf32>,
      %get3A_251 = arith.index_cast %scan3A_42 : i32 to index
      %get3A_252 = arith.constant 240 : index
      %get3A_253 = tpu.vector_load %arg10[%get3A_251, %get3A_252] {strides = array<i32>} : memref<32x768xf32, #tpu.memory_space<vmem>>, vector<1x16xf32>,
      %get3A_254 = vector.shape_cast %get3A_253 : vector<1x16xf32> to vector<16xf32>
      %get3A_255 = arith.index_cast %scan3A_42 : i32 to index
      %get3A_256 = arith.constant 240 : index
      %get3A_257 = tpu.vector_load %arg11[%get3A_255, %get3A_256] {strides = array<i32>} : memref<32x768xf32, #tpu.memory_space<vmem>>, vector<1x16xf32>,
      %get3A_258 = vector.shape_cast %get3A_257 : vector<1x16xf32> to vector<16xf32>
      %add3A_259 = arith.addf %get3A_254, %get3A_258 : vector<16xf32>
      %swap3A_260 = arith.index_cast %scan3A_42 : i32 to index
      %swap3A_261 = arith.constant 240 : index
      %swap3A_262 = tpu.vector_load %arg14[%swap3A_260, %swap3A_261] {strides = array<i32>} : memref<32x768xf32, #tpu.memory_space<vmem>>, vector<1x16xf32>,
      %swap3A_263 = vector.shape_cast %swap3A_262 : vector<1x16xf32> to vector<16xf32>
      %swap3A_264 = vector.shape_cast %add3A_259 : vector<16xf32> to vector<1x16xf32>
      tpu.vector_store %arg14[%swap3A_260, %swap3A_261], %swap3A_264 {strides = array<i32>} : memref<32x768xf32, #tpu.memory_space<vmem>>, vector<1x16xf32>,
      %get3A_265 = arith.index_cast %scan3A_42 : i32 to index
      %get3A_266 = arith.constant 256 : index
      %get3A_267 = tpu.vector_load %arg10[%get3A_265, %get3A_266] {strides = array<i32>} : memref<32x768xf32, #tpu.memory_space<vmem>>, vector<1x16xf32>,
      %get3A_268 = vector.shape_cast %get3A_267 : vector<1x16xf32> to vector<16xf32>
      %get3A_269 = arith.index_cast %scan3A_42 : i32 to index
      %get3A_270 = arith.constant 256 : index
      %get3A_271 = tpu.vector_load %arg11[%get3A_269, %get3A_270] {strides = array<i32>} : memref<32x768xf32, #tpu.memory_space<vmem>>, vector<1x16xf32>,
      %get3A_272 = vector.shape_cast %get3A_271 : vector<1x16xf32> to vector<16xf32>
      %add3A_273 = arith.addf %get3A_268, %get3A_272 : vector<16xf32>
      %swap3A_274 = arith.index_cast %scan3A_42 : i32 to index
      %swap3A_275 = arith.constant 256 : index
      %swap3A_276 = tpu.vector_load %arg14[%swap3A_274, %swap3A_275] {strides = array<i32>} : memref<32x768xf32, #tpu.memory_space<vmem>>, vector<1x16xf32>,
      %swap3A_277 = vector.shape_cast %swap3A_276 : vector<1x16xf32> to vector<16xf32>
      %swap3A_278 = vector.shape_cast %add3A_273 : vector<16xf32> to vector<1x16xf32>
      tpu.vector_store %arg14[%swap3A_274, %swap3A_275], %swap3A_278 {strides = array<i32>} : memref<32x768xf32, #tpu.memory_space<vmem>>, vector<1x16xf32>,
      %get3A_279 = arith.index_cast %scan3A_42 : i32 to index
      %get3A_280 = arith.constant 272 : index
      %get3A_281 = tpu.vector_load %arg10[%get3A_279, %get3A_280] {strides = array<i32>} : memref<32x768xf32, #tpu.memory_space<vmem>>, vector<1x16xf32>,
      %get3A_282 = vector.shape_cast %get3A_281 : vector<1x16xf32> to vector<16xf32>
      %get3A_283 = arith.index_cast %scan3A_42 : i32 to index
      %get3A_284 = arith.constant 272 : index
      %get3A_285 = tpu.vector_load %arg11[%get3A_283, %get3A_284] {strides = array<i32>} : memref<32x768xf32, #tpu.memory_space<vmem>>, vector<1x16xf32>,
      %get3A_286 = vector.shape_cast %get3A_285 : vector<1x16xf32> to vector<16xf32>
      %add3A_287 = arith.addf %get3A_282, %get3A_286 : vector<16xf32>
      %swap3A_288 = arith.index_cast %scan3A_42 : i32 to index
      %swap3A_289 = arith.constant 272 : index
      %swap3A_290 = tpu.vector_load %arg14[%swap3A_288, %swap3A_289] {strides = array<i32>} : memref<32x768xf32, #tpu.memory_space<vmem>>, vector<1x16xf32>,
      %swap3A_291 = vector.shape_cast %swap3A_290 : vector<1x16xf32> to vector<16xf32>
      %swap3A_292 = vector.shape_cast %add3A_287 : vector<16xf32> to vector<1x16xf32>
      tpu.vector_store %arg14[%swap3A_288, %swap3A_289], %swap3A_292 {strides = array<i32>} : memref<32x768xf32, #tpu.memory_space<vmem>>, vector<1x16xf32>,
      %get3A_293 = arith.index_cast %scan3A_42 : i32 to index
      %get3A_294 = arith.constant 288 : index
      %get3A_295 = tpu.vector_load %arg10[%get3A_293, %get3A_294] {strides = array<i32>} : memref<32x768xf32, #tpu.memory_space<vmem>>, vector<1x16xf32>,
      %get3A_296 = vector.shape_cast %get3A_295 : vector<1x16xf32> to vector<16xf32>
      %get3A_297 = arith.index_cast %scan3A_42 : i32 to index
      %get3A_298 = arith.constant 288 : index
      %get3A_299 = tpu.vector_load %arg11[%get3A_297, %get3A_298] {strides = array<i32>} : memref<32x768xf32, #tpu.memory_space<vmem>>, vector<1x16xf32>,
      %get3A_300 = vector.shape_cast %get3A_299 : vector<1x16xf32> to vector<16xf32>
      %add3A_301 = arith.addf %get3A_296, %get3A_300 : vector<16xf32>
      %swap3A_302 = arith.index_cast %scan3A_42 : i32 to index
      %swap3A_303 = arith.constant 288 : index
      %swap3A_304 = tpu.vector_load %arg14[%swap3A_302, %swap3A_303] {strides = array<i32>} : memref<32x768xf32, #tpu.memory_space<vmem>>, vector<1x16xf32>,
      %swap3A_305 = vector.shape_cast %swap3A_304 : vector<1x16xf32> to vector<16xf32>
      %swap3A_306 = vector.shape_cast %add3A_301 : vector<16xf32> to vector<1x16xf32>
      tpu.vector_store %arg14[%swap3A_302, %swap3A_303], %swap3A_306 {strides = array<i32>} : memref<32x768xf32, #tpu.memory_space<vmem>>, vector<1x16xf32>,
      %get3A_307 = arith.index_cast %scan3A_42 : i32 to index
      %get3A_308 = arith.constant 304 : index
      %get3A_309 = tpu.vector_load %arg10[%get3A_307, %get3A_308] {strides = array<i32>} : memref<32x768xf32, #tpu.memory_space<vmem>>, vector<1x16xf32>,
      %get3A_310 = vector.shape_cast %get3A_309 : vector<1x16xf32> to vector<16xf32>
      %get3A_311 = arith.index_cast %scan3A_42 : i32 to index
      %get3A_312 = arith.constant 304 : index
      %get3A_313 = tpu.vector_load %arg11[%get3A_311, %get3A_312] {strides = array<i32>} : memref<32x768xf32, #tpu.memory_space<vmem>>, vector<1x16xf32>,
      %get3A_314 = vector.shape_cast %get3A_313 : vector<1x16xf32> to vector<16xf32>
      %add3A_315 = arith.addf %get3A_310, %get3A_314 : vector<16xf32>
      %swap3A_316 = arith.index_cast %scan3A_42 : i32 to index
      %swap3A_317 = arith.constant 304 : index
      %swap3A_318 = tpu.vector_load %arg14[%swap3A_316, %swap3A_317] {strides = array<i32>} : memref<32x768xf32, #tpu.memory_space<vmem>>, vector<1x16xf32>,
      %swap3A_319 = vector.shape_cast %swap3A_318 : vector<1x16xf32> to vector<16xf32>
      %swap3A_320 = vector.shape_cast %add3A_315 : vector<16xf32> to vector<1x16xf32>
      tpu.vector_store %arg14[%swap3A_316, %swap3A_317], %swap3A_320 {strides = array<i32>} : memref<32x768xf32, #tpu.memory_space<vmem>>, vector<1x16xf32>,
      %get3A_321 = arith.index_cast %scan3A_42 : i32 to index
      %get3A_322 = arith.constant 320 : index
      %get3A_323 = tpu.vector_load %arg10[%get3A_321, %get3A_322] {strides = array<i32>} : memref<32x768xf32, #tpu.memory_space<vmem>>, vector<1x16xf32>,
      %get3A_324 = vector.shape_cast %get3A_323 : vector<1x16xf32> to vector<16xf32>
      %get3A_325 = arith.index_cast %scan3A_42 : i32 to index
      %get3A_326 = arith.constant 320 : index
      %get3A_327 = tpu.vector_load %arg11[%get3A_325, %get3A_326] {strides = array<i32>} : memref<32x768xf32, #tpu.memory_space<vmem>>, vector<1x16xf32>,
      %get3A_328 = vector.shape_cast %get3A_327 : vector<1x16xf32> to vector<16xf32>
      %add3A_329 = arith.addf %get3A_324, %get3A_328 : vector<16xf32>
      %swap3A_330 = arith.index_cast %scan3A_42 : i32 to index
      %swap3A_331 = arith.constant 320 : index
      %swap3A_332 = tpu.vector_load %arg14[%swap3A_330, %swap3A_331] {strides = array<i32>} : memref<32x768xf32, #tpu.memory_space<vmem>>, vector<1x16xf32>,
      %swap3A_333 = vector.shape_cast %swap3A_332 : vector<1x16xf32> to vector<16xf32>
      %swap3A_334 = vector.shape_cast %add3A_329 : vector<16xf32> to vector<1x16xf32>
      tpu.vector_store %arg14[%swap3A_330, %swap3A_331], %swap3A_334 {strides = array<i32>} : memref<32x768xf32, #tpu.memory_space<vmem>>, vector<1x16xf32>,
      %get3A_335 = arith.index_cast %scan3A_42 : i32 to index
      %get3A_336 = arith.constant 336 : index
      %get3A_337 = tpu.vector_load %arg10[%get3A_335, %get3A_336] {strides = array<i32>} : memref<32x768xf32, #tpu.memory_space<vmem>>, vector<1x16xf32>,
      %get3A_338 = vector.shape_cast %get3A_337 : vector<1x16xf32> to vector<16xf32>
      %get3A_339 = arith.index_cast %scan3A_42 : i32 to index
      %get3A_340 = arith.constant 336 : index
      %get3A_341 = tpu.vector_load %arg11[%get3A_339, %get3A_340] {strides = array<i32>} : memref<32x768xf32, #tpu.memory_space<vmem>>, vector<1x16xf32>,
      %get3A_342 = vector.shape_cast %get3A_341 : vector<1x16xf32> to vector<16xf32>
      %add3A_343 = arith.addf %get3A_338, %get3A_342 : vector<16xf32>
      %swap3A_344 = arith.index_cast %scan3A_42 : i32 to index
      %swap3A_345 = arith.constant 336 : index
      %swap3A_346 = tpu.vector_load %arg14[%swap3A_344, %swap3A_345] {strides = array<i32>} : memref<32x768xf32, #tpu.memory_space<vmem>>, vector<1x16xf32>,
      %swap3A_347 = vector.shape_cast %swap3A_346 : vector<1x16xf32> to vector<16xf32>
      %swap3A_348 = vector.shape_cast %add3A_343 : vector<16xf32> to vector<1x16xf32>
      tpu.vector_store %arg14[%swap3A_344, %swap3A_345], %swap3A_348 {strides = array<i32>} : memref<32x768xf32, #tpu.memory_space<vmem>>, vector<1x16xf32>,
      %get3A_349 = arith.index_cast %scan3A_42 : i32 to index
      %get3A_350 = arith.constant 352 : index
      %get3A_351 = tpu.vector_load %arg10[%get3A_349, %get3A_350] {strides = array<i32>} : memref<32x768xf32, #tpu.memory_space<vmem>>, vector<1x16xf32>,
      %get3A_352 = vector.shape_cast %get3A_351 : vector<1x16xf32> to vector<16xf32>
      %get3A_353 = arith.index_cast %scan3A_42 : i32 to index
      %get3A_354 = arith.constant 352 : index
      %get3A_355 = tpu.vector_load %arg11[%get3A_353, %get3A_354] {strides = array<i32>} : memref<32x768xf32, #tpu.memory_space<vmem>>, vector<1x16xf32>,
      %get3A_356 = vector.shape_cast %get3A_355 : vector<1x16xf32> to vector<16xf32>
      %add3A_357 = arith.addf %get3A_352, %get3A_356 : vector<16xf32>
      %swap3A_358 = arith.index_cast %scan3A_42 : i32 to index
      %swap3A_359 = arith.constant 352 : index
      %swap3A_360 = tpu.vector_load %arg14[%swap3A_358, %swap3A_359] {strides = array<i32>} : memref<32x768xf32, #tpu.memory_space<vmem>>, vector<1x16xf32>,
      %swap3A_361 = vector.shape_cast %swap3A_360 : vector<1x16xf32> to vector<16xf32>
      %swap3A_362 = vector.shape_cast %add3A_357 : vector<16xf32> to vector<1x16xf32>
      tpu.vector_store %arg14[%swap3A_358, %swap3A_359], %swap3A_362 {strides = array<i32>} : memref<32x768xf32, #tpu.memory_space<vmem>>, vector<1x16xf32>,
      %get3A_363 = arith.index_cast %scan3A_42 : i32 to index
      %get3A_364 = arith.constant 368 : index
      %get3A_365 = tpu.vector_load %arg10[%get3A_363, %get3A_364] {strides = array<i32>} : memref<32x768xf32, #tpu.memory_space<vmem>>, vector<1x16xf32>,
      %get3A_366 = vector.shape_cast %get3A_365 : vector<1x16xf32> to vector<16xf32>
      %get3A_367 = arith.index_cast %scan3A_42 : i32 to index
      %get3A_368 = arith.constant 368 : index
      %get3A_369 = tpu.vector_load %arg11[%get3A_367, %get3A_368] {strides = array<i32>} : memref<32x768xf32, #tpu.memory_space<vmem>>, vector<1x16xf32>,
      %get3A_370 = vector.shape_cast %get3A_369 : vector<1x16xf32> to vector<16xf32>
      %add3A_371 = arith.addf %get3A_366, %get3A_370 : vector<16xf32>
      %swap3A_372 = arith.index_cast %scan3A_42 : i32 to index
      %swap3A_373 = arith.constant 368 : index
      %swap3A_374 = tpu.vector_load %arg14[%swap3A_372, %swap3A_373] {strides = array<i32>} : memref<32x768xf32, #tpu.memory_space<vmem>>, vector<1x16xf32>,
      %swap3A_375 = vector.shape_cast %swap3A_374 : vector<1x16xf32> to vector<16xf32>
      %swap3A_376 = vector.shape_cast %add3A_371 : vector<16xf32> to vector<1x16xf32>
      tpu.vector_store %arg14[%swap3A_372, %swap3A_373], %swap3A_376 {strides = array<i32>} : memref<32x768xf32, #tpu.memory_space<vmem>>, vector<1x16xf32>,
      %get3A_377 = arith.index_cast %scan3A_42 : i32 to index
      %get3A_378 = arith.constant 384 : index
      %get3A_379 = tpu.vector_load %arg10[%get3A_377, %get3A_378] {strides = array<i32>} : memref<32x768xf32, #tpu.memory_space<vmem>>, vector<1x16xf32>,
      %get3A_380 = vector.shape_cast %get3A_379 : vector<1x16xf32> to vector<16xf32>
      %get3A_381 = arith.index_cast %scan3A_42 : i32 to index
      %get3A_382 = arith.constant 384 : index
      %get3A_383 = tpu.vector_load %arg11[%get3A_381, %get3A_382] {strides = array<i32>} : memref<32x768xf32, #tpu.memory_space<vmem>>, vector<1x16xf32>,
      %get3A_384 = vector.shape_cast %get3A_383 : vector<1x16xf32> to vector<16xf32>
      %add3A_385 = arith.addf %get3A_380, %get3A_384 : vector<16xf32>
      %swap3A_386 = arith.index_cast %scan3A_42 : i32 to index
      %swap3A_387 = arith.constant 384 : index
      %swap3A_388 = tpu.vector_load %arg14[%swap3A_386, %swap3A_387] {strides = array<i32>} : memref<32x768xf32, #tpu.memory_space<vmem>>, vector<1x16xf32>,
      %swap3A_389 = vector.shape_cast %swap3A_388 : vector<1x16xf32> to vector<16xf32>
      %swap3A_390 = vector.shape_cast %add3A_385 : vector<16xf32> to vector<1x16xf32>
      tpu.vector_store %arg14[%swap3A_386, %swap3A_387], %swap3A_390 {strides = array<i32>} : memref<32x768xf32, #tpu.memory_space<vmem>>, vector<1x16xf32>,
      %get3A_391 = arith.index_cast %scan3A_42 : i32 to index
      %get3A_392 = arith.constant 400 : index
      %get3A_393 = tpu.vector_load %arg10[%get3A_391, %get3A_392] {strides = array<i32>} : memref<32x768xf32, #tpu.memory_space<vmem>>, vector<1x16xf32>,
      %get3A_394 = vector.shape_cast %get3A_393 : vector<1x16xf32> to vector<16xf32>
      %get3A_395 = arith.index_cast %scan3A_42 : i32 to index
      %get3A_396 = arith.constant 400 : index
      %get3A_397 = tpu.vector_load %arg11[%get3A_395, %get3A_396] {strides = array<i32>} : memref<32x768xf32, #tpu.memory_space<vmem>>, vector<1x16xf32>,
      %get3A_398 = vector.shape_cast %get3A_397 : vector<1x16xf32> to vector<16xf32>
      %add3A_399 = arith.addf %get3A_394, %get3A_398 : vector<16xf32>
      %swap3A_400 = arith.index_cast %scan3A_42 : i32 to index
      %swap3A_401 = arith.constant 400 : index
      %swap3A_402 = tpu.vector_load %arg14[%swap3A_400, %swap3A_401] {strides = array<i32>} : memref<32x768xf32, #tpu.memory_space<vmem>>, vector<1x16xf32>,
      %swap3A_403 = vector.shape_cast %swap3A_402 : vector<1x16xf32> to vector<16xf32>
      %swap3A_404 = vector.shape_cast %add3A_399 : vector<16xf32> to vector<1x16xf32>
      tpu.vector_store %arg14[%swap3A_400, %swap3A_401], %swap3A_404 {strides = array<i32>} : memref<32x768xf32, #tpu.memory_space<vmem>>, vector<1x16xf32>,
      %get3A_405 = arith.index_cast %scan3A_42 : i32 to index
      %get3A_406 = arith.constant 416 : index
      %get3A_407 = tpu.vector_load %arg10[%get3A_405, %get3A_406] {strides = array<i32>} : memref<32x768xf32, #tpu.memory_space<vmem>>, vector<1x16xf32>,
      %get3A_408 = vector.shape_cast %get3A_407 : vector<1x16xf32> to vector<16xf32>
      %get3A_409 = arith.index_cast %scan3A_42 : i32 to index
      %get3A_410 = arith.constant 416 : index
      %get3A_411 = tpu.vector_load %arg11[%get3A_409, %get3A_410] {strides = array<i32>} : memref<32x768xf32, #tpu.memory_space<vmem>>, vector<1x16xf32>,
      %get3A_412 = vector.shape_cast %get3A_411 : vector<1x16xf32> to vector<16xf32>
      %add3A_413 = arith.addf %get3A_408, %get3A_412 : vector<16xf32>
      %swap3A_414 = arith.index_cast %scan3A_42 : i32 to index
      %swap3A_415 = arith.constant 416 : index
      %swap3A_416 = tpu.vector_load %arg14[%swap3A_414, %swap3A_415] {strides = array<i32>} : memref<32x768xf32, #tpu.memory_space<vmem>>, vector<1x16xf32>,
      %swap3A_417 = vector.shape_cast %swap3A_416 : vector<1x16xf32> to vector<16xf32>
      %swap3A_418 = vector.shape_cast %add3A_413 : vector<16xf32> to vector<1x16xf32>
      tpu.vector_store %arg14[%swap3A_414, %swap3A_415], %swap3A_418 {strides = array<i32>} : memref<32x768xf32, #tpu.memory_space<vmem>>, vector<1x16xf32>,
      %get3A_419 = arith.index_cast %scan3A_42 : i32 to index
      %get3A_420 = arith.constant 432 : index
      %get3A_421 = tpu.vector_load %arg10[%get3A_419, %get3A_420] {strides = array<i32>} : memref<32x768xf32, #tpu.memory_space<vmem>>, vector<1x16xf32>,
      %get3A_422 = vector.shape_cast %get3A_421 : vector<1x16xf32> to vector<16xf32>
      %get3A_423 = arith.index_cast %scan3A_42 : i32 to index
      %get3A_424 = arith.constant 432 : index
      %get3A_425 = tpu.vector_load %arg11[%get3A_423, %get3A_424] {strides = array<i32>} : memref<32x768xf32, #tpu.memory_space<vmem>>, vector<1x16xf32>,
      %get3A_426 = vector.shape_cast %get3A_425 : vector<1x16xf32> to vector<16xf32>
      %add3A_427 = arith.addf %get3A_422, %get3A_426 : vector<16xf32>
      %swap3A_428 = arith.index_cast %scan3A_42 : i32 to index
      %swap3A_429 = arith.constant 432 : index
      %swap3A_430 = tpu.vector_load %arg14[%swap3A_428, %swap3A_429] {strides = array<i32>} : memref<32x768xf32, #tpu.memory_space<vmem>>, vector<1x16xf32>,
      %swap3A_431 = vector.shape_cast %swap3A_430 : vector<1x16xf32> to vector<16xf32>
      %swap3A_432 = vector.shape_cast %add3A_427 : vector<16xf32> to vector<1x16xf32>
      tpu.vector_store %arg14[%swap3A_428, %swap3A_429], %swap3A_432 {strides = array<i32>} : memref<32x768xf32, #tpu.memory_space<vmem>>, vector<1x16xf32>,
      %get3A_433 = arith.index_cast %scan3A_42 : i32 to index
      %get3A_434 = arith.constant 448 : index
      %get3A_435 = tpu.vector_load %arg10[%get3A_433, %get3A_434] {strides = array<i32>} : memref<32x768xf32, #tpu.memory_space<vmem>>, vector<1x16xf32>,
      %get3A_436 = vector.shape_cast %get3A_435 : vector<1x16xf32> to vector<16xf32>
      %get3A_437 = arith.index_cast %scan3A_42 : i32 to index
      %get3A_438 = arith.constant 448 : index
      %get3A_439 = tpu.vector_load %arg11[%get3A_437, %get3A_438] {strides = array<i32>} : memref<32x768xf32, #tpu.memory_space<vmem>>, vector<1x16xf32>,
      %get3A_440 = vector.shape_cast %get3A_439 : vector<1x16xf32> to vector<16xf32>
      %add3A_441 = arith.addf %get3A_436, %get3A_440 : vector<16xf32>
      %swap3A_442 = arith.index_cast %scan3A_42 : i32 to index
      %swap3A_443 = arith.constant 448 : index
      %swap3A_444 = tpu.vector_load %arg14[%swap3A_442, %swap3A_443] {strides = array<i32>} : memref<32x768xf32, #tpu.memory_space<vmem>>, vector<1x16xf32>,
      %swap3A_445 = vector.shape_cast %swap3A_444 : vector<1x16xf32> to vector<16xf32>
      %swap3A_446 = vector.shape_cast %add3A_441 : vector<16xf32> to vector<1x16xf32>
      tpu.vector_store %arg14[%swap3A_442, %swap3A_443], %swap3A_446 {strides = array<i32>} : memref<32x768xf32, #tpu.memory_space<vmem>>, vector<1x16xf32>,
      %get3A_447 = arith.index_cast %scan3A_42 : i32 to index
      %get3A_448 = arith.constant 464 : index
      %get3A_449 = tpu.vector_load %arg10[%get3A_447, %get3A_448] {strides = array<i32>} : memref<32x768xf32, #tpu.memory_space<vmem>>, vector<1x16xf32>,
      %get3A_450 = vector.shape_cast %get3A_449 : vector<1x16xf32> to vector<16xf32>
      %get3A_451 = arith.index_cast %scan3A_42 : i32 to index
      %get3A_452 = arith.constant 464 : index
      %get3A_453 = tpu.vector_load %arg11[%get3A_451, %get3A_452] {strides = array<i32>} : memref<32x768xf32, #tpu.memory_space<vmem>>, vector<1x16xf32>,
      %get3A_454 = vector.shape_cast %get3A_453 : vector<1x16xf32> to vector<16xf32>
      %add3A_455 = arith.addf %get3A_450, %get3A_454 : vector<16xf32>
      %swap3A_456 = arith.index_cast %scan3A_42 : i32 to index
      %swap3A_457 = arith.constant 464 : index
      %swap3A_458 = tpu.vector_load %arg14[%swap3A_456, %swap3A_457] {strides = array<i32>} : memref<32x768xf32, #tpu.memory_space<vmem>>, vector<1x16xf32>,
      %swap3A_459 = vector.shape_cast %swap3A_458 : vector<1x16xf32> to vector<16xf32>
      %swap3A_460 = vector.shape_cast %add3A_455 : vector<16xf32> to vector<1x16xf32>
      tpu.vector_store %arg14[%swap3A_456, %swap3A_457], %swap3A_460 {strides = array<i32>} : memref<32x768xf32, #tpu.memory_space<vmem>>, vector<1x16xf32>,
      %get3A_461 = arith.index_cast %scan3A_42 : i32 to index
      %get3A_462 = arith.constant 480 : index
      %get3A_463 = tpu.vector_load %arg10[%get3A_461, %get3A_462] {strides = array<i32>} : memref<32x768xf32, #tpu.memory_space<vmem>>, vector<1x16xf32>,
      %get3A_464 = vector.shape_cast %get3A_463 : vector<1x16xf32> to vector<16xf32>
      %get3A_465 = arith.index_cast %scan3A_42 : i32 to index
      %get3A_466 = arith.constant 480 : index
      %get3A_467 = tpu.vector_load %arg11[%get3A_465, %get3A_466] {strides = array<i32>} : memref<32x768xf32, #tpu.memory_space<vmem>>, vector<1x16xf32>,
      %get3A_468 = vector.shape_cast %get3A_467 : vector<1x16xf32> to vector<16xf32>
      %add3A_469 = arith.addf %get3A_464, %get3A_468 : vector<16xf32>
      %swap3A_470 = arith.index_cast %scan3A_42 : i32 to index
      %swap3A_471 = arith.constant 480 : index
      %swap3A_472 = tpu.vector_load %arg14[%swap3A_470, %swap3A_471] {strides = array<i32>} : memref<32x768xf32, #tpu.memory_space<vmem>>, vector<1x16xf32>,
      %swap3A_473 = vector.shape_cast %swap3A_472 : vector<1x16xf32> to vector<16xf32>
      %swap3A_474 = vector.shape_cast %add3A_469 : vector<16xf32> to vector<1x16xf32>
      tpu.vector_store %arg14[%swap3A_470, %swap3A_471], %swap3A_474 {strides = array<i32>} : memref<32x768xf32, #tpu.memory_space<vmem>>, vector<1x16xf32>,
      %get3A_475 = arith.index_cast %scan3A_42 : i32 to index
      %get3A_476 = arith.constant 496 : index
      %get3A_477 = tpu.vector_load %arg10[%get3A_475, %get3A_476] {strides = array<i32>} : memref<32x768xf32, #tpu.memory_space<vmem>>, vector<1x16xf32>,
      %get3A_478 = vector.shape_cast %get3A_477 : vector<1x16xf32> to vector<16xf32>
      %get3A_479 = arith.index_cast %scan3A_42 : i32 to index
      %get3A_480 = arith.constant 496 : index
      %get3A_481 = tpu.vector_load %arg11[%get3A_479, %get3A_480] {strides = array<i32>} : memref<32x768xf32, #tpu.memory_space<vmem>>, vector<1x16xf32>,
      %get3A_482 = vector.shape_cast %get3A_481 : vector<1x16xf32> to vector<16xf32>
      %add3A_483 = arith.addf %get3A_478, %get3A_482 : vector<16xf32>
      %swap3A_484 = arith.index_cast %scan3A_42 : i32 to index
      %swap3A_485 = arith.constant 496 : index
      %swap3A_486 = tpu.vector_load %arg14[%swap3A_484, %swap3A_485] {strides = array<i32>} : memref<32x768xf32, #tpu.memory_space<vmem>>, vector<1x16xf32>,
      %swap3A_487 = vector.shape_cast %swap3A_486 : vector<1x16xf32> to vector<16xf32>
      %swap3A_488 = vector.shape_cast %add3A_483 : vector<16xf32> to vector<1x16xf32>
      tpu.vector_store %arg14[%swap3A_484, %swap3A_485], %swap3A_488 {strides = array<i32>} : memref<32x768xf32, #tpu.memory_space<vmem>>, vector<1x16xf32>,
      %get3A_489 = arith.index_cast %scan3A_42 : i32 to index
      %get3A_490 = arith.constant 512 : index
      %get3A_491 = tpu.vector_load %arg10[%get3A_489, %get3A_490] {strides = array<i32>} : memref<32x768xf32, #tpu.memory_space<vmem>>, vector<1x16xf32>,
      %get3A_492 = vector.shape_cast %get3A_491 : vector<1x16xf32> to vector<16xf32>
      %get3A_493 = arith.index_cast %scan3A_42 : i32 to index
      %get3A_494 = arith.constant 512 : index
      %get3A_495 = tpu.vector_load %arg11[%get3A_493, %get3A_494] {strides = array<i32>} : memref<32x768xf32, #tpu.memory_space<vmem>>, vector<1x16xf32>,
      %get3A_496 = vector.shape_cast %get3A_495 : vector<1x16xf32> to vector<16xf32>
      %add3A_497 = arith.addf %get3A_492, %get3A_496 : vector<16xf32>
      %swap3A_498 = arith.index_cast %scan3A_42 : i32 to index
      %swap3A_499 = arith.constant 512 : index
      %swap3A_500 = tpu.vector_load %arg14[%swap3A_498, %swap3A_499] {strides = array<i32>} : memref<32x768xf32, #tpu.memory_space<vmem>>, vector<1x16xf32>,
      %swap3A_501 = vector.shape_cast %swap3A_500 : vector<1x16xf32> to vector<16xf32>
      %swap3A_502 = vector.shape_cast %add3A_497 : vector<16xf32> to vector<1x16xf32>
      tpu.vector_store %arg14[%swap3A_498, %swap3A_499], %swap3A_502 {strides = array<i32>} : memref<32x768xf32, #tpu.memory_space<vmem>>, vector<1x16xf32>,
      %get3A_503 = arith.index_cast %scan3A_42 : i32 to index
      %get3A_504 = arith.constant 528 : index
      %get3A_505 = tpu.vector_load %arg10[%get3A_503, %get3A_504] {strides = array<i32>} : memref<32x768xf32, #tpu.memory_space<vmem>>, vector<1x16xf32>,
      %get3A_506 = vector.shape_cast %get3A_505 : vector<1x16xf32> to vector<16xf32>
      %get3A_507 = arith.index_cast %scan3A_42 : i32 to index
      %get3A_508 = arith.constant 528 : index
      %get3A_509 = tpu.vector_load %arg11[%get3A_507, %get3A_508] {strides = array<i32>} : memref<32x768xf32, #tpu.memory_space<vmem>>, vector<1x16xf32>,
      %get3A_510 = vector.shape_cast %get3A_509 : vector<1x16xf32> to vector<16xf32>
      %add3A_511 = arith.addf %get3A_506, %get3A_510 : vector<16xf32>
      %swap3A_512 = arith.index_cast %scan3A_42 : i32 to index
      %swap3A_513 = arith.constant 528 : index
      %swap3A_514 = tpu.vector_load %arg14[%swap3A_512, %swap3A_513] {strides = array<i32>} : memref<32x768xf32, #tpu.memory_space<vmem>>, vector<1x16xf32>,
      %swap3A_515 = vector.shape_cast %swap3A_514 : vector<1x16xf32> to vector<16xf32>
      %swap3A_516 = vector.shape_cast %add3A_511 : vector<16xf32> to vector<1x16xf32>
      tpu.vector_store %arg14[%swap3A_512, %swap3A_513], %swap3A_516 {strides = array<i32>} : memref<32x768xf32, #tpu.memory_space<vmem>>, vector<1x16xf32>,
      %get3A_517 = arith.index_cast %scan3A_42 : i32 to index
      %get3A_518 = arith.constant 544 : index
      %get3A_519 = tpu.vector_load %arg10[%get3A_517, %get3A_518] {strides = array<i32>} : memref<32x768xf32, #tpu.memory_space<vmem>>, vector<1x16xf32>,
      %get3A_520 = vector.shape_cast %get3A_519 : vector<1x16xf32> to vector<16xf32>
      %get3A_521 = arith.index_cast %scan3A_42 : i32 to index
      %get3A_522 = arith.constant 544 : index
      %get3A_523 = tpu.vector_load %arg11[%get3A_521, %get3A_522] {strides = array<i32>} : memref<32x768xf32, #tpu.memory_space<vmem>>, vector<1x16xf32>,
      %get3A_524 = vector.shape_cast %get3A_523 : vector<1x16xf32> to vector<16xf32>
      %add3A_525 = arith.addf %get3A_520, %get3A_524 : vector<16xf32>
      %swap3A_526 = arith.index_cast %scan3A_42 : i32 to index
      %swap3A_527 = arith.constant 544 : index
      %swap3A_528 = tpu.vector_load %arg14[%swap3A_526, %swap3A_527] {strides = array<i32>} : memref<32x768xf32, #tpu.memory_space<vmem>>, vector<1x16xf32>,
      %swap3A_529 = vector.shape_cast %swap3A_528 : vector<1x16xf32> to vector<16xf32>
      %swap3A_530 = vector.shape_cast %add3A_525 : vector<16xf32> to vector<1x16xf32>
      tpu.vector_store %arg14[%swap3A_526, %swap3A_527], %swap3A_530 {strides = array<i32>} : memref<32x768xf32, #tpu.memory_space<vmem>>, vector<1x16xf32>,
      %get3A_531 = arith.index_cast %scan3A_42 : i32 to index
      %get3A_532 = arith.constant 560 : index
      %get3A_533 = tpu.vector_load %arg10[%get3A_531, %get3A_532] {strides = array<i32>} : memref<32x768xf32, #tpu.memory_space<vmem>>, vector<1x16xf32>,
      %get3A_534 = vector.shape_cast %get3A_533 : vector<1x16xf32> to vector<16xf32>
      %get3A_535 = arith.index_cast %scan3A_42 : i32 to index
      %get3A_536 = arith.constant 560 : index
      %get3A_537 = tpu.vector_load %arg11[%get3A_535, %get3A_536] {strides = array<i32>} : memref<32x768xf32, #tpu.memory_space<vmem>>, vector<1x16xf32>,
      %get3A_538 = vector.shape_cast %get3A_537 : vector<1x16xf32> to vector<16xf32>
      %add3A_539 = arith.addf %get3A_534, %get3A_538 : vector<16xf32>
      %swap3A_540 = arith.index_cast %scan3A_42 : i32 to index
      %swap3A_541 = arith.constant 560 : index
      %swap3A_542 = tpu.vector_load %arg14[%swap3A_540, %swap3A_541] {strides = array<i32>} : memref<32x768xf32, #tpu.memory_space<vmem>>, vector<1x16xf32>,
      %swap3A_543 = vector.shape_cast %swap3A_542 : vector<1x16xf32> to vector<16xf32>
      %swap3A_544 = vector.shape_cast %add3A_539 : vector<16xf32> to vector<1x16xf32>
      tpu.vector_store %arg14[%swap3A_540, %swap3A_541], %swap3A_544 {strides = array<i32>} : memref<32x768xf32, #tpu.memory_space<vmem>>, vector<1x16xf32>,
      %get3A_545 = arith.index_cast %scan3A_42 : i32 to index
      %get3A_546 = arith.constant 576 : index
      %get3A_547 = tpu.vector_load %arg10[%get3A_545, %get3A_546] {strides = array<i32>} : memref<32x768xf32, #tpu.memory_space<vmem>>, vector<1x16xf32>,
      %get3A_548 = vector.shape_cast %get3A_547 : vector<1x16xf32> to vector<16xf32>
      %get3A_549 = arith.index_cast %scan3A_42 : i32 to index
      %get3A_550 = arith.constant 576 : index
      %get3A_551 = tpu.vector_load %arg11[%get3A_549, %get3A_550] {strides = array<i32>} : memref<32x768xf32, #tpu.memory_space<vmem>>, vector<1x16xf32>,
      %get3A_552 = vector.shape_cast %get3A_551 : vector<1x16xf32> to vector<16xf32>
      %add3A_553 = arith.addf %get3A_548, %get3A_552 : vector<16xf32>
      %swap3A_554 = arith.index_cast %scan3A_42 : i32 to index
      %swap3A_555 = arith.constant 576 : index
      %swap3A_556 = tpu.vector_load %arg14[%swap3A_554, %swap3A_555] {strides = array<i32>} : memref<32x768xf32, #tpu.memory_space<vmem>>, vector<1x16xf32>,
      %swap3A_557 = vector.shape_cast %swap3A_556 : vector<1x16xf32> to vector<16xf32>
      %swap3A_558 = vector.shape_cast %add3A_553 : vector<16xf32> to vector<1x16xf32>
      tpu.vector_store %arg14[%swap3A_554, %swap3A_555], %swap3A_558 {strides = array<i32>} : memref<32x768xf32, #tpu.memory_space<vmem>>, vector<1x16xf32>,
      %get3A_559 = arith.index_cast %scan3A_42 : i32 to index
      %get3A_560 = arith.constant 592 : index
      %get3A_561 = tpu.vector_load %arg10[%get3A_559, %get3A_560] {strides = array<i32>} : memref<32x768xf32, #tpu.memory_space<vmem>>, vector<1x16xf32>,
      %get3A_562 = vector.shape_cast %get3A_561 : vector<1x16xf32> to vector<16xf32>
      %get3A_563 = arith.index_cast %scan3A_42 : i32 to index
      %get3A_564 = arith.constant 592 : index
      %get3A_565 = tpu.vector_load %arg11[%get3A_563, %get3A_564] {strides = array<i32>} : memref<32x768xf32, #tpu.memory_space<vmem>>, vector<1x16xf32>,
      %get3A_566 = vector.shape_cast %get3A_565 : vector<1x16xf32> to vector<16xf32>
      %add3A_567 = arith.addf %get3A_562, %get3A_566 : vector<16xf32>
      %swap3A_568 = arith.index_cast %scan3A_42 : i32 to index
      %swap3A_569 = arith.constant 592 : index
      %swap3A_570 = tpu.vector_load %arg14[%swap3A_568, %swap3A_569] {strides = array<i32>} : memref<32x768xf32, #tpu.memory_space<vmem>>, vector<1x16xf32>,
      %swap3A_571 = vector.shape_cast %swap3A_570 : vector<1x16xf32> to vector<16xf32>
      %swap3A_572 = vector.shape_cast %add3A_567 : vector<16xf32> to vector<1x16xf32>
      tpu.vector_store %arg14[%swap3A_568, %swap3A_569], %swap3A_572 {strides = array<i32>} : memref<32x768xf32, #tpu.memory_space<vmem>>, vector<1x16xf32>,
      %get3A_573 = arith.index_cast %scan3A_42 : i32 to index
      %get3A_574 = arith.constant 608 : index
      %get3A_575 = tpu.vector_load %arg10[%get3A_573, %get3A_574] {strides = array<i32>} : memref<32x768xf32, #tpu.memory_space<vmem>>, vector<1x16xf32>,
      %get3A_576 = vector.shape_cast %get3A_575 : vector<1x16xf32> to vector<16xf32>
      %get3A_577 = arith.index_cast %scan3A_42 : i32 to index
      %get3A_578 = arith.constant 608 : index
      %get3A_579 = tpu.vector_load %arg11[%get3A_577, %get3A_578] {strides = array<i32>} : memref<32x768xf32, #tpu.memory_space<vmem>>, vector<1x16xf32>,
      %get3A_580 = vector.shape_cast %get3A_579 : vector<1x16xf32> to vector<16xf32>
      %add3A_581 = arith.addf %get3A_576, %get3A_580 : vector<16xf32>
      %swap3A_582 = arith.index_cast %scan3A_42 : i32 to index
      %swap3A_583 = arith.constant 608 : index
      %swap3A_584 = tpu.vector_load %arg14[%swap3A_582, %swap3A_583] {strides = array<i32>} : memref<32x768xf32, #tpu.memory_space<vmem>>, vector<1x16xf32>,
      %swap3A_585 = vector.shape_cast %swap3A_584 : vector<1x16xf32> to vector<16xf32>
      %swap3A_586 = vector.shape_cast %add3A_581 : vector<16xf32> to vector<1x16xf32>
      tpu.vector_store %arg14[%swap3A_582, %swap3A_583], %swap3A_586 {strides = array<i32>} : memref<32x768xf32, #tpu.memory_space<vmem>>, vector<1x16xf32>,
      %get3A_587 = arith.index_cast %scan3A_42 : i32 to index
      %get3A_588 = arith.constant 624 : index
      %get3A_589 = tpu.vector_load %arg10[%get3A_587, %get3A_588] {strides = array<i32>} : memref<32x768xf32, #tpu.memory_space<vmem>>, vector<1x16xf32>,
      %get3A_590 = vector.shape_cast %get3A_589 : vector<1x16xf32> to vector<16xf32>
      %get3A_591 = arith.index_cast %scan3A_42 : i32 to index
      %get3A_592 = arith.constant 624 : index
      %get3A_593 = tpu.vector_load %arg11[%get3A_591, %get3A_592] {strides = array<i32>} : memref<32x768xf32, #tpu.memory_space<vmem>>, vector<1x16xf32>,
      %get3A_594 = vector.shape_cast %get3A_593 : vector<1x16xf32> to vector<16xf32>
      %add3A_595 = arith.addf %get3A_590, %get3A_594 : vector<16xf32>
      %swap3A_596 = arith.index_cast %scan3A_42 : i32 to index
      %swap3A_597 = arith.constant 624 : index
      %swap3A_598 = tpu.vector_load %arg14[%swap3A_596, %swap3A_597] {strides = array<i32>} : memref<32x768xf32, #tpu.memory_space<vmem>>, vector<1x16xf32>,
      %swap3A_599 = vector.shape_cast %swap3A_598 : vector<1x16xf32> to vector<16xf32>
      %swap3A_600 = vector.shape_cast %add3A_595 : vector<16xf32> to vector<1x16xf32>
      tpu.vector_store %arg14[%swap3A_596, %swap3A_597], %swap3A_600 {strides = array<i32>} : memref<32x768xf32, #tpu.memory_space<vmem>>, vector<1x16xf32>,
      %get3A_601 = arith.index_cast %scan3A_42 : i32 to index
      %get3A_602 = arith.constant 640 : index
      %get3A_603 = tpu.vector_load %arg10[%get3A_601, %get3A_602] {strides = array<i32>} : memref<32x768xf32, #tpu.memory_space<vmem>>, vector<1x16xf32>,
      %get3A_604 = vector.shape_cast %get3A_603 : vector<1x16xf32> to vector<16xf32>
      %get3A_605 = arith.index_cast %scan3A_42 : i32 to index
      %get3A_606 = arith.constant 640 : index
      %get3A_607 = tpu.vector_load %arg11[%get3A_605, %get3A_606] {strides = array<i32>} : memref<32x768xf32, #tpu.memory_space<vmem>>, vector<1x16xf32>,
      %get3A_608 = vector.shape_cast %get3A_607 : vector<1x16xf32> to vector<16xf32>
      %add3A_609 = arith.addf %get3A_604, %get3A_608 : vector<16xf32>
      %swap3A_610 = arith.index_cast %scan3A_42 : i32 to index
      %swap3A_611 = arith.constant 640 : index
      %swap3A_612 = tpu.vector_load %arg14[%swap3A_610, %swap3A_611] {strides = array<i32>} : memref<32x768xf32, #tpu.memory_space<vmem>>, vector<1x16xf32>,
      %swap3A_613 = vector.shape_cast %swap3A_612 : vector<1x16xf32> to vector<16xf32>
      %swap3A_614 = vector.shape_cast %add3A_609 : vector<16xf32> to vector<1x16xf32>
      tpu.vector_store %arg14[%swap3A_610, %swap3A_611], %swap3A_614 {strides = array<i32>} : memref<32x768xf32, #tpu.memory_space<vmem>>, vector<1x16xf32>,
      %get3A_615 = arith.index_cast %scan3A_42 : i32 to index
      %get3A_616 = arith.constant 656 : index
      %get3A_617 = tpu.vector_load %arg10[%get3A_615, %get3A_616] {strides = array<i32>} : memref<32x768xf32, #tpu.memory_space<vmem>>, vector<1x16xf32>,
      %get3A_618 = vector.shape_cast %get3A_617 : vector<1x16xf32> to vector<16xf32>
      %get3A_619 = arith.index_cast %scan3A_42 : i32 to index
      %get3A_620 = arith.constant 656 : index
      %get3A_621 = tpu.vector_load %arg11[%get3A_619, %get3A_620] {strides = array<i32>} : memref<32x768xf32, #tpu.memory_space<vmem>>, vector<1x16xf32>,
      %get3A_622 = vector.shape_cast %get3A_621 : vector<1x16xf32> to vector<16xf32>
      %add3A_623 = arith.addf %get3A_618, %get3A_622 : vector<16xf32>
      %swap3A_624 = arith.index_cast %scan3A_42 : i32 to index
      %swap3A_625 = arith.constant 656 : index
      %swap3A_626 = tpu.vector_load %arg14[%swap3A_624, %swap3A_625] {strides = array<i32>} : memref<32x768xf32, #tpu.memory_space<vmem>>, vector<1x16xf32>,
      %swap3A_627 = vector.shape_cast %swap3A_626 : vector<1x16xf32> to vector<16xf32>
      %swap3A_628 = vector.shape_cast %add3A_623 : vector<16xf32> to vector<1x16xf32>
      tpu.vector_store %arg14[%swap3A_624, %swap3A_625], %swap3A_628 {strides = array<i32>} : memref<32x768xf32, #tpu.memory_space<vmem>>, vector<1x16xf32>,
      %get3A_629 = arith.index_cast %scan3A_42 : i32 to index
      %get3A_630 = arith.constant 672 : index
      %get3A_631 = tpu.vector_load %arg10[%get3A_629, %get3A_630] {strides = array<i32>} : memref<32x768xf32, #tpu.memory_space<vmem>>, vector<1x16xf32>,
      %get3A_632 = vector.shape_cast %get3A_631 : vector<1x16xf32> to vector<16xf32>
      %get3A_633 = arith.index_cast %scan3A_42 : i32 to index
      %get3A_634 = arith.constant 672 : index
      %get3A_635 = tpu.vector_load %arg11[%get3A_633, %get3A_634] {strides = array<i32>} : memref<32x768xf32, #tpu.memory_space<vmem>>, vector<1x16xf32>,
      %get3A_636 = vector.shape_cast %get3A_635 : vector<1x16xf32> to vector<16xf32>
      %add3A_637 = arith.addf %get3A_632, %get3A_636 : vector<16xf32>
      %swap3A_638 = arith.index_cast %scan3A_42 : i32 to index
      %swap3A_639 = arith.constant 672 : index
      %swap3A_640 = tpu.vector_load %arg14[%swap3A_638, %swap3A_639] {strides = array<i32>} : memref<32x768xf32, #tpu.memory_space<vmem>>, vector<1x16xf32>,
      %swap3A_641 = vector.shape_cast %swap3A_640 : vector<1x16xf32> to vector<16xf32>
      %swap3A_642 = vector.shape_cast %add3A_637 : vector<16xf32> to vector<1x16xf32>
      tpu.vector_store %arg14[%swap3A_638, %swap3A_639], %swap3A_642 {strides = array<i32>} : memref<32x768xf32, #tpu.memory_space<vmem>>, vector<1x16xf32>,
      %get3A_643 = arith.index_cast %scan3A_42 : i32 to index
      %get3A_644 = arith.constant 688 : index
      %get3A_645 = tpu.vector_load %arg10[%get3A_643, %get3A_644] {strides = array<i32>} : memref<32x768xf32, #tpu.memory_space<vmem>>, vector<1x16xf32>,
      %get3A_646 = vector.shape_cast %get3A_645 : vector<1x16xf32> to vector<16xf32>
      %get3A_647 = arith.index_cast %scan3A_42 : i32 to index
      %get3A_648 = arith.constant 688 : index
      %get3A_649 = tpu.vector_load %arg11[%get3A_647, %get3A_648] {strides = array<i32>} : memref<32x768xf32, #tpu.memory_space<vmem>>, vector<1x16xf32>,
      %get3A_650 = vector.shape_cast %get3A_649 : vector<1x16xf32> to vector<16xf32>
      %add3A_651 = arith.addf %get3A_646, %get3A_650 : vector<16xf32>
      %swap3A_652 = arith.index_cast %scan3A_42 : i32 to index
      %swap3A_653 = arith.constant 688 : index
      %swap3A_654 = tpu.vector_load %arg14[%swap3A_652, %swap3A_653] {strides = array<i32>} : memref<32x768xf32, #tpu.memory_space<vmem>>, vector<1x16xf32>,
      %swap3A_655 = vector.shape_cast %swap3A_654 : vector<1x16xf32> to vector<16xf32>
      %swap3A_656 = vector.shape_cast %add3A_651 : vector<16xf32> to vector<1x16xf32>
      tpu.vector_store %arg14[%swap3A_652, %swap3A_653], %swap3A_656 {strides = array<i32>} : memref<32x768xf32, #tpu.memory_space<vmem>>, vector<1x16xf32>,
      %get3A_657 = arith.index_cast %scan3A_42 : i32 to index
      %get3A_658 = arith.constant 704 : index
      %get3A_659 = tpu.vector_load %arg10[%get3A_657, %get3A_658] {strides = array<i32>} : memref<32x768xf32, #tpu.memory_space<vmem>>, vector<1x16xf32>,
      %get3A_660 = vector.shape_cast %get3A_659 : vector<1x16xf32> to vector<16xf32>
      %get3A_661 = arith.index_cast %scan3A_42 : i32 to index
      %get3A_662 = arith.constant 704 : index
      %get3A_663 = tpu.vector_load %arg11[%get3A_661, %get3A_662] {strides = array<i32>} : memref<32x768xf32, #tpu.memory_space<vmem>>, vector<1x16xf32>,
      %get3A_664 = vector.shape_cast %get3A_663 : vector<1x16xf32> to vector<16xf32>
      %add3A_665 = arith.addf %get3A_660, %get3A_664 : vector<16xf32>
      %swap3A_666 = arith.index_cast %scan3A_42 : i32 to index
      %swap3A_667 = arith.constant 704 : index
      %swap3A_668 = tpu.vector_load %arg14[%swap3A_666, %swap3A_667] {strides = array<i32>} : memref<32x768xf32, #tpu.memory_space<vmem>>, vector<1x16xf32>,
      %swap3A_669 = vector.shape_cast %swap3A_668 : vector<1x16xf32> to vector<16xf32>
      %swap3A_670 = vector.shape_cast %add3A_665 : vector<16xf32> to vector<1x16xf32>
      tpu.vector_store %arg14[%swap3A_666, %swap3A_667], %swap3A_670 {strides = array<i32>} : memref<32x768xf32, #tpu.memory_space<vmem>>, vector<1x16xf32>,
      %get3A_671 = arith.index_cast %scan3A_42 : i32 to index
      %get3A_672 = arith.constant 720 : index
      %get3A_673 = tpu.vector_load %arg10[%get3A_671, %get3A_672] {strides = array<i32>} : memref<32x768xf32, #tpu.memory_space<vmem>>, vector<1x16xf32>,
      %get3A_674 = vector.shape_cast %get3A_673 : vector<1x16xf32> to vector<16xf32>
      %get3A_675 = arith.index_cast %scan3A_42 : i32 to index
      %get3A_676 = arith.constant 720 : index
      %get3A_677 = tpu.vector_load %arg11[%get3A_675, %get3A_676] {strides = array<i32>} : memref<32x768xf32, #tpu.memory_space<vmem>>, vector<1x16xf32>,
      %get3A_678 = vector.shape_cast %get3A_677 : vector<1x16xf32> to vector<16xf32>
      %add3A_679 = arith.addf %get3A_674, %get3A_678 : vector<16xf32>
      %swap3A_680 = arith.index_cast %scan3A_42 : i32 to index
      %swap3A_681 = arith.constant 720 : index
      %swap3A_682 = tpu.vector_load %arg14[%swap3A_680, %swap3A_681] {strides = array<i32>} : memref<32x768xf32, #tpu.memory_space<vmem>>, vector<1x16xf32>,
      %swap3A_683 = vector.shape_cast %swap3A_682 : vector<1x16xf32> to vector<16xf32>
      %swap3A_684 = vector.shape_cast %add3A_679 : vector<16xf32> to vector<1x16xf32>
      tpu.vector_store %arg14[%swap3A_680, %swap3A_681], %swap3A_684 {strides = array<i32>} : memref<32x768xf32, #tpu.memory_space<vmem>>, vector<1x16xf32>,
      %get3A_685 = arith.index_cast %scan3A_42 : i32 to index
      %get3A_686 = arith.constant 736 : index
      %get3A_687 = tpu.vector_load %arg10[%get3A_685, %get3A_686] {strides = array<i32>} : memref<32x768xf32, #tpu.memory_space<vmem>>, vector<1x16xf32>,
      %get3A_688 = vector.shape_cast %get3A_687 : vector<1x16xf32> to vector<16xf32>
      %get3A_689 = arith.index_cast %scan3A_42 : i32 to index
      %get3A_690 = arith.constant 736 : index
      %get3A_691 = tpu.vector_load %arg11[%get3A_689, %get3A_690] {strides = array<i32>} : memref<32x768xf32, #tpu.memory_space<vmem>>, vector<1x16xf32>,
      %get3A_692 = vector.shape_cast %get3A_691 : vector<1x16xf32> to vector<16xf32>
      %add3A_693 = arith.addf %get3A_688, %get3A_692 : vector<16xf32>
      %swap3A_694 = arith.index_cast %scan3A_42 : i32 to index
      %swap3A_695 = arith.constant 736 : index
      %swap3A_696 = tpu.vector_load %arg14[%swap3A_694, %swap3A_695] {strides = array<i32>} : memref<32x768xf32, #tpu.memory_space<vmem>>, vector<1x16xf32>,
      %swap3A_697 = vector.shape_cast %swap3A_696 : vector<1x16xf32> to vector<16xf32>
      %swap3A_698 = vector.shape_cast %add3A_693 : vector<16xf32> to vector<1x16xf32>
      tpu.vector_store %arg14[%swap3A_694, %swap3A_695], %swap3A_698 {strides = array<i32>} : memref<32x768xf32, #tpu.memory_space<vmem>>, vector<1x16xf32>,
      %get3A_699 = arith.index_cast %scan3A_42 : i32 to index
      %get3A_700 = arith.constant 752 : index
      %get3A_701 = tpu.vector_load %arg10[%get3A_699, %get3A_700] {strides = array<i32>} : memref<32x768xf32, #tpu.memory_space<vmem>>, vector<1x16xf32>,
      %get3A_702 = vector.shape_cast %get3A_701 : vector<1x16xf32> to vector<16xf32>
      %get3A_703 = arith.index_cast %scan3A_42 : i32 to index
      %get3A_704 = arith.constant 752 : index
      %get3A_705 = tpu.vector_load %arg11[%get3A_703, %get3A_704] {strides = array<i32>} : memref<32x768xf32, #tpu.memory_space<vmem>>, vector<1x16xf32>,
      %get3A_706 = vector.shape_cast %get3A_705 : vector<1x16xf32> to vector<16xf32>
      %add3A_707 = arith.addf %get3A_702, %get3A_706 : vector<16xf32>
      %swap3A_708 = arith.index_cast %scan3A_42 : i32 to index
      %swap3A_709 = arith.constant 752 : index
      %swap3A_710 = tpu.vector_load %arg14[%swap3A_708, %swap3A_709] {strides = array<i32>} : memref<32x768xf32, #tpu.memory_space<vmem>>, vector<1x16xf32>,
      %swap3A_711 = vector.shape_cast %swap3A_710 : vector<1x16xf32> to vector<16xf32>
      %swap3A_712 = vector.shape_cast %add3A_707 : vector<16xf32> to vector<1x16xf32>
      tpu.vector_store %arg14[%swap3A_708, %swap3A_709], %swap3A_712 {strides = array<i32>} : memref<32x768xf32, #tpu.memory_space<vmem>>, vector<1x16xf32>,
    }
    %scan3A_27 = arith.constant 32 : i32
    "tpu.region"() ({
      %run_scoped3A = tpu.sem_alloc : memref<!tpu.dma_semaphore, #tpu.memory_space<semaphore_mem>>
      %dma_start3A_42 = arith.constant 0 : i32
      %dma_start3A_43 = tpu.memref_slice %arg5[%mul3A_2, %dma_start3A_42] : memref<2048x768xf32, #tpu.memory_space<hbm>> -> memref<32x768xf32, #tpu.memory_space<hbm>>
      %dma_start3A_44 = arith.constant 0 : i32
      %dma_start3A_45 = tpu.memref_slice %arg5[%mul3A_2, %dma_start3A_44] : memref<2048x768xf32, #tpu.memory_space<hbm>> -> memref<32x768xf32, #tpu.memory_space<hbm>>
      tpu.enqueue_dma source(%arg14 : memref<32x768xf32, #tpu.memory_space<vmem>>) target(%dma_start3A_45 : memref<32x768xf32, #tpu.memory_space<hbm>>) target_semaphore(%run_scoped3A : memref<!tpu.dma_semaphore, #tpu.memory_space<semaphore_mem>>)
      %dma_wait3A_46 = arith.constant 0 : i32
      %dma_wait3A_47 = tpu.memref_slice %arg5[%mul3A_2, %dma_wait3A_46] : memref<2048x768xf32, #tpu.memory_space<hbm>> -> memref<32x768xf32, #tpu.memory_space<hbm>>
      %dma_wait3A_48 = arith.constant 0 : i32
      %dma_wait3A_49 = tpu.memref_slice %arg5[%mul3A_2, %dma_wait3A_48] : memref<2048x768xf32, #tpu.memory_space<hbm>> -> memref<32x768xf32, #tpu.memory_space<hbm>>
      tpu.wait_dma2 semaphore(%run_scoped3A : memref<!tpu.dma_semaphore, #tpu.memory_space<semaphore_mem>>) src(%arg14 : memref<32x768xf32, #tpu.memory_space<vmem>>) dst(%dma_wait3A_49 : memref<32x768xf32, #tpu.memory_space<hbm>>)
      tpu.yield
    }) : () -> ()
    %dma_wait3A_28 = arith.constant 0 : i32
    %dma_wait3A_29 = arith.constant 0 : i32
    %dma_wait3A_30 = tpu.memref_slice %arg2[%dma_wait3A_28, %dma_wait3A_29] : memref<4096x768xf32, #tpu.memory_space<hbm>> -> memref<4096x768xf32, #tpu.memory_space<hbm>>
    tpu.wait_indirect_dma semaphore(%arg17 : memref<!tpu.dma_semaphore, #tpu.memory_space<semaphore_mem>>) src(%dma_wait3A_30 : memref<4096x768xf32, #tpu.memory_space<hbm>>) dst(%arg12 : memref<32x768xf32, #tpu.memory_space<vmem>>)
    %dma_wait3A_31 = arith.constant 0 : i32
    %dma_wait3A_32 = arith.constant 0 : i32
    %dma_wait3A_33 = tpu.memref_slice %arg2[%dma_wait3A_31, %dma_wait3A_32] : memref<4096x768xf32, #tpu.memory_space<hbm>> -> memref<4096x768xf32, #tpu.memory_space<hbm>>
    tpu.wait_indirect_dma semaphore(%arg18 : memref<!tpu.dma_semaphore, #tpu.memory_space<semaphore_mem>>) src(%dma_wait3A_33 : memref<4096x768xf32, #tpu.memory_space<hbm>>) dst(%arg13 : memref<32x768xf32, #tpu.memory_space<vmem>>)
    %add3A_34 = arith.constant 32 : i32
    %add3A_35 = arith.addi %mul3A_2, %add3A_34 : i32
    %scan3A_36 = arith.constant 0 : i32
    %scan3A_37 = arith.constant 0 : i32
    %scan3A_38 = arith.constant 32 : i32
    %scan3A_39 = arith.addi %scan3A_37, %scan3A_38 : i32
    %scan3A_40 = arith.constant 1 : i32
    scf.for %scan3A_42 = %scan3A_37 to %scan3A_39 step %scan3A_40  : i32 {
      %get3A = arith.index_cast %scan3A_42 : i32 to index
      %get3A_43 = arith.constant 0 : index
      %get3A_44 = tpu.vector_load %arg12[%get3A, %get3A_43] {strides = array<i32>} : memref<32x768xf32, #tpu.memory_space<vmem>>, vector<1x16xf32>,
      %get3A_45 = vector.shape_cast %get3A_44 : vector<1x16xf32> to vector<16xf32>
      %get3A_46 = arith.index_cast %scan3A_42 : i32 to index
      %get3A_47 = arith.constant 0 : index
      %get3A_48 = tpu.vector_load %arg13[%get3A_46, %get3A_47] {strides = array<i32>} : memref<32x768xf32, #tpu.memory_space<vmem>>, vector<1x16xf32>,
      %get3A_49 = vector.shape_cast %get3A_48 : vector<1x16xf32> to vector<16xf32>
      %add3A_50 = arith.addf %get3A_45, %get3A_49 : vector<16xf32>
      %swap3A = arith.index_cast %scan3A_42 : i32 to index
      %swap3A_51 = arith.constant 0 : index
      %swap3A_52 = tpu.vector_load %arg14[%swap3A, %swap3A_51] {strides = array<i32>} : memref<32x768xf32, #tpu.memory_space<vmem>>, vector<1x16xf32>,
      %swap3A_53 = vector.shape_cast %swap3A_52 : vector<1x16xf32> to vector<16xf32>
      %swap3A_54 = vector.shape_cast %add3A_50 : vector<16xf32> to vector<1x16xf32>
      tpu.vector_store %arg14[%swap3A, %swap3A_51], %swap3A_54 {strides = array<i32>} : memref<32x768xf32, #tpu.memory_space<vmem>>, vector<1x16xf32>,
      %get3A_55 = arith.index_cast %scan3A_42 : i32 to index
      %get3A_56 = arith.constant 16 : index
      %get3A_57 = tpu.vector_load %arg12[%get3A_55, %get3A_56] {strides = array<i32>} : memref<32x768xf32, #tpu.memory_space<vmem>>, vector<1x16xf32>,
      %get3A_58 = vector.shape_cast %get3A_57 : vector<1x16xf32> to vector<16xf32>
      %get3A_59 = arith.index_cast %scan3A_42 : i32 to index
      %get3A_60 = arith.constant 16 : index
      %get3A_61 = tpu.vector_load %arg13[%get3A_59, %get3A_60] {strides = array<i32>} : memref<32x768xf32, #tpu.memory_space<vmem>>, vector<1x16xf32>,
      %get3A_62 = vector.shape_cast %get3A_61 : vector<1x16xf32> to vector<16xf32>
      %add3A_63 = arith.addf %get3A_58, %get3A_62 : vector<16xf32>
      %swap3A_64 = arith.index_cast %scan3A_42 : i32 to index
      %swap3A_65 = arith.constant 16 : index
      %swap3A_66 = tpu.vector_load %arg14[%swap3A_64, %swap3A_65] {strides = array<i32>} : memref<32x768xf32, #tpu.memory_space<vmem>>, vector<1x16xf32>,
      %swap3A_67 = vector.shape_cast %swap3A_66 : vector<1x16xf32> to vector<16xf32>
      %swap3A_68 = vector.shape_cast %add3A_63 : vector<16xf32> to vector<1x16xf32>
      tpu.vector_store %arg14[%swap3A_64, %swap3A_65], %swap3A_68 {strides = array<i32>} : memref<32x768xf32, #tpu.memory_space<vmem>>, vector<1x16xf32>,
      %get3A_69 = arith.index_cast %scan3A_42 : i32 to index
      %get3A_70 = arith.constant 32 : index
      %get3A_71 = tpu.vector_load %arg12[%get3A_69, %get3A_70] {strides = array<i32>} : memref<32x768xf32, #tpu.memory_space<vmem>>, vector<1x16xf32>,
      %get3A_72 = vector.shape_cast %get3A_71 : vector<1x16xf32> to vector<16xf32>
      %get3A_73 = arith.index_cast %scan3A_42 : i32 to index
      %get3A_74 = arith.constant 32 : index
      %get3A_75 = tpu.vector_load %arg13[%get3A_73, %get3A_74] {strides = array<i32>} : memref<32x768xf32, #tpu.memory_space<vmem>>, vector<1x16xf32>,
      %get3A_76 = vector.shape_cast %get3A_75 : vector<1x16xf32> to vector<16xf32>
      %add3A_77 = arith.addf %get3A_72, %get3A_76 : vector<16xf32>
      %swap3A_78 = arith.index_cast %scan3A_42 : i32 to index
      %swap3A_79 = arith.constant 32 : index
      %swap3A_80 = tpu.vector_load %arg14[%swap3A_78, %swap3A_79] {strides = array<i32>} : memref<32x768xf32, #tpu.memory_space<vmem>>, vector<1x16xf32>,
      %swap3A_81 = vector.shape_cast %swap3A_80 : vector<1x16xf32> to vector<16xf32>
      %swap3A_82 = vector.shape_cast %add3A_77 : vector<16xf32> to vector<1x16xf32>
      tpu.vector_store %arg14[%swap3A_78, %swap3A_79], %swap3A_82 {strides = array<i32>} : memref<32x768xf32, #tpu.memory_space<vmem>>, vector<1x16xf32>,
      %get3A_83 = arith.index_cast %scan3A_42 : i32 to index
      %get3A_84 = arith.constant 48 : index
      %get3A_85 = tpu.vector_load %arg12[%get3A_83, %get3A_84] {strides = array<i32>} : memref<32x768xf32, #tpu.memory_space<vmem>>, vector<1x16xf32>,
      %get3A_86 = vector.shape_cast %get3A_85 : vector<1x16xf32> to vector<16xf32>
      %get3A_87 = arith.index_cast %scan3A_42 : i32 to index
      %get3A_88 = arith.constant 48 : index
      %get3A_89 = tpu.vector_load %arg13[%get3A_87, %get3A_88] {strides = array<i32>} : memref<32x768xf32, #tpu.memory_space<vmem>>, vector<1x16xf32>,
      %get3A_90 = vector.shape_cast %get3A_89 : vector<1x16xf32> to vector<16xf32>
      %add3A_91 = arith.addf %get3A_86, %get3A_90 : vector<16xf32>
      %swap3A_92 = arith.index_cast %scan3A_42 : i32 to index
      %swap3A_93 = arith.constant 48 : index
      %swap3A_94 = tpu.vector_load %arg14[%swap3A_92, %swap3A_93] {strides = array<i32>} : memref<32x768xf32, #tpu.memory_space<vmem>>, vector<1x16xf32>,
      %swap3A_95 = vector.shape_cast %swap3A_94 : vector<1x16xf32> to vector<16xf32>
      %swap3A_96 = vector.shape_cast %add3A_91 : vector<16xf32> to vector<1x16xf32>
      tpu.vector_store %arg14[%swap3A_92, %swap3A_93], %swap3A_96 {strides = array<i32>} : memref<32x768xf32, #tpu.memory_space<vmem>>, vector<1x16xf32>,
      %get3A_97 = arith.index_cast %scan3A_42 : i32 to index
      %get3A_98 = arith.constant 64 : index
      %get3A_99 = tpu.vector_load %arg12[%get3A_97, %get3A_98] {strides = array<i32>} : memref<32x768xf32, #tpu.memory_space<vmem>>, vector<1x16xf32>,
      %get3A_100 = vector.shape_cast %get3A_99 : vector<1x16xf32> to vector<16xf32>
      %get3A_101 = arith.index_cast %scan3A_42 : i32 to index
      %get3A_102 = arith.constant 64 : index
      %get3A_103 = tpu.vector_load %arg13[%get3A_101, %get3A_102] {strides = array<i32>} : memref<32x768xf32, #tpu.memory_space<vmem>>, vector<1x16xf32>,
      %get3A_104 = vector.shape_cast %get3A_103 : vector<1x16xf32> to vector<16xf32>
      %add3A_105 = arith.addf %get3A_100, %get3A_104 : vector<16xf32>
      %swap3A_106 = arith.index_cast %scan3A_42 : i32 to index
      %swap3A_107 = arith.constant 64 : index
      %swap3A_108 = tpu.vector_load %arg14[%swap3A_106, %swap3A_107] {strides = array<i32>} : memref<32x768xf32, #tpu.memory_space<vmem>>, vector<1x16xf32>,
      %swap3A_109 = vector.shape_cast %swap3A_108 : vector<1x16xf32> to vector<16xf32>
      %swap3A_110 = vector.shape_cast %add3A_105 : vector<16xf32> to vector<1x16xf32>
      tpu.vector_store %arg14[%swap3A_106, %swap3A_107], %swap3A_110 {strides = array<i32>} : memref<32x768xf32, #tpu.memory_space<vmem>>, vector<1x16xf32>,
      %get3A_111 = arith.index_cast %scan3A_42 : i32 to index
      %get3A_112 = arith.constant 80 : index
      %get3A_113 = tpu.vector_load %arg12[%get3A_111, %get3A_112] {strides = array<i32>} : memref<32x768xf32, #tpu.memory_space<vmem>>, vector<1x16xf32>,
      %get3A_114 = vector.shape_cast %get3A_113 : vector<1x16xf32> to vector<16xf32>
      %get3A_115 = arith.index_cast %scan3A_42 : i32 to index
      %get3A_116 = arith.constant 80 : index
      %get3A_117 = tpu.vector_load %arg13[%get3A_115, %get3A_116] {strides = array<i32>} : memref<32x768xf32, #tpu.memory_space<vmem>>, vector<1x16xf32>,
      %get3A_118 = vector.shape_cast %get3A_117 : vector<1x16xf32> to vector<16xf32>
      %add3A_119 = arith.addf %get3A_114, %get3A_118 : vector<16xf32>
      %swap3A_120 = arith.index_cast %scan3A_42 : i32 to index
      %swap3A_121 = arith.constant 80 : index
      %swap3A_122 = tpu.vector_load %arg14[%swap3A_120, %swap3A_121] {strides = array<i32>} : memref<32x768xf32, #tpu.memory_space<vmem>>, vector<1x16xf32>,
      %swap3A_123 = vector.shape_cast %swap3A_122 : vector<1x16xf32> to vector<16xf32>
      %swap3A_124 = vector.shape_cast %add3A_119 : vector<16xf32> to vector<1x16xf32>
      tpu.vector_store %arg14[%swap3A_120, %swap3A_121], %swap3A_124 {strides = array<i32>} : memref<32x768xf32, #tpu.memory_space<vmem>>, vector<1x16xf32>,
      %get3A_125 = arith.index_cast %scan3A_42 : i32 to index
      %get3A_126 = arith.constant 96 : index
      %get3A_127 = tpu.vector_load %arg12[%get3A_125, %get3A_126] {strides = array<i32>} : memref<32x768xf32, #tpu.memory_space<vmem>>, vector<1x16xf32>,
      %get3A_128 = vector.shape_cast %get3A_127 : vector<1x16xf32> to vector<16xf32>
      %get3A_129 = arith.index_cast %scan3A_42 : i32 to index
      %get3A_130 = arith.constant 96 : index
      %get3A_131 = tpu.vector_load %arg13[%get3A_129, %get3A_130] {strides = array<i32>} : memref<32x768xf32, #tpu.memory_space<vmem>>, vector<1x16xf32>,
      %get3A_132 = vector.shape_cast %get3A_131 : vector<1x16xf32> to vector<16xf32>
      %add3A_133 = arith.addf %get3A_128, %get3A_132 : vector<16xf32>
      %swap3A_134 = arith.index_cast %scan3A_42 : i32 to index
      %swap3A_135 = arith.constant 96 : index
      %swap3A_136 = tpu.vector_load %arg14[%swap3A_134, %swap3A_135] {strides = array<i32>} : memref<32x768xf32, #tpu.memory_space<vmem>>, vector<1x16xf32>,
      %swap3A_137 = vector.shape_cast %swap3A_136 : vector<1x16xf32> to vector<16xf32>
      %swap3A_138 = vector.shape_cast %add3A_133 : vector<16xf32> to vector<1x16xf32>
      tpu.vector_store %arg14[%swap3A_134, %swap3A_135], %swap3A_138 {strides = array<i32>} : memref<32x768xf32, #tpu.memory_space<vmem>>, vector<1x16xf32>,
      %get3A_139 = arith.index_cast %scan3A_42 : i32 to index
      %get3A_140 = arith.constant 112 : index
      %get3A_141 = tpu.vector_load %arg12[%get3A_139, %get3A_140] {strides = array<i32>} : memref<32x768xf32, #tpu.memory_space<vmem>>, vector<1x16xf32>,
      %get3A_142 = vector.shape_cast %get3A_141 : vector<1x16xf32> to vector<16xf32>
      %get3A_143 = arith.index_cast %scan3A_42 : i32 to index
      %get3A_144 = arith.constant 112 : index
      %get3A_145 = tpu.vector_load %arg13[%get3A_143, %get3A_144] {strides = array<i32>} : memref<32x768xf32, #tpu.memory_space<vmem>>, vector<1x16xf32>,
      %get3A_146 = vector.shape_cast %get3A_145 : vector<1x16xf32> to vector<16xf32>
      %add3A_147 = arith.addf %get3A_142, %get3A_146 : vector<16xf32>
      %swap3A_148 = arith.index_cast %scan3A_42 : i32 to index
      %swap3A_149 = arith.constant 112 : index
      %swap3A_150 = tpu.vector_load %arg14[%swap3A_148, %swap3A_149] {strides = array<i32>} : memref<32x768xf32, #tpu.memory_space<vmem>>, vector<1x16xf32>,
      %swap3A_151 = vector.shape_cast %swap3A_150 : vector<1x16xf32> to vector<16xf32>
      %swap3A_152 = vector.shape_cast %add3A_147 : vector<16xf32> to vector<1x16xf32>
      tpu.vector_store %arg14[%swap3A_148, %swap3A_149], %swap3A_152 {strides = array<i32>} : memref<32x768xf32, #tpu.memory_space<vmem>>, vector<1x16xf32>,
      %get3A_153 = arith.index_cast %scan3A_42 : i32 to index
      %get3A_154 = arith.constant 128 : index
      %get3A_155 = tpu.vector_load %arg12[%get3A_153, %get3A_154] {strides = array<i32>} : memref<32x768xf32, #tpu.memory_space<vmem>>, vector<1x16xf32>,
      %get3A_156 = vector.shape_cast %get3A_155 : vector<1x16xf32> to vector<16xf32>
      %get3A_157 = arith.index_cast %scan3A_42 : i32 to index
      %get3A_158 = arith.constant 128 : index
      %get3A_159 = tpu.vector_load %arg13[%get3A_157, %get3A_158] {strides = array<i32>} : memref<32x768xf32, #tpu.memory_space<vmem>>, vector<1x16xf32>,
      %get3A_160 = vector.shape_cast %get3A_159 : vector<1x16xf32> to vector<16xf32>
      %add3A_161 = arith.addf %get3A_156, %get3A_160 : vector<16xf32>
      %swap3A_162 = arith.index_cast %scan3A_42 : i32 to index
      %swap3A_163 = arith.constant 128 : index
      %swap3A_164 = tpu.vector_load %arg14[%swap3A_162, %swap3A_163] {strides = array<i32>} : memref<32x768xf32, #tpu.memory_space<vmem>>, vector<1x16xf32>,
      %swap3A_165 = vector.shape_cast %swap3A_164 : vector<1x16xf32> to vector<16xf32>
      %swap3A_166 = vector.shape_cast %add3A_161 : vector<16xf32> to vector<1x16xf32>
      tpu.vector_store %arg14[%swap3A_162, %swap3A_163], %swap3A_166 {strides = array<i32>} : memref<32x768xf32, #tpu.memory_space<vmem>>, vector<1x16xf32>,
      %get3A_167 = arith.index_cast %scan3A_42 : i32 to index
      %get3A_168 = arith.constant 144 : index
      %get3A_169 = tpu.vector_load %arg12[%get3A_167, %get3A_168] {strides = array<i32>} : memref<32x768xf32, #tpu.memory_space<vmem>>, vector<1x16xf32>,
      %get3A_170 = vector.shape_cast %get3A_169 : vector<1x16xf32> to vector<16xf32>
      %get3A_171 = arith.index_cast %scan3A_42 : i32 to index
      %get3A_172 = arith.constant 144 : index
      %get3A_173 = tpu.vector_load %arg13[%get3A_171, %get3A_172] {strides = array<i32>} : memref<32x768xf32, #tpu.memory_space<vmem>>, vector<1x16xf32>,
      %get3A_174 = vector.shape_cast %get3A_173 : vector<1x16xf32> to vector<16xf32>
      %add3A_175 = arith.addf %get3A_170, %get3A_174 : vector<16xf32>
      %swap3A_176 = arith.index_cast %scan3A_42 : i32 to index
      %swap3A_177 = arith.constant 144 : index
      %swap3A_178 = tpu.vector_load %arg14[%swap3A_176, %swap3A_177] {strides = array<i32>} : memref<32x768xf32, #tpu.memory_space<vmem>>, vector<1x16xf32>,
      %swap3A_179 = vector.shape_cast %swap3A_178 : vector<1x16xf32> to vector<16xf32>
      %swap3A_180 = vector.shape_cast %add3A_175 : vector<16xf32> to vector<1x16xf32>
      tpu.vector_store %arg14[%swap3A_176, %swap3A_177], %swap3A_180 {strides = array<i32>} : memref<32x768xf32, #tpu.memory_space<vmem>>, vector<1x16xf32>,
      %get3A_181 = arith.index_cast %scan3A_42 : i32 to index
      %get3A_182 = arith.constant 160 : index
      %get3A_183 = tpu.vector_load %arg12[%get3A_181, %get3A_182] {strides = array<i32>} : memref<32x768xf32, #tpu.memory_space<vmem>>, vector<1x16xf32>,
      %get3A_184 = vector.shape_cast %get3A_183 : vector<1x16xf32> to vector<16xf32>
      %get3A_185 = arith.index_cast %scan3A_42 : i32 to index
      %get3A_186 = arith.constant 160 : index
      %get3A_187 = tpu.vector_load %arg13[%get3A_185, %get3A_186] {strides = array<i32>} : memref<32x768xf32, #tpu.memory_space<vmem>>, vector<1x16xf32>,
      %get3A_188 = vector.shape_cast %get3A_187 : vector<1x16xf32> to vector<16xf32>
      %add3A_189 = arith.addf %get3A_184, %get3A_188 : vector<16xf32>
      %swap3A_190 = arith.index_cast %scan3A_42 : i32 to index
      %swap3A_191 = arith.constant 160 : index
      %swap3A_192 = tpu.vector_load %arg14[%swap3A_190, %swap3A_191] {strides = array<i32>} : memref<32x768xf32, #tpu.memory_space<vmem>>, vector<1x16xf32>,
      %swap3A_193 = vector.shape_cast %swap3A_192 : vector<1x16xf32> to vector<16xf32>
      %swap3A_194 = vector.shape_cast %add3A_189 : vector<16xf32> to vector<1x16xf32>
      tpu.vector_store %arg14[%swap3A_190, %swap3A_191], %swap3A_194 {strides = array<i32>} : memref<32x768xf32, #tpu.memory_space<vmem>>, vector<1x16xf32>,
      %get3A_195 = arith.index_cast %scan3A_42 : i32 to index
      %get3A_196 = arith.constant 176 : index
      %get3A_197 = tpu.vector_load %arg12[%get3A_195, %get3A_196] {strides = array<i32>} : memref<32x768xf32, #tpu.memory_space<vmem>>, vector<1x16xf32>,
      %get3A_198 = vector.shape_cast %get3A_197 : vector<1x16xf32> to vector<16xf32>
      %get3A_199 = arith.index_cast %scan3A_42 : i32 to index
      %get3A_200 = arith.constant 176 : index
      %get3A_201 = tpu.vector_load %arg13[%get3A_199, %get3A_200] {strides = array<i32>} : memref<32x768xf32, #tpu.memory_space<vmem>>, vector<1x16xf32>,
      %get3A_202 = vector.shape_cast %get3A_201 : vector<1x16xf32> to vector<16xf32>
      %add3A_203 = arith.addf %get3A_198, %get3A_202 : vector<16xf32>
      %swap3A_204 = arith.index_cast %scan3A_42 : i32 to index
      %swap3A_205 = arith.constant 176 : index
      %swap3A_206 = tpu.vector_load %arg14[%swap3A_204, %swap3A_205] {strides = array<i32>} : memref<32x768xf32, #tpu.memory_space<vmem>>, vector<1x16xf32>,
      %swap3A_207 = vector.shape_cast %swap3A_206 : vector<1x16xf32> to vector<16xf32>
      %swap3A_208 = vector.shape_cast %add3A_203 : vector<16xf32> to vector<1x16xf32>
      tpu.vector_store %arg14[%swap3A_204, %swap3A_205], %swap3A_208 {strides = array<i32>} : memref<32x768xf32, #tpu.memory_space<vmem>>, vector<1x16xf32>,
      %get3A_209 = arith.index_cast %scan3A_42 : i32 to index
      %get3A_210 = arith.constant 192 : index
      %get3A_211 = tpu.vector_load %arg12[%get3A_209, %get3A_210] {strides = array<i32>} : memref<32x768xf32, #tpu.memory_space<vmem>>, vector<1x16xf32>,
      %get3A_212 = vector.shape_cast %get3A_211 : vector<1x16xf32> to vector<16xf32>
      %get3A_213 = arith.index_cast %scan3A_42 : i32 to index
      %get3A_214 = arith.constant 192 : index
      %get3A_215 = tpu.vector_load %arg13[%get3A_213, %get3A_214] {strides = array<i32>} : memref<32x768xf32, #tpu.memory_space<vmem>>, vector<1x16xf32>,
      %get3A_216 = vector.shape_cast %get3A_215 : vector<1x16xf32> to vector<16xf32>
      %add3A_217 = arith.addf %get3A_212, %get3A_216 : vector<16xf32>
      %swap3A_218 = arith.index_cast %scan3A_42 : i32 to index
      %swap3A_219 = arith.constant 192 : index
      %swap3A_220 = tpu.vector_load %arg14[%swap3A_218, %swap3A_219] {strides = array<i32>} : memref<32x768xf32, #tpu.memory_space<vmem>>, vector<1x16xf32>,
      %swap3A_221 = vector.shape_cast %swap3A_220 : vector<1x16xf32> to vector<16xf32>
      %swap3A_222 = vector.shape_cast %add3A_217 : vector<16xf32> to vector<1x16xf32>
      tpu.vector_store %arg14[%swap3A_218, %swap3A_219], %swap3A_222 {strides = array<i32>} : memref<32x768xf32, #tpu.memory_space<vmem>>, vector<1x16xf32>,
      %get3A_223 = arith.index_cast %scan3A_42 : i32 to index
      %get3A_224 = arith.constant 208 : index
      %get3A_225 = tpu.vector_load %arg12[%get3A_223, %get3A_224] {strides = array<i32>} : memref<32x768xf32, #tpu.memory_space<vmem>>, vector<1x16xf32>,
      %get3A_226 = vector.shape_cast %get3A_225 : vector<1x16xf32> to vector<16xf32>
      %get3A_227 = arith.index_cast %scan3A_42 : i32 to index
      %get3A_228 = arith.constant 208 : index
      %get3A_229 = tpu.vector_load %arg13[%get3A_227, %get3A_228] {strides = array<i32>} : memref<32x768xf32, #tpu.memory_space<vmem>>, vector<1x16xf32>,
      %get3A_230 = vector.shape_cast %get3A_229 : vector<1x16xf32> to vector<16xf32>
      %add3A_231 = arith.addf %get3A_226, %get3A_230 : vector<16xf32>
      %swap3A_232 = arith.index_cast %scan3A_42 : i32 to index
      %swap3A_233 = arith.constant 208 : index
      %swap3A_234 = tpu.vector_load %arg14[%swap3A_232, %swap3A_233] {strides = array<i32>} : memref<32x768xf32, #tpu.memory_space<vmem>>, vector<1x16xf32>,
      %swap3A_235 = vector.shape_cast %swap3A_234 : vector<1x16xf32> to vector<16xf32>
      %swap3A_236 = vector.shape_cast %add3A_231 : vector<16xf32> to vector<1x16xf32>
      tpu.vector_store %arg14[%swap3A_232, %swap3A_233], %swap3A_236 {strides = array<i32>} : memref<32x768xf32, #tpu.memory_space<vmem>>, vector<1x16xf32>,
      %get3A_237 = arith.index_cast %scan3A_42 : i32 to index
      %get3A_238 = arith.constant 224 : index
      %get3A_239 = tpu.vector_load %arg12[%get3A_237, %get3A_238] {strides = array<i32>} : memref<32x768xf32, #tpu.memory_space<vmem>>, vector<1x16xf32>,
      %get3A_240 = vector.shape_cast %get3A_239 : vector<1x16xf32> to vector<16xf32>
      %get3A_241 = arith.index_cast %scan3A_42 : i32 to index
      %get3A_242 = arith.constant 224 : index
      %get3A_243 = tpu.vector_load %arg13[%get3A_241, %get3A_242] {strides = array<i32>} : memref<32x768xf32, #tpu.memory_space<vmem>>, vector<1x16xf32>,
      %get3A_244 = vector.shape_cast %get3A_243 : vector<1x16xf32> to vector<16xf32>
      %add3A_245 = arith.addf %get3A_240, %get3A_244 : vector<16xf32>
      %swap3A_246 = arith.index_cast %scan3A_42 : i32 to index
      %swap3A_247 = arith.constant 224 : index
      %swap3A_248 = tpu.vector_load %arg14[%swap3A_246, %swap3A_247] {strides = array<i32>} : memref<32x768xf32, #tpu.memory_space<vmem>>, vector<1x16xf32>,
      %swap3A_249 = vector.shape_cast %swap3A_248 : vector<1x16xf32> to vector<16xf32>
      %swap3A_250 = vector.shape_cast %add3A_245 : vector<16xf32> to vector<1x16xf32>
      tpu.vector_store %arg14[%swap3A_246, %swap3A_247], %swap3A_250 {strides = array<i32>} : memref<32x768xf32, #tpu.memory_space<vmem>>, vector<1x16xf32>,
      %get3A_251 = arith.index_cast %scan3A_42 : i32 to index
      %get3A_252 = arith.constant 240 : index
      %get3A_253 = tpu.vector_load %arg12[%get3A_251, %get3A_252] {strides = array<i32>} : memref<32x768xf32, #tpu.memory_space<vmem>>, vector<1x16xf32>,
      %get3A_254 = vector.shape_cast %get3A_253 : vector<1x16xf32> to vector<16xf32>
      %get3A_255 = arith.index_cast %scan3A_42 : i32 to index
      %get3A_256 = arith.constant 240 : index
      %get3A_257 = tpu.vector_load %arg13[%get3A_255, %get3A_256] {strides = array<i32>} : memref<32x768xf32, #tpu.memory_space<vmem>>, vector<1x16xf32>,
      %get3A_258 = vector.shape_cast %get3A_257 : vector<1x16xf32> to vector<16xf32>
      %add3A_259 = arith.addf %get3A_254, %get3A_258 : vector<16xf32>
      %swap3A_260 = arith.index_cast %scan3A_42 : i32 to index
      %swap3A_261 = arith.constant 240 : index
      %swap3A_262 = tpu.vector_load %arg14[%swap3A_260, %swap3A_261] {strides = array<i32>} : memref<32x768xf32, #tpu.memory_space<vmem>>, vector<1x16xf32>,
      %swap3A_263 = vector.shape_cast %swap3A_262 : vector<1x16xf32> to vector<16xf32>
      %swap3A_264 = vector.shape_cast %add3A_259 : vector<16xf32> to vector<1x16xf32>
      tpu.vector_store %arg14[%swap3A_260, %swap3A_261], %swap3A_264 {strides = array<i32>} : memref<32x768xf32, #tpu.memory_space<vmem>>, vector<1x16xf32>,
      %get3A_265 = arith.index_cast %scan3A_42 : i32 to index
      %get3A_266 = arith.constant 256 : index
      %get3A_267 = tpu.vector_load %arg12[%get3A_265, %get3A_266] {strides = array<i32>} : memref<32x768xf32, #tpu.memory_space<vmem>>, vector<1x16xf32>,
      %get3A_268 = vector.shape_cast %get3A_267 : vector<1x16xf32> to vector<16xf32>
      %get3A_269 = arith.index_cast %scan3A_42 : i32 to index
      %get3A_270 = arith.constant 256 : index
      %get3A_271 = tpu.vector_load %arg13[%get3A_269, %get3A_270] {strides = array<i32>} : memref<32x768xf32, #tpu.memory_space<vmem>>, vector<1x16xf32>,
      %get3A_272 = vector.shape_cast %get3A_271 : vector<1x16xf32> to vector<16xf32>
      %add3A_273 = arith.addf %get3A_268, %get3A_272 : vector<16xf32>
      %swap3A_274 = arith.index_cast %scan3A_42 : i32 to index
      %swap3A_275 = arith.constant 256 : index
      %swap3A_276 = tpu.vector_load %arg14[%swap3A_274, %swap3A_275] {strides = array<i32>} : memref<32x768xf32, #tpu.memory_space<vmem>>, vector<1x16xf32>,
      %swap3A_277 = vector.shape_cast %swap3A_276 : vector<1x16xf32> to vector<16xf32>
      %swap3A_278 = vector.shape_cast %add3A_273 : vector<16xf32> to vector<1x16xf32>
      tpu.vector_store %arg14[%swap3A_274, %swap3A_275], %swap3A_278 {strides = array<i32>} : memref<32x768xf32, #tpu.memory_space<vmem>>, vector<1x16xf32>,
      %get3A_279 = arith.index_cast %scan3A_42 : i32 to index
      %get3A_280 = arith.constant 272 : index
      %get3A_281 = tpu.vector_load %arg12[%get3A_279, %get3A_280] {strides = array<i32>} : memref<32x768xf32, #tpu.memory_space<vmem>>, vector<1x16xf32>,
      %get3A_282 = vector.shape_cast %get3A_281 : vector<1x16xf32> to vector<16xf32>
      %get3A_283 = arith.index_cast %scan3A_42 : i32 to index
      %get3A_284 = arith.constant 272 : index
      %get3A_285 = tpu.vector_load %arg13[%get3A_283, %get3A_284] {strides = array<i32>} : memref<32x768xf32, #tpu.memory_space<vmem>>, vector<1x16xf32>,
      %get3A_286 = vector.shape_cast %get3A_285 : vector<1x16xf32> to vector<16xf32>
      %add3A_287 = arith.addf %get3A_282, %get3A_286 : vector<16xf32>
      %swap3A_288 = arith.index_cast %scan3A_42 : i32 to index
      %swap3A_289 = arith.constant 272 : index
      %swap3A_290 = tpu.vector_load %arg14[%swap3A_288, %swap3A_289] {strides = array<i32>} : memref<32x768xf32, #tpu.memory_space<vmem>>, vector<1x16xf32>,
      %swap3A_291 = vector.shape_cast %swap3A_290 : vector<1x16xf32> to vector<16xf32>
      %swap3A_292 = vector.shape_cast %add3A_287 : vector<16xf32> to vector<1x16xf32>
      tpu.vector_store %arg14[%swap3A_288, %swap3A_289], %swap3A_292 {strides = array<i32>} : memref<32x768xf32, #tpu.memory_space<vmem>>, vector<1x16xf32>,
      %get3A_293 = arith.index_cast %scan3A_42 : i32 to index
      %get3A_294 = arith.constant 288 : index
      %get3A_295 = tpu.vector_load %arg12[%get3A_293, %get3A_294] {strides = array<i32>} : memref<32x768xf32, #tpu.memory_space<vmem>>, vector<1x16xf32>,
      %get3A_296 = vector.shape_cast %get3A_295 : vector<1x16xf32> to vector<16xf32>
      %get3A_297 = arith.index_cast %scan3A_42 : i32 to index
      %get3A_298 = arith.constant 288 : index
      %get3A_299 = tpu.vector_load %arg13[%get3A_297, %get3A_298] {strides = array<i32>} : memref<32x768xf32, #tpu.memory_space<vmem>>, vector<1x16xf32>,
      %get3A_300 = vector.shape_cast %get3A_299 : vector<1x16xf32> to vector<16xf32>
      %add3A_301 = arith.addf %get3A_296, %get3A_300 : vector<16xf32>
      %swap3A_302 = arith.index_cast %scan3A_42 : i32 to index
      %swap3A_303 = arith.constant 288 : index
      %swap3A_304 = tpu.vector_load %arg14[%swap3A_302, %swap3A_303] {strides = array<i32>} : memref<32x768xf32, #tpu.memory_space<vmem>>, vector<1x16xf32>,
      %swap3A_305 = vector.shape_cast %swap3A_304 : vector<1x16xf32> to vector<16xf32>
      %swap3A_306 = vector.shape_cast %add3A_301 : vector<16xf32> to vector<1x16xf32>
      tpu.vector_store %arg14[%swap3A_302, %swap3A_303], %swap3A_306 {strides = array<i32>} : memref<32x768xf32, #tpu.memory_space<vmem>>, vector<1x16xf32>,
      %get3A_307 = arith.index_cast %scan3A_42 : i32 to index
      %get3A_308 = arith.constant 304 : index
      %get3A_309 = tpu.vector_load %arg12[%get3A_307, %get3A_308] {strides = array<i32>} : memref<32x768xf32, #tpu.memory_space<vmem>>, vector<1x16xf32>,
      %get3A_310 = vector.shape_cast %get3A_309 : vector<1x16xf32> to vector<16xf32>
      %get3A_311 = arith.index_cast %scan3A_42 : i32 to index
      %get3A_312 = arith.constant 304 : index
      %get3A_313 = tpu.vector_load %arg13[%get3A_311, %get3A_312] {strides = array<i32>} : memref<32x768xf32, #tpu.memory_space<vmem>>, vector<1x16xf32>,
      %get3A_314 = vector.shape_cast %get3A_313 : vector<1x16xf32> to vector<16xf32>
      %add3A_315 = arith.addf %get3A_310, %get3A_314 : vector<16xf32>
      %swap3A_316 = arith.index_cast %scan3A_42 : i32 to index
      %swap3A_317 = arith.constant 304 : index
      %swap3A_318 = tpu.vector_load %arg14[%swap3A_316, %swap3A_317] {strides = array<i32>} : memref<32x768xf32, #tpu.memory_space<vmem>>, vector<1x16xf32>,
      %swap3A_319 = vector.shape_cast %swap3A_318 : vector<1x16xf32> to vector<16xf32>
      %swap3A_320 = vector.shape_cast %add3A_315 : vector<16xf32> to vector<1x16xf32>
      tpu.vector_store %arg14[%swap3A_316, %swap3A_317], %swap3A_320 {strides = array<i32>} : memref<32x768xf32, #tpu.memory_space<vmem>>, vector<1x16xf32>,
      %get3A_321 = arith.index_cast %scan3A_42 : i32 to index
      %get3A_322 = arith.constant 320 : index
      %get3A_323 = tpu.vector_load %arg12[%get3A_321, %get3A_322] {strides = array<i32>} : memref<32x768xf32, #tpu.memory_space<vmem>>, vector<1x16xf32>,
      %get3A_324 = vector.shape_cast %get3A_323 : vector<1x16xf32> to vector<16xf32>
      %get3A_325 = arith.index_cast %scan3A_42 : i32 to index
      %get3A_326 = arith.constant 320 : index
      %get3A_327 = tpu.vector_load %arg13[%get3A_325, %get3A_326] {strides = array<i32>} : memref<32x768xf32, #tpu.memory_space<vmem>>, vector<1x16xf32>,
      %get3A_328 = vector.shape_cast %get3A_327 : vector<1x16xf32> to vector<16xf32>
      %add3A_329 = arith.addf %get3A_324, %get3A_328 : vector<16xf32>
      %swap3A_330 = arith.index_cast %scan3A_42 : i32 to index
      %swap3A_331 = arith.constant 320 : index
      %swap3A_332 = tpu.vector_load %arg14[%swap3A_330, %swap3A_331] {strides = array<i32>} : memref<32x768xf32, #tpu.memory_space<vmem>>, vector<1x16xf32>,
      %swap3A_333 = vector.shape_cast %swap3A_332 : vector<1x16xf32> to vector<16xf32>
      %swap3A_334 = vector.shape_cast %add3A_329 : vector<16xf32> to vector<1x16xf32>
      tpu.vector_store %arg14[%swap3A_330, %swap3A_331], %swap3A_334 {strides = array<i32>} : memref<32x768xf32, #tpu.memory_space<vmem>>, vector<1x16xf32>,
      %get3A_335 = arith.index_cast %scan3A_42 : i32 to index
      %get3A_336 = arith.constant 336 : index
      %get3A_337 = tpu.vector_load %arg12[%get3A_335, %get3A_336] {strides = array<i32>} : memref<32x768xf32, #tpu.memory_space<vmem>>, vector<1x16xf32>,
      %get3A_338 = vector.shape_cast %get3A_337 : vector<1x16xf32> to vector<16xf32>
      %get3A_339 = arith.index_cast %scan3A_42 : i32 to index
      %get3A_340 = arith.constant 336 : index
      %get3A_341 = tpu.vector_load %arg13[%get3A_339, %get3A_340] {strides = array<i32>} : memref<32x768xf32, #tpu.memory_space<vmem>>, vector<1x16xf32>,
      %get3A_342 = vector.shape_cast %get3A_341 : vector<1x16xf32> to vector<16xf32>
      %add3A_343 = arith.addf %get3A_338, %get3A_342 : vector<16xf32>
      %swap3A_344 = arith.index_cast %scan3A_42 : i32 to index
      %swap3A_345 = arith.constant 336 : index
      %swap3A_346 = tpu.vector_load %arg14[%swap3A_344, %swap3A_345] {strides = array<i32>} : memref<32x768xf32, #tpu.memory_space<vmem>>, vector<1x16xf32>,
      %swap3A_347 = vector.shape_cast %swap3A_346 : vector<1x16xf32> to vector<16xf32>
      %swap3A_348 = vector.shape_cast %add3A_343 : vector<16xf32> to vector<1x16xf32>
      tpu.vector_store %arg14[%swap3A_344, %swap3A_345], %swap3A_348 {strides = array<i32>} : memref<32x768xf32, #tpu.memory_space<vmem>>, vector<1x16xf32>,
      %get3A_349 = arith.index_cast %scan3A_42 : i32 to index
      %get3A_350 = arith.constant 352 : index
      %get3A_351 = tpu.vector_load %arg12[%get3A_349, %get3A_350] {strides = array<i32>} : memref<32x768xf32, #tpu.memory_space<vmem>>, vector<1x16xf32>,
      %get3A_352 = vector.shape_cast %get3A_351 : vector<1x16xf32> to vector<16xf32>
      %get3A_353 = arith.index_cast %scan3A_42 : i32 to index
      %get3A_354 = arith.constant 352 : index
      %get3A_355 = tpu.vector_load %arg13[%get3A_353, %get3A_354] {strides = array<i32>} : memref<32x768xf32, #tpu.memory_space<vmem>>, vector<1x16xf32>,
      %get3A_356 = vector.shape_cast %get3A_355 : vector<1x16xf32> to vector<16xf32>
      %add3A_357 = arith.addf %get3A_352, %get3A_356 : vector<16xf32>
      %swap3A_358 = arith.index_cast %scan3A_42 : i32 to index
      %swap3A_359 = arith.constant 352 : index
      %swap3A_360 = tpu.vector_load %arg14[%swap3A_358, %swap3A_359] {strides = array<i32>} : memref<32x768xf32, #tpu.memory_space<vmem>>, vector<1x16xf32>,
      %swap3A_361 = vector.shape_cast %swap3A_360 : vector<1x16xf32> to vector<16xf32>
      %swap3A_362 = vector.shape_cast %add3A_357 : vector<16xf32> to vector<1x16xf32>
      tpu.vector_store %arg14[%swap3A_358, %swap3A_359], %swap3A_362 {strides = array<i32>} : memref<32x768xf32, #tpu.memory_space<vmem>>, vector<1x16xf32>,
      %get3A_363 = arith.index_cast %scan3A_42 : i32 to index
      %get3A_364 = arith.constant 368 : index
      %get3A_365 = tpu.vector_load %arg12[%get3A_363, %get3A_364] {strides = array<i32>} : memref<32x768xf32, #tpu.memory_space<vmem>>, vector<1x16xf32>,
      %get3A_366 = vector.shape_cast %get3A_365 : vector<1x16xf32> to vector<16xf32>
      %get3A_367 = arith.index_cast %scan3A_42 : i32 to index
      %get3A_368 = arith.constant 368 : index
      %get3A_369 = tpu.vector_load %arg13[%get3A_367, %get3A_368] {strides = array<i32>} : memref<32x768xf32, #tpu.memory_space<vmem>>, vector<1x16xf32>,
      %get3A_370 = vector.shape_cast %get3A_369 : vector<1x16xf32> to vector<16xf32>
      %add3A_371 = arith.addf %get3A_366, %get3A_370 : vector<16xf32>
      %swap3A_372 = arith.index_cast %scan3A_42 : i32 to index
      %swap3A_373 = arith.constant 368 : index
      %swap3A_374 = tpu.vector_load %arg14[%swap3A_372, %swap3A_373] {strides = array<i32>} : memref<32x768xf32, #tpu.memory_space<vmem>>, vector<1x16xf32>,
      %swap3A_375 = vector.shape_cast %swap3A_374 : vector<1x16xf32> to vector<16xf32>
      %swap3A_376 = vector.shape_cast %add3A_371 : vector<16xf32> to vector<1x16xf32>
      tpu.vector_store %arg14[%swap3A_372, %swap3A_373], %swap3A_376 {strides = array<i32>} : memref<32x768xf32, #tpu.memory_space<vmem>>, vector<1x16xf32>,
      %get3A_377 = arith.index_cast %scan3A_42 : i32 to index
      %get3A_378 = arith.constant 384 : index
      %get3A_379 = tpu.vector_load %arg12[%get3A_377, %get3A_378] {strides = array<i32>} : memref<32x768xf32, #tpu.memory_space<vmem>>, vector<1x16xf32>,
      %get3A_380 = vector.shape_cast %get3A_379 : vector<1x16xf32> to vector<16xf32>
      %get3A_381 = arith.index_cast %scan3A_42 : i32 to index
      %get3A_382 = arith.constant 384 : index
      %get3A_383 = tpu.vector_load %arg13[%get3A_381, %get3A_382] {strides = array<i32>} : memref<32x768xf32, #tpu.memory_space<vmem>>, vector<1x16xf32>,
      %get3A_384 = vector.shape_cast %get3A_383 : vector<1x16xf32> to vector<16xf32>
      %add3A_385 = arith.addf %get3A_380, %get3A_384 : vector<16xf32>
      %swap3A_386 = arith.index_cast %scan3A_42 : i32 to index
      %swap3A_387 = arith.constant 384 : index
      %swap3A_388 = tpu.vector_load %arg14[%swap3A_386, %swap3A_387] {strides = array<i32>} : memref<32x768xf32, #tpu.memory_space<vmem>>, vector<1x16xf32>,
      %swap3A_389 = vector.shape_cast %swap3A_388 : vector<1x16xf32> to vector<16xf32>
      %swap3A_390 = vector.shape_cast %add3A_385 : vector<16xf32> to vector<1x16xf32>
      tpu.vector_store %arg14[%swap3A_386, %swap3A_387], %swap3A_390 {strides = array<i32>} : memref<32x768xf32, #tpu.memory_space<vmem>>, vector<1x16xf32>,
      %get3A_391 = arith.index_cast %scan3A_42 : i32 to index
      %get3A_392 = arith.constant 400 : index
      %get3A_393 = tpu.vector_load %arg12[%get3A_391, %get3A_392] {strides = array<i32>} : memref<32x768xf32, #tpu.memory_space<vmem>>, vector<1x16xf32>,
      %get3A_394 = vector.shape_cast %get3A_393 : vector<1x16xf32> to vector<16xf32>
      %get3A_395 = arith.index_cast %scan3A_42 : i32 to index
      %get3A_396 = arith.constant 400 : index
      %get3A_397 = tpu.vector_load %arg13[%get3A_395, %get3A_396] {strides = array<i32>} : memref<32x768xf32, #tpu.memory_space<vmem>>, vector<1x16xf32>,
      %get3A_398 = vector.shape_cast %get3A_397 : vector<1x16xf32> to vector<16xf32>
      %add3A_399 = arith.addf %get3A_394, %get3A_398 : vector<16xf32>
      %swap3A_400 = arith.index_cast %scan3A_42 : i32 to index
      %swap3A_401 = arith.constant 400 : index
      %swap3A_402 = tpu.vector_load %arg14[%swap3A_400, %swap3A_401] {strides = array<i32>} : memref<32x768xf32, #tpu.memory_space<vmem>>, vector<1x16xf32>,
      %swap3A_403 = vector.shape_cast %swap3A_402 : vector<1x16xf32> to vector<16xf32>
      %swap3A_404 = vector.shape_cast %add3A_399 : vector<16xf32> to vector<1x16xf32>
      tpu.vector_store %arg14[%swap3A_400, %swap3A_401], %swap3A_404 {strides = array<i32>} : memref<32x768xf32, #tpu.memory_space<vmem>>, vector<1x16xf32>,
      %get3A_405 = arith.index_cast %scan3A_42 : i32 to index
      %get3A_406 = arith.constant 416 : index
      %get3A_407 = tpu.vector_load %arg12[%get3A_405, %get3A_406] {strides = array<i32>} : memref<32x768xf32, #tpu.memory_space<vmem>>, vector<1x16xf32>,
      %get3A_408 = vector.shape_cast %get3A_407 : vector<1x16xf32> to vector<16xf32>
      %get3A_409 = arith.index_cast %scan3A_42 : i32 to index
      %get3A_410 = arith.constant 416 : index
      %get3A_411 = tpu.vector_load %arg13[%get3A_409, %get3A_410] {strides = array<i32>} : memref<32x768xf32, #tpu.memory_space<vmem>>, vector<1x16xf32>,
      %get3A_412 = vector.shape_cast %get3A_411 : vector<1x16xf32> to vector<16xf32>
      %add3A_413 = arith.addf %get3A_408, %get3A_412 : vector<16xf32>
      %swap3A_414 = arith.index_cast %scan3A_42 : i32 to index
      %swap3A_415 = arith.constant 416 : index
      %swap3A_416 = tpu.vector_load %arg14[%swap3A_414, %swap3A_415] {strides = array<i32>} : memref<32x768xf32, #tpu.memory_space<vmem>>, vector<1x16xf32>,
      %swap3A_417 = vector.shape_cast %swap3A_416 : vector<1x16xf32> to vector<16xf32>
      %swap3A_418 = vector.shape_cast %add3A_413 : vector<16xf32> to vector<1x16xf32>
      tpu.vector_store %arg14[%swap3A_414, %swap3A_415], %swap3A_418 {strides = array<i32>} : memref<32x768xf32, #tpu.memory_space<vmem>>, vector<1x16xf32>,
      %get3A_419 = arith.index_cast %scan3A_42 : i32 to index
      %get3A_420 = arith.constant 432 : index
      %get3A_421 = tpu.vector_load %arg12[%get3A_419, %get3A_420] {strides = array<i32>} : memref<32x768xf32, #tpu.memory_space<vmem>>, vector<1x16xf32>,
      %get3A_422 = vector.shape_cast %get3A_421 : vector<1x16xf32> to vector<16xf32>
      %get3A_423 = arith.index_cast %scan3A_42 : i32 to index
      %get3A_424 = arith.constant 432 : index
      %get3A_425 = tpu.vector_load %arg13[%get3A_423, %get3A_424] {strides = array<i32>} : memref<32x768xf32, #tpu.memory_space<vmem>>, vector<1x16xf32>,
      %get3A_426 = vector.shape_cast %get3A_425 : vector<1x16xf32> to vector<16xf32>
      %add3A_427 = arith.addf %get3A_422, %get3A_426 : vector<16xf32>
      %swap3A_428 = arith.index_cast %scan3A_42 : i32 to index
      %swap3A_429 = arith.constant 432 : index
      %swap3A_430 = tpu.vector_load %arg14[%swap3A_428, %swap3A_429] {strides = array<i32>} : memref<32x768xf32, #tpu.memory_space<vmem>>, vector<1x16xf32>,
      %swap3A_431 = vector.shape_cast %swap3A_430 : vector<1x16xf32> to vector<16xf32>
      %swap3A_432 = vector.shape_cast %add3A_427 : vector<16xf32> to vector<1x16xf32>
      tpu.vector_store %arg14[%swap3A_428, %swap3A_429], %swap3A_432 {strides = array<i32>} : memref<32x768xf32, #tpu.memory_space<vmem>>, vector<1x16xf32>,
      %get3A_433 = arith.index_cast %scan3A_42 : i32 to index
      %get3A_434 = arith.constant 448 : index
      %get3A_435 = tpu.vector_load %arg12[%get3A_433, %get3A_434] {strides = array<i32>} : memref<32x768xf32, #tpu.memory_space<vmem>>, vector<1x16xf32>,
      %get3A_436 = vector.shape_cast %get3A_435 : vector<1x16xf32> to vector<16xf32>
      %get3A_437 = arith.index_cast %scan3A_42 : i32 to index
      %get3A_438 = arith.constant 448 : index
      %get3A_439 = tpu.vector_load %arg13[%get3A_437, %get3A_438] {strides = array<i32>} : memref<32x768xf32, #tpu.memory_space<vmem>>, vector<1x16xf32>,
      %get3A_440 = vector.shape_cast %get3A_439 : vector<1x16xf32> to vector<16xf32>
      %add3A_441 = arith.addf %get3A_436, %get3A_440 : vector<16xf32>
      %swap3A_442 = arith.index_cast %scan3A_42 : i32 to index
      %swap3A_443 = arith.constant 448 : index
      %swap3A_444 = tpu.vector_load %arg14[%swap3A_442, %swap3A_443] {strides = array<i32>} : memref<32x768xf32, #tpu.memory_space<vmem>>, vector<1x16xf32>,
      %swap3A_445 = vector.shape_cast %swap3A_444 : vector<1x16xf32> to vector<16xf32>
      %swap3A_446 = vector.shape_cast %add3A_441 : vector<16xf32> to vector<1x16xf32>
      tpu.vector_store %arg14[%swap3A_442, %swap3A_443], %swap3A_446 {strides = array<i32>} : memref<32x768xf32, #tpu.memory_space<vmem>>, vector<1x16xf32>,
      %get3A_447 = arith.index_cast %scan3A_42 : i32 to index
      %get3A_448 = arith.constant 464 : index
      %get3A_449 = tpu.vector_load %arg12[%get3A_447, %get3A_448] {strides = array<i32>} : memref<32x768xf32, #tpu.memory_space<vmem>>, vector<1x16xf32>,
      %get3A_450 = vector.shape_cast %get3A_449 : vector<1x16xf32> to vector<16xf32>
      %get3A_451 = arith.index_cast %scan3A_42 : i32 to index
      %get3A_452 = arith.constant 464 : index
      %get3A_453 = tpu.vector_load %arg13[%get3A_451, %get3A_452] {strides = array<i32>} : memref<32x768xf32, #tpu.memory_space<vmem>>, vector<1x16xf32>,
      %get3A_454 = vector.shape_cast %get3A_453 : vector<1x16xf32> to vector<16xf32>
      %add3A_455 = arith.addf %get3A_450, %get3A_454 : vector<16xf32>
      %swap3A_456 = arith.index_cast %scan3A_42 : i32 to index
      %swap3A_457 = arith.constant 464 : index
      %swap3A_458 = tpu.vector_load %arg14[%swap3A_456, %swap3A_457] {strides = array<i32>} : memref<32x768xf32, #tpu.memory_space<vmem>>, vector<1x16xf32>,
      %swap3A_459 = vector.shape_cast %swap3A_458 : vector<1x16xf32> to vector<16xf32>
      %swap3A_460 = vector.shape_cast %add3A_455 : vector<16xf32> to vector<1x16xf32>
      tpu.vector_store %arg14[%swap3A_456, %swap3A_457], %swap3A_460 {strides = array<i32>} : memref<32x768xf32, #tpu.memory_space<vmem>>, vector<1x16xf32>,
      %get3A_461 = arith.index_cast %scan3A_42 : i32 to index
      %get3A_462 = arith.constant 480 : index
      %get3A_463 = tpu.vector_load %arg12[%get3A_461, %get3A_462] {strides = array<i32>} : memref<32x768xf32, #tpu.memory_space<vmem>>, vector<1x16xf32>,
      %get3A_464 = vector.shape_cast %get3A_463 : vector<1x16xf32> to vector<16xf32>
      %get3A_465 = arith.index_cast %scan3A_42 : i32 to index
      %get3A_466 = arith.constant 480 : index
      %get3A_467 = tpu.vector_load %arg13[%get3A_465, %get3A_466] {strides = array<i32>} : memref<32x768xf32, #tpu.memory_space<vmem>>, vector<1x16xf32>,
      %get3A_468 = vector.shape_cast %get3A_467 : vector<1x16xf32> to vector<16xf32>
      %add3A_469 = arith.addf %get3A_464, %get3A_468 : vector<16xf32>
      %swap3A_470 = arith.index_cast %scan3A_42 : i32 to index
      %swap3A_471 = arith.constant 480 : index
      %swap3A_472 = tpu.vector_load %arg14[%swap3A_470, %swap3A_471] {strides = array<i32>} : memref<32x768xf32, #tpu.memory_space<vmem>>, vector<1x16xf32>,
      %swap3A_473 = vector.shape_cast %swap3A_472 : vector<1x16xf32> to vector<16xf32>
      %swap3A_474 = vector.shape_cast %add3A_469 : vector<16xf32> to vector<1x16xf32>
      tpu.vector_store %arg14[%swap3A_470, %swap3A_471], %swap3A_474 {strides = array<i32>} : memref<32x768xf32, #tpu.memory_space<vmem>>, vector<1x16xf32>,
      %get3A_475 = arith.index_cast %scan3A_42 : i32 to index
      %get3A_476 = arith.constant 496 : index
      %get3A_477 = tpu.vector_load %arg12[%get3A_475, %get3A_476] {strides = array<i32>} : memref<32x768xf32, #tpu.memory_space<vmem>>, vector<1x16xf32>,
      %get3A_478 = vector.shape_cast %get3A_477 : vector<1x16xf32> to vector<16xf32>
      %get3A_479 = arith.index_cast %scan3A_42 : i32 to index
      %get3A_480 = arith.constant 496 : index
      %get3A_481 = tpu.vector_load %arg13[%get3A_479, %get3A_480] {strides = array<i32>} : memref<32x768xf32, #tpu.memory_space<vmem>>, vector<1x16xf32>,
      %get3A_482 = vector.shape_cast %get3A_481 : vector<1x16xf32> to vector<16xf32>
      %add3A_483 = arith.addf %get3A_478, %get3A_482 : vector<16xf32>
      %swap3A_484 = arith.index_cast %scan3A_42 : i32 to index
      %swap3A_485 = arith.constant 496 : index
      %swap3A_486 = tpu.vector_load %arg14[%swap3A_484, %swap3A_485] {strides = array<i32>} : memref<32x768xf32, #tpu.memory_space<vmem>>, vector<1x16xf32>,
      %swap3A_487 = vector.shape_cast %swap3A_486 : vector<1x16xf32> to vector<16xf32>
      %swap3A_488 = vector.shape_cast %add3A_483 : vector<16xf32> to vector<1x16xf32>
      tpu.vector_store %arg14[%swap3A_484, %swap3A_485], %swap3A_488 {strides = array<i32>} : memref<32x768xf32, #tpu.memory_space<vmem>>, vector<1x16xf32>,
      %get3A_489 = arith.index_cast %scan3A_42 : i32 to index
      %get3A_490 = arith.constant 512 : index
      %get3A_491 = tpu.vector_load %arg12[%get3A_489, %get3A_490] {strides = array<i32>} : memref<32x768xf32, #tpu.memory_space<vmem>>, vector<1x16xf32>,
      %get3A_492 = vector.shape_cast %get3A_491 : vector<1x16xf32> to vector<16xf32>
      %get3A_493 = arith.index_cast %scan3A_42 : i32 to index
      %get3A_494 = arith.constant 512 : index
      %get3A_495 = tpu.vector_load %arg13[%get3A_493, %get3A_494] {strides = array<i32>} : memref<32x768xf32, #tpu.memory_space<vmem>>, vector<1x16xf32>,
      %get3A_496 = vector.shape_cast %get3A_495 : vector<1x16xf32> to vector<16xf32>
      %add3A_497 = arith.addf %get3A_492, %get3A_496 : vector<16xf32>
      %swap3A_498 = arith.index_cast %scan3A_42 : i32 to index
      %swap3A_499 = arith.constant 512 : index
      %swap3A_500 = tpu.vector_load %arg14[%swap3A_498, %swap3A_499] {strides = array<i32>} : memref<32x768xf32, #tpu.memory_space<vmem>>, vector<1x16xf32>,
      %swap3A_501 = vector.shape_cast %swap3A_500 : vector<1x16xf32> to vector<16xf32>
      %swap3A_502 = vector.shape_cast %add3A_497 : vector<16xf32> to vector<1x16xf32>
      tpu.vector_store %arg14[%swap3A_498, %swap3A_499], %swap3A_502 {strides = array<i32>} : memref<32x768xf32, #tpu.memory_space<vmem>>, vector<1x16xf32>,
      %get3A_503 = arith.index_cast %scan3A_42 : i32 to index
      %get3A_504 = arith.constant 528 : index
      %get3A_505 = tpu.vector_load %arg12[%get3A_503, %get3A_504] {strides = array<i32>} : memref<32x768xf32, #tpu.memory_space<vmem>>, vector<1x16xf32>,
      %get3A_506 = vector.shape_cast %get3A_505 : vector<1x16xf32> to vector<16xf32>
      %get3A_507 = arith.index_cast %scan3A_42 : i32 to index
      %get3A_508 = arith.constant 528 : index
      %get3A_509 = tpu.vector_load %arg13[%get3A_507, %get3A_508] {strides = array<i32>} : memref<32x768xf32, #tpu.memory_space<vmem>>, vector<1x16xf32>,
      %get3A_510 = vector.shape_cast %get3A_509 : vector<1x16xf32> to vector<16xf32>
      %add3A_511 = arith.addf %get3A_506, %get3A_510 : vector<16xf32>
      %swap3A_512 = arith.index_cast %scan3A_42 : i32 to index
      %swap3A_513 = arith.constant 528 : index
      %swap3A_514 = tpu.vector_load %arg14[%swap3A_512, %swap3A_513] {strides = array<i32>} : memref<32x768xf32, #tpu.memory_space<vmem>>, vector<1x16xf32>,
      %swap3A_515 = vector.shape_cast %swap3A_514 : vector<1x16xf32> to vector<16xf32>
      %swap3A_516 = vector.shape_cast %add3A_511 : vector<16xf32> to vector<1x16xf32>
      tpu.vector_store %arg14[%swap3A_512, %swap3A_513], %swap3A_516 {strides = array<i32>} : memref<32x768xf32, #tpu.memory_space<vmem>>, vector<1x16xf32>,
      %get3A_517 = arith.index_cast %scan3A_42 : i32 to index
      %get3A_518 = arith.constant 544 : index
      %get3A_519 = tpu.vector_load %arg12[%get3A_517, %get3A_518] {strides = array<i32>} : memref<32x768xf32, #tpu.memory_space<vmem>>, vector<1x16xf32>,
      %get3A_520 = vector.shape_cast %get3A_519 : vector<1x16xf32> to vector<16xf32>
      %get3A_521 = arith.index_cast %scan3A_42 : i32 to index
      %get3A_522 = arith.constant 544 : index
      %get3A_523 = tpu.vector_load %arg13[%get3A_521, %get3A_522] {strides = array<i32>} : memref<32x768xf32, #tpu.memory_space<vmem>>, vector<1x16xf32>,
      %get3A_524 = vector.shape_cast %get3A_523 : vector<1x16xf32> to vector<16xf32>
      %add3A_525 = arith.addf %get3A_520, %get3A_524 : vector<16xf32>
      %swap3A_526 = arith.index_cast %scan3A_42 : i32 to index
      %swap3A_527 = arith.constant 544 : index
      %swap3A_528 = tpu.vector_load %arg14[%swap3A_526, %swap3A_527] {strides = array<i32>} : memref<32x768xf32, #tpu.memory_space<vmem>>, vector<1x16xf32>,
      %swap3A_529 = vector.shape_cast %swap3A_528 : vector<1x16xf32> to vector<16xf32>
      %swap3A_530 = vector.shape_cast %add3A_525 : vector<16xf32> to vector<1x16xf32>
      tpu.vector_store %arg14[%swap3A_526, %swap3A_527], %swap3A_530 {strides = array<i32>} : memref<32x768xf32, #tpu.memory_space<vmem>>, vector<1x16xf32>,
      %get3A_531 = arith.index_cast %scan3A_42 : i32 to index
      %get3A_532 = arith.constant 560 : index
      %get3A_533 = tpu.vector_load %arg12[%get3A_531, %get3A_532] {strides = array<i32>} : memref<32x768xf32, #tpu.memory_space<vmem>>, vector<1x16xf32>,
      %get3A_534 = vector.shape_cast %get3A_533 : vector<1x16xf32> to vector<16xf32>
      %get3A_535 = arith.index_cast %scan3A_42 : i32 to index
      %get3A_536 = arith.constant 560 : index
      %get3A_537 = tpu.vector_load %arg13[%get3A_535, %get3A_536] {strides = array<i32>} : memref<32x768xf32, #tpu.memory_space<vmem>>, vector<1x16xf32>,
      %get3A_538 = vector.shape_cast %get3A_537 : vector<1x16xf32> to vector<16xf32>
      %add3A_539 = arith.addf %get3A_534, %get3A_538 : vector<16xf32>
      %swap3A_540 = arith.index_cast %scan3A_42 : i32 to index
      %swap3A_541 = arith.constant 560 : index
      %swap3A_542 = tpu.vector_load %arg14[%swap3A_540, %swap3A_541] {strides = array<i32>} : memref<32x768xf32, #tpu.memory_space<vmem>>, vector<1x16xf32>,
      %swap3A_543 = vector.shape_cast %swap3A_542 : vector<1x16xf32> to vector<16xf32>
      %swap3A_544 = vector.shape_cast %add3A_539 : vector<16xf32> to vector<1x16xf32>
      tpu.vector_store %arg14[%swap3A_540, %swap3A_541], %swap3A_544 {strides = array<i32>} : memref<32x768xf32, #tpu.memory_space<vmem>>, vector<1x16xf32>,
      %get3A_545 = arith.index_cast %scan3A_42 : i32 to index
      %get3A_546 = arith.constant 576 : index
      %get3A_547 = tpu.vector_load %arg12[%get3A_545, %get3A_546] {strides = array<i32>} : memref<32x768xf32, #tpu.memory_space<vmem>>, vector<1x16xf32>,
      %get3A_548 = vector.shape_cast %get3A_547 : vector<1x16xf32> to vector<16xf32>
      %get3A_549 = arith.index_cast %scan3A_42 : i32 to index
      %get3A_550 = arith.constant 576 : index
      %get3A_551 = tpu.vector_load %arg13[%get3A_549, %get3A_550] {strides = array<i32>} : memref<32x768xf32, #tpu.memory_space<vmem>>, vector<1x16xf32>,
      %get3A_552 = vector.shape_cast %get3A_551 : vector<1x16xf32> to vector<16xf32>
      %add3A_553 = arith.addf %get3A_548, %get3A_552 : vector<16xf32>
      %swap3A_554 = arith.index_cast %scan3A_42 : i32 to index
      %swap3A_555 = arith.constant 576 : index
      %swap3A_556 = tpu.vector_load %arg14[%swap3A_554, %swap3A_555] {strides = array<i32>} : memref<32x768xf32, #tpu.memory_space<vmem>>, vector<1x16xf32>,
      %swap3A_557 = vector.shape_cast %swap3A_556 : vector<1x16xf32> to vector<16xf32>
      %swap3A_558 = vector.shape_cast %add3A_553 : vector<16xf32> to vector<1x16xf32>
      tpu.vector_store %arg14[%swap3A_554, %swap3A_555], %swap3A_558 {strides = array<i32>} : memref<32x768xf32, #tpu.memory_space<vmem>>, vector<1x16xf32>,
      %get3A_559 = arith.index_cast %scan3A_42 : i32 to index
      %get3A_560 = arith.constant 592 : index
      %get3A_561 = tpu.vector_load %arg12[%get3A_559, %get3A_560] {strides = array<i32>} : memref<32x768xf32, #tpu.memory_space<vmem>>, vector<1x16xf32>,
      %get3A_562 = vector.shape_cast %get3A_561 : vector<1x16xf32> to vector<16xf32>
      %get3A_563 = arith.index_cast %scan3A_42 : i32 to index
      %get3A_564 = arith.constant 592 : index
      %get3A_565 = tpu.vector_load %arg13[%get3A_563, %get3A_564] {strides = array<i32>} : memref<32x768xf32, #tpu.memory_space<vmem>>, vector<1x16xf32>,
      %get3A_566 = vector.shape_cast %get3A_565 : vector<1x16xf32> to vector<16xf32>
      %add3A_567 = arith.addf %get3A_562, %get3A_566 : vector<16xf32>
      %swap3A_568 = arith.index_cast %scan3A_42 : i32 to index
      %swap3A_569 = arith.constant 592 : index
      %swap3A_570 = tpu.vector_load %arg14[%swap3A_568, %swap3A_569] {strides = array<i32>} : memref<32x768xf32, #tpu.memory_space<vmem>>, vector<1x16xf32>,
      %swap3A_571 = vector.shape_cast %swap3A_570 : vector<1x16xf32> to vector<16xf32>
      %swap3A_572 = vector.shape_cast %add3A_567 : vector<16xf32> to vector<1x16xf32>
      tpu.vector_store %arg14[%swap3A_568, %swap3A_569], %swap3A_572 {strides = array<i32>} : memref<32x768xf32, #tpu.memory_space<vmem>>, vector<1x16xf32>,
      %get3A_573 = arith.index_cast %scan3A_42 : i32 to index
      %get3A_574 = arith.constant 608 : index
      %get3A_575 = tpu.vector_load %arg12[%get3A_573, %get3A_574] {strides = array<i32>} : memref<32x768xf32, #tpu.memory_space<vmem>>, vector<1x16xf32>,
      %get3A_576 = vector.shape_cast %get3A_575 : vector<1x16xf32> to vector<16xf32>
      %get3A_577 = arith.index_cast %scan3A_42 : i32 to index
      %get3A_578 = arith.constant 608 : index
      %get3A_579 = tpu.vector_load %arg13[%get3A_577, %get3A_578] {strides = array<i32>} : memref<32x768xf32, #tpu.memory_space<vmem>>, vector<1x16xf32>,
      %get3A_580 = vector.shape_cast %get3A_579 : vector<1x16xf32> to vector<16xf32>
      %add3A_581 = arith.addf %get3A_576, %get3A_580 : vector<16xf32>
      %swap3A_582 = arith.index_cast %scan3A_42 : i32 to index
      %swap3A_583 = arith.constant 608 : index
      %swap3A_584 = tpu.vector_load %arg14[%swap3A_582, %swap3A_583] {strides = array<i32>} : memref<32x768xf32, #tpu.memory_space<vmem>>, vector<1x16xf32>,
      %swap3A_585 = vector.shape_cast %swap3A_584 : vector<1x16xf32> to vector<16xf32>
      %swap3A_586 = vector.shape_cast %add3A_581 : vector<16xf32> to vector<1x16xf32>
      tpu.vector_store %arg14[%swap3A_582, %swap3A_583], %swap3A_586 {strides = array<i32>} : memref<32x768xf32, #tpu.memory_space<vmem>>, vector<1x16xf32>,
      %get3A_587 = arith.index_cast %scan3A_42 : i32 to index
      %get3A_588 = arith.constant 624 : index
      %get3A_589 = tpu.vector_load %arg12[%get3A_587, %get3A_588] {strides = array<i32>} : memref<32x768xf32, #tpu.memory_space<vmem>>, vector<1x16xf32>,
      %get3A_590 = vector.shape_cast %get3A_589 : vector<1x16xf32> to vector<16xf32>
      %get3A_591 = arith.index_cast %scan3A_42 : i32 to index
      %get3A_592 = arith.constant 624 : index
      %get3A_593 = tpu.vector_load %arg13[%get3A_591, %get3A_592] {strides = array<i32>} : memref<32x768xf32, #tpu.memory_space<vmem>>, vector<1x16xf32>,
      %get3A_594 = vector.shape_cast %get3A_593 : vector<1x16xf32> to vector<16xf32>
      %add3A_595 = arith.addf %get3A_590, %get3A_594 : vector<16xf32>
      %swap3A_596 = arith.index_cast %scan3A_42 : i32 to index
      %swap3A_597 = arith.constant 624 : index
      %swap3A_598 = tpu.vector_load %arg14[%swap3A_596, %swap3A_597] {strides = array<i32>} : memref<32x768xf32, #tpu.memory_space<vmem>>, vector<1x16xf32>,
      %swap3A_599 = vector.shape_cast %swap3A_598 : vector<1x16xf32> to vector<16xf32>
      %swap3A_600 = vector.shape_cast %add3A_595 : vector<16xf32> to vector<1x16xf32>
      tpu.vector_store %arg14[%swap3A_596, %swap3A_597], %swap3A_600 {strides = array<i32>} : memref<32x768xf32, #tpu.memory_space<vmem>>, vector<1x16xf32>,
      %get3A_601 = arith.index_cast %scan3A_42 : i32 to index
      %get3A_602 = arith.constant 640 : index
      %get3A_603 = tpu.vector_load %arg12[%get3A_601, %get3A_602] {strides = array<i32>} : memref<32x768xf32, #tpu.memory_space<vmem>>, vector<1x16xf32>,
      %get3A_604 = vector.shape_cast %get3A_603 : vector<1x16xf32> to vector<16xf32>
      %get3A_605 = arith.index_cast %scan3A_42 : i32 to index
      %get3A_606 = arith.constant 640 : index
      %get3A_607 = tpu.vector_load %arg13[%get3A_605, %get3A_606] {strides = array<i32>} : memref<32x768xf32, #tpu.memory_space<vmem>>, vector<1x16xf32>,
      %get3A_608 = vector.shape_cast %get3A_607 : vector<1x16xf32> to vector<16xf32>
      %add3A_609 = arith.addf %get3A_604, %get3A_608 : vector<16xf32>
      %swap3A_610 = arith.index_cast %scan3A_42 : i32 to index
      %swap3A_611 = arith.constant 640 : index
      %swap3A_612 = tpu.vector_load %arg14[%swap3A_610, %swap3A_611] {strides = array<i32>} : memref<32x768xf32, #tpu.memory_space<vmem>>, vector<1x16xf32>,
      %swap3A_613 = vector.shape_cast %swap3A_612 : vector<1x16xf32> to vector<16xf32>
      %swap3A_614 = vector.shape_cast %add3A_609 : vector<16xf32> to vector<1x16xf32>
      tpu.vector_store %arg14[%swap3A_610, %swap3A_611], %swap3A_614 {strides = array<i32>} : memref<32x768xf32, #tpu.memory_space<vmem>>, vector<1x16xf32>,
      %get3A_615 = arith.index_cast %scan3A_42 : i32 to index
      %get3A_616 = arith.constant 656 : index
      %get3A_617 = tpu.vector_load %arg12[%get3A_615, %get3A_616] {strides = array<i32>} : memref<32x768xf32, #tpu.memory_space<vmem>>, vector<1x16xf32>,
      %get3A_618 = vector.shape_cast %get3A_617 : vector<1x16xf32> to vector<16xf32>
      %get3A_619 = arith.index_cast %scan3A_42 : i32 to index
      %get3A_620 = arith.constant 656 : index
      %get3A_621 = tpu.vector_load %arg13[%get3A_619, %get3A_620] {strides = array<i32>} : memref<32x768xf32, #tpu.memory_space<vmem>>, vector<1x16xf32>,
      %get3A_622 = vector.shape_cast %get3A_621 : vector<1x16xf32> to vector<16xf32>
      %add3A_623 = arith.addf %get3A_618, %get3A_622 : vector<16xf32>
      %swap3A_624 = arith.index_cast %scan3A_42 : i32 to index
      %swap3A_625 = arith.constant 656 : index
      %swap3A_626 = tpu.vector_load %arg14[%swap3A_624, %swap3A_625] {strides = array<i32>} : memref<32x768xf32, #tpu.memory_space<vmem>>, vector<1x16xf32>,
      %swap3A_627 = vector.shape_cast %swap3A_626 : vector<1x16xf32> to vector<16xf32>
      %swap3A_628 = vector.shape_cast %add3A_623 : vector<16xf32> to vector<1x16xf32>
      tpu.vector_store %arg14[%swap3A_624, %swap3A_625], %swap3A_628 {strides = array<i32>} : memref<32x768xf32, #tpu.memory_space<vmem>>, vector<1x16xf32>,
      %get3A_629 = arith.index_cast %scan3A_42 : i32 to index
      %get3A_630 = arith.constant 672 : index
      %get3A_631 = tpu.vector_load %arg12[%get3A_629, %get3A_630] {strides = array<i32>} : memref<32x768xf32, #tpu.memory_space<vmem>>, vector<1x16xf32>,
      %get3A_632 = vector.shape_cast %get3A_631 : vector<1x16xf32> to vector<16xf32>
      %get3A_633 = arith.index_cast %scan3A_42 : i32 to index
      %get3A_634 = arith.constant 672 : index
      %get3A_635 = tpu.vector_load %arg13[%get3A_633, %get3A_634] {strides = array<i32>} : memref<32x768xf32, #tpu.memory_space<vmem>>, vector<1x16xf32>,
      %get3A_636 = vector.shape_cast %get3A_635 : vector<1x16xf32> to vector<16xf32>
      %add3A_637 = arith.addf %get3A_632, %get3A_636 : vector<16xf32>
      %swap3A_638 = arith.index_cast %scan3A_42 : i32 to index
      %swap3A_639 = arith.constant 672 : index
      %swap3A_640 = tpu.vector_load %arg14[%swap3A_638, %swap3A_639] {strides = array<i32>} : memref<32x768xf32, #tpu.memory_space<vmem>>, vector<1x16xf32>,
      %swap3A_641 = vector.shape_cast %swap3A_640 : vector<1x16xf32> to vector<16xf32>
      %swap3A_642 = vector.shape_cast %add3A_637 : vector<16xf32> to vector<1x16xf32>
      tpu.vector_store %arg14[%swap3A_638, %swap3A_639], %swap3A_642 {strides = array<i32>} : memref<32x768xf32, #tpu.memory_space<vmem>>, vector<1x16xf32>,
      %get3A_643 = arith.index_cast %scan3A_42 : i32 to index
      %get3A_644 = arith.constant 688 : index
      %get3A_645 = tpu.vector_load %arg12[%get3A_643, %get3A_644] {strides = array<i32>} : memref<32x768xf32, #tpu.memory_space<vmem>>, vector<1x16xf32>,
      %get3A_646 = vector.shape_cast %get3A_645 : vector<1x16xf32> to vector<16xf32>
      %get3A_647 = arith.index_cast %scan3A_42 : i32 to index
      %get3A_648 = arith.constant 688 : index
      %get3A_649 = tpu.vector_load %arg13[%get3A_647, %get3A_648] {strides = array<i32>} : memref<32x768xf32, #tpu.memory_space<vmem>>, vector<1x16xf32>,
      %get3A_650 = vector.shape_cast %get3A_649 : vector<1x16xf32> to vector<16xf32>
      %add3A_651 = arith.addf %get3A_646, %get3A_650 : vector<16xf32>
      %swap3A_652 = arith.index_cast %scan3A_42 : i32 to index
      %swap3A_653 = arith.constant 688 : index
      %swap3A_654 = tpu.vector_load %arg14[%swap3A_652, %swap3A_653] {strides = array<i32>} : memref<32x768xf32, #tpu.memory_space<vmem>>, vector<1x16xf32>,
      %swap3A_655 = vector.shape_cast %swap3A_654 : vector<1x16xf32> to vector<16xf32>
      %swap3A_656 = vector.shape_cast %add3A_651 : vector<16xf32> to vector<1x16xf32>
      tpu.vector_store %arg14[%swap3A_652, %swap3A_653], %swap3A_656 {strides = array<i32>} : memref<32x768xf32, #tpu.memory_space<vmem>>, vector<1x16xf32>,
      %get3A_657 = arith.index_cast %scan3A_42 : i32 to index
      %get3A_658 = arith.constant 704 : index
      %get3A_659 = tpu.vector_load %arg12[%get3A_657, %get3A_658] {strides = array<i32>} : memref<32x768xf32, #tpu.memory_space<vmem>>, vector<1x16xf32>,
      %get3A_660 = vector.shape_cast %get3A_659 : vector<1x16xf32> to vector<16xf32>
      %get3A_661 = arith.index_cast %scan3A_42 : i32 to index
      %get3A_662 = arith.constant 704 : index
      %get3A_663 = tpu.vector_load %arg13[%get3A_661, %get3A_662] {strides = array<i32>} : memref<32x768xf32, #tpu.memory_space<vmem>>, vector<1x16xf32>,
      %get3A_664 = vector.shape_cast %get3A_663 : vector<1x16xf32> to vector<16xf32>
      %add3A_665 = arith.addf %get3A_660, %get3A_664 : vector<16xf32>
      %swap3A_666 = arith.index_cast %scan3A_42 : i32 to index
      %swap3A_667 = arith.constant 704 : index
      %swap3A_668 = tpu.vector_load %arg14[%swap3A_666, %swap3A_667] {strides = array<i32>} : memref<32x768xf32, #tpu.memory_space<vmem>>, vector<1x16xf32>,
      %swap3A_669 = vector.shape_cast %swap3A_668 : vector<1x16xf32> to vector<16xf32>
      %swap3A_670 = vector.shape_cast %add3A_665 : vector<16xf32> to vector<1x16xf32>
      tpu.vector_store %arg14[%swap3A_666, %swap3A_667], %swap3A_670 {strides = array<i32>} : memref<32x768xf32, #tpu.memory_space<vmem>>, vector<1x16xf32>,
      %get3A_671 = arith.index_cast %scan3A_42 : i32 to index
      %get3A_672 = arith.constant 720 : index
      %get3A_673 = tpu.vector_load %arg12[%get3A_671, %get3A_672] {strides = array<i32>} : memref<32x768xf32, #tpu.memory_space<vmem>>, vector<1x16xf32>,
      %get3A_674 = vector.shape_cast %get3A_673 : vector<1x16xf32> to vector<16xf32>
      %get3A_675 = arith.index_cast %scan3A_42 : i32 to index
      %get3A_676 = arith.constant 720 : index
      %get3A_677 = tpu.vector_load %arg13[%get3A_675, %get3A_676] {strides = array<i32>} : memref<32x768xf32, #tpu.memory_space<vmem>>, vector<1x16xf32>,
      %get3A_678 = vector.shape_cast %get3A_677 : vector<1x16xf32> to vector<16xf32>
      %add3A_679 = arith.addf %get3A_674, %get3A_678 : vector<16xf32>
      %swap3A_680 = arith.index_cast %scan3A_42 : i32 to index
      %swap3A_681 = arith.constant 720 : index
      %swap3A_682 = tpu.vector_load %arg14[%swap3A_680, %swap3A_681] {strides = array<i32>} : memref<32x768xf32, #tpu.memory_space<vmem>>, vector<1x16xf32>,
      %swap3A_683 = vector.shape_cast %swap3A_682 : vector<1x16xf32> to vector<16xf32>
      %swap3A_684 = vector.shape_cast %add3A_679 : vector<16xf32> to vector<1x16xf32>
      tpu.vector_store %arg14[%swap3A_680, %swap3A_681], %swap3A_684 {strides = array<i32>} : memref<32x768xf32, #tpu.memory_space<vmem>>, vector<1x16xf32>,
      %get3A_685 = arith.index_cast %scan3A_42 : i32 to index
      %get3A_686 = arith.constant 736 : index
      %get3A_687 = tpu.vector_load %arg12[%get3A_685, %get3A_686] {strides = array<i32>} : memref<32x768xf32, #tpu.memory_space<vmem>>, vector<1x16xf32>,
      %get3A_688 = vector.shape_cast %get3A_687 : vector<1x16xf32> to vector<16xf32>
      %get3A_689 = arith.index_cast %scan3A_42 : i32 to index
      %get3A_690 = arith.constant 736 : index
      %get3A_691 = tpu.vector_load %arg13[%get3A_689, %get3A_690] {strides = array<i32>} : memref<32x768xf32, #tpu.memory_space<vmem>>, vector<1x16xf32>,
      %get3A_692 = vector.shape_cast %get3A_691 : vector<1x16xf32> to vector<16xf32>
      %add3A_693 = arith.addf %get3A_688, %get3A_692 : vector<16xf32>
      %swap3A_694 = arith.index_cast %scan3A_42 : i32 to index
      %swap3A_695 = arith.constant 736 : index
      %swap3A_696 = tpu.vector_load %arg14[%swap3A_694, %swap3A_695] {strides = array<i32>} : memref<32x768xf32, #tpu.memory_space<vmem>>, vector<1x16xf32>,
      %swap3A_697 = vector.shape_cast %swap3A_696 : vector<1x16xf32> to vector<16xf32>
      %swap3A_698 = vector.shape_cast %add3A_693 : vector<16xf32> to vector<1x16xf32>
      tpu.vector_store %arg14[%swap3A_694, %swap3A_695], %swap3A_698 {strides = array<i32>} : memref<32x768xf32, #tpu.memory_space<vmem>>, vector<1x16xf32>,
      %get3A_699 = arith.index_cast %scan3A_42 : i32 to index
      %get3A_700 = arith.constant 752 : index
      %get3A_701 = tpu.vector_load %arg12[%get3A_699, %get3A_700] {strides = array<i32>} : memref<32x768xf32, #tpu.memory_space<vmem>>, vector<1x16xf32>,
      %get3A_702 = vector.shape_cast %get3A_701 : vector<1x16xf32> to vector<16xf32>
      %get3A_703 = arith.index_cast %scan3A_42 : i32 to index
      %get3A_704 = arith.constant 752 : index
      %get3A_705 = tpu.vector_load %arg13[%get3A_703, %get3A_704] {strides = array<i32>} : memref<32x768xf32, #tpu.memory_space<vmem>>, vector<1x16xf32>,
      %get3A_706 = vector.shape_cast %get3A_705 : vector<1x16xf32> to vector<16xf32>
      %add3A_707 = arith.addf %get3A_702, %get3A_706 : vector<16xf32>
      %swap3A_708 = arith.index_cast %scan3A_42 : i32 to index
      %swap3A_709 = arith.constant 752 : index
      %swap3A_710 = tpu.vector_load %arg14[%swap3A_708, %swap3A_709] {strides = array<i32>} : memref<32x768xf32, #tpu.memory_space<vmem>>, vector<1x16xf32>,
      %swap3A_711 = vector.shape_cast %swap3A_710 : vector<1x16xf32> to vector<16xf32>
      %swap3A_712 = vector.shape_cast %add3A_707 : vector<16xf32> to vector<1x16xf32>
      tpu.vector_store %arg14[%swap3A_708, %swap3A_709], %swap3A_712 {strides = array<i32>} : memref<32x768xf32, #tpu.memory_space<vmem>>, vector<1x16xf32>,
    }
    %scan3A_41 = arith.constant 32 : i32
    "tpu.region"() ({
      %run_scoped3A = tpu.sem_alloc : memref<!tpu.dma_semaphore, #tpu.memory_space<semaphore_mem>>
      %dma_start3A_42 = arith.constant 0 : i32
      %dma_start3A_43 = tpu.memref_slice %arg5[%add3A_35, %dma_start3A_42] : memref<2048x768xf32, #tpu.memory_space<hbm>> -> memref<32x768xf32, #tpu.memory_space<hbm>>
      %dma_start3A_44 = arith.constant 0 : i32
      %dma_start3A_45 = tpu.memref_slice %arg5[%add3A_35, %dma_start3A_44] : memref<2048x768xf32, #tpu.memory_space<hbm>> -> memref<32x768xf32, #tpu.memory_space<hbm>>
      tpu.enqueue_dma source(%arg14 : memref<32x768xf32, #tpu.memory_space<vmem>>) target(%dma_start3A_45 : memref<32x768xf32, #tpu.memory_space<hbm>>) target_semaphore(%run_scoped3A : memref<!tpu.dma_semaphore, #tpu.memory_space<semaphore_mem>>)
      %dma_wait3A_46 = arith.constant 0 : i32
      %dma_wait3A_47 = tpu.memref_slice %arg5[%add3A_35, %dma_wait3A_46] : memref<2048x768xf32, #tpu.memory_space<hbm>> -> memref<32x768xf32, #tpu.memory_space<hbm>>
      %dma_wait3A_48 = arith.constant 0 : i32
      %dma_wait3A_49 = tpu.memref_slice %arg5[%add3A_35, %dma_wait3A_48] : memref<2048x768xf32, #tpu.memory_space<hbm>> -> memref<32x768xf32, #tpu.memory_space<hbm>>
      tpu.wait_dma2 semaphore(%run_scoped3A : memref<!tpu.dma_semaphore, #tpu.memory_space<semaphore_mem>>) src(%arg14 : memref<32x768xf32, #tpu.memory_space<vmem>>) dst(%dma_wait3A_49 : memref<32x768xf32, #tpu.memory_space<hbm>>)
      tpu.yield
    }) : () -> ()
    return
  }
}

#map = affine_map<(d0, d1) -> (0, 0)>
#map1 = affine_map<(d0, d1) -> (0)>
module attributes {stable_mosaic.version = 14 : i64} {
  func.func @_dispatch_body(%arg0: i32, %arg1: i32, %arg2: memref<2048x768xf32, #tpu.memory_space<hbm>>, %arg3: memref<2048xi32, #tpu.memory_space<hbm>>, %arg4: memref<2048xi32, #tpu.memory_space<hbm>>, %arg5: memref<4096x768xf32, #tpu.memory_space<hbm>>, %arg6: memref<128xi32, #tpu.memory_space<vmem>>, %arg7: memref<128xi32, #tpu.memory_space<vmem>>, %arg8: memref<128x768xf32, #tpu.memory_space<vmem>>, %arg9: memref<!tpu.dma_semaphore, #tpu.memory_space<semaphore_mem>>, %arg10: memref<!tpu.dma_semaphore, #tpu.memory_space<semaphore_mem>>) attributes {dimension_semantics = [#tpu.dimension_semantics<core_parallel>, #tpu.dimension_semantics<subcore_parallel>], iteration_bounds = array<i64: 2, 16>, scalar_prefetch = 0 : i64, scratch_operands = 5 : i64, tpu.core_type = #tpu.core_type<sc_vector_subcore>, window_params = [{transform_indices = #map}, {transform_indices = #map1}, {transform_indices = #map1}, {transform_indices = #map}]} {
    %mul3A = arith.constant 2 : i32
    %mul3A_0 = arith.muli %arg1, %mul3A : i32
    %add3A = arith.addi %mul3A_0, %arg0 : i32
    %mul3A_1 = arith.constant 64 : i32
    %mul3A_2 = arith.muli %add3A, %mul3A_1 : i32
    "tpu.region"() ({
      %run_scoped3A = tpu.sem_alloc : memref<!tpu.dma_semaphore, #tpu.memory_space<semaphore_mem>>
      %dma_start3A_60 = arith.constant 0 : i32
      %dma_start3A_61 = tpu.memref_slice %arg7[%dma_start3A_60] : memref<128xi32, #tpu.memory_space<vmem>> -> memref<64xi32, #tpu.memory_space<vmem>>
      %dma_start3A_62 = tpu.memref_slice %arg3[%mul3A_2] : memref<2048xi32, #tpu.memory_space<hbm>> -> memref<64xi32, #tpu.memory_space<hbm>>
      %dma_start3A_63 = arith.constant 0 : i32
      %dma_start3A_64 = tpu.memref_slice %arg7[%dma_start3A_63] : memref<128xi32, #tpu.memory_space<vmem>> -> memref<64xi32, #tpu.memory_space<vmem>>
      %dma_start3A_65 = tpu.memref_slice %arg3[%mul3A_2] : memref<2048xi32, #tpu.memory_space<hbm>> -> memref<64xi32, #tpu.memory_space<hbm>>
      tpu.enqueue_dma source(%dma_start3A_65 : memref<64xi32, #tpu.memory_space<hbm>>) target(%dma_start3A_64 : memref<64xi32, #tpu.memory_space<vmem>>) target_semaphore(%run_scoped3A : memref<!tpu.dma_semaphore, #tpu.memory_space<semaphore_mem>>)
      %dma_wait3A_66 = arith.constant 0 : i32
      %dma_wait3A_67 = tpu.memref_slice %arg7[%dma_wait3A_66] : memref<128xi32, #tpu.memory_space<vmem>> -> memref<64xi32, #tpu.memory_space<vmem>>
      %dma_wait3A_68 = tpu.memref_slice %arg3[%mul3A_2] : memref<2048xi32, #tpu.memory_space<hbm>> -> memref<64xi32, #tpu.memory_space<hbm>>
      %dma_wait3A_69 = arith.constant 0 : i32
      %dma_wait3A_70 = tpu.memref_slice %arg7[%dma_wait3A_69] : memref<128xi32, #tpu.memory_space<vmem>> -> memref<64xi32, #tpu.memory_space<vmem>>
      %dma_wait3A_71 = tpu.memref_slice %arg3[%mul3A_2] : memref<2048xi32, #tpu.memory_space<hbm>> -> memref<64xi32, #tpu.memory_space<hbm>>
      tpu.wait_dma2 semaphore(%run_scoped3A : memref<!tpu.dma_semaphore, #tpu.memory_space<semaphore_mem>>) src(%dma_wait3A_71 : memref<64xi32, #tpu.memory_space<hbm>>) dst(%dma_wait3A_70 : memref<64xi32, #tpu.memory_space<vmem>>)
      tpu.yield
    }) : () -> ()
    "tpu.region"() ({
      %run_scoped3A = tpu.sem_alloc : memref<!tpu.dma_semaphore, #tpu.memory_space<semaphore_mem>>
      %dma_start3A_60 = arith.constant 64 : i32
      %dma_start3A_61 = tpu.memref_slice %arg7[%dma_start3A_60] : memref<128xi32, #tpu.memory_space<vmem>> -> memref<64xi32, #tpu.memory_space<vmem>>
      %dma_start3A_62 = tpu.memref_slice %arg4[%mul3A_2] : memref<2048xi32, #tpu.memory_space<hbm>> -> memref<64xi32, #tpu.memory_space<hbm>>
      %dma_start3A_63 = arith.constant 64 : i32
      %dma_start3A_64 = tpu.memref_slice %arg7[%dma_start3A_63] : memref<128xi32, #tpu.memory_space<vmem>> -> memref<64xi32, #tpu.memory_space<vmem>>
      %dma_start3A_65 = tpu.memref_slice %arg4[%mul3A_2] : memref<2048xi32, #tpu.memory_space<hbm>> -> memref<64xi32, #tpu.memory_space<hbm>>
      tpu.enqueue_dma source(%dma_start3A_65 : memref<64xi32, #tpu.memory_space<hbm>>) target(%dma_start3A_64 : memref<64xi32, #tpu.memory_space<vmem>>) target_semaphore(%run_scoped3A : memref<!tpu.dma_semaphore, #tpu.memory_space<semaphore_mem>>)
      %dma_wait3A_66 = arith.constant 64 : i32
      %dma_wait3A_67 = tpu.memref_slice %arg7[%dma_wait3A_66] : memref<128xi32, #tpu.memory_space<vmem>> -> memref<64xi32, #tpu.memory_space<vmem>>
      %dma_wait3A_68 = tpu.memref_slice %arg4[%mul3A_2] : memref<2048xi32, #tpu.memory_space<hbm>> -> memref<64xi32, #tpu.memory_space<hbm>>
      %dma_wait3A_69 = arith.constant 64 : i32
      %dma_wait3A_70 = tpu.memref_slice %arg7[%dma_wait3A_69] : memref<128xi32, #tpu.memory_space<vmem>> -> memref<64xi32, #tpu.memory_space<vmem>>
      %dma_wait3A_71 = tpu.memref_slice %arg4[%mul3A_2] : memref<2048xi32, #tpu.memory_space<hbm>> -> memref<64xi32, #tpu.memory_space<hbm>>
      tpu.wait_dma2 semaphore(%run_scoped3A : memref<!tpu.dma_semaphore, #tpu.memory_space<semaphore_mem>>) src(%dma_wait3A_71 : memref<64xi32, #tpu.memory_space<hbm>>) dst(%dma_wait3A_70 : memref<64xi32, #tpu.memory_space<vmem>>)
      tpu.yield
    }) : () -> ()
    %iota3A = tpu.iota {dimensions = array<i32: 0>} : vector<16xi32>
    %add3A_3 = arith.constant 0 : i32
    %add3A_4 = arith.addi %mul3A_2, %add3A_3 : i32
    %add3A_5 = vector.broadcast %add3A_4 : i32 to vector<16xi32>
    %add3A_6 = arith.addi %add3A_5, %iota3A : vector<16xi32>
    %swap3A = arith.constant 0 : index
    %swap3A_7 = tpu.vector_load %arg6[%swap3A] {strides = array<i32>} : memref<128xi32, #tpu.memory_space<vmem>>, vector<16xi32>,
    %swap3A_8 = vector.shape_cast %swap3A_7 : vector<16xi32> to vector<16xi32>
    %swap3A_9 = vector.shape_cast %add3A_6 : vector<16xi32> to vector<16xi32>
    tpu.vector_store %arg6[%swap3A], %swap3A_9 {strides = array<i32>} : memref<128xi32, #tpu.memory_space<vmem>>, vector<16xi32>,
    %swap3A_10 = arith.constant 64 : index
    %swap3A_11 = tpu.vector_load %arg6[%swap3A_10] {strides = array<i32>} : memref<128xi32, #tpu.memory_space<vmem>>, vector<16xi32>,
    %swap3A_12 = vector.shape_cast %swap3A_11 : vector<16xi32> to vector<16xi32>
    %swap3A_13 = vector.shape_cast %add3A_6 : vector<16xi32> to vector<16xi32>
    tpu.vector_store %arg6[%swap3A_10], %swap3A_13 {strides = array<i32>} : memref<128xi32, #tpu.memory_space<vmem>>, vector<16xi32>,
    %add3A_14 = arith.constant 16 : i32
    %add3A_15 = arith.addi %mul3A_2, %add3A_14 : i32
    %add3A_16 = vector.broadcast %add3A_15 : i32 to vector<16xi32>
    %add3A_17 = arith.addi %add3A_16, %iota3A : vector<16xi32>
    %swap3A_18 = arith.constant 16 : index
    %swap3A_19 = tpu.vector_load %arg6[%swap3A_18] {strides = array<i32>} : memref<128xi32, #tpu.memory_space<vmem>>, vector<16xi32>,
    %swap3A_20 = vector.shape_cast %swap3A_19 : vector<16xi32> to vector<16xi32>
    %swap3A_21 = vector.shape_cast %add3A_17 : vector<16xi32> to vector<16xi32>
    tpu.vector_store %arg6[%swap3A_18], %swap3A_21 {strides = array<i32>} : memref<128xi32, #tpu.memory_space<vmem>>, vector<16xi32>,
    %swap3A_22 = arith.constant 80 : index
    %swap3A_23 = tpu.vector_load %arg6[%swap3A_22] {strides = array<i32>} : memref<128xi32, #tpu.memory_space<vmem>>, vector<16xi32>,
    %swap3A_24 = vector.shape_cast %swap3A_23 : vector<16xi32> to vector<16xi32>
    %swap3A_25 = vector.shape_cast %add3A_17 : vector<16xi32> to vector<16xi32>
    tpu.vector_store %arg6[%swap3A_22], %swap3A_25 {strides = array<i32>} : memref<128xi32, #tpu.memory_space<vmem>>, vector<16xi32>,
    %add3A_26 = arith.constant 32 : i32
    %add3A_27 = arith.addi %mul3A_2, %add3A_26 : i32
    %add3A_28 = vector.broadcast %add3A_27 : i32 to vector<16xi32>
    %add3A_29 = arith.addi %add3A_28, %iota3A : vector<16xi32>
    %swap3A_30 = arith.constant 32 : index
    %swap3A_31 = tpu.vector_load %arg6[%swap3A_30] {strides = array<i32>} : memref<128xi32, #tpu.memory_space<vmem>>, vector<16xi32>,
    %swap3A_32 = vector.shape_cast %swap3A_31 : vector<16xi32> to vector<16xi32>
    %swap3A_33 = vector.shape_cast %add3A_29 : vector<16xi32> to vector<16xi32>
    tpu.vector_store %arg6[%swap3A_30], %swap3A_33 {strides = array<i32>} : memref<128xi32, #tpu.memory_space<vmem>>, vector<16xi32>,
    %swap3A_34 = arith.constant 96 : index
    %swap3A_35 = tpu.vector_load %arg6[%swap3A_34] {strides = array<i32>} : memref<128xi32, #tpu.memory_space<vmem>>, vector<16xi32>,
    %swap3A_36 = vector.shape_cast %swap3A_35 : vector<16xi32> to vector<16xi32>
    %swap3A_37 = vector.shape_cast %add3A_29 : vector<16xi32> to vector<16xi32>
    tpu.vector_store %arg6[%swap3A_34], %swap3A_37 {strides = array<i32>} : memref<128xi32, #tpu.memory_space<vmem>>, vector<16xi32>,
    %add3A_38 = arith.constant 48 : i32
    %add3A_39 = arith.addi %mul3A_2, %add3A_38 : i32
    %add3A_40 = vector.broadcast %add3A_39 : i32 to vector<16xi32>
    %add3A_41 = arith.addi %add3A_40, %iota3A : vector<16xi32>
    %swap3A_42 = arith.constant 48 : index
    %swap3A_43 = tpu.vector_load %arg6[%swap3A_42] {strides = array<i32>} : memref<128xi32, #tpu.memory_space<vmem>>, vector<16xi32>,
    %swap3A_44 = vector.shape_cast %swap3A_43 : vector<16xi32> to vector<16xi32>
    %swap3A_45 = vector.shape_cast %add3A_41 : vector<16xi32> to vector<16xi32>
    tpu.vector_store %arg6[%swap3A_42], %swap3A_45 {strides = array<i32>} : memref<128xi32, #tpu.memory_space<vmem>>, vector<16xi32>,
    %swap3A_46 = arith.constant 112 : index
    %swap3A_47 = tpu.vector_load %arg6[%swap3A_46] {strides = array<i32>} : memref<128xi32, #tpu.memory_space<vmem>>, vector<16xi32>,
    %swap3A_48 = vector.shape_cast %swap3A_47 : vector<16xi32> to vector<16xi32>
    %swap3A_49 = vector.shape_cast %add3A_41 : vector<16xi32> to vector<16xi32>
    tpu.vector_store %arg6[%swap3A_46], %swap3A_49 {strides = array<i32>} : memref<128xi32, #tpu.memory_space<vmem>>, vector<16xi32>,
    %dma_start3A = arith.constant 0 : i32
    %dma_start3A_50 = arith.constant 0 : i32
    %dma_start3A_51 = tpu.memref_slice %arg2[%dma_start3A, %dma_start3A_50] : memref<2048x768xf32, #tpu.memory_space<hbm>> -> memref<2048x768xf32, #tpu.memory_space<hbm>>
    tpu.enqueue_indirect_dma source(%dma_start3A_51 : memref<2048x768xf32, #tpu.memory_space<hbm>>) target(%arg8 : memref<128x768xf32, #tpu.memory_space<vmem>>) offsets(%arg6 : memref<128xi32, #tpu.memory_space<vmem>>) semaphore(%arg9 : memref<!tpu.dma_semaphore, #tpu.memory_space<semaphore_mem>>)
    %dma_wait3A = arith.constant 0 : i32
    %dma_wait3A_52 = arith.constant 0 : i32
    %dma_wait3A_53 = tpu.memref_slice %arg2[%dma_wait3A, %dma_wait3A_52] : memref<2048x768xf32, #tpu.memory_space<hbm>> -> memref<2048x768xf32, #tpu.memory_space<hbm>>
    tpu.wait_indirect_dma semaphore(%arg9 : memref<!tpu.dma_semaphore, #tpu.memory_space<semaphore_mem>>) src(%dma_wait3A_53 : memref<2048x768xf32, #tpu.memory_space<hbm>>) dst(%arg8 : memref<128x768xf32, #tpu.memory_space<vmem>>)
    %dma_start3A_54 = arith.constant 0 : i32
    %dma_start3A_55 = arith.constant 0 : i32
    %dma_start3A_56 = tpu.memref_slice %arg5[%dma_start3A_54, %dma_start3A_55] : memref<4096x768xf32, #tpu.memory_space<hbm>> -> memref<4096x768xf32, #tpu.memory_space<hbm>>
    tpu.enqueue_indirect_dma source(%arg8 : memref<128x768xf32, #tpu.memory_space<vmem>>) target(%dma_start3A_56 : memref<4096x768xf32, #tpu.memory_space<hbm>>) offsets(%arg7 : memref<128xi32, #tpu.memory_space<vmem>>) semaphore(%arg10 : memref<!tpu.dma_semaphore, #tpu.memory_space<semaphore_mem>>)
    %dma_wait3A_57 = arith.constant 0 : i32
    %dma_wait3A_58 = arith.constant 0 : i32
    %dma_wait3A_59 = tpu.memref_slice %arg5[%dma_wait3A_57, %dma_wait3A_58] : memref<4096x768xf32, #tpu.memory_space<hbm>> -> memref<4096x768xf32, #tpu.memory_space<hbm>>
    tpu.wait_indirect_dma semaphore(%arg10 : memref<!tpu.dma_semaphore, #tpu.memory_space<semaphore_mem>>) src(%arg8 : memref<128x768xf32, #tpu.memory_space<vmem>>) dst(%dma_wait3A_59 : memref<4096x768xf32, #tpu.memory_space<hbm>>)
    return
  }
}

module attributes {stable_mosaic.version = 14 : i64} {
  func.func @_gating_kernel(%arg0: memref<2048x768xf32, #tpu.memory_space<vmem>>, %arg1: memref<768x64xf32, #tpu.memory_space<vmem>>, %arg2: memref<2048x1xi32, #tpu.memory_space<vmem>>, %arg3: memref<2048x1xi32, #tpu.memory_space<vmem>>, %arg4: memref<2048x1xf32, #tpu.memory_space<vmem>>, %arg5: memref<2048x1xf32, #tpu.memory_space<vmem>>, %arg6: memref<96x1xi32, #tpu.memory_space<vmem>>, %arg7: memref<96x1xi32, #tpu.memory_space<vmem>>, %arg8: memref<96x1xi32, #tpu.memory_space<vmem>>, %arg9: memref<96x1xi32, #tpu.memory_space<vmem>>, %arg10: memref<96x1xi32, #tpu.memory_space<vmem>>, %arg11: memref<1x1xf32, #tpu.memory_space<vmem>>) attributes {dimension_semantics = [], scalar_prefetch = 0 : i64, scratch_operands = 0 : i64, tpu.core_type = #tpu.core_type<tc>} {
    %get3A = arith.constant 0 : index
    %get3A_0 = arith.constant 0 : index
    %get3A_1 = vector.load %arg0[%get3A, %get3A_0] : memref<2048x768xf32, #tpu.memory_space<vmem>>, vector<2048x768xf32>
    %get3A_2 = arith.constant 0 : index
    %get3A_3 = arith.constant 0 : index
    %get3A_4 = vector.load %arg1[%get3A_2, %get3A_3] : memref<768x64xf32, #tpu.memory_space<vmem>>, vector<768x64xf32>
    %dot_general3A = arith.constant dense<0.000000e+00> : vector<2048x64xf32>
    %dot_general3A_5 = tpu.matmul %get3A_1, %get3A_4, %dot_general3A {dimension_numbers = #tpu.dot_dimension_numbers<[1], [0], [0], [1], [0, 0, 1, 1], [], []>, transpose_lhs_hint = false} : vector<2048x768xf32>, vector<768x64xf32>, vector<2048x64xf32> -> vector<2048x64xf32>
    %iota3A = tpu.iota {dimensions = array<i32: 1>} : vector<2048x64xi32>
    %reduce_max3A = arith.constant dense<0xFF800000> : vector<2048xf32>
    %reduce_max3A_6 = vector.multi_reduction <maximumf>, %dot_general3A_5, %reduce_max3A [1] : vector<2048x64xf32> to vector<2048xf32>
    %broadcast_in_dim3A = vector.shape_cast %reduce_max3A_6 : vector<2048xf32> to vector<2048x1xf32>
    %eq3A = vector.broadcast %broadcast_in_dim3A : vector<2048x1xf32> to vector<2048x64xf32>
    %eq3A_7 = arith.cmpf oeq, %dot_general3A_5, %eq3A : vector<2048x64xf32>
    %jit3A = arith.constant 64 : i32
    %broadcast_in_dim3A_8 = vector.broadcast %jit3A : i32 to vector<2048x64xi32>
    %select_n3A = arith.select %eq3A_7, %iota3A, %broadcast_in_dim3A_8 : vector<2048x64xi1>, vector<2048x64xi32>
    %reduce_min3A = arith.constant dense<2147483647> : vector<2048xi32>
    %reduce_min3A_9 = vector.multi_reduction <minsi>, %select_n3A, %reduce_min3A [1] : vector<2048x64xi32> to vector<2048xi32>
    %broadcast_in_dim3A_10 = vector.shape_cast %reduce_min3A_9 : vector<2048xi32> to vector<2048x1xi32>
    %eq3A_11 = vector.broadcast %broadcast_in_dim3A_10 : vector<2048x1xi32> to vector<2048x64xi32>
    %eq3A_12 = arith.cmpi eq, %iota3A, %eq3A_11 : vector<2048x64xi32>
    %jit3A_13 = arith.constant 0xFF800000 : f32
    %broadcast_in_dim3A_14 = vector.broadcast %jit3A_13 : f32 to vector<2048x64xf32>
    %select_n3A_15 = arith.select %eq3A_12, %broadcast_in_dim3A_14, %dot_general3A_5 : vector<2048x64xi1>, vector<2048x64xf32>
    %reduce_max3A_16 = arith.constant dense<0xFF800000> : vector<2048xf32>
    %reduce_max3A_17 = vector.multi_reduction <maximumf>, %select_n3A_15, %reduce_max3A_16 [1] : vector<2048x64xf32> to vector<2048xf32>
    %broadcast_in_dim3A_18 = vector.shape_cast %reduce_max3A_17 : vector<2048xf32> to vector<2048x1xf32>
    %eq3A_19 = vector.broadcast %broadcast_in_dim3A_18 : vector<2048x1xf32> to vector<2048x64xf32>
    %eq3A_20 = arith.cmpf oeq, %dot_general3A_5, %eq3A_19 : vector<2048x64xf32>
    %not3A = arith.constant dense<true> : vector<2048x64xi1>
    %not3A_21 = arith.xori %eq3A_12, %not3A : vector<2048x64xi1>
    %and3A = arith.andi %eq3A_20, %not3A_21 : vector<2048x64xi1>
    %jit3A_22 = arith.constant 64 : i32
    %broadcast_in_dim3A_23 = vector.broadcast %jit3A_22 : i32 to vector<2048x64xi32>
    %select_n3A_24 = arith.select %and3A, %iota3A, %broadcast_in_dim3A_23 : vector<2048x64xi1>, vector<2048x64xi32>
    %reduce_min3A_25 = arith.constant dense<2147483647> : vector<2048xi32>
    %reduce_min3A_26 = vector.multi_reduction <minsi>, %select_n3A_24, %reduce_min3A_25 [1] : vector<2048x64xi32> to vector<2048xi32>
    %broadcast_in_dim3A_27 = vector.shape_cast %reduce_min3A_26 : vector<2048xi32> to vector<2048x1xi32>
    %eq3A_28 = vector.broadcast %broadcast_in_dim3A_27 : vector<2048x1xi32> to vector<2048x64xi32>
    %eq3A_29 = arith.cmpi eq, %iota3A, %eq3A_28 : vector<2048x64xi32>
    %sub3A = vector.broadcast %broadcast_in_dim3A : vector<2048x1xf32> to vector<2048x64xf32>
    %sub3A_30 = arith.subf %dot_general3A_5, %sub3A : vector<2048x64xf32>
    %exp3A = math.exp %sub3A_30 : vector<2048x64xf32>
    %reduce_sum3A = arith.constant dense<0.000000e+00> : vector<2048xf32>
    %reduce_sum3A_31 = vector.multi_reduction <add>, %exp3A, %reduce_sum3A [1] : vector<2048x64xf32> to vector<2048xf32>
    %broadcast_in_dim3A_32 = vector.shape_cast %reduce_sum3A_31 : vector<2048xf32> to vector<2048x1xf32>
    %div3A = arith.constant 1.000000e+00 : f32
    %div3A_33 = vector.broadcast %div3A : f32 to vector<2048x1xf32>
    %div3A_34 = arith.divf %div3A_33, %broadcast_in_dim3A_32 : vector<2048x1xf32>
    %sub3A_35 = arith.subf %broadcast_in_dim3A_18, %broadcast_in_dim3A : vector<2048x1xf32>
    %exp3A_36 = math.exp %sub3A_35 : vector<2048x1xf32>
    %div3A_37 = arith.divf %exp3A_36, %broadcast_in_dim3A_32 : vector<2048x1xf32>
    %add3A = arith.addf %div3A_34, %div3A_37 : vector<2048x1xf32>
    %add3A_38 = arith.constant 9.99999997E-7 : f32
    %add3A_39 = vector.broadcast %add3A_38 : f32 to vector<2048x1xf32>
    %add3A_40 = arith.addf %add3A, %add3A_39 : vector<2048x1xf32>
    %div3A_41 = arith.divf %div3A_34, %add3A_40 : vector<2048x1xf32>
    %div3A_42 = arith.divf %div3A_37, %add3A_40 : vector<2048x1xf32>
    %convert_element_type3A = arith.extui %eq3A_12 : vector<2048x64xi1> to vector<2048x64xi32>
    %convert_element_type3A_43 = arith.sitofp %convert_element_type3A : vector<2048x64xi32> to vector<2048x64xf32>
    %convert_element_type3A_44 = arith.extui %eq3A_29 : vector<2048x64xi1> to vector<2048x64xi32>
    %convert_element_type3A_45 = arith.sitofp %convert_element_type3A_44 : vector<2048x64xi32> to vector<2048x64xf32>
    %add3A_46 = arith.addf %convert_element_type3A_43, %convert_element_type3A_45 : vector<2048x64xf32>
    %iota3A_47 = tpu.iota {dimensions = array<i32: 0>} : vector<2048x2048xi32>
    %iota3A_48 = tpu.iota {dimensions = array<i32: 1>} : vector<2048x2048xi32>
    %gt3A = arith.cmpi sgt, %iota3A_47, %iota3A_48 : vector<2048x2048xi32>
    %convert_element_type3A_49 = arith.extui %gt3A : vector<2048x2048xi1> to vector<2048x2048xi32>
    %convert_element_type3A_50 = arith.sitofp %convert_element_type3A_49 : vector<2048x2048xi32> to vector<2048x2048xf32>
    %convert_element_type3A_51 = arith.truncf %convert_element_type3A_50 : vector<2048x2048xf32> to vector<2048x2048xbf16>
    %convert_element_type3A_52 = arith.truncf %add3A_46 : vector<2048x64xf32> to vector<2048x64xbf16>
    %dot_general3A_53 = arith.constant dense<0.000000e+00> : vector<2048x64xf32>
    %dot_general3A_54 = tpu.matmul %convert_element_type3A_51, %convert_element_type3A_52, %dot_general3A_53 {dimension_numbers = #tpu.dot_dimension_numbers<[1], [0], [0], [1], [0, 0, 1, 1], [], []>, transpose_lhs_hint = false} : vector<2048x2048xbf16>, vector<2048x64xbf16>, vector<2048x64xf32> -> vector<2048x64xf32>
    %mul3A = arith.mulf %convert_element_type3A_43, %dot_general3A_54 : vector<2048x64xf32>
    %reduce_sum3A_55 = arith.constant dense<0.000000e+00> : vector<2048xf32>
    %reduce_sum3A_56 = vector.multi_reduction <add>, %mul3A, %reduce_sum3A_55 [1] : vector<2048x64xf32> to vector<2048xf32>
    %broadcast_in_dim3A_57 = vector.shape_cast %reduce_sum3A_56 : vector<2048xf32> to vector<2048x1xf32>
    %mul3A_58 = arith.mulf %convert_element_type3A_45, %dot_general3A_54 : vector<2048x64xf32>
    %reduce_sum3A_59 = arith.constant dense<0.000000e+00> : vector<2048xf32>
    %reduce_sum3A_60 = vector.multi_reduction <add>, %mul3A_58, %reduce_sum3A_59 [1] : vector<2048x64xf32> to vector<2048xf32>
    %broadcast_in_dim3A_61 = vector.shape_cast %reduce_sum3A_60 : vector<2048xf32> to vector<2048x1xf32>
    %reduce_sum3A_62 = arith.constant dense<0.000000e+00> : vector<64xf32>
    %reduce_sum3A_63 = vector.multi_reduction <add>, %add3A_46, %reduce_sum3A_62 [0] : vector<2048x64xf32> to vector<64xf32>
    %broadcast_in_dim3A_64 = vector.shape_cast %reduce_sum3A_63 : vector<64xf32> to vector<1x64xf32>
    %mul3A_65 = vector.broadcast %div3A_41 : vector<2048x1xf32> to vector<2048x64xf32>
    %mul3A_66 = arith.mulf %convert_element_type3A_43, %mul3A_65 : vector<2048x64xf32>
    %mul3A_67 = vector.broadcast %div3A_42 : vector<2048x1xf32> to vector<2048x64xf32>
    %mul3A_68 = arith.mulf %convert_element_type3A_45, %mul3A_67 : vector<2048x64xf32>
    %add3A_69 = arith.addf %mul3A_66, %mul3A_68 : vector<2048x64xf32>
    %reduce_sum3A_70 = arith.constant dense<0.000000e+00> : vector<64xf32>
    %reduce_sum3A_71 = vector.multi_reduction <add>, %add3A_69, %reduce_sum3A_70 [0] : vector<2048x64xf32> to vector<64xf32>
    %broadcast_in_dim3A_72 = vector.shape_cast %reduce_sum3A_71 : vector<64xf32> to vector<1x64xf32>
    %gt3A_73 = arith.constant 0.000000e+00 : f32
    %gt3A_74 = vector.broadcast %gt3A_73 : f32 to vector<2048x1xf32>
    %gt3A_75 = arith.cmpf ogt, %div3A_41, %gt3A_74 : vector<2048x1xf32>
    %convert_element_type3A_76 = arith.extui %gt3A_75 : vector<2048x1xi1> to vector<2048x1xi32>
    %convert_element_type3A_77 = arith.sitofp %convert_element_type3A_76 : vector<2048x1xi32> to vector<2048x1xf32>
    %mul3A_78 = vector.broadcast %convert_element_type3A_77 : vector<2048x1xf32> to vector<2048x64xf32>
    %mul3A_79 = arith.mulf %convert_element_type3A_43, %mul3A_78 : vector<2048x64xf32>
    %gt3A_80 = arith.constant 0.000000e+00 : f32
    %gt3A_81 = vector.broadcast %gt3A_80 : f32 to vector<2048x1xf32>
    %gt3A_82 = arith.cmpf ogt, %div3A_42, %gt3A_81 : vector<2048x1xf32>
    %convert_element_type3A_83 = arith.extui %gt3A_82 : vector<2048x1xi1> to vector<2048x1xi32>
    %convert_element_type3A_84 = arith.sitofp %convert_element_type3A_83 : vector<2048x1xi32> to vector<2048x1xf32>
    %mul3A_85 = vector.broadcast %convert_element_type3A_84 : vector<2048x1xf32> to vector<2048x64xf32>
    %mul3A_86 = arith.mulf %convert_element_type3A_45, %mul3A_85 : vector<2048x64xf32>
    %add3A_87 = arith.addf %mul3A_79, %mul3A_86 : vector<2048x64xf32>
    %reduce_sum3A_88 = arith.constant dense<0.000000e+00> : vector<64xf32>
    %reduce_sum3A_89 = vector.multi_reduction <add>, %add3A_87, %reduce_sum3A_88 [0] : vector<2048x64xf32> to vector<64xf32>
    %broadcast_in_dim3A_90 = vector.shape_cast %reduce_sum3A_89 : vector<64xf32> to vector<1x64xf32>
    %iota3A_91 = tpu.iota {dimensions = array<i32: 0>} : vector<64x64xi32>
    %iota3A_92 = tpu.iota {dimensions = array<i32: 1>} : vector<64x64xi32>
    %lt3A = arith.cmpi slt, %iota3A_91, %iota3A_92 : vector<64x64xi32>
    %convert_element_type3A_93 = arith.extui %lt3A : vector<64x64xi1> to vector<64x64xi32>
    %convert_element_type3A_94 = arith.sitofp %convert_element_type3A_93 : vector<64x64xi32> to vector<64x64xf32>
    %dot_general3A_95 = arith.constant dense<0.000000e+00> : vector<1x64xf32>
    %dot_general3A_96 = tpu.matmul %broadcast_in_dim3A_64, %convert_element_type3A_94, %dot_general3A_95 {dimension_numbers = #tpu.dot_dimension_numbers<[1], [0], [0], [1], [0, 0, 1, 1], [], []>, precision = #tpu.contract_precision<fp32>, transpose_lhs_hint = false} : vector<1x64xf32>, vector<64x64xf32>, vector<1x64xf32> -> vector<1x64xf32>
    %add3A_97 = arith.addf %dot_general3A_96, %broadcast_in_dim3A_64 : vector<1x64xf32>
    %jit3A_98 = arith.constant 0.000000e+00 : f32
    %broadcast_in_dim3A_99 = vector.shape_cast %dot_general3A_96 : vector<1x64xf32> to vector<1x64xf32>
    %broadcast_in_dim3A_100 = vector.broadcast %broadcast_in_dim3A_99 : vector<1x64xf32> to vector<2048x64xf32>
    %broadcast_in_dim3A_101 = vector.broadcast %jit3A_98 : f32 to vector<2048x64xf32>
    %select_n3A_102 = arith.select %eq3A_12, %broadcast_in_dim3A_100, %broadcast_in_dim3A_101 : vector<2048x64xi1>, vector<2048x64xf32>
    %reduce_sum3A_103 = arith.constant dense<0.000000e+00> : vector<2048xf32>
    %reduce_sum3A_104 = vector.multi_reduction <add>, %select_n3A_102, %reduce_sum3A_103 [1] : vector<2048x64xf32> to vector<2048xf32>
    %broadcast_in_dim3A_105 = vector.shape_cast %reduce_sum3A_104 : vector<2048xf32> to vector<2048x1xf32>
    %jit3A_106 = arith.constant 0.000000e+00 : f32
    %broadcast_in_dim3A_107 = vector.shape_cast %dot_general3A_96 : vector<1x64xf32> to vector<1x64xf32>
    %broadcast_in_dim3A_108 = vector.broadcast %broadcast_in_dim3A_107 : vector<1x64xf32> to vector<2048x64xf32>
    %broadcast_in_dim3A_109 = vector.broadcast %jit3A_106 : f32 to vector<2048x64xf32>
    %select_n3A_110 = arith.select %eq3A_29, %broadcast_in_dim3A_108, %broadcast_in_dim3A_109 : vector<2048x64xi1>, vector<2048x64xf32>
    %reduce_sum3A_111 = arith.constant dense<0.000000e+00> : vector<2048xf32>
    %reduce_sum3A_112 = vector.multi_reduction <add>, %select_n3A_110, %reduce_sum3A_111 [1] : vector<2048x64xf32> to vector<2048xf32>
    %broadcast_in_dim3A_113 = vector.shape_cast %reduce_sum3A_112 : vector<2048xf32> to vector<2048x1xf32>
    %add3A_114 = arith.addf %broadcast_in_dim3A_105, %broadcast_in_dim3A_57 : vector<2048x1xf32>
    %convert_element_type3A_115 = arith.fptosi %add3A_114 : vector<2048x1xf32> to vector<2048x1xi32>
    %add3A_116 = arith.addf %broadcast_in_dim3A_113, %broadcast_in_dim3A_61 : vector<2048x1xf32>
    %convert_element_type3A_117 = arith.fptosi %add3A_116 : vector<2048x1xf32> to vector<2048x1xi32>
    %swap3A = arith.constant 0 : index
    %swap3A_118 = arith.constant 0 : index
    %swap3A_119 = vector.load %arg2[%swap3A, %swap3A_118] : memref<2048x1xi32, #tpu.memory_space<vmem>>, vector<2048x1xi32>
    tpu.vector_store %arg2[%swap3A, %swap3A_118], %convert_element_type3A_115 {strides = array<i32>} : memref<2048x1xi32, #tpu.memory_space<vmem>>, vector<2048x1xi32>,
    %swap3A_120 = arith.constant 0 : index
    %swap3A_121 = arith.constant 0 : index
    %swap3A_122 = vector.load %arg3[%swap3A_120, %swap3A_121] : memref<2048x1xi32, #tpu.memory_space<vmem>>, vector<2048x1xi32>
    tpu.vector_store %arg3[%swap3A_120, %swap3A_121], %convert_element_type3A_117 {strides = array<i32>} : memref<2048x1xi32, #tpu.memory_space<vmem>>, vector<2048x1xi32>,
    %swap3A_123 = arith.constant 0 : index
    %swap3A_124 = arith.constant 0 : index
    %swap3A_125 = vector.load %arg4[%swap3A_123, %swap3A_124] : memref<2048x1xf32, #tpu.memory_space<vmem>>, vector<2048x1xf32>
    tpu.vector_store %arg4[%swap3A_123, %swap3A_124], %div3A_41 {strides = array<i32>} : memref<2048x1xf32, #tpu.memory_space<vmem>>, vector<2048x1xf32>,
    %swap3A_126 = arith.constant 0 : index
    %swap3A_127 = arith.constant 0 : index
    %swap3A_128 = vector.load %arg5[%swap3A_126, %swap3A_127] : memref<2048x1xf32, #tpu.memory_space<vmem>>, vector<2048x1xf32>
    tpu.vector_store %arg5[%swap3A_126, %swap3A_127], %div3A_42 {strides = array<i32>} : memref<2048x1xf32, #tpu.memory_space<vmem>>, vector<2048x1xf32>,
    %mul3A_129 = arith.constant 7.812500e-03 : f32
    %mul3A_130 = vector.broadcast %mul3A_129 : f32 to vector<1x64xf32>
    %mul3A_131 = arith.mulf %dot_general3A_96, %mul3A_130 : vector<1x64xf32>
    %floor3A = math.floor %mul3A_131 : vector<1x64xf32>
    %sub3A_132 = arith.constant 1.000000e+00 : f32
    %sub3A_133 = vector.broadcast %sub3A_132 : f32 to vector<1x64xf32>
    %sub3A_134 = arith.subf %add3A_97, %sub3A_133 : vector<1x64xf32>
    %mul3A_135 = arith.constant 7.812500e-03 : f32
    %mul3A_136 = vector.broadcast %mul3A_135 : f32 to vector<1x64xf32>
    %mul3A_137 = arith.mulf %sub3A_134, %mul3A_136 : vector<1x64xf32>
    %floor3A_138 = math.floor %mul3A_137 : vector<1x64xf32>
    %gt3A_139 = arith.constant 0.000000e+00 : f32
    %gt3A_140 = vector.broadcast %gt3A_139 : f32 to vector<1x64xf32>
    %gt3A_141 = arith.cmpf ogt, %broadcast_in_dim3A_64, %gt3A_140 : vector<1x64xf32>
    %sub3A_142 = arith.subf %floor3A_138, %floor3A : vector<1x64xf32>
    %add3A_143 = arith.constant 1.000000e+00 : f32
    %add3A_144 = vector.broadcast %add3A_143 : f32 to vector<1x64xf32>
    %add3A_145 = arith.addf %sub3A_142, %add3A_144 : vector<1x64xf32>
    %jit3A_146 = arith.constant 0.000000e+00 : f32
    %broadcast_in_dim3A_147 = vector.broadcast %jit3A_146 : f32 to vector<1x64xf32>
    %select_n3A_148 = arith.select %gt3A_141, %add3A_145, %broadcast_in_dim3A_147 : vector<1x64xi1>, vector<1x64xf32>
    %dot_general3A_149 = arith.constant dense<0.000000e+00> : vector<1x64xf32>
    %dot_general3A_150 = tpu.matmul %select_n3A_148, %convert_element_type3A_94, %dot_general3A_149 {dimension_numbers = #tpu.dot_dimension_numbers<[1], [0], [0], [1], [0, 0, 1, 1], [], []>, precision = #tpu.contract_precision<fp32>, transpose_lhs_hint = false} : vector<1x64xf32>, vector<64x64xf32>, vector<1x64xf32> -> vector<1x64xf32>
    %reduce_sum3A_151 = arith.constant dense<0.000000e+00> : vector<1xf32>
    %reduce_sum3A_152 = vector.multi_reduction <add>, %select_n3A_148, %reduce_sum3A_151 [1] : vector<1x64xf32> to vector<1xf32>
    %broadcast_in_dim3A_153 = vector.shape_cast %reduce_sum3A_152 : vector<1xf32> to vector<1x1xf32>
    %iota3A_154 = tpu.iota {dimensions = array<i32: 0>} : vector<96x64xi32>
    %convert_element_type3A_155 = arith.sitofp %iota3A_154 : vector<96x64xi32> to vector<96x64xf32>
    %iota3A_156 = tpu.iota {dimensions = array<i32: 1>} : vector<96x64xi32>
    %convert_element_type3A_157 = arith.sitofp %iota3A_156 : vector<96x64xi32> to vector<96x64xf32>
    %slice3A = vector.extract_strided_slice %convert_element_type3A_155 {offsets = [0, 0], sizes = [96, 1], strides = [1, 1]} : vector<96x64xf32> to vector<96x1xf32>
    %le3A = vector.broadcast %dot_general3A_150 : vector<1x64xf32> to vector<96x64xf32>
    %le3A_158 = arith.cmpf ole, %le3A, %convert_element_type3A_155 : vector<96x64xf32>
    %convert_element_type3A_159 = arith.extui %le3A_158 : vector<96x64xi1> to vector<96x64xi32>
    %convert_element_type3A_160 = arith.sitofp %convert_element_type3A_159 : vector<96x64xi32> to vector<96x64xf32>
    %reduce_sum3A_161 = arith.constant dense<0.000000e+00> : vector<96xf32>
    %reduce_sum3A_162 = vector.multi_reduction <add>, %convert_element_type3A_160, %reduce_sum3A_161 [1] : vector<96x64xf32> to vector<96xf32>
    %broadcast_in_dim3A_163 = vector.shape_cast %reduce_sum3A_162 : vector<96xf32> to vector<96x1xf32>
    %sub3A_164 = arith.constant 1.000000e+00 : f32
    %sub3A_165 = vector.broadcast %sub3A_164 : f32 to vector<96x1xf32>
    %sub3A_166 = arith.subf %broadcast_in_dim3A_163, %sub3A_165 : vector<96x1xf32>
    %sub3A_167 = arith.constant 1.000000e+00 : f32
    %sub3A_168 = vector.broadcast %sub3A_167 : f32 to vector<1x1xf32>
    %sub3A_169 = arith.subf %broadcast_in_dim3A_153, %sub3A_168 : vector<1x1xf32>
    %le3A_170 = vector.broadcast %sub3A_169 : vector<1x1xf32> to vector<1x64xf32>
    %le3A_171 = arith.cmpf ole, %dot_general3A_150, %le3A_170 : vector<1x64xf32>
    %convert_element_type3A_172 = arith.extui %le3A_171 : vector<1x64xi1> to vector<1x64xi32>
    %convert_element_type3A_173 = arith.sitofp %convert_element_type3A_172 : vector<1x64xi32> to vector<1x64xf32>
    %reduce_sum3A_174 = arith.constant dense<0.000000e+00> : vector<1xf32>
    %reduce_sum3A_175 = vector.multi_reduction <add>, %convert_element_type3A_173, %reduce_sum3A_174 [1] : vector<1x64xf32> to vector<1xf32>
    %broadcast_in_dim3A_176 = vector.shape_cast %reduce_sum3A_175 : vector<1xf32> to vector<1x1xf32>
    %sub3A_177 = arith.constant 1.000000e+00 : f32
    %sub3A_178 = vector.broadcast %sub3A_177 : f32 to vector<1x1xf32>
    %sub3A_179 = arith.subf %broadcast_in_dim3A_176, %sub3A_178 : vector<1x1xf32>
    %lt3A_180 = vector.broadcast %broadcast_in_dim3A_153 : vector<1x1xf32> to vector<96x1xf32>
    %lt3A_181 = arith.cmpf olt, %slice3A, %lt3A_180 : vector<96x1xf32>
    %broadcast_in_dim3A_182 = vector.shape_cast %sub3A_179 : vector<1x1xf32> to vector<1x1xf32>
    %broadcast_in_dim3A_183 = vector.broadcast %broadcast_in_dim3A_182 : vector<1x1xf32> to vector<96x1xf32>
    %select_n3A_184 = arith.select %lt3A_181, %sub3A_166, %broadcast_in_dim3A_183 : vector<96x1xi1>, vector<96x1xf32>
    %eq3A_185 = vector.broadcast %select_n3A_184 : vector<96x1xf32> to vector<96x64xf32>
    %eq3A_186 = arith.cmpf oeq, %convert_element_type3A_157, %eq3A_185 : vector<96x64xf32>
    %convert_element_type3A_187 = arith.extui %eq3A_186 : vector<96x64xi1> to vector<96x64xi32>
    %convert_element_type3A_188 = arith.sitofp %convert_element_type3A_187 : vector<96x64xi32> to vector<96x64xf32>
    %mul3A_189 = vector.broadcast %dot_general3A_96 : vector<1x64xf32> to vector<96x64xf32>
    %mul3A_190 = arith.mulf %convert_element_type3A_188, %mul3A_189 : vector<96x64xf32>
    %reduce_sum3A_191 = arith.constant dense<0.000000e+00> : vector<96xf32>
    %reduce_sum3A_192 = vector.multi_reduction <add>, %mul3A_190, %reduce_sum3A_191 [1] : vector<96x64xf32> to vector<96xf32>
    %broadcast_in_dim3A_193 = vector.shape_cast %reduce_sum3A_192 : vector<96xf32> to vector<96x1xf32>
    %mul3A_194 = vector.broadcast %add3A_97 : vector<1x64xf32> to vector<96x64xf32>
    %mul3A_195 = arith.mulf %convert_element_type3A_188, %mul3A_194 : vector<96x64xf32>
    %reduce_sum3A_196 = arith.constant dense<0.000000e+00> : vector<96xf32>
    %reduce_sum3A_197 = vector.multi_reduction <add>, %mul3A_195, %reduce_sum3A_196 [1] : vector<96x64xf32> to vector<96xf32>
    %broadcast_in_dim3A_198 = vector.shape_cast %reduce_sum3A_197 : vector<96xf32> to vector<96x1xf32>
    %mul3A_199 = vector.broadcast %dot_general3A_150 : vector<1x64xf32> to vector<96x64xf32>
    %mul3A_200 = arith.mulf %convert_element_type3A_188, %mul3A_199 : vector<96x64xf32>
    %reduce_sum3A_201 = arith.constant dense<0.000000e+00> : vector<96xf32>
    %reduce_sum3A_202 = vector.multi_reduction <add>, %mul3A_200, %reduce_sum3A_201 [1] : vector<96x64xf32> to vector<96xf32>
    %broadcast_in_dim3A_203 = vector.shape_cast %reduce_sum3A_202 : vector<96xf32> to vector<96x1xf32>
    %mul3A_204 = vector.broadcast %floor3A : vector<1x64xf32> to vector<96x64xf32>
    %mul3A_205 = arith.mulf %convert_element_type3A_188, %mul3A_204 : vector<96x64xf32>
    %reduce_sum3A_206 = arith.constant dense<0.000000e+00> : vector<96xf32>
    %reduce_sum3A_207 = vector.multi_reduction <add>, %mul3A_205, %reduce_sum3A_206 [1] : vector<96x64xf32> to vector<96xf32>
    %broadcast_in_dim3A_208 = vector.shape_cast %reduce_sum3A_207 : vector<96xf32> to vector<96x1xf32>
    %sub3A_209 = arith.subf %slice3A, %broadcast_in_dim3A_203 : vector<96x1xf32>
    %add3A_210 = arith.addf %broadcast_in_dim3A_208, %sub3A_209 : vector<96x1xf32>
    %iota3A_211 = tpu.iota {dimensions = array<i32: 1>} : vector<1x64xi32>
    %convert_element_type3A_212 = arith.sitofp %iota3A_211 : vector<1x64xi32> to vector<1x64xf32>
    %eq3A_213 = vector.broadcast %sub3A_179 : vector<1x1xf32> to vector<1x64xf32>
    %eq3A_214 = arith.cmpf oeq, %convert_element_type3A_212, %eq3A_213 : vector<1x64xf32>
    %convert_element_type3A_215 = arith.extui %eq3A_214 : vector<1x64xi1> to vector<1x64xi32>
    %convert_element_type3A_216 = arith.sitofp %convert_element_type3A_215 : vector<1x64xi32> to vector<1x64xf32>
    %mul3A_217 = arith.mulf %convert_element_type3A_216, %floor3A : vector<1x64xf32>
    %reduce_sum3A_218 = arith.constant dense<0.000000e+00> : vector<1xf32>
    %reduce_sum3A_219 = vector.multi_reduction <add>, %mul3A_217, %reduce_sum3A_218 [1] : vector<1x64xf32> to vector<1xf32>
    %broadcast_in_dim3A_220 = vector.shape_cast %reduce_sum3A_219 : vector<1xf32> to vector<1x1xf32>
    %sub3A_221 = arith.constant 1.000000e+00 : f32
    %sub3A_222 = vector.broadcast %sub3A_221 : f32 to vector<1x1xf32>
    %sub3A_223 = arith.subf %broadcast_in_dim3A_153, %sub3A_222 : vector<1x1xf32>
    %mul3A_224 = arith.mulf %convert_element_type3A_216, %dot_general3A_150 : vector<1x64xf32>
    %reduce_sum3A_225 = arith.constant dense<0.000000e+00> : vector<1xf32>
    %reduce_sum3A_226 = vector.multi_reduction <add>, %mul3A_224, %reduce_sum3A_225 [1] : vector<1x64xf32> to vector<1xf32>
    %broadcast_in_dim3A_227 = vector.shape_cast %reduce_sum3A_226 : vector<1xf32> to vector<1x1xf32>
    %sub3A_228 = arith.subf %sub3A_223, %broadcast_in_dim3A_227 : vector<1x1xf32>
    %add3A_229 = arith.addf %broadcast_in_dim3A_220, %sub3A_228 : vector<1x1xf32>
    %jit3A_230 = arith.constant 0.000000e+00 : f32
    %jit3A_231 = arith.constant 3.100000e+01 : f32
    %max3A = vector.broadcast %jit3A_230 : f32 to vector<96x1xf32>
    %max3A_232 = arith.maximumf %max3A, %add3A_210 : vector<96x1xf32>
    %min3A = vector.broadcast %jit3A_231 : f32 to vector<96x1xf32>
    %min3A_233 = arith.minimumf %min3A, %max3A_232 : vector<96x1xf32>
    %broadcast_in_dim3A_234 = vector.shape_cast %add3A_229 : vector<1x1xf32> to vector<1x1xf32>
    %broadcast_in_dim3A_235 = vector.broadcast %broadcast_in_dim3A_234 : vector<1x1xf32> to vector<96x1xf32>
    %select_n3A_236 = arith.select %lt3A_181, %min3A_233, %broadcast_in_dim3A_235 : vector<96x1xi1>, vector<96x1xf32>
    %mul3A_237 = arith.constant 1.280000e+02 : f32
    %mul3A_238 = vector.broadcast %mul3A_237 : f32 to vector<96x1xf32>
    %mul3A_239 = arith.mulf %select_n3A_236, %mul3A_238 : vector<96x1xf32>
    %max3A_240 = arith.maximumf %broadcast_in_dim3A_193, %mul3A_239 : vector<96x1xf32>
    %jit3A_241 = arith.constant 0.000000e+00 : f32
    %broadcast_in_dim3A_242 = vector.broadcast %jit3A_241 : f32 to vector<96x1xf32>
    %select_n3A_243 = arith.select %lt3A_181, %max3A_240, %broadcast_in_dim3A_242 : vector<96x1xi1>, vector<96x1xf32>
    %mul3A_244 = arith.constant 1.280000e+02 : f32
    %mul3A_245 = vector.broadcast %mul3A_244 : f32 to vector<96x1xf32>
    %mul3A_246 = arith.mulf %select_n3A_236, %mul3A_245 : vector<96x1xf32>
    %add3A_247 = arith.constant 1.280000e+02 : f32
    %add3A_248 = vector.broadcast %add3A_247 : f32 to vector<96x1xf32>
    %add3A_249 = arith.addf %mul3A_246, %add3A_248 : vector<96x1xf32>
    %min3A_250 = arith.minimumf %broadcast_in_dim3A_198, %add3A_249 : vector<96x1xf32>
    %jit3A_251 = arith.constant 0.000000e+00 : f32
    %broadcast_in_dim3A_252 = vector.broadcast %jit3A_251 : f32 to vector<96x1xf32>
    %select_n3A_253 = arith.select %lt3A_181, %min3A_250, %broadcast_in_dim3A_252 : vector<96x1xi1>, vector<96x1xf32>
    %mul3A_254 = arith.constant 1.280000e+02 : f32
    %mul3A_255 = vector.broadcast %mul3A_254 : f32 to vector<96x1xf32>
    %mul3A_256 = arith.mulf %select_n3A_236, %mul3A_255 : vector<96x1xf32>
    %le3A_257 = arith.cmpf ole, %broadcast_in_dim3A_193, %mul3A_256 : vector<96x1xf32>
    %and3A_258 = arith.andi %lt3A_181, %le3A_257 : vector<96x1xi1>
    %convert_element_type3A_259 = arith.fptosi %select_n3A_236 : vector<96x1xf32> to vector<96x1xi32>
    %swap3A_260 = arith.constant 0 : index
    %swap3A_261 = arith.constant 0 : index
    %swap3A_262 = vector.load %arg6[%swap3A_260, %swap3A_261] : memref<96x1xi32, #tpu.memory_space<vmem>>, vector<96x1xi32>
    tpu.vector_store %arg6[%swap3A_260, %swap3A_261], %convert_element_type3A_259 {strides = array<i32>} : memref<96x1xi32, #tpu.memory_space<vmem>>, vector<96x1xi32>,
    %convert_element_type3A_263 = arith.fptosi %select_n3A_184 : vector<96x1xf32> to vector<96x1xi32>
    %swap3A_264 = arith.constant 0 : index
    %swap3A_265 = arith.constant 0 : index
    %swap3A_266 = vector.load %arg7[%swap3A_264, %swap3A_265] : memref<96x1xi32, #tpu.memory_space<vmem>>, vector<96x1xi32>
    tpu.vector_store %arg7[%swap3A_264, %swap3A_265], %convert_element_type3A_263 {strides = array<i32>} : memref<96x1xi32, #tpu.memory_space<vmem>>, vector<96x1xi32>,
    %convert_element_type3A_267 = arith.fptosi %select_n3A_243 : vector<96x1xf32> to vector<96x1xi32>
    %swap3A_268 = arith.constant 0 : index
    %swap3A_269 = arith.constant 0 : index
    %swap3A_270 = vector.load %arg8[%swap3A_268, %swap3A_269] : memref<96x1xi32, #tpu.memory_space<vmem>>, vector<96x1xi32>
    tpu.vector_store %arg8[%swap3A_268, %swap3A_269], %convert_element_type3A_267 {strides = array<i32>} : memref<96x1xi32, #tpu.memory_space<vmem>>, vector<96x1xi32>,
    %convert_element_type3A_271 = arith.fptosi %select_n3A_253 : vector<96x1xf32> to vector<96x1xi32>
    %swap3A_272 = arith.constant 0 : index
    %swap3A_273 = arith.constant 0 : index
    %swap3A_274 = vector.load %arg9[%swap3A_272, %swap3A_273] : memref<96x1xi32, #tpu.memory_space<vmem>>, vector<96x1xi32>
    tpu.vector_store %arg9[%swap3A_272, %swap3A_273], %convert_element_type3A_271 {strides = array<i32>} : memref<96x1xi32, #tpu.memory_space<vmem>>, vector<96x1xi32>,
    %convert_element_type3A_275 = arith.extui %and3A_258 : vector<96x1xi1> to vector<96x1xi32>
    %swap3A_276 = arith.constant 0 : index
    %swap3A_277 = arith.constant 0 : index
    %swap3A_278 = vector.load %arg10[%swap3A_276, %swap3A_277] : memref<96x1xi32, #tpu.memory_space<vmem>>, vector<96x1xi32>
    tpu.vector_store %arg10[%swap3A_276, %swap3A_277], %convert_element_type3A_275 {strides = array<i32>} : memref<96x1xi32, #tpu.memory_space<vmem>>, vector<96x1xi32>,
    %reduce_sum3A_279 = arith.constant dense<0.000000e+00> : vector<1xf32>
    %reduce_sum3A_280 = vector.multi_reduction <add>, %broadcast_in_dim3A_72, %reduce_sum3A_279 [1] : vector<1x64xf32> to vector<1xf32>
    %broadcast_in_dim3A_281 = vector.shape_cast %reduce_sum3A_280 : vector<1xf32> to vector<1x1xf32>
    %div3A_282 = arith.constant 6.400000e+01 : f32
    %div3A_283 = vector.broadcast %div3A_282 : f32 to vector<1x1xf32>
    %div3A_284 = arith.divf %broadcast_in_dim3A_281, %div3A_283 : vector<1x1xf32>
    %sub3A_285 = vector.broadcast %div3A_284 : vector<1x1xf32> to vector<1x64xf32>
    %sub3A_286 = arith.subf %broadcast_in_dim3A_72, %sub3A_285 : vector<1x64xf32>
    %integer_pow3A = arith.mulf %sub3A_286, %sub3A_286 : vector<1x64xf32>
    %reduce_sum3A_287 = arith.constant dense<0.000000e+00> : vector<1xf32>
    %reduce_sum3A_288 = vector.multi_reduction <add>, %integer_pow3A, %reduce_sum3A_287 [1] : vector<1x64xf32> to vector<1xf32>
    %broadcast_in_dim3A_289 = vector.shape_cast %reduce_sum3A_288 : vector<1xf32> to vector<1x1xf32>
    %div3A_290 = arith.constant 6.300000e+01 : f32
    %div3A_291 = vector.broadcast %div3A_290 : f32 to vector<1x1xf32>
    %div3A_292 = arith.divf %broadcast_in_dim3A_289, %div3A_291 : vector<1x1xf32>
    %mul3A_293 = arith.mulf %div3A_284, %div3A_284 : vector<1x1xf32>
    %add3A_294 = arith.constant 1.000000e-10 : f32
    %add3A_295 = vector.broadcast %add3A_294 : f32 to vector<1x1xf32>
    %add3A_296 = arith.addf %mul3A_293, %add3A_295 : vector<1x1xf32>
    %div3A_297 = arith.divf %div3A_292, %add3A_296 : vector<1x1xf32>
    %reduce_sum3A_298 = arith.constant dense<0.000000e+00> : vector<1xf32>
    %reduce_sum3A_299 = vector.multi_reduction <add>, %broadcast_in_dim3A_90, %reduce_sum3A_298 [1] : vector<1x64xf32> to vector<1xf32>
    %broadcast_in_dim3A_300 = vector.shape_cast %reduce_sum3A_299 : vector<1xf32> to vector<1x1xf32>
    %div3A_301 = arith.constant 6.400000e+01 : f32
    %div3A_302 = vector.broadcast %div3A_301 : f32 to vector<1x1xf32>
    %div3A_303 = arith.divf %broadcast_in_dim3A_300, %div3A_302 : vector<1x1xf32>
    %sub3A_304 = vector.broadcast %div3A_303 : vector<1x1xf32> to vector<1x64xf32>
    %sub3A_305 = arith.subf %broadcast_in_dim3A_90, %sub3A_304 : vector<1x64xf32>
    %integer_pow3A_306 = arith.mulf %sub3A_305, %sub3A_305 : vector<1x64xf32>
    %reduce_sum3A_307 = arith.constant dense<0.000000e+00> : vector<1xf32>
    %reduce_sum3A_308 = vector.multi_reduction <add>, %integer_pow3A_306, %reduce_sum3A_307 [1] : vector<1x64xf32> to vector<1xf32>
    %broadcast_in_dim3A_309 = vector.shape_cast %reduce_sum3A_308 : vector<1xf32> to vector<1x1xf32>
    %div3A_310 = arith.constant 6.300000e+01 : f32
    %div3A_311 = vector.broadcast %div3A_310 : f32 to vector<1x1xf32>
    %div3A_312 = arith.divf %broadcast_in_dim3A_309, %div3A_311 : vector<1x1xf32>
    %mul3A_313 = arith.mulf %div3A_303, %div3A_303 : vector<1x1xf32>
    %add3A_314 = arith.constant 1.000000e-10 : f32
    %add3A_315 = vector.broadcast %add3A_314 : f32 to vector<1x1xf32>
    %add3A_316 = arith.addf %mul3A_313, %add3A_315 : vector<1x1xf32>
    %div3A_317 = arith.divf %div3A_312, %add3A_316 : vector<1x1xf32>
    %add3A_318 = arith.addf %div3A_297, %div3A_317 : vector<1x1xf32>
    %mul3A_319 = arith.constant 0.00999999977 : f32
    %mul3A_320 = vector.broadcast %mul3A_319 : f32 to vector<1x1xf32>
    %mul3A_321 = arith.mulf %add3A_318, %mul3A_320 : vector<1x1xf32>
    %swap3A_322 = arith.constant 0 : index
    %swap3A_323 = arith.constant 0 : index
    %swap3A_324 = vector.load %arg11[%swap3A_322, %swap3A_323] : memref<1x1xf32, #tpu.memory_space<vmem>>, vector<1x1xf32>
    tpu.vector_store %arg11[%swap3A_322, %swap3A_323], %mul3A_321 {strides = array<i32>} : memref<1x1xf32, #tpu.memory_space<vmem>>, vector<1x1xf32>,
    return
  }
}

module attributes {stable_mosaic.version = 14 : i64} {
  func.func @_gate_scatter_kernel(%arg0: memref<2048x1xi32, #tpu.memory_space<vmem>>, %arg1: memref<2048x1xi32, #tpu.memory_space<vmem>>, %arg2: memref<2048x1xf32, #tpu.memory_space<vmem>>, %arg3: memref<2048x1xf32, #tpu.memory_space<vmem>>, %arg4: memref<1x4096xf32, #tpu.memory_space<vmem>>) attributes {dimension_semantics = [], scalar_prefetch = 0 : i64, scratch_operands = 0 : i64, tpu.core_type = #tpu.core_type<tc>} {
    %get3A = arith.constant 0 : index
    %get3A_0 = arith.constant 0 : index
    %get3A_1 = vector.load %arg0[%get3A, %get3A_0] : memref<2048x1xi32, #tpu.memory_space<vmem>>, vector<2048x1xi32>
    %get3A_2 = arith.constant 0 : index
    %get3A_3 = arith.constant 0 : index
    %get3A_4 = vector.load %arg1[%get3A_2, %get3A_3] : memref<2048x1xi32, #tpu.memory_space<vmem>>, vector<2048x1xi32>
    %get3A_5 = arith.constant 0 : index
    %get3A_6 = arith.constant 0 : index
    %get3A_7 = vector.load %arg2[%get3A_5, %get3A_6] : memref<2048x1xf32, #tpu.memory_space<vmem>>, vector<2048x1xf32>
    %get3A_8 = arith.constant 0 : index
    %get3A_9 = arith.constant 0 : index
    %get3A_10 = vector.load %arg3[%get3A_8, %get3A_9] : memref<2048x1xf32, #tpu.memory_space<vmem>>, vector<2048x1xf32>
    %iota3A = tpu.iota {dimensions = array<i32: 1>} : vector<2048x512xi32>
    %add3A = arith.constant 0 : i32
    %add3A_11 = vector.broadcast %add3A : i32 to vector<2048x512xi32>
    %add3A_12 = arith.addi %add3A_11, %iota3A : vector<2048x512xi32>
    %eq3A = vector.broadcast %get3A_1 : vector<2048x1xi32> to vector<2048x512xi32>
    %eq3A_13 = arith.cmpi eq, %eq3A, %add3A_12 : vector<2048x512xi32>
    %jit3A = arith.constant 0.000000e+00 : f32
    %broadcast_in_dim3A = vector.shape_cast %get3A_7 : vector<2048x1xf32> to vector<2048x1xf32>
    %broadcast_in_dim3A_14 = vector.broadcast %broadcast_in_dim3A : vector<2048x1xf32> to vector<2048x512xf32>
    %broadcast_in_dim3A_15 = vector.broadcast %jit3A : f32 to vector<2048x512xf32>
    %select_n3A = arith.select %eq3A_13, %broadcast_in_dim3A_14, %broadcast_in_dim3A_15 : vector<2048x512xi1>, vector<2048x512xf32>
    %eq3A_16 = vector.broadcast %get3A_4 : vector<2048x1xi32> to vector<2048x512xi32>
    %eq3A_17 = arith.cmpi eq, %eq3A_16, %add3A_12 : vector<2048x512xi32>
    %jit3A_18 = arith.constant 0.000000e+00 : f32
    %broadcast_in_dim3A_19 = vector.shape_cast %get3A_10 : vector<2048x1xf32> to vector<2048x1xf32>
    %broadcast_in_dim3A_20 = vector.broadcast %broadcast_in_dim3A_19 : vector<2048x1xf32> to vector<2048x512xf32>
    %broadcast_in_dim3A_21 = vector.broadcast %jit3A_18 : f32 to vector<2048x512xf32>
    %select_n3A_22 = arith.select %eq3A_17, %broadcast_in_dim3A_20, %broadcast_in_dim3A_21 : vector<2048x512xi1>, vector<2048x512xf32>
    %add3A_23 = arith.addf %select_n3A, %select_n3A_22 : vector<2048x512xf32>
    %reduce_sum3A = arith.constant dense<0.000000e+00> : vector<512xf32>
    %reduce_sum3A_24 = vector.multi_reduction <add>, %add3A_23, %reduce_sum3A [0] : vector<2048x512xf32> to vector<512xf32>
    %broadcast_in_dim3A_25 = vector.shape_cast %reduce_sum3A_24 : vector<512xf32> to vector<1x512xf32>
    %swap3A = arith.constant 0 : index
    %swap3A_26 = arith.constant 0 : index
    %swap3A_27 = vector.load %arg4[%swap3A, %swap3A_26] : memref<1x4096xf32, #tpu.memory_space<vmem>>, vector<1x512xf32>
    tpu.vector_store %arg4[%swap3A, %swap3A_26], %broadcast_in_dim3A_25 {strides = array<i32>} : memref<1x4096xf32, #tpu.memory_space<vmem>>, vector<1x512xf32>,
    %iota3A_28 = tpu.iota {dimensions = array<i32: 1>} : vector<2048x512xi32>
    %add3A_29 = arith.constant 512 : i32
    %add3A_30 = vector.broadcast %add3A_29 : i32 to vector<2048x512xi32>
    %add3A_31 = arith.addi %add3A_30, %iota3A_28 : vector<2048x512xi32>
    %eq3A_32 = vector.broadcast %get3A_1 : vector<2048x1xi32> to vector<2048x512xi32>
    %eq3A_33 = arith.cmpi eq, %eq3A_32, %add3A_31 : vector<2048x512xi32>
    %jit3A_34 = arith.constant 0.000000e+00 : f32
    %broadcast_in_dim3A_35 = vector.shape_cast %get3A_7 : vector<2048x1xf32> to vector<2048x1xf32>
    %broadcast_in_dim3A_36 = vector.broadcast %broadcast_in_dim3A_35 : vector<2048x1xf32> to vector<2048x512xf32>
    %broadcast_in_dim3A_37 = vector.broadcast %jit3A_34 : f32 to vector<2048x512xf32>
    %select_n3A_38 = arith.select %eq3A_33, %broadcast_in_dim3A_36, %broadcast_in_dim3A_37 : vector<2048x512xi1>, vector<2048x512xf32>
    %eq3A_39 = vector.broadcast %get3A_4 : vector<2048x1xi32> to vector<2048x512xi32>
    %eq3A_40 = arith.cmpi eq, %eq3A_39, %add3A_31 : vector<2048x512xi32>
    %jit3A_41 = arith.constant 0.000000e+00 : f32
    %broadcast_in_dim3A_42 = vector.shape_cast %get3A_10 : vector<2048x1xf32> to vector<2048x1xf32>
    %broadcast_in_dim3A_43 = vector.broadcast %broadcast_in_dim3A_42 : vector<2048x1xf32> to vector<2048x512xf32>
    %broadcast_in_dim3A_44 = vector.broadcast %jit3A_41 : f32 to vector<2048x512xf32>
    %select_n3A_45 = arith.select %eq3A_40, %broadcast_in_dim3A_43, %broadcast_in_dim3A_44 : vector<2048x512xi1>, vector<2048x512xf32>
    %add3A_46 = arith.addf %select_n3A_38, %select_n3A_45 : vector<2048x512xf32>
    %reduce_sum3A_47 = arith.constant dense<0.000000e+00> : vector<512xf32>
    %reduce_sum3A_48 = vector.multi_reduction <add>, %add3A_46, %reduce_sum3A_47 [0] : vector<2048x512xf32> to vector<512xf32>
    %broadcast_in_dim3A_49 = vector.shape_cast %reduce_sum3A_48 : vector<512xf32> to vector<1x512xf32>
    %swap3A_50 = arith.constant 0 : index
    %swap3A_51 = arith.constant 512 : index
    %swap3A_52 = vector.load %arg4[%swap3A_50, %swap3A_51] : memref<1x4096xf32, #tpu.memory_space<vmem>>, vector<1x512xf32>
    tpu.vector_store %arg4[%swap3A_50, %swap3A_51], %broadcast_in_dim3A_49 {strides = array<i32>} : memref<1x4096xf32, #tpu.memory_space<vmem>>, vector<1x512xf32>,
    %iota3A_53 = tpu.iota {dimensions = array<i32: 1>} : vector<2048x512xi32>
    %add3A_54 = arith.constant 1024 : i32
    %add3A_55 = vector.broadcast %add3A_54 : i32 to vector<2048x512xi32>
    %add3A_56 = arith.addi %add3A_55, %iota3A_53 : vector<2048x512xi32>
    %eq3A_57 = vector.broadcast %get3A_1 : vector<2048x1xi32> to vector<2048x512xi32>
    %eq3A_58 = arith.cmpi eq, %eq3A_57, %add3A_56 : vector<2048x512xi32>
    %jit3A_59 = arith.constant 0.000000e+00 : f32
    %broadcast_in_dim3A_60 = vector.shape_cast %get3A_7 : vector<2048x1xf32> to vector<2048x1xf32>
    %broadcast_in_dim3A_61 = vector.broadcast %broadcast_in_dim3A_60 : vector<2048x1xf32> to vector<2048x512xf32>
    %broadcast_in_dim3A_62 = vector.broadcast %jit3A_59 : f32 to vector<2048x512xf32>
    %select_n3A_63 = arith.select %eq3A_58, %broadcast_in_dim3A_61, %broadcast_in_dim3A_62 : vector<2048x512xi1>, vector<2048x512xf32>
    %eq3A_64 = vector.broadcast %get3A_4 : vector<2048x1xi32> to vector<2048x512xi32>
    %eq3A_65 = arith.cmpi eq, %eq3A_64, %add3A_56 : vector<2048x512xi32>
    %jit3A_66 = arith.constant 0.000000e+00 : f32
    %broadcast_in_dim3A_67 = vector.shape_cast %get3A_10 : vector<2048x1xf32> to vector<2048x1xf32>
    %broadcast_in_dim3A_68 = vector.broadcast %broadcast_in_dim3A_67 : vector<2048x1xf32> to vector<2048x512xf32>
    %broadcast_in_dim3A_69 = vector.broadcast %jit3A_66 : f32 to vector<2048x512xf32>
    %select_n3A_70 = arith.select %eq3A_65, %broadcast_in_dim3A_68, %broadcast_in_dim3A_69 : vector<2048x512xi1>, vector<2048x512xf32>
    %add3A_71 = arith.addf %select_n3A_63, %select_n3A_70 : vector<2048x512xf32>
    %reduce_sum3A_72 = arith.constant dense<0.000000e+00> : vector<512xf32>
    %reduce_sum3A_73 = vector.multi_reduction <add>, %add3A_71, %reduce_sum3A_72 [0] : vector<2048x512xf32> to vector<512xf32>
    %broadcast_in_dim3A_74 = vector.shape_cast %reduce_sum3A_73 : vector<512xf32> to vector<1x512xf32>
    %swap3A_75 = arith.constant 0 : index
    %swap3A_76 = arith.constant 1024 : index
    %swap3A_77 = vector.load %arg4[%swap3A_75, %swap3A_76] : memref<1x4096xf32, #tpu.memory_space<vmem>>, vector<1x512xf32>
    tpu.vector_store %arg4[%swap3A_75, %swap3A_76], %broadcast_in_dim3A_74 {strides = array<i32>} : memref<1x4096xf32, #tpu.memory_space<vmem>>, vector<1x512xf32>,
    %iota3A_78 = tpu.iota {dimensions = array<i32: 1>} : vector<2048x512xi32>
    %add3A_79 = arith.constant 1536 : i32
    %add3A_80 = vector.broadcast %add3A_79 : i32 to vector<2048x512xi32>
    %add3A_81 = arith.addi %add3A_80, %iota3A_78 : vector<2048x512xi32>
    %eq3A_82 = vector.broadcast %get3A_1 : vector<2048x1xi32> to vector<2048x512xi32>
    %eq3A_83 = arith.cmpi eq, %eq3A_82, %add3A_81 : vector<2048x512xi32>
    %jit3A_84 = arith.constant 0.000000e+00 : f32
    %broadcast_in_dim3A_85 = vector.shape_cast %get3A_7 : vector<2048x1xf32> to vector<2048x1xf32>
    %broadcast_in_dim3A_86 = vector.broadcast %broadcast_in_dim3A_85 : vector<2048x1xf32> to vector<2048x512xf32>
    %broadcast_in_dim3A_87 = vector.broadcast %jit3A_84 : f32 to vector<2048x512xf32>
    %select_n3A_88 = arith.select %eq3A_83, %broadcast_in_dim3A_86, %broadcast_in_dim3A_87 : vector<2048x512xi1>, vector<2048x512xf32>
    %eq3A_89 = vector.broadcast %get3A_4 : vector<2048x1xi32> to vector<2048x512xi32>
    %eq3A_90 = arith.cmpi eq, %eq3A_89, %add3A_81 : vector<2048x512xi32>
    %jit3A_91 = arith.constant 0.000000e+00 : f32
    %broadcast_in_dim3A_92 = vector.shape_cast %get3A_10 : vector<2048x1xf32> to vector<2048x1xf32>
    %broadcast_in_dim3A_93 = vector.broadcast %broadcast_in_dim3A_92 : vector<2048x1xf32> to vector<2048x512xf32>
    %broadcast_in_dim3A_94 = vector.broadcast %jit3A_91 : f32 to vector<2048x512xf32>
    %select_n3A_95 = arith.select %eq3A_90, %broadcast_in_dim3A_93, %broadcast_in_dim3A_94 : vector<2048x512xi1>, vector<2048x512xf32>
    %add3A_96 = arith.addf %select_n3A_88, %select_n3A_95 : vector<2048x512xf32>
    %reduce_sum3A_97 = arith.constant dense<0.000000e+00> : vector<512xf32>
    %reduce_sum3A_98 = vector.multi_reduction <add>, %add3A_96, %reduce_sum3A_97 [0] : vector<2048x512xf32> to vector<512xf32>
    %broadcast_in_dim3A_99 = vector.shape_cast %reduce_sum3A_98 : vector<512xf32> to vector<1x512xf32>
    %swap3A_100 = arith.constant 0 : index
    %swap3A_101 = arith.constant 1536 : index
    %swap3A_102 = vector.load %arg4[%swap3A_100, %swap3A_101] : memref<1x4096xf32, #tpu.memory_space<vmem>>, vector<1x512xf32>
    tpu.vector_store %arg4[%swap3A_100, %swap3A_101], %broadcast_in_dim3A_99 {strides = array<i32>} : memref<1x4096xf32, #tpu.memory_space<vmem>>, vector<1x512xf32>,
    %iota3A_103 = tpu.iota {dimensions = array<i32: 1>} : vector<2048x512xi32>
    %add3A_104 = arith.constant 2048 : i32
    %add3A_105 = vector.broadcast %add3A_104 : i32 to vector<2048x512xi32>
    %add3A_106 = arith.addi %add3A_105, %iota3A_103 : vector<2048x512xi32>
    %eq3A_107 = vector.broadcast %get3A_1 : vector<2048x1xi32> to vector<2048x512xi32>
    %eq3A_108 = arith.cmpi eq, %eq3A_107, %add3A_106 : vector<2048x512xi32>
    %jit3A_109 = arith.constant 0.000000e+00 : f32
    %broadcast_in_dim3A_110 = vector.shape_cast %get3A_7 : vector<2048x1xf32> to vector<2048x1xf32>
    %broadcast_in_dim3A_111 = vector.broadcast %broadcast_in_dim3A_110 : vector<2048x1xf32> to vector<2048x512xf32>
    %broadcast_in_dim3A_112 = vector.broadcast %jit3A_109 : f32 to vector<2048x512xf32>
    %select_n3A_113 = arith.select %eq3A_108, %broadcast_in_dim3A_111, %broadcast_in_dim3A_112 : vector<2048x512xi1>, vector<2048x512xf32>
    %eq3A_114 = vector.broadcast %get3A_4 : vector<2048x1xi32> to vector<2048x512xi32>
    %eq3A_115 = arith.cmpi eq, %eq3A_114, %add3A_106 : vector<2048x512xi32>
    %jit3A_116 = arith.constant 0.000000e+00 : f32
    %broadcast_in_dim3A_117 = vector.shape_cast %get3A_10 : vector<2048x1xf32> to vector<2048x1xf32>
    %broadcast_in_dim3A_118 = vector.broadcast %broadcast_in_dim3A_117 : vector<2048x1xf32> to vector<2048x512xf32>
    %broadcast_in_dim3A_119 = vector.broadcast %jit3A_116 : f32 to vector<2048x512xf32>
    %select_n3A_120 = arith.select %eq3A_115, %broadcast_in_dim3A_118, %broadcast_in_dim3A_119 : vector<2048x512xi1>, vector<2048x512xf32>
    %add3A_121 = arith.addf %select_n3A_113, %select_n3A_120 : vector<2048x512xf32>
    %reduce_sum3A_122 = arith.constant dense<0.000000e+00> : vector<512xf32>
    %reduce_sum3A_123 = vector.multi_reduction <add>, %add3A_121, %reduce_sum3A_122 [0] : vector<2048x512xf32> to vector<512xf32>
    %broadcast_in_dim3A_124 = vector.shape_cast %reduce_sum3A_123 : vector<512xf32> to vector<1x512xf32>
    %swap3A_125 = arith.constant 0 : index
    %swap3A_126 = arith.constant 2048 : index
    %swap3A_127 = vector.load %arg4[%swap3A_125, %swap3A_126] : memref<1x4096xf32, #tpu.memory_space<vmem>>, vector<1x512xf32>
    tpu.vector_store %arg4[%swap3A_125, %swap3A_126], %broadcast_in_dim3A_124 {strides = array<i32>} : memref<1x4096xf32, #tpu.memory_space<vmem>>, vector<1x512xf32>,
    %iota3A_128 = tpu.iota {dimensions = array<i32: 1>} : vector<2048x512xi32>
    %add3A_129 = arith.constant 2560 : i32
    %add3A_130 = vector.broadcast %add3A_129 : i32 to vector<2048x512xi32>
    %add3A_131 = arith.addi %add3A_130, %iota3A_128 : vector<2048x512xi32>
    %eq3A_132 = vector.broadcast %get3A_1 : vector<2048x1xi32> to vector<2048x512xi32>
    %eq3A_133 = arith.cmpi eq, %eq3A_132, %add3A_131 : vector<2048x512xi32>
    %jit3A_134 = arith.constant 0.000000e+00 : f32
    %broadcast_in_dim3A_135 = vector.shape_cast %get3A_7 : vector<2048x1xf32> to vector<2048x1xf32>
    %broadcast_in_dim3A_136 = vector.broadcast %broadcast_in_dim3A_135 : vector<2048x1xf32> to vector<2048x512xf32>
    %broadcast_in_dim3A_137 = vector.broadcast %jit3A_134 : f32 to vector<2048x512xf32>
    %select_n3A_138 = arith.select %eq3A_133, %broadcast_in_dim3A_136, %broadcast_in_dim3A_137 : vector<2048x512xi1>, vector<2048x512xf32>
    %eq3A_139 = vector.broadcast %get3A_4 : vector<2048x1xi32> to vector<2048x512xi32>
    %eq3A_140 = arith.cmpi eq, %eq3A_139, %add3A_131 : vector<2048x512xi32>
    %jit3A_141 = arith.constant 0.000000e+00 : f32
    %broadcast_in_dim3A_142 = vector.shape_cast %get3A_10 : vector<2048x1xf32> to vector<2048x1xf32>
    %broadcast_in_dim3A_143 = vector.broadcast %broadcast_in_dim3A_142 : vector<2048x1xf32> to vector<2048x512xf32>
    %broadcast_in_dim3A_144 = vector.broadcast %jit3A_141 : f32 to vector<2048x512xf32>
    %select_n3A_145 = arith.select %eq3A_140, %broadcast_in_dim3A_143, %broadcast_in_dim3A_144 : vector<2048x512xi1>, vector<2048x512xf32>
    %add3A_146 = arith.addf %select_n3A_138, %select_n3A_145 : vector<2048x512xf32>
    %reduce_sum3A_147 = arith.constant dense<0.000000e+00> : vector<512xf32>
    %reduce_sum3A_148 = vector.multi_reduction <add>, %add3A_146, %reduce_sum3A_147 [0] : vector<2048x512xf32> to vector<512xf32>
    %broadcast_in_dim3A_149 = vector.shape_cast %reduce_sum3A_148 : vector<512xf32> to vector<1x512xf32>
    %swap3A_150 = arith.constant 0 : index
    %swap3A_151 = arith.constant 2560 : index
    %swap3A_152 = vector.load %arg4[%swap3A_150, %swap3A_151] : memref<1x4096xf32, #tpu.memory_space<vmem>>, vector<1x512xf32>
    tpu.vector_store %arg4[%swap3A_150, %swap3A_151], %broadcast_in_dim3A_149 {strides = array<i32>} : memref<1x4096xf32, #tpu.memory_space<vmem>>, vector<1x512xf32>,
    %iota3A_153 = tpu.iota {dimensions = array<i32: 1>} : vector<2048x512xi32>
    %add3A_154 = arith.constant 3072 : i32
    %add3A_155 = vector.broadcast %add3A_154 : i32 to vector<2048x512xi32>
    %add3A_156 = arith.addi %add3A_155, %iota3A_153 : vector<2048x512xi32>
    %eq3A_157 = vector.broadcast %get3A_1 : vector<2048x1xi32> to vector<2048x512xi32>
    %eq3A_158 = arith.cmpi eq, %eq3A_157, %add3A_156 : vector<2048x512xi32>
    %jit3A_159 = arith.constant 0.000000e+00 : f32
    %broadcast_in_dim3A_160 = vector.shape_cast %get3A_7 : vector<2048x1xf32> to vector<2048x1xf32>
    %broadcast_in_dim3A_161 = vector.broadcast %broadcast_in_dim3A_160 : vector<2048x1xf32> to vector<2048x512xf32>
    %broadcast_in_dim3A_162 = vector.broadcast %jit3A_159 : f32 to vector<2048x512xf32>
    %select_n3A_163 = arith.select %eq3A_158, %broadcast_in_dim3A_161, %broadcast_in_dim3A_162 : vector<2048x512xi1>, vector<2048x512xf32>
    %eq3A_164 = vector.broadcast %get3A_4 : vector<2048x1xi32> to vector<2048x512xi32>
    %eq3A_165 = arith.cmpi eq, %eq3A_164, %add3A_156 : vector<2048x512xi32>
    %jit3A_166 = arith.constant 0.000000e+00 : f32
    %broadcast_in_dim3A_167 = vector.shape_cast %get3A_10 : vector<2048x1xf32> to vector<2048x1xf32>
    %broadcast_in_dim3A_168 = vector.broadcast %broadcast_in_dim3A_167 : vector<2048x1xf32> to vector<2048x512xf32>
    %broadcast_in_dim3A_169 = vector.broadcast %jit3A_166 : f32 to vector<2048x512xf32>
    %select_n3A_170 = arith.select %eq3A_165, %broadcast_in_dim3A_168, %broadcast_in_dim3A_169 : vector<2048x512xi1>, vector<2048x512xf32>
    %add3A_171 = arith.addf %select_n3A_163, %select_n3A_170 : vector<2048x512xf32>
    %reduce_sum3A_172 = arith.constant dense<0.000000e+00> : vector<512xf32>
    %reduce_sum3A_173 = vector.multi_reduction <add>, %add3A_171, %reduce_sum3A_172 [0] : vector<2048x512xf32> to vector<512xf32>
    %broadcast_in_dim3A_174 = vector.shape_cast %reduce_sum3A_173 : vector<512xf32> to vector<1x512xf32>
    %swap3A_175 = arith.constant 0 : index
    %swap3A_176 = arith.constant 3072 : index
    %swap3A_177 = vector.load %arg4[%swap3A_175, %swap3A_176] : memref<1x4096xf32, #tpu.memory_space<vmem>>, vector<1x512xf32>
    tpu.vector_store %arg4[%swap3A_175, %swap3A_176], %broadcast_in_dim3A_174 {strides = array<i32>} : memref<1x4096xf32, #tpu.memory_space<vmem>>, vector<1x512xf32>,
    %iota3A_178 = tpu.iota {dimensions = array<i32: 1>} : vector<2048x512xi32>
    %add3A_179 = arith.constant 3584 : i32
    %add3A_180 = vector.broadcast %add3A_179 : i32 to vector<2048x512xi32>
    %add3A_181 = arith.addi %add3A_180, %iota3A_178 : vector<2048x512xi32>
    %eq3A_182 = vector.broadcast %get3A_1 : vector<2048x1xi32> to vector<2048x512xi32>
    %eq3A_183 = arith.cmpi eq, %eq3A_182, %add3A_181 : vector<2048x512xi32>
    %jit3A_184 = arith.constant 0.000000e+00 : f32
    %broadcast_in_dim3A_185 = vector.shape_cast %get3A_7 : vector<2048x1xf32> to vector<2048x1xf32>
    %broadcast_in_dim3A_186 = vector.broadcast %broadcast_in_dim3A_185 : vector<2048x1xf32> to vector<2048x512xf32>
    %broadcast_in_dim3A_187 = vector.broadcast %jit3A_184 : f32 to vector<2048x512xf32>
    %select_n3A_188 = arith.select %eq3A_183, %broadcast_in_dim3A_186, %broadcast_in_dim3A_187 : vector<2048x512xi1>, vector<2048x512xf32>
    %eq3A_189 = vector.broadcast %get3A_4 : vector<2048x1xi32> to vector<2048x512xi32>
    %eq3A_190 = arith.cmpi eq, %eq3A_189, %add3A_181 : vector<2048x512xi32>
    %jit3A_191 = arith.constant 0.000000e+00 : f32
    %broadcast_in_dim3A_192 = vector.shape_cast %get3A_10 : vector<2048x1xf32> to vector<2048x1xf32>
    %broadcast_in_dim3A_193 = vector.broadcast %broadcast_in_dim3A_192 : vector<2048x1xf32> to vector<2048x512xf32>
    %broadcast_in_dim3A_194 = vector.broadcast %jit3A_191 : f32 to vector<2048x512xf32>
    %select_n3A_195 = arith.select %eq3A_190, %broadcast_in_dim3A_193, %broadcast_in_dim3A_194 : vector<2048x512xi1>, vector<2048x512xf32>
    %add3A_196 = arith.addf %select_n3A_188, %select_n3A_195 : vector<2048x512xf32>
    %reduce_sum3A_197 = arith.constant dense<0.000000e+00> : vector<512xf32>
    %reduce_sum3A_198 = vector.multi_reduction <add>, %add3A_196, %reduce_sum3A_197 [0] : vector<2048x512xf32> to vector<512xf32>
    %broadcast_in_dim3A_199 = vector.shape_cast %reduce_sum3A_198 : vector<512xf32> to vector<1x512xf32>
    %swap3A_200 = arith.constant 0 : index
    %swap3A_201 = arith.constant 3584 : index
    %swap3A_202 = vector.load %arg4[%swap3A_200, %swap3A_201] : memref<1x4096xf32, #tpu.memory_space<vmem>>, vector<1x512xf32>
    tpu.vector_store %arg4[%swap3A_200, %swap3A_201], %broadcast_in_dim3A_199 {strides = array<i32>} : memref<1x4096xf32, #tpu.memory_space<vmem>>, vector<1x512xf32>,
    return
  }
}

module attributes {stable_mosaic.version = 14 : i64} {
  func.func @_expert_mm_kernel(%arg0: i32, %arg1: memref<96x1xi32, #tpu.memory_space<smem>>, %arg2: memref<96x1xi32, #tpu.memory_space<smem>>, %arg3: memref<96x1xi32, #tpu.memory_space<smem>>, %arg4: memref<96x1xi32, #tpu.memory_space<smem>>, %arg5: memref<96x1xi32, #tpu.memory_space<smem>>, %arg6: memref<4096x768xf32, #tpu.memory_space<vmem>>, %arg7: memref<1x768x768xf32, #tpu.memory_space<vmem>>, %arg8: memref<1x1x768xf32, #tpu.memory_space<vmem>>, %arg9: memref<1x4096xf32, #tpu.memory_space<vmem>>, %arg10: memref<4096x768xf32, #tpu.memory_space<vmem>>) attributes {dimension_semantics = [#tpu.dimension_semantics<arbitrary>], iteration_bounds = array<i64: 96>, scalar_prefetch = 5 : i64, scratch_operands = 0 : i64, tpu.core_type = #tpu.core_type<tc>, window_params = [{pipeline_mode = #tpu.pipeline_mode<synchronous>, transform_indices = @transform_0, window_bounds = array<i64: 4096, 768>}, {transform_indices = @transform_1, window_bounds = array<i64: 1, 768, 768>}, {transform_indices = @transform_2, window_bounds = array<i64: 1, 1, 768>}, {pipeline_mode = #tpu.pipeline_mode<synchronous>, transform_indices = @transform_3, window_bounds = array<i64: 1, 4096>}, {pipeline_mode = #tpu.pipeline_mode<synchronous>, transform_indices = @transform_4, window_bounds = array<i64: 4096, 768>}]} {
    %get3A = arith.index_cast %arg0 : i32 to index
    %get3A_0 = arith.constant 0 : index
    %get3A_1 = memref.load %arg1[%get3A, %get3A_0] : memref<96x1xi32, #tpu.memory_space<smem>>
    %get3A_2 = arith.index_cast %arg0 : i32 to index
    %get3A_3 = arith.constant 0 : index
    %get3A_4 = memref.load %arg3[%get3A_2, %get3A_3] : memref<96x1xi32, #tpu.memory_space<smem>>
    %get3A_5 = arith.index_cast %arg0 : i32 to index
    %get3A_6 = arith.constant 0 : index
    %get3A_7 = memref.load %arg4[%get3A_5, %get3A_6] : memref<96x1xi32, #tpu.memory_space<smem>>
    %gt3A = arith.cmpi sgt, %get3A_7, %get3A_4 : i32
    %convert_element_type3A = arith.extui %gt3A : i1 to i32
    %cond3A = arith.constant 0 : i32
    %cond3A_8 = arith.cmpi ne, %convert_element_type3A, %cond3A : i32
    scf.if %cond3A_8 {
      %mul3A = arith.constant 128 : i32
      %mul3A_9 = arith.muli %get3A_1, %mul3A : i32
      %sub3A = arith.subi %get3A_4, %mul3A_9 : i32
      %mul3A_10 = arith.constant 128 : i32
      %mul3A_11 = arith.muli %get3A_1, %mul3A_10 : i32
      %sub3A_12 = arith.subi %get3A_7, %mul3A_11 : i32
      %iota3A = tpu.iota {dimensions = array<i32: 0>} : vector<128x1xi32>
      %ge3A = vector.broadcast %sub3A : i32 to vector<128x1xi32>
      %ge3A_13 = arith.cmpi sge, %iota3A, %ge3A : vector<128x1xi32>
      %lt3A = vector.broadcast %sub3A_12 : i32 to vector<128x1xi32>
      %lt3A_14 = arith.cmpi slt, %iota3A, %lt3A : vector<128x1xi32>
      %and3A = arith.andi %ge3A_13, %lt3A_14 : vector<128x1xi1>
      %mul3A_15 = arith.constant 128 : i32
      %mul3A_16 = arith.muli %get3A_1, %mul3A_15 : i32
      %get3A_17 = arith.index_cast %mul3A_16 : i32 to index
      %get3A_18 = arith.constant 0 : index
      %get3A_19 = vector.load %arg6[%get3A_17, %get3A_18] : memref<4096x768xf32, #tpu.memory_space<vmem>>, vector<128x768xf32>
      %jit3A = arith.constant 0.000000e+00 : f32
      %broadcast_in_dim3A = vector.shape_cast %and3A : vector<128x1xi1> to vector<128x1xi1>
      %broadcast_in_dim3A_20 = vector.broadcast %broadcast_in_dim3A : vector<128x1xi1> to vector<128x768xi1>
      %broadcast_in_dim3A_21 = vector.broadcast %jit3A : f32 to vector<128x768xf32>
      %select_n3A = arith.select %broadcast_in_dim3A_20, %get3A_19, %broadcast_in_dim3A_21 : vector<128x768xi1>, vector<128x768xf32>
      %mul3A_22 = arith.constant 128 : i32
      %mul3A_23 = arith.muli %get3A_1, %mul3A_22 : i32
      %get3A_24 = arith.constant 0 : index
      %get3A_25 = arith.index_cast %mul3A_23 : i32 to index
      %get3A_26 = vector.load %arg9[%get3A_24, %get3A_25] : memref<1x4096xf32, #tpu.memory_space<vmem>>, vector<1x128xf32>
      %iota3A_27 = tpu.iota {dimensions = array<i32: 0>} : vector<128x128xi32>
      %iota3A_28 = tpu.iota {dimensions = array<i32: 1>} : vector<128x128xi32>
      %eq3A = arith.cmpi eq, %iota3A_27, %iota3A_28 : vector<128x128xi32>
      %jit3A_29 = arith.constant 0.000000e+00 : f32
      %broadcast_in_dim3A_30 = vector.shape_cast %get3A_26 : vector<1x128xf32> to vector<1x128xf32>
      %broadcast_in_dim3A_31 = vector.broadcast %broadcast_in_dim3A_30 : vector<1x128xf32> to vector<128x128xf32>
      %broadcast_in_dim3A_32 = vector.broadcast %jit3A_29 : f32 to vector<128x128xf32>
      %select_n3A_33 = arith.select %eq3A, %broadcast_in_dim3A_31, %broadcast_in_dim3A_32 : vector<128x128xi1>, vector<128x128xf32>
      %reduce_sum3A = arith.constant dense<0.000000e+00> : vector<128xf32>
      %reduce_sum3A_34 = vector.multi_reduction <add>, %select_n3A_33, %reduce_sum3A [1] : vector<128x128xf32> to vector<128xf32>
      %broadcast_in_dim3A_35 = vector.shape_cast %reduce_sum3A_34 : vector<128xf32> to vector<128x1xf32>
      %convert_element_type3A_36 = arith.truncf %select_n3A : vector<128x768xf32> to vector<128x768xbf16>
      %get3A_37 = arith.constant 0 : index
      %get3A_38 = arith.constant 0 : index
      %get3A_39 = arith.constant 0 : index
      %get3A_40 = vector.load %arg7[%get3A_37, %get3A_38, %get3A_39] : memref<1x768x768xf32, #tpu.memory_space<vmem>>, vector<1x768x768xf32>
      %get3A_41 = vector.shape_cast %get3A_40 : vector<1x768x768xf32> to vector<768x768xf32>
      %convert_element_type3A_42 = arith.truncf %get3A_41 : vector<768x768xf32> to vector<768x768xbf16>
      %dot_general3A = arith.constant dense<0.000000e+00> : vector<128x768xf32>
      %dot_general3A_43 = tpu.matmul %convert_element_type3A_36, %convert_element_type3A_42, %dot_general3A {dimension_numbers = #tpu.dot_dimension_numbers<[1], [0], [0], [1], [0, 0, 1, 1], [], []>, transpose_lhs_hint = false} : vector<128x768xbf16>, vector<768x768xbf16>, vector<128x768xf32> -> vector<128x768xf32>
      %mul3A_44 = vector.broadcast %broadcast_in_dim3A_35 : vector<128x1xf32> to vector<128x768xf32>
      %mul3A_45 = arith.mulf %mul3A_44, %dot_general3A_43 : vector<128x768xf32>
      %get3A_46 = arith.constant 0 : index
      %get3A_47 = arith.constant 0 : index
      %get3A_48 = arith.constant 0 : index
      %get3A_49 = vector.load %arg8[%get3A_46, %get3A_47, %get3A_48] : memref<1x1x768xf32, #tpu.memory_space<vmem>>, vector<1x1x768xf32>
      %get3A_50 = vector.shape_cast %get3A_49 : vector<1x1x768xf32> to vector<1x768xf32>
      %mul3A_51 = vector.broadcast %broadcast_in_dim3A_35 : vector<128x1xf32> to vector<128x768xf32>
      %mul3A_52 = vector.broadcast %get3A_50 : vector<1x768xf32> to vector<128x768xf32>
      %mul3A_53 = arith.mulf %mul3A_51, %mul3A_52 : vector<128x768xf32>
      %jit3A_54 = arith.constant 0.000000e+00 : f32
      %broadcast_in_dim3A_55 = vector.shape_cast %and3A : vector<128x1xi1> to vector<128x1xi1>
      %broadcast_in_dim3A_56 = vector.broadcast %broadcast_in_dim3A_55 : vector<128x1xi1> to vector<128x768xi1>
      %broadcast_in_dim3A_57 = vector.broadcast %jit3A_54 : f32 to vector<128x768xf32>
      %select_n3A_58 = arith.select %broadcast_in_dim3A_56, %mul3A_53, %broadcast_in_dim3A_57 : vector<128x768xi1>, vector<128x768xf32>
      %add3A = arith.addf %mul3A_45, %select_n3A_58 : vector<128x768xf32>
      %get3A_59 = arith.index_cast %arg0 : i32 to index
      %get3A_60 = arith.constant 0 : index
      %get3A_61 = memref.load %arg5[%get3A_59, %get3A_60] : memref<96x1xi32, #tpu.memory_space<smem>>
      %gt3A_62 = arith.constant 0 : i32
      %gt3A_63 = arith.cmpi sgt, %get3A_61, %gt3A_62 : i32
      %get3A_64 = arith.index_cast %mul3A_16 : i32 to index
      %get3A_65 = arith.constant 0 : index
      %get3A_66 = vector.load %arg10[%get3A_64, %get3A_65] : memref<4096x768xf32, #tpu.memory_space<vmem>>, vector<128x768xf32>
      %add3A_67 = arith.addf %get3A_66, %add3A : vector<128x768xf32>
      %select_n3A_68 = arith.select %gt3A_63, %add3A, %add3A_67 : vector<128x768xf32>
      %swap3A = arith.index_cast %mul3A_16 : i32 to index
      %swap3A_69 = arith.constant 0 : index
      %swap3A_70 = vector.load %arg10[%swap3A, %swap3A_69] : memref<4096x768xf32, #tpu.memory_space<vmem>>, vector<128x768xf32>
      tpu.vector_store %arg10[%swap3A, %swap3A_69], %select_n3A_68 {strides = array<i32>} : memref<4096x768xf32, #tpu.memory_space<vmem>>, vector<128x768xf32>,
    } else {
    }
    return
  }
  func.func @transform_0(%arg0: i32, %arg1: memref<96x1xi32, #tpu.memory_space<smem>>, %arg2: memref<96x1xi32, #tpu.memory_space<smem>>, %arg3: memref<96x1xi32, #tpu.memory_space<smem>>, %arg4: memref<96x1xi32, #tpu.memory_space<smem>>, %arg5: memref<96x1xi32, #tpu.memory_space<smem>>) -> (i32, i32) {
    %c0_i32 = arith.constant 0 : i32
    %c0_i32_0 = arith.constant 0 : i32
    %c0_i32_1 = arith.constant 0 : i32
    return %c0_i32, %c0_i32_0 : i32, i32
  }
  func.func @transform_1(%arg0: i32, %arg1: memref<96x1xi32, #tpu.memory_space<smem>>, %arg2: memref<96x1xi32, #tpu.memory_space<smem>>, %arg3: memref<96x1xi32, #tpu.memory_space<smem>>, %arg4: memref<96x1xi32, #tpu.memory_space<smem>>, %arg5: memref<96x1xi32, #tpu.memory_space<smem>>) -> (i32, i32, i32) {
    %get3A = arith.index_cast %arg0 : i32 to index
    %get3A_0 = arith.constant 0 : index
    %get3A_1 = memref.load %arg2[%get3A, %get3A_0] : memref<96x1xi32, #tpu.memory_space<smem>>
    %c0_i32 = arith.constant 0 : i32
    %c0_i32_2 = arith.constant 0 : i32
    %c0_i32_3 = arith.constant 0 : i32
    return %get3A_1, %c0_i32, %c0_i32_2 : i32, i32, i32
  }
  func.func @transform_2(%arg0: i32, %arg1: memref<96x1xi32, #tpu.memory_space<smem>>, %arg2: memref<96x1xi32, #tpu.memory_space<smem>>, %arg3: memref<96x1xi32, #tpu.memory_space<smem>>, %arg4: memref<96x1xi32, #tpu.memory_space<smem>>, %arg5: memref<96x1xi32, #tpu.memory_space<smem>>) -> (i32, i32, i32) {
    %get3A = arith.index_cast %arg0 : i32 to index
    %get3A_0 = arith.constant 0 : index
    %get3A_1 = memref.load %arg2[%get3A, %get3A_0] : memref<96x1xi32, #tpu.memory_space<smem>>
    %c0_i32 = arith.constant 0 : i32
    %c0_i32_2 = arith.constant 0 : i32
    %c0_i32_3 = arith.constant 0 : i32
    return %get3A_1, %c0_i32, %c0_i32_2 : i32, i32, i32
  }
  func.func @transform_3(%arg0: i32, %arg1: memref<96x1xi32, #tpu.memory_space<smem>>, %arg2: memref<96x1xi32, #tpu.memory_space<smem>>, %arg3: memref<96x1xi32, #tpu.memory_space<smem>>, %arg4: memref<96x1xi32, #tpu.memory_space<smem>>, %arg5: memref<96x1xi32, #tpu.memory_space<smem>>) -> (i32, i32) {
    %c0_i32 = arith.constant 0 : i32
    %c0_i32_0 = arith.constant 0 : i32
    %c0_i32_1 = arith.constant 0 : i32
    return %c0_i32, %c0_i32_0 : i32, i32
  }
  func.func @transform_4(%arg0: i32, %arg1: memref<96x1xi32, #tpu.memory_space<smem>>, %arg2: memref<96x1xi32, #tpu.memory_space<smem>>, %arg3: memref<96x1xi32, #tpu.memory_space<smem>>, %arg4: memref<96x1xi32, #tpu.memory_space<smem>>, %arg5: memref<96x1xi32, #tpu.memory_space<smem>>) -> (i32, i32) {
    %c0_i32 = arith.constant 0 : i32
    %c0_i32_0 = arith.constant 0 : i32
    %c0_i32_1 = arith.constant 0 : i32
    return %c0_i32, %c0_i32_0 : i32, i32
  }
}

</mosaic_0001>

<sc_bundles>
// kernel: kernel.10.cloned.1.call-start
scs
__scs_entry_jumppad:
0x0: {  	(pc) =	sbr.rel $0x88, $3  }
0x1: {  	(tag) =	ssettag $0x0;
	lr =	simm.s32 $0x1  }
0x2: {  	[smem:$0x3F9D] =	sst lr;
	_ =	strace $0xD0000000  }
0x3: {  	_ = 	snop  }
0x4: {  	_ = 	snop  }
0x5: {  	_ = 	snop  }
0x6: {  	_ = 	snop  }
0x7: {  	_ = 	snop  }
__scs_overlays_trampoline_lowered:
0x8: {  	[smem:$0x3FAC] =	sst s0  }
0x9: {  	[smem:$0x3FAD] =	sst s1  }
0xa: {  	[smem:$0x3FAE] =	sst s2  }
0xb: {  	[smem:$0x3FAF] =	sst s3  }
0xc: {  	[smem:$0x3FB0] =	sst s4  }
0xd: {  	[smem:$0x3FB1] =	sst s5  }
0xe: {  	[smem:$0x3FB2] =	sst s6  }
0xf: {  	[smem:$0x3FB3] =	sst s7  }
0x10: {  	[smem:$0x3FB4] =	sst s8  }
0x11: {  	[smem:$0x3FB5] =	sst s9;
	s0 =	simm.s32 @!p0 $0x0  }
0x12: {  	s1 =	sld [smem:$0x3F9B];
	s0 =	simm.s32 @p0 $0x1  }
0x13: {  	[smem:$0x3FB6] =	sst s0;
	s0 =	simm.s32 @!p1 $0x0  }
0x14: {  	s2 =	sld [smem:$0x3F9A];
	s0 =	simm.s32 @p1 $0x1  }
0x15: {  	[smem:$0x3FB7] =	sst s0;
	s0 =	simm.s32 @!p2 $0x0  }
0x16: {  	s3 =	sld [smem:$0x3FDB];
	s0 =	simm.s32 @p2 $0x1  }
0x17: {  	s4 =	simm.s32 $0x1BF5;
	[smem:$0x3FB9] =	sst s0  }
0x18: {  	s0 =	sld [smem:$0x3F9C];
	_ =	swait.ge [sflag:s4], $0x0  }
0x19: {  	s7 =	sld [smem:$0x3F9D]  }
0x1a: {  	s8 =	sadd.s32 $0xFFFFE003, lr  }
0x1b: {  	s9 =	sadd.s32 $0xFFFFFEF7, lr;
	s5 =	simm.s32 $0xFFFFFFFF;
	p2 =	slt.u32 s8, $0xFFFFF086  }
0x1c: {  	p1 =	slt.u32 s9, $0xF7A;
	s5 =	simm.s32 @!p2 $0x0  }
0x1d: {  	s5 =	simm.s32 @p1 $0x1;
	p0 =	seq.s32 s7, s2  }
0x1e: {  	s7 =	smul.u32 @!p0 $0xF7A, s2;
	p2 =	seq.s32 @!p0 s5, $0x0  }
0x1f: {  	s9 =	smul.u32 $0xF7A, s1;
	s8 =	simm.s32 @!p0 $0x1BF5;
	p2 =	por !p2, p0  }
0x20: {  	[sflag:s8] =	ssyncset.s32 @!p0 $0xFFFFF086;
	s6 =	sadd.s32 @!p0 s3, s7;
	s7 =	simm.s32 @!p0 $0x108  }
0x21: {  	s3 =	sadd.s32 s3, s9;
	s6 =	sadd.s32 @!p0 $0x88, s6;
	s7 =	simm.s32 @p2 $0x1082  }
0x22: {  	[simem:s7], [sflag:s8] =	dma.local @!p0 [hbm:s6], $0xF7A  }
0x23: {  	s9 =	sor.u32 $0xD0000000, s2;
	s6 =	simm.s32 $0x108;
	_ =	swait.ge @!p0 [sflag:s8], $0x0  }
0x24: {  	s3 =	sadd.s32 $0x88, s3;
	s6 =	simm.s32 @!p1 $0x1082;
	[sflag:s4] =	ssyncset.s32 $0xFFFFF086  }
0x25: {  	[simem:s6], [sflag:s4] =	dma.local [hbm:s3], $0xF7A  }
0x26: {  	[smem:$0x3F9D] =	sst s1;
	(tag) =	ssettag s2;
	_ =	strace s9  }
0x27: {  	s1 =	sld [smem:$0x3FAD]  }
0x28: {  	s2 =	sld [smem:$0x3FAE]  }
0x29: {  	s4 =	sld [smem:$0x3FB0]  }
0x2a: {  	p0 =	seq.s32 s5, $0x0;
	s5 =	sld [smem:$0x3FB1]  }
0x2b: {  	s6 =	sld [smem:$0x3FB2]  }
0x2c: {  	s7 =	sld [smem:$0x3FB3]  }
0x2d: {  	s3 =	simm.s32 $0x108;
	s8 =	sld [smem:$0x3FB4]  }
0x2e: {  	s3 =	simm.s32 @!p0 $0x1082;
	s9 =	sld [smem:$0x3FB5]  }
0x2f: {  	lr =	sadd.s32 s0, s3;
	s0 =	sld [smem:$0x3FAC]  }
0x30: {  	s3 =	sld [smem:$0x3FAF]  }
0x31: {  	[smem:$0x3FB8] =	sst s10  }
0x32: {  	s10 =	sld [smem:$0x3FB6];
	_ =	sdelay $0x3  }
0x33: {  	p0 =	seq.s32 s10, $0x1;
	s10 =	sld [smem:$0x3FB8];
	_ =	sdelay $0x3  }
0x34: {  	[smem:$0x3FB8] =	sst s10  }
0x35: {  	s10 =	sld [smem:$0x3FB7];
	_ =	sdelay $0x3  }
0x36: {  	p1 =	seq.s32 s10, $0x1;
	s10 =	sld [smem:$0x3FB8];
	_ =	sdelay $0x3  }
0x37: {  	[smem:$0x3FB8] =	sst s10  }
0x38: {  	s10 =	sld [smem:$0x3FB9]  }
0x39: {  	_ = 	snop;
	(pc) =	sbr.ind lr, $3  }
0x3a: {  	_ = 	snop  }
0x3b: {  	_ = 	snop  }
0x3c: {  	p2 =	seq.s32 s10, $0x1;
	s10 =	sld [smem:$0x3FB8]  }
0x3d: {  	_ =	shalt  }
0x3e: {  	_ =	shalt  }
0x3f: {  	_ =	shalt  }
0x40: {  	_ =	shalt  }
0x41: {  	_ =	shalt  }
0x42: {  	_ =	shalt  }
0x43: {  	_ =	shalt  }
0x44: {  	_ =	shalt  }
0x45: {  	_ =	shalt  }
0x46: {  	_ =	shalt  }
0x47: {  	_ =	shalt  }
0x48: {  	_ =	shalt  }
0x49: {  	_ =	shalt  }
0x4a: {  	_ =	shalt  }
0x4b: {  	_ =	shalt  }
0x4c: {  	_ =	shalt  }
0x4d: {  	_ =	shalt  }
0x4e: {  	_ =	shalt  }
0x4f: {  	_ =	shalt  }
0x50: {  	_ =	shalt  }
0x51: {  	_ =	shalt  }
0x52: {  	_ =	shalt  }
0x53: {  	_ =	shalt  }
0x54: {  	_ =	shalt  }
0x55: {  	_ =	shalt  }
0x56: {  	_ =	shalt  }
0x57: {  	_ =	shalt  }
0x58: {  	_ =	shalt  }
0x59: {  	_ =	shalt  }
0x5a: {  	_ =	shalt  }
0x5b: {  	_ =	shalt  }
0x5c: {  	_ =	shalt  }
0x5d: {  	_ =	shalt  }
0x5e: {  	_ =	shalt  }
0x5f: {  	_ =	shalt  }
0x60: {  	_ =	shalt  }
0x61: {  	_ =	shalt  }
0x62: {  	_ =	shalt  }
0x63: {  	_ =	shalt  }
0x64: {  	_ =	shalt  }
0x65: {  	_ =	shalt  }
0x66: {  	_ =	shalt  }
0x67: {  	_ =	shalt  }
0x68: {  	_ =	shalt  }
0x69: {  	_ =	shalt  }
0x6a: {  	_ =	shalt  }
0x6b: {  	_ =	shalt  }
0x6c: {  	_ =	shalt  }
0x6d: {  	_ =	shalt  }
0x6e: {  	_ =	shalt  }
0x6f: {  	_ =	shalt  }
0x70: {  	_ =	shalt  }
0x71: {  	_ =	shalt  }
0x72: {  	_ =	shalt  }
0x73: {  	_ =	shalt  }
0x74: {  	_ =	shalt  }
0x75: {  	_ =	shalt  }
0x76: {  	_ =	shalt  }
0x77: {  	_ =	shalt  }
0x78: {  	_ =	shalt  }
0x79: {  	_ =	shalt  }
0x7a: {  	_ =	shalt  }
0x7b: {  	_ =	shalt  }
0x7c: {  	_ =	shalt  }
0x7d: {  	_ =	shalt  }
0x7e: {  	_ =	shalt  }
0x7f: {  	_ =	shalt  }
0x80: {  	_ =	shalt  }
0x81: {  	_ =	shalt  }
0x82: {  	_ =	shalt  }
0x83: {  	_ =	shalt  }
0x84: {  	_ =	shalt  }
0x85: {  	_ =	shalt  }
0x86: {  	_ =	shalt  }
0x87: {  	_ =	shalt  }
.Lfunc_end0:
.L_simem_size_0:
called_computation.1_lowered:
.L_overlay_start_0:
0x88: {  	s2 =	sld [smem:$0x3FD9]  }
0x89: {  	s3 =	sld [smem:$0x3FFE];
	_ =	sdelay $0x1  }
0x8a: {  	s1 =	srdreg.scid  }
0x8b: {  	s0 =	sand.u32 $0x1, s1  }
0x8c: {  	s14 =	sshll.u32 s0, $0xA;
	s2 =	sadd.s32 s3, s2  }
0x8d: {  	s2 =	sadd.s32 s2, s14  }
0x8e: {  	[smem:$0x3FC4] =	sst s2  }
0x8f: {  	_ = 	snop  }
0x90: {  	s2 =	sld [smem:$0x3FD0];
	_ =	sdelay $0x2  }
0x91: {  	s15 =	simm.s32 $0xA;
	s4 =	simm.s32 $0x10  }
0x92: {  	[smem:s4], [sflag:s15] =	dma.local [hbm:s2], $0x1  }
0x93: {  	_ =	swait.eq [sflag:s15], $0x1  }
0x94: {  	[sflag:s15] =	ssyncset.done $0x0  }
0x95: {  	[sflag:s15] =	ssyncadd.s32 $0xFFFFFFFF  }
0x96: {  	s16 =	sld [smem:$0x10];
	(tm) =	ssettm $0x1  }
0x97: {  	s17 =	sld [smem:$0x3FFB];
	_ =	sdelay $0x3  }
0x98: {  	_ =	strace s17  }
0x99: {  	s3 =	sld [smem:$0x3FFC];
	_ =	sdelay $0x3  }
0x9a: {  	_ =	strace s3  }
0x9b: {  	s3 =	sld [smem:$0x3FFD];
	_ =	sdelay $0x3  }
0x9c: {  	_ =	strace s3  }
0x9d: {  	_ =	strace $0x8FFFFFFF  }
0x9e: {  	s18 =	sld [smem:$0x3FDB];
	_ =	sdelay $0x1  }
0x9f: {  	s19 =	simm.s32 $_scs_section_size  }
0xa0: {  	s5 =	simm.s32 $_size__tile_overlayer_lowered;
	s6 =	simm.s32 $_tile_overlayer_lowered  }
0xa1: {  	s22 =	simm.s32 $0x1BFF;
	s21 =	sshll.u32 s6, $0x1;
	s3 =	sadd.s32 s19, s18  }
0xa2: {  	s7 =	simm.s32 $0x0;
	s20 =	sshll.u32 s5, $0x1;
	s5 =	sadd.s32 s21, s3  }
0xa3: {  	[timem:s7], [sflag:s22] =	dma.local [hbm:s5], s20  }
0xa4: {  	_ =	swait.ge [sflag:s22], s20  }
0xa5: {  	s4 =	ssub.s32 $0x0, s20;
	[sflag:s22] =	ssyncset.done $0x0  }
0xa6: {  	[sflag:s22] =	ssyncadd.s32 s4;
	_ =	sdelay $0x1  }
0xa7: {  	s23 =	simm.s32 $0x1B8B  }
0xa8: {  	_ =	swait.ge [sflag:s23], $0x1  }
0xa9: {  	[sflag:s23] =	ssyncset.done $0x0  }
0xaa: {  	s25 =	simm.s32 $0x1B8E;
	s24 =	sld [smem:$0x3FFE];
	[sflag:s23] =	ssyncadd.s32 $0xFFFFFFFF  }
0xab: {  	s26 =	simm.s32 $execute0_lowered;
	[smem:$0x3FD2] =	sst s25  }
0xac: {  	s5 =	sshll.u32 s26, $0x1;
	_ =	strace $0x80000049;
	[dreg:$0x1] =	wrdreg $0xFFFFFFFF  }
0xad: {  	s28 =	simm.s32 $_size_execute0_lowered;
	s3 =	sadd.s32 s3, s5;
	[dreg:$0x0] =	wrdreg $0x0  }
0xae: {  	s5 =	sshll.u32 s28, $0x1;
	[dreg:$0x2] =	wrdreg s3  }
0xaf: {  	[dreg:$0x3] =	wrdreg s5  }
0xb0: {  	[dreg:$0x4] =	wrdreg $0xC0  }
0xb1: {  	_ =	task [dreg:s7], $0x5FFFF  }
0xb2: {  	[dreg:$0x1] =	wrdreg $0xFFFFFFFF  }
0xb3: {  	[dreg:$0x0] =	wrdreg $0x60  }
0xb4: {  	[dreg:$0x2] =	wrdreg s24  }
0xb5: {  	[dreg:$0x3] =	wrdreg s16  }
0xb6: {  	[dreg:$0x4] =	wrdreg $0x9  }
0xb7: {  	_ =	task.clear_ibuf [dreg:s7], $0x5FFFF;
	_ =	strace $0x90000049  }
0xb8: {  	s29 =	simm.s32 $0x9;
	_ =	strace $0x8000004B  }
0xb9: {  	_ =	swait.ge [sflag:s29], $0x1  }
0xba: {  	[sflag:s29] =	ssyncadd.s32 $0xFFFFFFFF  }
0xbb: {  	_ =	strace $0x9000004B  }
0xbc: {  	_ =	sfence  }
0xbd: {  	s30 =	sld [smem:$0x0];
	_ =	sdelay $0x2  }
0xbe: {  	s31 =	sshll.u32 s1, $0xD;
	s1 =	sshrl.u32 s1, $0x2  }
0xbf: {  	s3 =	sand.u32 $0x4000, s31;
	s1 =	sadd.s32 s1, s30  }
0xc0: {  	s0 =	sor.u32 s3, s0;
	s1 =	sshll.u32 s1, $0x11  }
0xc1: {  	s0 =	sor.u32 s1, s0  }
0xc2: {  	s0 =	sadd.s32 $0x8F2B, s0  }
0xc3: {  	[sflag:s0] =	ssyncadd.remote.s32 $0x1  }
0xc4: {  	_ =	sfence.sel $0xFFFF  }
0xc5: {  	[dreg:$0x0] =	wrdreg $0xFFFFFFFF;
	(pc) =	sbr.abs _section_cstart, $3  }
0xc6: {  	[dreg:$0x1] =	wrdreg $0xFFFFFFFF  }
0xc7: {  	_ =	task.clear_ibuf [dreg:s7], $0x2FFFF;
	_ =	strace $0x9FFFFFFF  }
0xc8: {  	(tm) =	ssettm $0x7FFFFFFF  }
0xc9: {  	_ =	shalt  }
tec
execute0_lowered:
.L_overlay_start_1:
0x0: {  	(tag) =	ssettag $0x1  }
0x1: {  	s0 =	rddreg [dreg:$0x0]  }
0x2: {  	s2 =	rddreg [dreg:$0x1]  }
0x3: {  	s1 =	simm.s32 $0x0;
	s4 =	srdreg.scid;
	s6 =	stileid.u32  }
0x4: {  	s13 =	simm.s32 $0x5;
	s19 =	simm.s32 $0x14200;
	s20 =	simm.s32 $0x14A00  }
0x5: {  	s21 =	simm.s32 $0x15200;
	s22 =	simm.s32 $0x15A00;
	s23 =	simm.s32 $0x16200  }
0x6: {  	s24 =	simm.s32 $0x16A00;
	s25 =	simm.s32 $0x17200;
	s28 =	simm.s32 $0x1  }
0x7: {  	s29 =	simm.s32 $0x2;
	s30 =	simm.s32 $0x18200;
	s31 =	simm.s32 $0x3  }
0x8: {  	[smem:$0x7FF] =	sst s1;
	s3 =	sadd.s32 $0xA00, s0;
	s4 =	sand.u32 $0x1, s4  }
0x9: {  	s6 =	sshll.u32 s6, $0x4;
	s7 =	sadd.s32 $0x600, s0;
	s5 =	ssub.s32 $0x2, s4  }
0xa: {  	s9 =	sadd.s32 $0x800, s0;
	s4 =	sshll.u32 s4, $0x3;
	s8 =	sshrl.u32 s5, $0x1  }
0xb: {  	_ =	strace $0x8000004A;
	s6 =	sor.u32 s4, s6;
	s12 =	ssub.s32 s5, s8  }
0xc: {  	s4 =	sadd.s32 s7, s6;
	s5 =	sadd.s32 s9, s6;
	s26 =	sor.u32 $0x4, s6  }
0xd: {  	s10 =	smul.u32 $0x300, s6;
	s8 =	sadd.s32 $0xB00, s0;
	s6 =	sadd.s32 s7, s26  }
0xe: {  	v2 =	vlaneseq.u32;
	s7 =	sadd.s32 s9, s26;
	s11 =	smul.u32 $0x300, s26;
	s9 =	sadd.s32 $0xC00, s0  }
0xf: {  	vm0 =	vmmov $0xffff;
	v1 =	vshrl.u32 v2, $0x3;
	s12 =	smax.u32 s12, $0x1;
	s26 =	simm.s32 $0x17A00;
	s0 =	simm.s32 $0x4  }
0x10: {  	v0 =	vand.u32 $0x7, v2;
	v2 =	vor.u32 $0x8, v2;
	v1 =	vmul.u32 $0x8, v1;
	s10 =	sadd.s32 s2, s10;
	s11 =	sadd.s32 s2, s11;
	s2 =	simm.s32 $0x0  }
.LBB2_1:
0x11: {  	[tilespmem:s1], [sflag:$0x5] =	stream.linear.gather [hbm4b:s4+s1], $0x20, $0x38;
	[tilespmem:$0x1E200] =	vst v63  }
0x12: {  	_ =	swait.ge [sflag:s13], $0x20  }
0x13: {  	[sflag:s13] =	ssyncset.done $0x0  }
0x14: {  	s14 =	simm.s32 $0x80;
	[sflag:s13] =	ssyncadd.s32 $0xFFFFFFE0  }
0x15: {  	[tilespmem:s14], [sflag:$0x5] =	stream.linear.gather [hbm4b:s5+s1], $0x20, $0x38;
	[tilespmem:$0x1E200] =	vst v63  }
0x16: {  	_ =	swait.ge [sflag:s13], $0x20  }
0x17: {  	[sflag:s13] =	ssyncset.done $0x0  }
0x18: {  	s15 =	simm.s32 $0x100;
	[sflag:s13] =	ssyncadd.s32 $0xFFFFFFE0  }
0x19: {  	[tilespmem:s15], [sflag:$0x5] =	stream.linear.gather [hbm4b:s6+s1], $0x20, $0x38;
	[tilespmem:$0x1E200] =	vst v63  }
0x1a: {  	_ =	swait.ge [sflag:s13], $0x20  }
0x1b: {  	[sflag:s13] =	ssyncset.done $0x0  }
0x1c: {  	s16 =	simm.s32 $0x180;
	[sflag:s13] =	ssyncadd.s32 $0xFFFFFFE0  }
0x1d: {  	[tilespmem:s16], [sflag:$0x5] =	stream.linear.gather [hbm4b:s7+s1], $0x20, $0x38;
	[tilespmem:$0x1E200] =	vst v63  }
0x1e: {  	_ =	swait.ge [sflag:s13], $0x20  }
0x1f: {  	[sflag:s13] =	ssyncset.done $0x0  }
0x20: {  	[sflag:s13] =	ssyncadd.s32 $0xFFFFFFE0  }
0x21: {  	v3 =	vld [tilespmem:$0x0];
	_ =	sdelay $0x4  }
0x22: {  	v4 =	vshrl.u32 v3, $0x3  }
0x23: {  	v4 =	vmul.u32 $0x30, v4  }
0x24: {  	v3 =	vand.u32 $0x7, v3  }
0x25: {  	v3 =	vor.u32 v3, v4  }
0x26: {  	v4 =	vperm.xlane v3, v0;
	_ =	sdelay $0x1  }
0x27: {  	v4 =	vadd.s32 v1, v4;
	_ =	sdelay $0x3  }
0x28: {  	s17 =	simm.s32 $0x200;
	v3 =	vperm.xlane v3, v2  }
0x29: {  	[tilespmem:s17], [sflag:$0x1] =	stream.indirect_vreg.gather [hbm4b:s3+s1], $0x80, v4, vm0, $0xb8;
	[tilespmem:$0x1E200] =	vst v63  }
0x2a: {  	s18 =	simm.s32 $0xA00;
	v3 =	vadd.s32 v1, v3  }
0x2b: {  	[tilespmem:s18], [sflag:$0x1] =	stream.indirect_vreg.gather [hbm4b:s8+s1], $0x80, v4, vm0, $0xb8;
	[tilespmem:$0x1E200] =	vst v63  }
0x2c: {  	s15 =	simm.s32 $0x1200  }
0x2d: {  	[tilespmem:s15], [sflag:$0x1] =	stream.indirect_vreg.gather [hbm4b:s9+s1], $0x80, v4, vm0, $0xb8;
	[tilespmem:$0x1E200] =	vst v63  }
0x2e: {  	s16 =	simm.s32 $0x1A00  }
0x2f: {  	[tilespmem:s16], [sflag:$0x1] =	stream.indirect_vreg.gather [hbm4b:s3+s1], $0x80, v3, vm0, $0xb8;
	[tilespmem:$0x1E200] =	vst v63  }
0x30: {  	s17 =	simm.s32 $0x2200  }
0x31: {  	[tilespmem:s17], [sflag:$0x1] =	stream.indirect_vreg.gather [hbm4b:s8+s1], $0x80, v3, vm0, $0xb8;
	[tilespmem:$0x1E200] =	vst v63  }
0x32: {  	s18 =	simm.s32 $0x2A00  }
0x33: {  	[tilespmem:s18], [sflag:$0x1] =	stream.indirect_vreg.gather [hbm4b:s9+s1], $0x80, v3, vm0, $0xb8;
	[tilespmem:$0x1E200] =	vst v63  }
0x34: {  	v3 =	vld [tilespmem:$0x10];
	_ =	sdelay $0x4  }
0x35: {  	v4 =	vshrl.u32 v3, $0x3  }
0x36: {  	v4 =	vmul.u32 $0x30, v4  }
0x37: {  	v3 =	vand.u32 $0x7, v3  }
0x38: {  	v3 =	vor.u32 v3, v4  }
0x39: {  	v4 =	vperm.xlane v3, v0;
	_ =	sdelay $0x1  }
0x3a: {  	v4 =	vadd.s32 v1, v4;
	_ =	sdelay $0x3  }
0x3b: {  	s15 =	simm.s32 $0x3200;
	v3 =	vperm.xlane v3, v2  }
0x3c: {  	[tilespmem:s15], [sflag:$0x1] =	stream.indirect_vreg.gather [hbm4b:s3+s1], $0x80, v4, vm0, $0xb8;
	[tilespmem:$0x1E200] =	vst v63  }
0x3d: {  	s16 =	simm.s32 $0x3A00;
	v3 =	vadd.s32 v1, v3  }
0x3e: {  	[tilespmem:s16], [sflag:$0x1] =	stream.indirect_vreg.gather [hbm4b:s8+s1], $0x80, v4, vm0, $0xb8;
	[tilespmem:$0x1E200] =	vst v63  }
0x3f: {  	s17 =	simm.s32 $0x4200  }
0x40: {  	[tilespmem:s17], [sflag:$0x1] =	stream.indirect_vreg.gather [hbm4b:s9+s1], $0x80, v4, vm0, $0xb8;
	[tilespmem:$0x1E200] =	vst v63  }
0x41: {  	s18 =	simm.s32 $0x4A00  }
0x42: {  	[tilespmem:s18], [sflag:$0x1] =	stream.indirect_vreg.gather [hbm4b:s3+s1], $0x80, v3, vm0, $0xb8;
	[tilespmem:$0x1E200] =	vst v63  }
0x43: {  	s15 =	simm.s32 $0x5200  }
0x44: {  	[tilespmem:s15], [sflag:$0x1] =	stream.indirect_vreg.gather [hbm4b:s8+s1], $0x80, v3, vm0, $0xb8;
	[tilespmem:$0x1E200] =	vst v63  }
0x45: {  	s16 =	simm.s32 $0x5A00  }
0x46: {  	[tilespmem:s16], [sflag:$0x1] =	stream.indirect_vreg.gather [hbm4b:s9+s1], $0x80, v3, vm0, $0xb8;
	[tilespmem:$0x1E200] =	vst v63  }
0x47: {  	v3 =	vld [tilespmem:$0x80];
	_ =	sdelay $0x4  }
0x48: {  	v4 =	vshrl.u32 v3, $0x3  }
0x49: {  	v4 =	vmul.u32 $0x30, v4  }
0x4a: {  	v3 =	vand.u32 $0x7, v3  }
0x4b: {  	v3 =	vor.u32 v3, v4  }
0x4c: {  	v4 =	vperm.xlane v3, v0;
	_ =	sdelay $0x1  }
0x4d: {  	v4 =	vadd.s32 v1, v4;
	_ =	sdelay $0x3  }
0x4e: {  	s17 =	simm.s32 $0x6200;
	v3 =	vperm.xlane v3, v2  }
0x4f: {  	[tilespmem:s17], [sflag:$0x2] =	stream.indirect_vreg.gather [hbm4b:s3+s1], $0x80, v4, vm0, $0xb8;
	[tilespmem:$0x1E200] =	vst v63  }
0x50: {  	s18 =	simm.s32 $0x6A00;
	v3 =	vadd.s32 v1, v3  }
0x51: {  	[tilespmem:s18], [sflag:$0x2] =	stream.indirect_vreg.gather [hbm4b:s8+s1], $0x80, v4, vm0, $0xb8;
	[tilespmem:$0x1E200] =	vst v63  }
0x52: {  	s15 =	simm.s32 $0x7200  }
0x53: {  	[tilespmem:s15], [sflag:$0x2] =	stream.indirect_vreg.gather [hbm4b:s9+s1], $0x80, v4, vm0, $0xb8;
	[tilespmem:$0x1E200] =	vst v63  }
0x54: {  	s16 =	simm.s32 $0x7A00  }
0x55: {  	[tilespmem:s16], [sflag:$0x2] =	stream.indirect_vreg.gather [hbm4b:s3+s1], $0x80, v3, vm0, $0xb8;
	[tilespmem:$0x1E200] =	vst v63  }
0x56: {  	s17 =	simm.s32 $0x8200  }
0x57: {  	[tilespmem:s17], [sflag:$0x2] =	stream.indirect_vreg.gather [hbm4b:s8+s1], $0x80, v3, vm0, $0xb8;
	[tilespmem:$0x1E200] =	vst v63  }
0x58: {  	s18 =	simm.s32 $0x8A00  }
0x59: {  	[tilespmem:s18], [sflag:$0x2] =	stream.indirect_vreg.gather [hbm4b:s9+s1], $0x80, v3, vm0, $0xb8;
	[tilespmem:$0x1E200] =	vst v63  }
0x5a: {  	v3 =	vld [tilespmem:$0x90];
	_ =	sdelay $0x4  }
0x5b: {  	v4 =	vshrl.u32 v3, $0x3  }
0x5c: {  	v4 =	vmul.u32 $0x30, v4  }
0x5d: {  	v3 =	vand.u32 $0x7, v3  }
0x5e: {  	v3 =	vor.u32 v3, v4  }
0x5f: {  	v4 =	vperm.xlane v3, v0;
	_ =	sdelay $0x1  }
0x60: {  	v4 =	vadd.s32 v1, v4;
	_ =	sdelay $0x3  }
0x61: {  	s15 =	simm.s32 $0x9200;
	v3 =	vperm.xlane v3, v2  }
0x62: {  	[tilespmem:s15], [sflag:$0x2] =	stream.indirect_vreg.gather [hbm4b:s3+s1], $0x80, v4, vm0, $0xb8;
	[tilespmem:$0x1E200] =	vst v63  }
0x63: {  	s16 =	simm.s32 $0x9A00;
	v3 =	vadd.s32 v1, v3  }
0x64: {  	[tilespmem:s16], [sflag:$0x2] =	stream.indirect_vreg.gather [hbm4b:s8+s1], $0x80, v4, vm0, $0xb8;
	[tilespmem:$0x1E200] =	vst v63  }
0x65: {  	s17 =	simm.s32 $0xA200  }
0x66: {  	[tilespmem:s17], [sflag:$0x2] =	stream.indirect_vreg.gather [hbm4b:s9+s1], $0x80, v4, vm0, $0xb8;
	[tilespmem:$0x1E200] =	vst v63  }
0x67: {  	s18 =	simm.s32 $0xAA00  }
0x68: {  	[tilespmem:s18], [sflag:$0x2] =	stream.indirect_vreg.gather [hbm4b:s3+s1], $0x80, v3, vm0, $0xb8;
	[tilespmem:$0x1E200] =	vst v63  }
0x69: {  	s15 =	simm.s32 $0xB200  }
0x6a: {  	[tilespmem:s15], [sflag:$0x2] =	stream.indirect_vreg.gather [hbm4b:s8+s1], $0x80, v3, vm0, $0xb8;
	[tilespmem:$0x1E200] =	vst v63  }
0x6b: {  	s16 =	simm.s32 $0xBA00  }
0x6c: {  	[tilespmem:s16], [sflag:$0x2] =	stream.indirect_vreg.gather [hbm4b:s9+s1], $0x80, v3, vm0, $0xb8;
	[tilespmem:$0x1E200] =	vst v63  }
0x6d: {  	v3 =	vld [tilespmem:$0x100];
	_ =	sdelay $0x4  }
0x6e: {  	v4 =	vshrl.u32 v3, $0x3  }
0x6f: {  	v4 =	vmul.u32 $0x30, v4  }
0x70: {  	v3 =	vand.u32 $0x7, v3  }
0x71: {  	v3 =	vor.u32 v3, v4  }
0x72: {  	v4 =	vperm.xlane v3, v0;
	_ =	sdelay $0x1  }
0x73: {  	v4 =	vadd.s32 v1, v4;
	_ =	sdelay $0x3  }
0x74: {  	s17 =	simm.s32 $0xC200;
	v3 =	vperm.xlane v3, v2  }
0x75: {  	[tilespmem:s17], [sflag:$0x3] =	stream.indirect_vreg.gather [hbm4b:s3+s1], $0x80, v4, vm0, $0xb8;
	[tilespmem:$0x1E200] =	vst v63  }
0x76: {  	s18 =	simm.s32 $0xCA00;
	v3 =	vadd.s32 v1, v3  }
0x77: {  	[tilespmem:s18], [sflag:$0x3] =	stream.indirect_vreg.gather [hbm4b:s8+s1], $0x80, v4, vm0, $0xb8;
	[tilespmem:$0x1E200] =	vst v63  }
0x78: {  	s15 =	simm.s32 $0xD200  }
0x79: {  	[tilespmem:s15], [sflag:$0x3] =	stream.indirect_vreg.gather [hbm4b:s9+s1], $0x80, v4, vm0, $0xb8;
	[tilespmem:$0x1E200] =	vst v63  }
0x7a: {  	s16 =	simm.s32 $0xDA00  }
0x7b: {  	[tilespmem:s16], [sflag:$0x3] =	stream.indirect_vreg.gather [hbm4b:s3+s1], $0x80, v3, vm0, $0xb8;
	[tilespmem:$0x1E200] =	vst v63  }
0x7c: {  	s17 =	simm.s32 $0xE200  }
0x7d: {  	[tilespmem:s17], [sflag:$0x3] =	stream.indirect_vreg.gather [hbm4b:s8+s1], $0x80, v3, vm0, $0xb8;
	[tilespmem:$0x1E200] =	vst v63  }
0x7e: {  	s18 =	simm.s32 $0xEA00  }
0x7f: {  	[tilespmem:s18], [sflag:$0x3] =	stream.indirect_vreg.gather [hbm4b:s9+s1], $0x80, v3, vm0, $0xb8;
	[tilespmem:$0x1E200] =	vst v63  }
0x80: {  	v3 =	vld [tilespmem:$0x110];
	_ =	sdelay $0x4  }
0x81: {  	v4 =	vshrl.u32 v3, $0x3  }
0x82: {  	v4 =	vmul.u32 $0x30, v4  }
0x83: {  	v3 =	vand.u32 $0x7, v3  }
0x84: {  	v3 =	vor.u32 v3, v4  }
0x85: {  	v4 =	vperm.xlane v3, v0;
	_ =	sdelay $0x1  }
0x86: {  	v4 =	vadd.s32 v1, v4;
	_ =	sdelay $0x3  }
0x87: {  	s15 =	simm.s32 $0xF200;
	v3 =	vperm.xlane v3, v2  }
0x88: {  	[tilespmem:s15], [sflag:$0x3] =	stream.indirect_vreg.gather [hbm4b:s3+s1], $0x80, v4, vm0, $0xb8;
	[tilespmem:$0x1E200] =	vst v63  }
0x89: {  	s16 =	simm.s32 $0xFA00;
	v3 =	vadd.s32 v1, v3  }
0x8a: {  	[tilespmem:s16], [sflag:$0x3] =	stream.indirect_vreg.gather [hbm4b:s8+s1], $0x80, v4, vm0, $0xb8;
	[tilespmem:$0x1E200] =	vst v63  }
0x8b: {  	s17 =	simm.s32 $0x10200  }
0x8c: {  	[tilespmem:s17], [sflag:$0x3] =	stream.indirect_vreg.gather [hbm4b:s9+s1], $0x80, v4, vm0, $0xb8;
	[tilespmem:$0x1E200] =	vst v63  }
0x8d: {  	s18 =	simm.s32 $0x10A00  }
0x8e: {  	[tilespmem:s18], [sflag:$0x3] =	stream.indirect_vreg.gather [hbm4b:s3+s1], $0x80, v3, vm0, $0xb8;
	[tilespmem:$0x1E200] =	vst v63  }
0x8f: {  	s15 =	simm.s32 $0x11200  }
0x90: {  	[tilespmem:s15], [sflag:$0x3] =	stream.indirect_vreg.gather [hbm4b:s8+s1], $0x80, v3, vm0, $0xb8;
	[tilespmem:$0x1E200] =	vst v63  }
0x91: {  	s16 =	simm.s32 $0x11A00  }
0x92: {  	[tilespmem:s16], [sflag:$0x3] =	stream.indirect_vreg.gather [hbm4b:s9+s1], $0x80, v3, vm0, $0xb8;
	[tilespmem:$0x1E200] =	vst v63  }
0x93: {  	v3 =	vld [tilespmem:$0x180];
	_ =	sdelay $0x4  }
0x94: {  	v4 =	vshrl.u32 v3, $0x3  }
0x95: {  	v4 =	vmul.u32 $0x30, v4  }
0x96: {  	v3 =	vand.u32 $0x7, v3  }
0x97: {  	v3 =	vor.u32 v3, v4  }
0x98: {  	v4 =	vperm.xlane v3, v0;
	_ =	sdelay $0x1  }
0x99: {  	v4 =	vadd.s32 v1, v4;
	_ =	sdelay $0x3  }
0x9a: {  	s17 =	simm.s32 $0x12200;
	v3 =	vperm.xlane v3, v2  }
0x9b: {  	[tilespmem:s17], [sflag:$0x4] =	stream.indirect_vreg.gather [hbm4b:s3+s1], $0x80, v4, vm0, $0xb8;
	[tilespmem:$0x1E200] =	vst v63  }
0x9c: {  	s18 =	simm.s32 $0x12A00;
	v3 =	vadd.s32 v1, v3  }
0x9d: {  	[tilespmem:s18], [sflag:$0x4] =	stream.indirect_vreg.gather [hbm4b:s8+s1], $0x80, v4, vm0, $0xb8;
	[tilespmem:$0x1E200] =	vst v63  }
0x9e: {  	s15 =	simm.s32 $0x13200  }
0x9f: {  	[tilespmem:s15], [sflag:$0x4] =	stream.indirect_vreg.gather [hbm4b:s9+s1], $0x80, v4, vm0, $0xb8;
	[tilespmem:$0x1E200] =	vst v63  }
0xa0: {  	s16 =	simm.s32 $0x13A00  }
0xa1: {  	[tilespmem:s16], [sflag:$0x4] =	stream.indirect_vreg.gather [hbm4b:s3+s1], $0x80, v3, vm0, $0xb8;
	[tilespmem:$0x1E200] =	vst v63  }
0xa2: {  	_ = 	snop  }
0xa3: {  	[tilespmem:s19], [sflag:$0x4] =	stream.indirect_vreg.gather [hbm4b:s8+s1], $0x80, v3, vm0, $0xb8;
	[tilespmem:$0x1E200] =	vst v63  }
0xa4: {  	_ = 	snop  }
0xa5: {  	[tilespmem:s20], [sflag:$0x4] =	stream.indirect_vreg.gather [hbm4b:s9+s1], $0x80, v3, vm0, $0xb8;
	[tilespmem:$0x1E200] =	vst v63  }
0xa6: {  	v3 =	vld [tilespmem:$0x190];
	_ =	sdelay $0x4  }
0xa7: {  	v4 =	vshrl.u32 v3, $0x3  }
0xa8: {  	v4 =	vmul.u32 $0x30, v4  }
0xa9: {  	v3 =	vand.u32 $0x7, v3  }
0xaa: {  	v3 =	vor.u32 v3, v4  }
0xab: {  	v4 =	vperm.xlane v3, v0;
	_ =	sdelay $0x1  }
0xac: {  	v4 =	vadd.s32 v1, v4;
	_ =	sdelay $0x3  }
0xad: {  	v3 =	vperm.xlane v3, v2  }
0xae: {  	[tilespmem:s21], [sflag:$0x4] =	stream.indirect_vreg.gather [hbm4b:s3+s1], $0x80, v4, vm0, $0xb8;
	[tilespmem:$0x1E200] =	vst v63  }
0xaf: {  	v3 =	vadd.s32 v1, v3  }
0xb0: {  	[tilespmem:s22], [sflag:$0x4] =	stream.indirect_vreg.gather [hbm4b:s8+s1], $0x80, v4, vm0, $0xb8;
	[tilespmem:$0x1E200] =	vst v63  }
0xb1: {  	_ = 	snop  }
0xb2: {  	[tilespmem:s23], [sflag:$0x4] =	stream.indirect_vreg.gather [hbm4b:s9+s1], $0x80, v4, vm0, $0xb8;
	[tilespmem:$0x1E200] =	vst v63  }
0xb3: {  	_ = 	snop  }
0xb4: {  	[tilespmem:s24], [sflag:$0x4] =	stream.indirect_vreg.gather [hbm4b:s3+s1], $0x80, v3, vm0, $0xb8;
	[tilespmem:$0x1E200] =	vst v63  }
0xb5: {  	_ = 	snop  }
0xb6: {  	[tilespmem:s25], [sflag:$0x4] =	stream.indirect_vreg.gather [hbm4b:s8+s1], $0x80, v3, vm0, $0xb8;
	[tilespmem:$0x1E200] =	vst v63  }
0xb7: {  	_ = 	snop  }
0xb8: {  	[tilespmem:s26], [sflag:$0x4] =	stream.indirect_vreg.gather [hbm4b:s9+s1], $0x80, v3, vm0, $0xb8;
	[tilespmem:$0x1E200] =	vst v63  }
0xb9: {  	_ =	swait.ge [sflag:s28], $0x6000  }
0xba: {  	[sflag:s28] =	ssyncset.done $0x0  }
0xbb: {  	s17 =	simm.s32 $0x0;
	[sflag:s28] =	ssyncadd.s32 $0xFFFFA000  }
0xbc: {  	s14 =	smul.u32 $0x1800, s17;
	_ =	swait.ge [sflag:s29], $0x6000  }
0xbd: {  	s15 =	sand.u32 $0x380, s1;
	[sflag:s29] =	ssyncset.done $0x0  }
0xbe: {  	s14 =	sor.u32 s15, s14;
	[sflag:s29] =	ssyncadd.s32 $0xFFFFA000  }
0xbf: {  	v3 =	vld [tilespmem:s14+$0x1670]  }
0xc0: {  	v4 =	vld [tilespmem:s14+$0x7670]  }
0xc1: {  	v5 =	vld [tilespmem:s14+$0x200]  }
0xc2: {  	v6 =	vld [tilespmem:s14+$0x6200]  }
0xc3: {  	v7 =	vld [tilespmem:s14+$0x210]  }
0xc4: {  	v8 =	vld [tilespmem:s14+$0x6210]  }
0xc5: {  	v9 =	vld [tilespmem:s14+$0x220]  }
0xc6: {  	v10 =	vld [tilespmem:s14+$0x230]  }
0xc7: {  	v11 =	vld [tilespmem:s14+$0x7620];
	v3 =	vadd.f32 v4, v3  }
0xc8: {  	v4 =	vld [tilespmem:s14+$0x6220]  }
0xc9: {  	v5 =	vadd.f32 v6, v5;
	[tilespmem:s14+$0x19670] =	vst v3;
	v3 =	vld [tilespmem:s14+$0x6230]  }
0xca: {  	v6 =	vld [tilespmem:s14+$0x240]  }
0xcb: {  	[tilespmem:s14+$0x18200] =	vst v5;
	v5 =	vadd.f32 v8, v7;
	v7 =	vld [tilespmem:s14+$0x6240]  }
0xcc: {  	v8 =	vld [tilespmem:s14+$0x6250]  }
0xcd: {  	[tilespmem:s14+$0x18210] =	vst v5;
	v5 =	vld [tilespmem:s14+$0x250];
	v4 =	vadd.f32 v4, v9  }
0xce: {  	v9 =	vld [tilespmem:s14+$0x6260];
	v3 =	vadd.f32 v3, v10  }
0xcf: {  	[tilespmem:s14+$0x18220] =	vst v4;
	v4 =	vld [tilespmem:s14+$0x260]  }
0xd0: {  	[tilespmem:s14+$0x18230] =	vst v3;
	v3 =	vadd.f32 v7, v6;
	v6 =	vld [tilespmem:s14+$0x270]  }
0xd1: {  	v7 =	vld [tilespmem:s14+$0x6270]  }
0xd2: {  	[tilespmem:s14+$0x18240] =	vst v3;
	v3 =	vadd.f32 v8, v5;
	v5 =	vld [tilespmem:s14+$0x600]  }
0xd3: {  	v8 =	vld [tilespmem:s14+$0x6600]  }
0xd4: {  	[tilespmem:s14+$0x18250] =	vst v3;
	v3 =	vadd.f32 v9, v4;
	v4 =	vld [tilespmem:s14+$0x610]  }
0xd5: {  	v9 =	vld [tilespmem:s14+$0x6610]  }
0xd6: {  	[tilespmem:s14+$0x18260] =	vst v3;
	v3 =	vadd.f32 v7, v6;
	v6 =	vld [tilespmem:s14+$0x620]  }
0xd7: {  	v7 =	vld [tilespmem:s14+$0x6620]  }
0xd8: {  	[tilespmem:s14+$0x18270] =	vst v3;
	v3 =	vadd.f32 v8, v5;
	v5 =	vld [tilespmem:s14+$0x630]  }
0xd9: {  	v8 =	vld [tilespmem:s14+$0x6630]  }
0xda: {  	[tilespmem:s14+$0x18600] =	vst v3;
	v3 =	vadd.f32 v9, v4;
	v4 =	vld [tilespmem:s14+$0x640]  }
0xdb: {  	v9 =	vld [tilespmem:s14+$0x6640]  }
0xdc: {  	[tilespmem:s14+$0x18610] =	vst v3;
	v3 =	vadd.f32 v7, v6;
	v6 =	vld [tilespmem:s14+$0x650]  }
0xdd: {  	v7 =	vld [tilespmem:s14+$0x6650]  }
0xde: {  	[tilespmem:s14+$0x18620] =	vst v3;
	v3 =	vadd.f32 v8, v5;
	v5 =	vld [tilespmem:s14+$0x660]  }
0xdf: {  	v8 =	vld [tilespmem:s14+$0x6660]  }
0xe0: {  	[tilespmem:s14+$0x18630] =	vst v3;
	v3 =	vadd.f32 v9, v4;
	v4 =	vld [tilespmem:s14+$0x670]  }
0xe1: {  	v9 =	vld [tilespmem:s14+$0x6670]  }
0xe2: {  	[tilespmem:s14+$0x18640] =	vst v3;
	v3 =	vadd.f32 v7, v6;
	v6 =	vld [tilespmem:s14+$0xA00]  }
0xe3: {  	v7 =	vld [tilespmem:s14+$0x6A00]  }
0xe4: {  	[tilespmem:s14+$0x18650] =	vst v3;
	v3 =	vadd.f32 v8, v5;
	v5 =	vld [tilespmem:s14+$0xA10]  }
0xe5: {  	v8 =	vld [tilespmem:s14+$0x6A10]  }
0xe6: {  	[tilespmem:s14+$0x18660] =	vst v3;
	v3 =	vadd.f32 v9, v4;
	v4 =	vld [tilespmem:s14+$0xA20]  }
0xe7: {  	v9 =	vld [tilespmem:s14+$0x6A20]  }
0xe8: {  	[tilespmem:s14+$0x18670] =	vst v3;
	v3 =	vadd.f32 v7, v6;
	v6 =	vld [tilespmem:s14+$0xA30]  }
0xe9: {  	v7 =	vld [tilespmem:s14+$0x6A30]  }
0xea: {  	[tilespmem:s14+$0x18A00] =	vst v3;
	v3 =	vadd.f32 v8, v5;
	v5 =	vld [tilespmem:s14+$0xA40]  }
0xeb: {  	v8 =	vld [tilespmem:s14+$0x6A40]  }
0xec: {  	[tilespmem:s14+$0x18A10] =	vst v3;
	v3 =	vadd.f32 v9, v4;
	v4 =	vld [tilespmem:s14+$0xA50]  }
0xed: {  	v9 =	vld [tilespmem:s14+$0x6A50]  }
0xee: {  	[tilespmem:s14+$0x18A20] =	vst v3;
	v3 =	vadd.f32 v7, v6;
	v6 =	vld [tilespmem:s14+$0xA60]  }
0xef: {  	v7 =	vld [tilespmem:s14+$0x6A60]  }
0xf0: {  	[tilespmem:s14+$0x18A30] =	vst v3;
	v3 =	vadd.f32 v8, v5;
	v5 =	vld [tilespmem:s14+$0xA70]  }
0xf1: {  	v8 =	vld [tilespmem:s14+$0x6A70]  }
0xf2: {  	[tilespmem:s14+$0x18A40] =	vst v3;
	v3 =	vadd.f32 v9, v4;
	v4 =	vld [tilespmem:s14+$0xE00]  }
0xf3: {  	v9 =	vld [tilespmem:s14+$0x6E00]  }
0xf4: {  	[tilespmem:s14+$0x18A50] =	vst v3;
	v3 =	vadd.f32 v7, v6;
	v6 =	vld [tilespmem:s14+$0xE10]  }
0xf5: {  	v7 =	vld [tilespmem:s14+$0x6E10]  }
0xf6: {  	[tilespmem:s14+$0x18A60] =	vst v3;
	v3 =	vadd.f32 v8, v5;
	v5 =	vld [tilespmem:s14+$0xE20]  }
0xf7: {  	v8 =	vld [tilespmem:s14+$0x6E20]  }
0xf8: {  	[tilespmem:s14+$0x18A70] =	vst v3;
	v3 =	vadd.f32 v9, v4;
	v4 =	vld [tilespmem:s14+$0xE30]  }
0xf9: {  	v9 =	vld [tilespmem:s14+$0x6E30]  }
0xfa: {  	[tilespmem:s14+$0x18E00] =	vst v3;
	v3 =	vadd.f32 v7, v6;
	v6 =	vld [tilespmem:s14+$0xE40]  }
0xfb: {  	v7 =	vld [tilespmem:s14+$0x6E40]  }
0xfc: {  	[tilespmem:s14+$0x18E10] =	vst v3;
	v3 =	vadd.f32 v8, v5;
	v5 =	vld [tilespmem:s14+$0xE50]  }
0xfd: {  	v8 =	vld [tilespmem:s14+$0x6E50]  }
0xfe: {  	[tilespmem:s14+$0x18E20] =	vst v3;
	v3 =	vadd.f32 v9, v4;
	v4 =	vld [tilespmem:s14+$0xE60]  }
0xff: {  	v9 =	vld [tilespmem:s14+$0x6E60]  }
0x100: {  	[tilespmem:s14+$0x18E30] =	vst v3;
	v3 =	vadd.f32 v7, v6;
	v6 =	vld [tilespmem:s14+$0xE70]  }
0x101: {  	v7 =	vld [tilespmem:s14+$0x6E70]  }
0x102: {  	[tilespmem:s14+$0x18E40] =	vst v3;
	v3 =	vadd.f32 v8, v5;
	v5 =	vld [tilespmem:s14+$0x1200]  }
0x103: {  	v8 =	vld [tilespmem:s14+$0x7200]  }
0x104: {  	[tilespmem:s14+$0x18E50] =	vst v3;
	v3 =	vadd.f32 v9, v4;
	v4 =	vld [tilespmem:s14+$0x1210]  }
0x105: {  	v9 =	vld [tilespmem:s14+$0x7210]  }
0x106: {  	[tilespmem:s14+$0x18E60] =	vst v3;
	v3 =	vadd.f32 v7, v6;
	v6 =	vld [tilespmem:s14+$0x1220]  }
0x107: {  	v7 =	vld [tilespmem:s14+$0x7220]  }
0x108: {  	[tilespmem:s14+$0x18E70] =	vst v3;
	v3 =	vadd.f32 v8, v5;
	v5 =	vld [tilespmem:s14+$0x1230]  }
0x109: {  	v8 =	vld [tilespmem:s14+$0x7230]  }
0x10a: {  	[tilespmem:s14+$0x19200] =	vst v3;
	v3 =	vadd.f32 v9, v4;
	v4 =	vld [tilespmem:s14+$0x1240]  }
0x10b: {  	v9 =	vld [tilespmem:s14+$0x7240]  }
0x10c: {  	[tilespmem:s14+$0x19210] =	vst v3;
	v3 =	vadd.f32 v7, v6;
	v6 =	vld [tilespmem:s14+$0x1250]  }
0x10d: {  	v7 =	vld [tilespmem:s14+$0x7250]  }
0x10e: {  	[tilespmem:s14+$0x19220] =	vst v3;
	v3 =	vadd.f32 v8, v5;
	v5 =	vld [tilespmem:s14+$0x1260]  }
0x10f: {  	v8 =	vld [tilespmem:s14+$0x7260]  }
0x110: {  	[tilespmem:s14+$0x19230] =	vst v3;
	v3 =	vadd.f32 v9, v4;
	v4 =	vld [tilespmem:s14+$0x1270]  }
0x111: {  	v9 =	vld [tilespmem:s14+$0x7270]  }
0x112: {  	[tilespmem:s14+$0x19240] =	vst v3;
	v3 =	vadd.f32 v7, v6;
	v6 =	vld [tilespmem:s14+$0x1600]  }
0x113: {  	v7 =	vld [tilespmem:s14+$0x7600]  }
0x114: {  	v10 =	vld [tilespmem:s14+$0x7610];
	[tilespmem:s14+$0x19250] =	vst v3;
	v3 =	vadd.f32 v8, v5  }
0x115: {  	v8 =	vld [tilespmem:s14+$0x1610]  }
0x116: {  	[tilespmem:s14+$0x19260] =	vst v3;
	v3 =	vadd.f32 v9, v4;
	v9 =	vld [tilespmem:s14+$0x1620]  }
0x117: {  	v5 =	vld [tilespmem:s14+$0x1630]  }
0x118: {  	[tilespmem:s14+$0x19270] =	vst v3;
	v3 =	vadd.f32 v7, v6;
	v7 =	vld [tilespmem:s14+$0x7630]  }
0x119: {  	v6 =	vld [tilespmem:s14+$0x7640]  }
0x11a: {  	v4 =	vadd.f32 v10, v8;
	[tilespmem:s14+$0x19600] =	vst v3;
	v3 =	vld [tilespmem:s14+$0x1640]  }
0x11b: {  	s18 =	simm.s32 $0x0;
	v8 =	vld [tilespmem:s14+$0x7650];
	v9 =	vadd.f32 v11, v9  }
0x11c: {  	s17 =	smul.u32 $0x1800, s18;
	s15 =	simm.s32 $0x80;
	s16 =	simm.s32 $0x2;
	[tilespmem:s14+$0x19610] =	vst v4;
	v4 =	vld [tilespmem:s14+$0x1650]  }
.LBB2_2:
0x11d: {  	p0 =	sne.s32 s16, $0x1F;
	s18 =	sand.u32 $0x380, s15;
	[tilespmem:s14+$0x19620] =	vst v9;
	v5 =	vadd.f32 v7, v5;
	v7 =	vld [tilespmem:s14+$0x1660]  }
0x11e: {  	s17 =	sor.u32 s18, s17;
	v9 =	vld [tilespmem:s14+$0x7660]  }
0x11f: {  	v10 =	vld [tilespmem:s17+$0x1670];
	[tilespmem:s14+$0x19630] =	vst v5;
	v3 =	vadd.f32 v6, v3  }
0x120: {  	v5 =	vld [tilespmem:s17+$0x7670]  }
0x121: {  	v6 =	vld [tilespmem:s17+$0x200];
	[tilespmem:s14+$0x19640] =	vst v3;
	v3 =	vadd.f32 v8, v4  }
0x122: {  	v4 =	vld [tilespmem:s17+$0x6200]  }
0x123: {  	v8 =	vld [tilespmem:s17+$0x210];
	[tilespmem:s14+$0x19650] =	vst v3;
	v3 =	vadd.f32 v9, v7  }
0x124: {  	v7 =	vld [tilespmem:s17+$0x6210]  }
0x125: {  	v9 =	vld [tilespmem:s17+$0x220];
	v5 =	vadd.f32 v5, v10;
	[tilespmem:s14+$0x19660] =	vst v3;
	s14 =	smov.u32 s17  }
0x126: {  	v3 =	vld [tilespmem:s14+$0x6220]  }
0x127: {  	v4 =	vadd.f32 v4, v6;
	v6 =	vld [tilespmem:s14+$0x230];
	[tilespmem:s14+$0x19670] =	vst v5  }
0x128: {  	v5 =	vld [tilespmem:s14+$0x6230]  }
0x129: {  	[tilespmem:s14+$0x18200] =	vst v4;
	v4 =	vadd.f32 v7, v8;
	v7 =	vld [tilespmem:s14+$0x240]  }
0x12a: {  	v8 =	vld [tilespmem:s14+$0x6240]  }
0x12b: {  	[tilespmem:s14+$0x18210] =	vst v4;
	v3 =	vadd.f32 v3, v9;
	v4 =	vld [tilespmem:s14+$0x250]  }
0x12c: {  	v9 =	vld [tilespmem:s14+$0x6250]  }
0x12d: {  	[tilespmem:s14+$0x18220] =	vst v3;
	v3 =	vadd.f32 v5, v6;
	v5 =	vld [tilespmem:s14+$0x260]  }
0x12e: {  	v6 =	vld [tilespmem:s14+$0x6260]  }
0x12f: {  	[tilespmem:s14+$0x18230] =	vst v3;
	v3 =	vadd.f32 v8, v7;
	v7 =	vld [tilespmem:s14+$0x270]  }
0x130: {  	v8 =	vld [tilespmem:s14+$0x6270]  }
0x131: {  	[tilespmem:s14+$0x18240] =	vst v3;
	v3 =	vadd.f32 v9, v4;
	v4 =	vld [tilespmem:s14+$0x600]  }
0x132: {  	v9 =	vld [tilespmem:s14+$0x6600]  }
0x133: {  	[tilespmem:s14+$0x18250] =	vst v3;
	v3 =	vadd.f32 v6, v5;
	v5 =	vld [tilespmem:s14+$0x610]  }
0x134: {  	v6 =	vld [tilespmem:s14+$0x6610]  }
0x135: {  	[tilespmem:s14+$0x18260] =	vst v3;
	v3 =	vadd.f32 v8, v7;
	v7 =	vld [tilespmem:s14+$0x620]  }
0x136: {  	v8 =	vld [tilespmem:s14+$0x6620]  }
0x137: {  	[tilespmem:s14+$0x18270] =	vst v3;
	v3 =	vadd.f32 v9, v4;
	v4 =	vld [tilespmem:s14+$0x630]  }
0x138: {  	v9 =	vld [tilespmem:s14+$0x6630]  }
0x139: {  	[tilespmem:s14+$0x18600] =	vst v3;
	v3 =	vadd.f32 v6, v5;
	v5 =	vld [tilespmem:s14+$0x640]  }
0x13a: {  	v6 =	vld [tilespmem:s14+$0x6640]  }
0x13b: {  	[tilespmem:s14+$0x18610] =	vst v3;
	v3 =	vadd.f32 v8, v7;
	v7 =	vld [tilespmem:s14+$0x650]  }
0x13c: {  	v8 =	vld [tilespmem:s14+$0x6650]  }
0x13d: {  	[tilespmem:s14+$0x18620] =	vst v3;
	v3 =	vadd.f32 v9, v4;
	v4 =	vld [tilespmem:s14+$0x660]  }
0x13e: {  	v9 =	vld [tilespmem:s14+$0x6660]  }
0x13f: {  	[tilespmem:s14+$0x18630] =	vst v3;
	v3 =	vadd.f32 v6, v5;
	v5 =	vld [tilespmem:s14+$0x670]  }
0x140: {  	v6 =	vld [tilespmem:s14+$0x6670]  }
0x141: {  	[tilespmem:s14+$0x18640] =	vst v3;
	v3 =	vadd.f32 v8, v7;
	v7 =	vld [tilespmem:s14+$0xA00]  }
0x142: {  	v8 =	vld [tilespmem:s14+$0x6A00]  }
0x143: {  	[tilespmem:s14+$0x18650] =	vst v3;
	v3 =	vadd.f32 v9, v4;
	v4 =	vld [tilespmem:s14+$0xA10]  }
0x144: {  	v9 =	vld [tilespmem:s14+$0x6A10]  }
0x145: {  	[tilespmem:s14+$0x18660] =	vst v3;
	v3 =	vadd.f32 v6, v5;
	v5 =	vld [tilespmem:s14+$0xA20]  }
0x146: {  	v6 =	vld [tilespmem:s14+$0x6A20]  }
0x147: {  	[tilespmem:s14+$0x18670] =	vst v3;
	v3 =	vadd.f32 v8, v7;
	v7 =	vld [tilespmem:s14+$0xA30]  }
0x148: {  	v8 =	vld [tilespmem:s14+$0x6A30]  }
0x149: {  	[tilespmem:s14+$0x18A00] =	vst v3;
	v3 =	vadd.f32 v9, v4;
	v4 =	vld [tilespmem:s14+$0xA40]  }
0x14a: {  	v9 =	vld [tilespmem:s14+$0x6A40]  }
0x14b: {  	[tilespmem:s14+$0x18A10] =	vst v3;
	v3 =	vadd.f32 v6, v5;
	v5 =	vld [tilespmem:s14+$0xA50]  }
0x14c: {  	v6 =	vld [tilespmem:s14+$0x6A50]  }
0x14d: {  	[tilespmem:s14+$0x18A20] =	vst v3;
	v3 =	vadd.f32 v8, v7;
	v7 =	vld [tilespmem:s14+$0xA60]  }
0x14e: {  	v8 =	vld [tilespmem:s14+$0x6A60]  }
0x14f: {  	[tilespmem:s14+$0x18A30] =	vst v3;
	v3 =	vadd.f32 v9, v4;
	v4 =	vld [tilespmem:s14+$0xA70]  }
0x150: {  	v9 =	vld [tilespmem:s14+$0x6A70]  }
0x151: {  	[tilespmem:s14+$0x18A40] =	vst v3;
	v3 =	vadd.f32 v6, v5;
	v5 =	vld [tilespmem:s14+$0xE00]  }
0x152: {  	v6 =	vld [tilespmem:s14+$0x6E00]  }
0x153: {  	[tilespmem:s14+$0x18A50] =	vst v3;
	v3 =	vadd.f32 v8, v7;
	v7 =	vld [tilespmem:s14+$0xE10]  }
0x154: {  	v8 =	vld [tilespmem:s14+$0x6E10]  }
0x155: {  	[tilespmem:s14+$0x18A60] =	vst v3;
	v3 =	vadd.f32 v9, v4;
	v4 =	vld [tilespmem:s14+$0xE20]  }
0x156: {  	v9 =	vld [tilespmem:s14+$0x6E20]  }
0x157: {  	[tilespmem:s14+$0x18A70] =	vst v3;
	v3 =	vadd.f32 v6, v5;
	v5 =	vld [tilespmem:s14+$0xE30]  }
0x158: {  	v6 =	vld [tilespmem:s14+$0x6E30]  }
0x159: {  	[tilespmem:s14+$0x18E00] =	vst v3;
	v3 =	vadd.f32 v8, v7;
	v7 =	vld [tilespmem:s14+$0xE40]  }
0x15a: {  	v8 =	vld [tilespmem:s14+$0x6E40]  }
0x15b: {  	[tilespmem:s14+$0x18E10] =	vst v3;
	v3 =	vadd.f32 v9, v4;
	v4 =	vld [tilespmem:s14+$0xE50]  }
0x15c: {  	v9 =	vld [tilespmem:s14+$0x6E50]  }
0x15d: {  	[tilespmem:s14+$0x18E20] =	vst v3;
	v3 =	vadd.f32 v6, v5;
	v5 =	vld [tilespmem:s14+$0xE60]  }
0x15e: {  	v6 =	vld [tilespmem:s14+$0x6E60]  }
0x15f: {  	[tilespmem:s14+$0x18E30] =	vst v3;
	v3 =	vadd.f32 v8, v7;
	v7 =	vld [tilespmem:s14+$0xE70]  }
0x160: {  	v8 =	vld [tilespmem:s14+$0x6E70]  }
0x161: {  	[tilespmem:s14+$0x18E40] =	vst v3;
	v3 =	vadd.f32 v9, v4;
	v4 =	vld [tilespmem:s14+$0x1200]  }
0x162: {  	v9 =	vld [tilespmem:s14+$0x7200]  }
0x163: {  	[tilespmem:s14+$0x18E50] =	vst v3;
	v3 =	vadd.f32 v6, v5;
	v5 =	vld [tilespmem:s14+$0x1210]  }
0x164: {  	v6 =	vld [tilespmem:s14+$0x7210]  }
0x165: {  	[tilespmem:s14+$0x18E60] =	vst v3;
	v3 =	vadd.f32 v8, v7;
	v7 =	vld [tilespmem:s14+$0x1220]  }
0x166: {  	v8 =	vld [tilespmem:s14+$0x7220]  }
0x167: {  	[tilespmem:s14+$0x18E70] =	vst v3;
	v3 =	vadd.f32 v9, v4;
	v4 =	vld [tilespmem:s14+$0x1230]  }
0x168: {  	v9 =	vld [tilespmem:s14+$0x7230]  }
0x169: {  	[tilespmem:s14+$0x19200] =	vst v3;
	v3 =	vadd.f32 v6, v5;
	v5 =	vld [tilespmem:s14+$0x1240]  }
0x16a: {  	v6 =	vld [tilespmem:s14+$0x7240]  }
0x16b: {  	[tilespmem:s14+$0x19210] =	vst v3;
	v3 =	vadd.f32 v8, v7;
	v7 =	vld [tilespmem:s14+$0x1250]  }
0x16c: {  	v8 =	vld [tilespmem:s14+$0x7250]  }
0x16d: {  	[tilespmem:s14+$0x19220] =	vst v3;
	v3 =	vadd.f32 v9, v4;
	v4 =	vld [tilespmem:s14+$0x1260]  }
0x16e: {  	v9 =	vld [tilespmem:s14+$0x7260]  }
0x16f: {  	[tilespmem:s14+$0x19230] =	vst v3;
	v3 =	vadd.f32 v6, v5;
	v5 =	vld [tilespmem:s14+$0x1270]  }
0x170: {  	v6 =	vld [tilespmem:s14+$0x7270]  }
0x171: {  	[tilespmem:s14+$0x19240] =	vst v3;
	v3 =	vadd.f32 v8, v7;
	v7 =	vld [tilespmem:s14+$0x1600]  }
0x172: {  	v8 =	vld [tilespmem:s14+$0x7600]  }
0x173: {  	[tilespmem:s14+$0x19250] =	vst v3;
	v3 =	vadd.f32 v9, v4;
	v4 =	vld [tilespmem:s14+$0x1610]  }
0x174: {  	v9 =	vld [tilespmem:s14+$0x7610]  }
0x175: {  	[tilespmem:s14+$0x19260] =	vst v3;
	v3 =	vadd.f32 v6, v5;
	v10 =	vld [tilespmem:s14+$0x1620]  }
0x176: {  	v11 =	vld [tilespmem:s14+$0x7620]  }
0x177: {  	[tilespmem:s14+$0x19270] =	vst v3;
	v3 =	vadd.f32 v8, v7;
	v5 =	vld [tilespmem:s14+$0x1630]  }
.Ltmp0:
0x178: {  	v7 =	vld [tilespmem:s14+$0x7630];
	(pc) =	sbr.rel @p0 .LBB2_2-.Ltmp0, $4  }
0x179: {  	[tilespmem:s14+$0x19600] =	vst v3;
	v4 =	vadd.f32 v9, v4;
	v3 =	vld [tilespmem:s14+$0x1640]  }
0x17a: {  	v6 =	vld [tilespmem:s14+$0x7640]  }
0x17b: {  	s17 =	sshrl.u32 s16, $0x3;
	[tilespmem:s14+$0x19610] =	vst v4;
	v9 =	vadd.f32 v11, v10;
	v4 =	vld [tilespmem:s14+$0x1650]  }
0x17c: {  	s15 =	sadd.s32 $0x80, s15;
	s16 =	sadd.s32 $0x1, s16;
	s17 =	smul.u32 $0x1800, s17;
	v8 =	vld [tilespmem:s14+$0x7650]  }
0x17d: {  	[tilespmem:s14+$0x19620] =	vst v9;
	s15 =	sand.u32 $0x380, s15;
	v9 =	vld [tilespmem:s14+$0x1660];
	v5 =	vadd.f32 v7, v5  }
0x17e: {  	v7 =	vld [tilespmem:s14+$0x7660];
	s15 =	sor.u32 s15, s17  }
0x17f: {  	v10 =	vld [tilespmem:s15+$0x1670];
	[tilespmem:s14+$0x19630] =	vst v5;
	v3 =	vadd.f32 v6, v3  }
0x180: {  	v5 =	vld [tilespmem:s15+$0x7670]  }
0x181: {  	v6 =	vld [tilespmem:s15+$0x200];
	[tilespmem:s14+$0x19640] =	vst v3;
	v3 =	vadd.f32 v8, v4  }
0x182: {  	v4 =	vld [tilespmem:s15+$0x6200]  }
0x183: {  	v8 =	vld [tilespmem:s15+$0x210];
	[tilespmem:s14+$0x19650] =	vst v3;
	v3 =	vadd.f32 v7, v9  }
0x184: {  	v7 =	vld [tilespmem:s15+$0x6210]  }
0x185: {  	v9 =	vld [tilespmem:s15+$0x220];
	[tilespmem:s14+$0x19660] =	vst v3  }
0x186: {  	v3 =	vld [tilespmem:s15+$0x6220]  }
0x187: {  	v11 =	vld [tilespmem:s15+$0x230]  }
0x188: {  	v12 =	vld [tilespmem:s15+$0x6230]  }
0x189: {  	v13 =	vld [tilespmem:s15+$0x240]  }
0x18a: {  	v14 =	vld [tilespmem:s15+$0x6240]  }
0x18b: {  	v15 =	vld [tilespmem:s15+$0x250]  }
0x18c: {  	v16 =	vld [tilespmem:s15+$0x6250]  }
0x18d: {  	v17 =	vld [tilespmem:s15+$0x260]  }
0x18e: {  	v18 =	vld [tilespmem:s15+$0x6260]  }
0x18f: {  	v19 =	vld [tilespmem:s15+$0x270]  }
0x190: {  	v20 =	vld [tilespmem:s15+$0x6270]  }
0x191: {  	v21 =	vld [tilespmem:s15+$0x600]  }
0x192: {  	v22 =	vld [tilespmem:s15+$0x6600]  }
0x193: {  	v23 =	vld [tilespmem:s15+$0x610]  }
0x194: {  	v24 =	vld [tilespmem:s15+$0x6610]  }
0x195: {  	v25 =	vld [tilespmem:s15+$0x620]  }
0x196: {  	v26 =	vld [tilespmem:s15+$0x6620]  }
0x197: {  	v27 =	vld [tilespmem:s15+$0x630]  }
0x198: {  	v28 =	vld [tilespmem:s15+$0x6630]  }
0x199: {  	v29 =	vld [tilespmem:s15+$0x640]  }
0x19a: {  	v30 =	vld [tilespmem:s15+$0x6640]  }
0x19b: {  	v31 =	vld [tilespmem:s15+$0x650]  }
0x19c: {  	v32 =	vld [tilespmem:s15+$0x6650]  }
0x19d: {  	v33 =	vld [tilespmem:s15+$0x660]  }
0x19e: {  	v34 =	vld [tilespmem:s15+$0x6660]  }
0x19f: {  	v35 =	vld [tilespmem:s15+$0x670]  }
0x1a0: {  	v36 =	vld [tilespmem:s15+$0x6670]  }
0x1a1: {  	v37 =	vld [tilespmem:s15+$0xA00]  }
0x1a2: {  	v38 =	vld [tilespmem:s15+$0x6A00]  }
0x1a3: {  	v39 =	vld [tilespmem:s15+$0xA10]  }
0x1a4: {  	v40 =	vld [tilespmem:s15+$0x6A10]  }
0x1a5: {  	v41 =	vld [tilespmem:s15+$0xA20]  }
0x1a6: {  	v42 =	vld [tilespmem:s15+$0x6A20]  }
0x1a7: {  	v43 =	vld [tilespmem:s15+$0xA30]  }
0x1a8: {  	v44 =	vld [tilespmem:s15+$0x6A30]  }
0x1a9: {  	v45 =	vld [tilespmem:s15+$0xA40]  }
0x1aa: {  	v46 =	vld [tilespmem:s15+$0x6A40]  }
0x1ab: {  	v47 =	vld [tilespmem:s15+$0xA50]  }
0x1ac: {  	v48 =	vld [tilespmem:s15+$0x6A50]  }
0x1ad: {  	v49 =	vld [tilespmem:s15+$0xA60]  }
0x1ae: {  	v50 =	vld [tilespmem:s15+$0x6A60]  }
0x1af: {  	v51 =	vld [tilespmem:s15+$0xA70]  }
0x1b0: {  	v52 =	vld [tilespmem:s15+$0x6A70]  }
0x1b1: {  	v53 =	vld [tilespmem:s15+$0xE00];
	v4 =	vadd.f32 v4, v6  }
0x1b2: {  	v5 =	vadd.f32 v5, v10;
	v54 =	vld [tilespmem:s15+$0x6E00]  }
0x1b3: {  	[tilespmem:s15+$0x18200] =	vst v4;
	v4 =	vld [tilespmem:s15+$0xE30]  }
0x1b4: {  	[tilespmem:s15+$0x19670] =	vst v5;
	v5 =	vadd.f32 v7, v8;
	v8 =	vld [tilespmem:s15+$0x6E30]  }
0x1b5: {  	v55 =	vld [tilespmem:s15+$0xE10];
	v3 =	vadd.f32 v3, v9  }
0x1b6: {  	v10 =	vld [tilespmem:s15+$0x6E10];
	[tilespmem:s15+$0x18210] =	vst v5;
	v5 =	vadd.f32 v12, v11  }
0x1b7: {  	v58 =	vld [tilespmem:s15+$0xE60];
	[tilespmem:s15+$0x18220] =	vst v3;
	v3 =	vadd.f32 v14, v13  }
0x1b8: {  	v12 =	vld [tilespmem:s15+$0xE50];
	[tilespmem:s15+$0x18230] =	vst v5;
	v5 =	vadd.f32 v16, v15  }
0x1b9: {  	v13 =	vld [tilespmem:s15+$0x6E50];
	v4 =	vadd.f32 v8, v4;
	[tilespmem:s15+$0x18240] =	vst v3  }
0x1ba: {  	v59 =	vld [tilespmem:s15+$0x6E60];
	v3 =	vadd.f32 v18, v17;
	[tilespmem:s15+$0x18250] =	vst v5  }
0x1bb: {  	v60 =	vld [tilespmem:s15+$0xE70];
	v5 =	vadd.f32 v20, v19;
	[tilespmem:s15+$0x18E30] =	vst v4  }
0x1bc: {  	v61 =	vld [tilespmem:s15+$0x6E70];
	[tilespmem:s15+$0x18260] =	vst v3;
	v3 =	vadd.f32 v22, v21  }
0x1bd: {  	v62 =	vld [tilespmem:s15+$0x1200];
	[tilespmem:s15+$0x18270] =	vst v5;
	v5 =	vadd.f32 v24, v23  }
0x1be: {  	v63 =	vld [tilespmem:s15+$0x7200];
	v4 =	vadd.f32 v13, v12;
	[tilespmem:s15+$0x18600] =	vst v3  }
0x1bf: {  	v56 =	vld [tilespmem:s15+$0x7250];
	v3 =	vadd.f32 v26, v25;
	[tilespmem:s15+$0x18610] =	vst v5  }
0x1c0: {  	v57 =	vld [tilespmem:s15+$0x1260];
	v5 =	vadd.f32 v28, v27;
	[tilespmem:s15+$0x18E50] =	vst v4  }
0x1c1: {  	v6 =	vld [tilespmem:s15+$0xE20];
	[tilespmem:s15+$0x18620] =	vst v3;
	v3 =	vadd.f32 v30, v29  }
0x1c2: {  	v7 =	vld [tilespmem:s15+$0x6E20];
	v4 =	vadd.f32 v61, v60;
	[tilespmem:s15+$0x18630] =	vst v5  }
0x1c3: {  	v9 =	vld [tilespmem:s15+$0xE40];
	[tilespmem:s15+$0x18640] =	vst v3;
	v3 =	vadd.f32 v34, v33  }
0x1c4: {  	v11 =	vld [tilespmem:s15+$0x6E40];
	v5 =	vadd.f32 v32, v31;
	[tilespmem:s15+$0x18E70] =	vst v4  }
0x1c5: {  	v8 =	vld [tilespmem:s15+$0x7600];
	[tilespmem:s15+$0x18660] =	vst v3;
	v3 =	vadd.f32 v38, v37  }
0x1c6: {  	v60 =	vld [tilespmem:s15+$0x1630];
	[tilespmem:s15+$0x18650] =	vst v5;
	v5 =	vadd.f32 v36, v35  }
0x1c7: {  	v61 =	vld [tilespmem:s15+$0x7630];
	[tilespmem:s15+$0x18A00] =	vst v3;
	v3 =	vadd.f32 v42, v41  }
0x1c8: {  	v34 =	vld [tilespmem:s15+$0x1210];
	[tilespmem:s15+$0x18670] =	vst v5;
	v5 =	vadd.f32 v40, v39  }
0x1c9: {  	v36 =	vld [tilespmem:s15+$0x7210];
	[tilespmem:s15+$0x18A20] =	vst v3;
	v3 =	vadd.f32 v46, v45  }
0x1ca: {  	v38 =	vld [tilespmem:s15+$0x1220];
	[tilespmem:s15+$0x18A10] =	vst v5;
	v5 =	vadd.f32 v44, v43  }
0x1cb: {  	v40 =	vld [tilespmem:s15+$0x7220];
	[tilespmem:s15+$0x18A40] =	vst v3;
	v3 =	vadd.f32 v50, v49  }
0x1cc: {  	v42 =	vld [tilespmem:s15+$0x1230];
	[tilespmem:s15+$0x18A30] =	vst v5;
	v5 =	vadd.f32 v48, v47  }
0x1cd: {  	v44 =	vld [tilespmem:s15+$0x7230];
	[tilespmem:s15+$0x18A60] =	vst v3;
	v3 =	vadd.f32 v54, v53  }
0x1ce: {  	v46 =	vld [tilespmem:s15+$0x1240];
	[tilespmem:s15+$0x18A50] =	vst v5;
	v5 =	vadd.f32 v52, v51  }
0x1cf: {  	v48 =	vld [tilespmem:s15+$0x7240];
	[tilespmem:s15+$0x18E00] =	vst v3;
	v3 =	vadd.f32 v7, v6  }
0x1d0: {  	v50 =	vld [tilespmem:s15+$0x1250];
	[tilespmem:s15+$0x18A70] =	vst v5;
	v5 =	vadd.f32 v10, v55  }
0x1d1: {  	v10 =	vld [tilespmem:s15+$0x7260];
	[tilespmem:s15+$0x18E20] =	vst v3;
	v3 =	vadd.f32 v11, v9  }
0x1d2: {  	v4 =	vadd.f32 v36, v34;
	v6 =	vld [tilespmem:s15+$0x1270];
	[tilespmem:s15+$0x18E10] =	vst v5  }
0x1d3: {  	v5 =	vld [tilespmem:s15+$0x7270];
	[tilespmem:s15+$0x18E40] =	vst v3;
	v3 =	vadd.f32 v59, v58  }
0x1d4: {  	[tilespmem:s15+$0x19210] =	vst v4;
	v4 =	vadd.f32 v44, v42;
	v7 =	vld [tilespmem:s15+$0x1600]  }
0x1d5: {  	v9 =	vld [tilespmem:s15+$0x1610];
	[tilespmem:s15+$0x18E60] =	vst v3;
	v3 =	vadd.f32 v63, v62  }
0x1d6: {  	[tilespmem:s15+$0x19230] =	vst v4;
	v4 =	vadd.f32 v56, v50;
	v11 =	vld [tilespmem:s15+$0x7610]  }
0x1d7: {  	v58 =	vld [tilespmem:s15+$0x1620];
	[tilespmem:s15+$0x19200] =	vst v3;
	v3 =	vadd.f32 v40, v38  }
0x1d8: {  	[tilespmem:s15+$0x19250] =	vst v4;
	v59 =	vld [tilespmem:s15+$0x7620]  }
0x1d9: {  	v4 =	vadd.f32 v5, v6;
	v5 =	vld [tilespmem:s15+$0x7650];
	[tilespmem:s15+$0x19220] =	vst v3;
	v3 =	vadd.f32 v48, v46  }
0x1da: {  	v6 =	vld [tilespmem:s15+$0x1660]  }
0x1db: {  	v62 =	vld [tilespmem:s15+$0x1640];
	[tilespmem:s15+$0x19240] =	vst v3;
	v3 =	vadd.f32 v10, v57  }
0x1dc: {  	v63 =	vld [tilespmem:s15+$0x7640]  }
0x1dd: {  	v10 =	vld [tilespmem:s15+$0x1650];
	[tilespmem:s15+$0x19260] =	vst v3;
	v3 =	vadd.f32 v8, v7  }
0x1de: {  	[tilespmem:s15+$0x19270] =	vst v4;
	v4 =	vadd.f32 v11, v9;
	v7 =	vld [tilespmem:s15+$0x7660]  }
0x1df: {  	[tilespmem:s15+$0x19600] =	vst v3;
	v3 =	vadd.f32 v59, v58  }
0x1e0: {  	[tilespmem:s15+$0x19610] =	vst v4;
	v4 =	vadd.f32 v61, v60  }
0x1e1: {  	[tilespmem:s15+$0x19620] =	vst v3;
	v3 =	vadd.f32 v63, v62  }
0x1e2: {  	[tilespmem:s15+$0x19630] =	vst v4;
	v4 =	vadd.f32 v5, v10  }
0x1e3: {  	[tilespmem:s15+$0x19640] =	vst v3;
	v3 =	vadd.f32 v7, v6  }
0x1e4: {  	[tilespmem:s15+$0x19650] =	vst v4  }
0x1e5: {  	s16 =	simm.s32 $0x0;
	[tilespmem:s15+$0x19660] =	vst v3  }
0x1e6: {  	[hbm4b:s10+s16] =	stream.linear.scatter [tilespmem:s30], [sflag:$0x5], $0x6000, $0x38;
	[tilespmem:$0x1E200] =	vst v63  }
0x1e7: {  	_ =	swait.ge [sflag:s13], $0x6000  }
0x1e8: {  	[sflag:s13] =	ssyncset.done $0x0  }
0x1e9: {  	[sflag:s13] =	ssyncadd.s32 $0xFFFFA000  }
0x1ea: {  	_ =	swait.ge [sflag:s31], $0x6000  }
0x1eb: {  	[sflag:s31] =	ssyncset.done $0x0  }
0x1ec: {  	s17 =	simm.s32 $0x0;
	[sflag:s31] =	ssyncadd.s32 $0xFFFFA000  }
0x1ed: {  	s15 =	smul.u32 $0x1800, s17;
	_ =	swait.ge [sflag:s0], $0x6000  }
0x1ee: {  	s14 =	sand.u32 $0x380, s16;
	[sflag:s0] =	ssyncset.done $0x0  }
0x1ef: {  	s14 =	sor.u32 s14, s15;
	[sflag:s0] =	ssyncadd.s32 $0xFFFFA000  }
0x1f0: {  	v3 =	vld [tilespmem:s14+$0xD670]  }
0x1f1: {  	v4 =	vld [tilespmem:s14+$0x13670]  }
0x1f2: {  	v5 =	vld [tilespmem:s14+$0xC200]  }
0x1f3: {  	v6 =	vld [tilespmem:s14+$0x12200]  }
0x1f4: {  	v7 =	vld [tilespmem:s14+$0xC210]  }
0x1f5: {  	v8 =	vld [tilespmem:s14+$0x12210]  }
0x1f6: {  	v9 =	vld [tilespmem:s14+$0xC220]  }
0x1f7: {  	v10 =	vld [tilespmem:s14+$0xC230]  }
0x1f8: {  	v11 =	vld [tilespmem:s14+$0x13620];
	v3 =	vadd.f32 v4, v3  }
0x1f9: {  	v4 =	vld [tilespmem:s14+$0x12220]  }
0x1fa: {  	v5 =	vadd.f32 v6, v5;
	[tilespmem:s14+$0x19670] =	vst v3;
	v3 =	vld [tilespmem:s14+$0x12230]  }
0x1fb: {  	v6 =	vld [tilespmem:s14+$0xC240]  }
0x1fc: {  	[tilespmem:s14+$0x18200] =	vst v5;
	v5 =	vadd.f32 v8, v7;
	v7 =	vld [tilespmem:s14+$0x12240]  }
0x1fd: {  	v8 =	vld [tilespmem:s14+$0x12250]  }
0x1fe: {  	[tilespmem:s14+$0x18210] =	vst v5;
	v5 =	vld [tilespmem:s14+$0xC250];
	v4 =	vadd.f32 v4, v9  }
0x1ff: {  	v9 =	vld [tilespmem:s14+$0x12260];
	v3 =	vadd.f32 v3, v10  }
0x200: {  	[tilespmem:s14+$0x18220] =	vst v4;
	v4 =	vld [tilespmem:s14+$0xC260]  }
0x201: {  	[tilespmem:s14+$0x18230] =	vst v3;
	v3 =	vadd.f32 v7, v6;
	v6 =	vld [tilespmem:s14+$0xC270]  }
0x202: {  	v7 =	vld [tilespmem:s14+$0x12270]  }
0x203: {  	[tilespmem:s14+$0x18240] =	vst v3;
	v3 =	vadd.f32 v8, v5;
	v5 =	vld [tilespmem:s14+$0xC600]  }
0x204: {  	v8 =	vld [tilespmem:s14+$0x12600]  }
0x205: {  	[tilespmem:s14+$0x18250] =	vst v3;
	v3 =	vadd.f32 v9, v4;
	v4 =	vld [tilespmem:s14+$0xC610]  }
0x206: {  	v9 =	vld [tilespmem:s14+$0x12610]  }
0x207: {  	[tilespmem:s14+$0x18260] =	vst v3;
	v3 =	vadd.f32 v7, v6;
	v6 =	vld [tilespmem:s14+$0xC620]  }
0x208: {  	v7 =	vld [tilespmem:s14+$0x12620]  }
0x209: {  	[tilespmem:s14+$0x18270] =	vst v3;
	v3 =	vadd.f32 v8, v5;
	v5 =	vld [tilespmem:s14+$0xC630]  }
0x20a: {  	v8 =	vld [tilespmem:s14+$0x12630]  }
0x20b: {  	[tilespmem:s14+$0x18600] =	vst v3;
	v3 =	vadd.f32 v9, v4;
	v4 =	vld [tilespmem:s14+$0xC640]  }
0x20c: {  	v9 =	vld [tilespmem:s14+$0x12640]  }
0x20d: {  	[tilespmem:s14+$0x18610] =	vst v3;
	v3 =	vadd.f32 v7, v6;
	v6 =	vld [tilespmem:s14+$0xC650]  }
0x20e: {  	v7 =	vld [tilespmem:s14+$0x12650]  }
0x20f: {  	[tilespmem:s14+$0x18620] =	vst v3;
	v3 =	vadd.f32 v8, v5;
	v5 =	vld [tilespmem:s14+$0xC660]  }
0x210: {  	v8 =	vld [tilespmem:s14+$0x12660]  }
0x211: {  	[tilespmem:s14+$0x18630] =	vst v3;
	v3 =	vadd.f32 v9, v4;
	v4 =	vld [tilespmem:s14+$0xC670]  }
0x212: {  	v9 =	vld [tilespmem:s14+$0x12670]  }
0x213: {  	[tilespmem:s14+$0x18640] =	vst v3;
	v3 =	vadd.f32 v7, v6;
	v6 =	vld [tilespmem:s14+$0xCA00]  }
0x214: {  	v7 =	vld [tilespmem:s14+$0x12A00]  }
0x215: {  	[tilespmem:s14+$0x18650] =	vst v3;
	v3 =	vadd.f32 v8, v5;
	v5 =	vld [tilespmem:s14+$0xCA10]  }
0x216: {  	v8 =	vld [tilespmem:s14+$0x12A10]  }
0x217: {  	[tilespmem:s14+$0x18660] =	vst v3;
	v3 =	vadd.f32 v9, v4;
	v4 =	vld [tilespmem:s14+$0xCA20]  }
0x218: {  	v9 =	vld [tilespmem:s14+$0x12A20]  }
0x219: {  	[tilespmem:s14+$0x18670] =	vst v3;
	v3 =	vadd.f32 v7, v6;
	v6 =	vld [tilespmem:s14+$0xCA30]  }
0x21a: {  	v7 =	vld [tilespmem:s14+$0x12A30]  }
0x21b: {  	[tilespmem:s14+$0x18A00] =	vst v3;
	v3 =	vadd.f32 v8, v5;
	v5 =	vld [tilespmem:s14+$0xCA40]  }
0x21c: {  	v8 =	vld [tilespmem:s14+$0x12A40]  }
0x21d: {  	[tilespmem:s14+$0x18A10] =	vst v3;
	v3 =	vadd.f32 v9, v4;
	v4 =	vld [tilespmem:s14+$0xCA50]  }
0x21e: {  	v9 =	vld [tilespmem:s14+$0x12A50]  }
0x21f: {  	[tilespmem:s14+$0x18A20] =	vst v3;
	v3 =	vadd.f32 v7, v6;
	v6 =	vld [tilespmem:s14+$0xCA60]  }
0x220: {  	v7 =	vld [tilespmem:s14+$0x12A60]  }
0x221: {  	[tilespmem:s14+$0x18A30] =	vst v3;
	v3 =	vadd.f32 v8, v5;
	v5 =	vld [tilespmem:s14+$0xCA70]  }
0x222: {  	v8 =	vld [tilespmem:s14+$0x12A70]  }
0x223: {  	[tilespmem:s14+$0x18A40] =	vst v3;
	v3 =	vadd.f32 v9, v4;
	v4 =	vld [tilespmem:s14+$0xCE00]  }
0x224: {  	v9 =	vld [tilespmem:s14+$0x12E00]  }
0x225: {  	[tilespmem:s14+$0x18A50] =	vst v3;
	v3 =	vadd.f32 v7, v6;
	v6 =	vld [tilespmem:s14+$0xCE10]  }
0x226: {  	v7 =	vld [tilespmem:s14+$0x12E10]  }
0x227: {  	[tilespmem:s14+$0x18A60] =	vst v3;
	v3 =	vadd.f32 v8, v5;
	v5 =	vld [tilespmem:s14+$0xCE20]  }
0x228: {  	v8 =	vld [tilespmem:s14+$0x12E20]  }
0x229: {  	[tilespmem:s14+$0x18A70] =	vst v3;
	v3 =	vadd.f32 v9, v4;
	v4 =	vld [tilespmem:s14+$0xCE30]  }
0x22a: {  	v9 =	vld [tilespmem:s14+$0x12E30]  }
0x22b: {  	[tilespmem:s14+$0x18E00] =	vst v3;
	v3 =	vadd.f32 v7, v6;
	v6 =	vld [tilespmem:s14+$0xCE40]  }
0x22c: {  	v7 =	vld [tilespmem:s14+$0x12E40]  }
0x22d: {  	[tilespmem:s14+$0x18E10] =	vst v3;
	v3 =	vadd.f32 v8, v5;
	v5 =	vld [tilespmem:s14+$0xCE50]  }
0x22e: {  	v8 =	vld [tilespmem:s14+$0x12E50]  }
0x22f: {  	[tilespmem:s14+$0x18E20] =	vst v3;
	v3 =	vadd.f32 v9, v4;
	v4 =	vld [tilespmem:s14+$0xCE60]  }
0x230: {  	v9 =	vld [tilespmem:s14+$0x12E60]  }
0x231: {  	[tilespmem:s14+$0x18E30] =	vst v3;
	v3 =	vadd.f32 v7, v6;
	v6 =	vld [tilespmem:s14+$0xCE70]  }
0x232: {  	v7 =	vld [tilespmem:s14+$0x12E70]  }
0x233: {  	[tilespmem:s14+$0x18E40] =	vst v3;
	v3 =	vadd.f32 v8, v5;
	v5 =	vld [tilespmem:s14+$0xD200]  }
0x234: {  	v8 =	vld [tilespmem:s14+$0x13200]  }
0x235: {  	[tilespmem:s14+$0x18E50] =	vst v3;
	v3 =	vadd.f32 v9, v4;
	v4 =	vld [tilespmem:s14+$0xD210]  }
0x236: {  	v9 =	vld [tilespmem:s14+$0x13210]  }
0x237: {  	[tilespmem:s14+$0x18E60] =	vst v3;
	v3 =	vadd.f32 v7, v6;
	v6 =	vld [tilespmem:s14+$0xD220]  }
0x238: {  	v7 =	vld [tilespmem:s14+$0x13220]  }
0x239: {  	[tilespmem:s14+$0x18E70] =	vst v3;
	v3 =	vadd.f32 v8, v5;
	v5 =	vld [tilespmem:s14+$0xD230]  }
0x23a: {  	v8 =	vld [tilespmem:s14+$0x13230]  }
0x23b: {  	[tilespmem:s14+$0x19200] =	vst v3;
	v3 =	vadd.f32 v9, v4;
	v4 =	vld [tilespmem:s14+$0xD240]  }
0x23c: {  	v9 =	vld [tilespmem:s14+$0x13240]  }
0x23d: {  	[tilespmem:s14+$0x19210] =	vst v3;
	v3 =	vadd.f32 v7, v6;
	v6 =	vld [tilespmem:s14+$0xD250]  }
0x23e: {  	v7 =	vld [tilespmem:s14+$0x13250]  }
0x23f: {  	[tilespmem:s14+$0x19220] =	vst v3;
	v3 =	vadd.f32 v8, v5;
	v5 =	vld [tilespmem:s14+$0xD260]  }
0x240: {  	v8 =	vld [tilespmem:s14+$0x13260]  }
0x241: {  	[tilespmem:s14+$0x19230] =	vst v3;
	v3 =	vadd.f32 v9, v4;
	v4 =	vld [tilespmem:s14+$0xD270]  }
0x242: {  	v9 =	vld [tilespmem:s14+$0x13270]  }
0x243: {  	[tilespmem:s14+$0x19240] =	vst v3;
	v3 =	vadd.f32 v7, v6;
	v6 =	vld [tilespmem:s14+$0xD600]  }
0x244: {  	v7 =	vld [tilespmem:s14+$0x13600]  }
0x245: {  	v10 =	vld [tilespmem:s14+$0x13610];
	[tilespmem:s14+$0x19250] =	vst v3;
	v3 =	vadd.f32 v8, v5  }
0x246: {  	v8 =	vld [tilespmem:s14+$0xD610]  }
0x247: {  	[tilespmem:s14+$0x19260] =	vst v3;
	v3 =	vadd.f32 v9, v4;
	v9 =	vld [tilespmem:s14+$0xD620]  }
0x248: {  	v5 =	vld [tilespmem:s14+$0xD630]  }
0x249: {  	[tilespmem:s14+$0x19270] =	vst v3;
	v3 =	vadd.f32 v7, v6;
	v7 =	vld [tilespmem:s14+$0x13630]  }
0x24a: {  	v6 =	vld [tilespmem:s14+$0x13640]  }
0x24b: {  	v4 =	vadd.f32 v10, v8;
	[tilespmem:s14+$0x19600] =	vst v3;
	v3 =	vld [tilespmem:s14+$0xD640]  }
0x24c: {  	s18 =	simm.s32 $0x0;
	v8 =	vld [tilespmem:s14+$0x13650];
	v9 =	vadd.f32 v11, v9  }
0x24d: {  	s17 =	smul.u32 $0x1800, s18;
	s16 =	simm.s32 $0x2;
	s15 =	simm.s32 $0x80;
	[tilespmem:s14+$0x19610] =	vst v4;
	v4 =	vld [tilespmem:s14+$0xD650]  }
.LBB2_4:
0x24e: {  	p0 =	sne.s32 s16, $0x1F;
	s18 =	sand.u32 $0x380, s15;
	[tilespmem:s14+$0x19620] =	vst v9;
	v5 =	vadd.f32 v7, v5;
	v7 =	vld [tilespmem:s14+$0xD660]  }
0x24f: {  	s17 =	sor.u32 s18, s17;
	v9 =	vld [tilespmem:s14+$0x13660]  }
0x250: {  	v10 =	vld [tilespmem:s17+$0xD670];
	[tilespmem:s14+$0x19630] =	vst v5;
	v3 =	vadd.f32 v6, v3  }
0x251: {  	v5 =	vld [tilespmem:s17+$0x13670]  }
0x252: {  	v6 =	vld [tilespmem:s17+$0xC200];
	[tilespmem:s14+$0x19640] =	vst v3;
	v3 =	vadd.f32 v8, v4  }
0x253: {  	v4 =	vld [tilespmem:s17+$0x12200]  }
0x254: {  	v8 =	vld [tilespmem:s17+$0xC210];
	[tilespmem:s14+$0x19650] =	vst v3;
	v3 =	vadd.f32 v9, v7  }
0x255: {  	v7 =	vld [tilespmem:s17+$0x12210]  }
0x256: {  	v9 =	vld [tilespmem:s17+$0xC220];
	v5 =	vadd.f32 v5, v10;
	[tilespmem:s14+$0x19660] =	vst v3;
	s14 =	smov.u32 s17  }
0x257: {  	v3 =	vld [tilespmem:s14+$0x12220]  }
0x258: {  	v4 =	vadd.f32 v4, v6;
	v6 =	vld [tilespmem:s14+$0xC230];
	[tilespmem:s14+$0x19670] =	vst v5  }
0x259: {  	v5 =	vld [tilespmem:s14+$0x12230]  }
0x25a: {  	[tilespmem:s14+$0x18200] =	vst v4;
	v4 =	vadd.f32 v7, v8;
	v7 =	vld [tilespmem:s14+$0xC240]  }
0x25b: {  	v8 =	vld [tilespmem:s14+$0x12240]  }
0x25c: {  	[tilespmem:s14+$0x18210] =	vst v4;
	v3 =	vadd.f32 v3, v9;
	v4 =	vld [tilespmem:s14+$0xC250]  }
0x25d: {  	v9 =	vld [tilespmem:s14+$0x12250]  }
0x25e: {  	[tilespmem:s14+$0x18220] =	vst v3;
	v3 =	vadd.f32 v5, v6;
	v5 =	vld [tilespmem:s14+$0xC260]  }
0x25f: {  	v6 =	vld [tilespmem:s14+$0x12260]  }
0x260: {  	[tilespmem:s14+$0x18230] =	vst v3;
	v3 =	vadd.f32 v8, v7;
	v7 =	vld [tilespmem:s14+$0xC270]  }
0x261: {  	v8 =	vld [tilespmem:s14+$0x12270]  }
0x262: {  	[tilespmem:s14+$0x18240] =	vst v3;
	v3 =	vadd.f32 v9, v4;
	v4 =	vld [tilespmem:s14+$0xC600]  }
0x263: {  	v9 =	vld [tilespmem:s14+$0x12600]  }
0x264: {  	[tilespmem:s14+$0x18250] =	vst v3;
	v3 =	vadd.f32 v6, v5;
	v5 =	vld [tilespmem:s14+$0xC610]  }
0x265: {  	v6 =	vld [tilespmem:s14+$0x12610]  }
0x266: {  	[tilespmem:s14+$0x18260] =	vst v3;
	v3 =	vadd.f32 v8, v7;
	v7 =	vld [tilespmem:s14+$0xC620]  }
0x267: {  	v8 =	vld [tilespmem:s14+$0x12620]  }
0x268: {  	[tilespmem:s14+$0x18270] =	vst v3;
	v3 =	vadd.f32 v9, v4;
	v4 =	vld [tilespmem:s14+$0xC630]  }
0x269: {  	v9 =	vld [tilespmem:s14+$0x12630]  }
0x26a: {  	[tilespmem:s14+$0x18600] =	vst v3;
	v3 =	vadd.f32 v6, v5;
	v5 =	vld [tilespmem:s14+$0xC640]  }
0x26b: {  	v6 =	vld [tilespmem:s14+$0x12640]  }
0x26c: {  	[tilespmem:s14+$0x18610] =	vst v3;
	v3 =	vadd.f32 v8, v7;
	v7 =	vld [tilespmem:s14+$0xC650]  }
0x26d: {  	v8 =	vld [tilespmem:s14+$0x12650]  }
0x26e: {  	[tilespmem:s14+$0x18620] =	vst v3;
	v3 =	vadd.f32 v9, v4;
	v4 =	vld [tilespmem:s14+$0xC660]  }
0x26f: {  	v9 =	vld [tilespmem:s14+$0x12660]  }
0x270: {  	[tilespmem:s14+$0x18630] =	vst v3;
	v3 =	vadd.f32 v6, v5;
	v5 =	vld [tilespmem:s14+$0xC670]  }
0x271: {  	v6 =	vld [tilespmem:s14+$0x12670]  }
0x272: {  	[tilespmem:s14+$0x18640] =	vst v3;
	v3 =	vadd.f32 v8, v7;
	v7 =	vld [tilespmem:s14+$0xCA00]  }
0x273: {  	v8 =	vld [tilespmem:s14+$0x12A00]  }
0x274: {  	[tilespmem:s14+$0x18650] =	vst v3;
	v3 =	vadd.f32 v9, v4;
	v4 =	vld [tilespmem:s14+$0xCA10]  }
0x275: {  	v9 =	vld [tilespmem:s14+$0x12A10]  }
0x276: {  	[tilespmem:s14+$0x18660] =	vst v3;
	v3 =	vadd.f32 v6, v5;
	v5 =	vld [tilespmem:s14+$0xCA20]  }
0x277: {  	v6 =	vld [tilespmem:s14+$0x12A20]  }
0x278: {  	[tilespmem:s14+$0x18670] =	vst v3;
	v3 =	vadd.f32 v8, v7;
	v7 =	vld [tilespmem:s14+$0xCA30]  }
0x279: {  	v8 =	vld [tilespmem:s14+$0x12A30]  }
0x27a: {  	[tilespmem:s14+$0x18A00] =	vst v3;
	v3 =	vadd.f32 v9, v4;
	v4 =	vld [tilespmem:s14+$0xCA40]  }
0x27b: {  	v9 =	vld [tilespmem:s14+$0x12A40]  }
0x27c: {  	[tilespmem:s14+$0x18A10] =	vst v3;
	v3 =	vadd.f32 v6, v5;
	v5 =	vld [tilespmem:s14+$0xCA50]  }
0x27d: {  	v6 =	vld [tilespmem:s14+$0x12A50]  }
0x27e: {  	[tilespmem:s14+$0x18A20] =	vst v3;
	v3 =	vadd.f32 v8, v7;
	v7 =	vld [tilespmem:s14+$0xCA60]  }
0x27f: {  	v8 =	vld [tilespmem:s14+$0x12A60]  }
0x280: {  	[tilespmem:s14+$0x18A30] =	vst v3;
	v3 =	vadd.f32 v9, v4;
	v4 =	vld [tilespmem:s14+$0xCA70]  }
0x281: {  	v9 =	vld [tilespmem:s14+$0x12A70]  }
0x282: {  	[tilespmem:s14+$0x18A40] =	vst v3;
	v3 =	vadd.f32 v6, v5;
	v5 =	vld [tilespmem:s14+$0xCE00]  }
0x283: {  	v6 =	vld [tilespmem:s14+$0x12E00]  }
0x284: {  	[tilespmem:s14+$0x18A50] =	vst v3;
	v3 =	vadd.f32 v8, v7;
	v7 =	vld [tilespmem:s14+$0xCE10]  }
0x285: {  	v8 =	vld [tilespmem:s14+$0x12E10]  }
0x286: {  	[tilespmem:s14+$0x18A60] =	vst v3;
	v3 =	vadd.f32 v9, v4;
	v4 =	vld [tilespmem:s14+$0xCE20]  }
0x287: {  	v9 =	vld [tilespmem:s14+$0x12E20]  }
0x288: {  	[tilespmem:s14+$0x18A70] =	vst v3;
	v3 =	vadd.f32 v6, v5;
	v5 =	vld [tilespmem:s14+$0xCE30]  }
0x289: {  	v6 =	vld [tilespmem:s14+$0x12E30]  }
0x28a: {  	[tilespmem:s14+$0x18E00] =	vst v3;
	v3 =	vadd.f32 v8, v7;
	v7 =	vld [tilespmem:s14+$0xCE40]  }
0x28b: {  	v8 =	vld [tilespmem:s14+$0x12E40]  }
0x28c: {  	[tilespmem:s14+$0x18E10] =	vst v3;
	v3 =	vadd.f32 v9, v4;
	v4 =	vld [tilespmem:s14+$0xCE50]  }
0x28d: {  	v9 =	vld [tilespmem:s14+$0x12E50]  }
0x28e: {  	[tilespmem:s14+$0x18E20] =	vst v3;
	v3 =	vadd.f32 v6, v5;
	v5 =	vld [tilespmem:s14+$0xCE60]  }
0x28f: {  	v6 =	vld [tilespmem:s14+$0x12E60]  }
0x290: {  	[tilespmem:s14+$0x18E30] =	vst v3;
	v3 =	vadd.f32 v8, v7;
	v7 =	vld [tilespmem:s14+$0xCE70]  }
0x291: {  	v8 =	vld [tilespmem:s14+$0x12E70]  }
0x292: {  	[tilespmem:s14+$0x18E40] =	vst v3;
	v3 =	vadd.f32 v9, v4;
	v4 =	vld [tilespmem:s14+$0xD200]  }
0x293: {  	v9 =	vld [tilespmem:s14+$0x13200]  }
0x294: {  	[tilespmem:s14+$0x18E50] =	vst v3;
	v3 =	vadd.f32 v6, v5;
	v5 =	vld [tilespmem:s14+$0xD210]  }
0x295: {  	v6 =	vld [tilespmem:s14+$0x13210]  }
0x296: {  	[tilespmem:s14+$0x18E60] =	vst v3;
	v3 =	vadd.f32 v8, v7;
	v7 =	vld [tilespmem:s14+$0xD220]  }
0x297: {  	v8 =	vld [tilespmem:s14+$0x13220]  }
0x298: {  	[tilespmem:s14+$0x18E70] =	vst v3;
	v3 =	vadd.f32 v9, v4;
	v4 =	vld [tilespmem:s14+$0xD230]  }
0x299: {  	v9 =	vld [tilespmem:s14+$0x13230]  }
0x29a: {  	[tilespmem:s14+$0x19200] =	vst v3;
	v3 =	vadd.f32 v6, v5;
	v5 =	vld [tilespmem:s14+$0xD240]  }
0x29b: {  	v6 =	vld [tilespmem:s14+$0x13240]  }
0x29c: {  	[tilespmem:s14+$0x19210] =	vst v3;
	v3 =	vadd.f32 v8, v7;
	v7 =	vld [tilespmem:s14+$0xD250]  }
0x29d: {  	v8 =	vld [tilespmem:s14+$0x13250]  }
0x29e: {  	[tilespmem:s14+$0x19220] =	vst v3;
	v3 =	vadd.f32 v9, v4;
	v4 =	vld [tilespmem:s14+$0xD260]  }
0x29f: {  	v9 =	vld [tilespmem:s14+$0x13260]  }
0x2a0: {  	[tilespmem:s14+$0x19230] =	vst v3;
	v3 =	vadd.f32 v6, v5;
	v5 =	vld [tilespmem:s14+$0xD270]  }
0x2a1: {  	v6 =	vld [tilespmem:s14+$0x13270]  }
0x2a2: {  	[tilespmem:s14+$0x19240] =	vst v3;
	v3 =	vadd.f32 v8, v7;
	v7 =	vld [tilespmem:s14+$0xD600]  }
0x2a3: {  	v8 =	vld [tilespmem:s14+$0x13600]  }
0x2a4: {  	[tilespmem:s14+$0x19250] =	vst v3;
	v3 =	vadd.f32 v9, v4;
	v4 =	vld [tilespmem:s14+$0xD610]  }
0x2a5: {  	v9 =	vld [tilespmem:s14+$0x13610]  }
0x2a6: {  	[tilespmem:s14+$0x19260] =	vst v3;
	v3 =	vadd.f32 v6, v5;
	v10 =	vld [tilespmem:s14+$0xD620]  }
0x2a7: {  	v11 =	vld [tilespmem:s14+$0x13620]  }
0x2a8: {  	[tilespmem:s14+$0x19270] =	vst v3;
	v3 =	vadd.f32 v8, v7;
	v5 =	vld [tilespmem:s14+$0xD630]  }
.Ltmp1:
0x2a9: {  	v7 =	vld [tilespmem:s14+$0x13630];
	(pc) =	sbr.rel @p0 .LBB2_4-.Ltmp1, $4  }
0x2aa: {  	[tilespmem:s14+$0x19600] =	vst v3;
	v4 =	vadd.f32 v9, v4;
	v3 =	vld [tilespmem:s14+$0xD640]  }
0x2ab: {  	v6 =	vld [tilespmem:s14+$0x13640]  }
0x2ac: {  	s17 =	sshrl.u32 s16, $0x3;
	[tilespmem:s14+$0x19610] =	vst v4;
	v9 =	vadd.f32 v11, v10;
	v4 =	vld [tilespmem:s14+$0xD650]  }
0x2ad: {  	s15 =	sadd.s32 $0x80, s15;
	s16 =	sadd.s32 $0x1, s16;
	s17 =	smul.u32 $0x1800, s17;
	v8 =	vld [tilespmem:s14+$0x13650]  }
0x2ae: {  	s15 =	sand.u32 $0x380, s15;
	v56 =	vld [tilespmem:s14+$0xD660];
	v5 =	vadd.f32 v7, v5  }
0x2af: {  	[tilespmem:s14+$0x19620] =	vst v9;
	v57 =	vld [tilespmem:s14+$0x13660];
	s15 =	sor.u32 s15, s17  }
0x2b0: {  	v10 =	vld [tilespmem:s15+$0xD670];
	[tilespmem:s14+$0x19630] =	vst v5;
	v3 =	vadd.f32 v6, v3  }
0x2b1: {  	v5 =	vld [tilespmem:s15+$0x13670]  }
0x2b2: {  	v58 =	vld [tilespmem:s15+$0xC200];
	[tilespmem:s14+$0x19640] =	vst v3;
	v3 =	vadd.f32 v8, v4  }
0x2b3: {  	v59 =	vld [tilespmem:s15+$0x12200]  }
0x2b4: {  	v60 =	vld [tilespmem:s15+$0xC210];
	[tilespmem:s14+$0x19650] =	vst v3;
	v3 =	vadd.f32 v57, v56  }
0x2b5: {  	v61 =	vld [tilespmem:s15+$0x12210]  }
0x2b6: {  	v62 =	vld [tilespmem:s15+$0xC220];
	[tilespmem:s14+$0x19660] =	vst v3  }
0x2b7: {  	v3 =	vld [tilespmem:s15+$0x12220]  }
0x2b8: {  	v11 =	vld [tilespmem:s15+$0xC230]  }
0x2b9: {  	v12 =	vld [tilespmem:s15+$0x12230]  }
0x2ba: {  	v13 =	vld [tilespmem:s15+$0xC240]  }
0x2bb: {  	v14 =	vld [tilespmem:s15+$0x12240]  }
0x2bc: {  	v15 =	vld [tilespmem:s15+$0xC250]  }
0x2bd: {  	v16 =	vld [tilespmem:s15+$0x12250]  }
0x2be: {  	v17 =	vld [tilespmem:s15+$0xC260]  }
0x2bf: {  	v18 =	vld [tilespmem:s15+$0x12260]  }
0x2c0: {  	v19 =	vld [tilespmem:s15+$0xC270]  }
0x2c1: {  	v20 =	vld [tilespmem:s15+$0x12270]  }
0x2c2: {  	v21 =	vld [tilespmem:s15+$0xC600]  }
0x2c3: {  	v22 =	vld [tilespmem:s15+$0x12600]  }
0x2c4: {  	v23 =	vld [tilespmem:s15+$0xC610]  }
0x2c5: {  	v24 =	vld [tilespmem:s15+$0x12610]  }
0x2c6: {  	v25 =	vld [tilespmem:s15+$0xC620]  }
0x2c7: {  	v26 =	vld [tilespmem:s15+$0x12620]  }
0x2c8: {  	v27 =	vld [tilespmem:s15+$0xC630]  }
0x2c9: {  	v28 =	vld [tilespmem:s15+$0x12630]  }
0x2ca: {  	v29 =	vld [tilespmem:s15+$0xC640]  }
0x2cb: {  	v30 =	vld [tilespmem:s15+$0x12640]  }
0x2cc: {  	v31 =	vld [tilespmem:s15+$0xC650]  }
0x2cd: {  	v32 =	vld [tilespmem:s15+$0x12650]  }
0x2ce: {  	v33 =	vld [tilespmem:s15+$0xC660]  }
0x2cf: {  	v34 =	vld [tilespmem:s15+$0x12660]  }
0x2d0: {  	v35 =	vld [tilespmem:s15+$0xC670]  }
0x2d1: {  	v36 =	vld [tilespmem:s15+$0x12670]  }
0x2d2: {  	v37 =	vld [tilespmem:s15+$0xCA00]  }
0x2d3: {  	v38 =	vld [tilespmem:s15+$0x12A00]  }
0x2d4: {  	v39 =	vld [tilespmem:s15+$0xCA10]  }
0x2d5: {  	v40 =	vld [tilespmem:s15+$0x12A10]  }
0x2d6: {  	v41 =	vld [tilespmem:s15+$0xCA20]  }
0x2d7: {  	v42 =	vld [tilespmem:s15+$0x12A20]  }
0x2d8: {  	v43 =	vld [tilespmem:s15+$0xCA30]  }
0x2d9: {  	v44 =	vld [tilespmem:s15+$0x12A30]  }
0x2da: {  	v45 =	vld [tilespmem:s15+$0xCA40]  }
0x2db: {  	v46 =	vld [tilespmem:s15+$0x12A40]  }
0x2dc: {  	v47 =	vld [tilespmem:s15+$0xCA50]  }
0x2dd: {  	v48 =	vld [tilespmem:s15+$0x12A50]  }
0x2de: {  	v49 =	vld [tilespmem:s15+$0xCA60]  }
0x2df: {  	v50 =	vld [tilespmem:s15+$0x12A60]  }
0x2e0: {  	v51 =	vld [tilespmem:s15+$0xCA70]  }
0x2e1: {  	v52 =	vld [tilespmem:s15+$0x12A70]  }
0x2e2: {  	v53 =	vld [tilespmem:s15+$0xCE00]  }
0x2e3: {  	v54 =	vld [tilespmem:s15+$0x12E00]  }
0x2e4: {  	v55 =	vld [tilespmem:s15+$0xCE10]  }
0x2e5: {  	v5 =	vadd.f32 v5, v10;
	v10 =	vld [tilespmem:s15+$0x12E10]  }
0x2e6: {  	v6 =	vld [tilespmem:s15+$0xCE20];
	v4 =	vadd.f32 v59, v58  }
0x2e7: {  	v7 =	vld [tilespmem:s15+$0x12E20];
	[tilespmem:s15+$0x19670] =	vst v5;
	v63 =	vadd.f32 v61, v60  }
0x2e8: {  	v8 =	vld [tilespmem:s15+$0x12E30];
	[tilespmem:s15+$0x18200] =	vst v4;
	v3 =	vadd.f32 v3, v62  }
0x2e9: {  	v9 =	vld [tilespmem:s15+$0xCE40];
	[tilespmem:s15+$0x18210] =	vst v63;
	v12 =	vadd.f32 v12, v11  }
0x2ea: {  	v57 =	vld [tilespmem:s15+$0x13220];
	[tilespmem:s15+$0x18220] =	vst v3;
	v3 =	vadd.f32 v14, v13  }
0x2eb: {  	v58 =	vld [tilespmem:s15+$0xD230];
	v16 =	vadd.f32 v16, v15;
	[tilespmem:s15+$0x18230] =	vst v12  }
0x2ec: {  	v4 =	vld [tilespmem:s15+$0xCE30];
	[tilespmem:s15+$0x18240] =	vst v3;
	v3 =	vadd.f32 v18, v17  }
0x2ed: {  	v60 =	vld [tilespmem:s15+$0x13230];
	v20 =	vadd.f32 v20, v19;
	[tilespmem:s15+$0x18250] =	vst v16  }
0x2ee: {  	v61 =	vld [tilespmem:s15+$0xD240];
	[tilespmem:s15+$0x18260] =	vst v3;
	v3 =	vadd.f32 v22, v21  }
0x2ef: {  	v11 =	vld [tilespmem:s15+$0x12E40];
	v24 =	vadd.f32 v24, v23;
	[tilespmem:s15+$0x18270] =	vst v20  }
0x2f0: {  	v15 =	vld [tilespmem:s15+$0x12E60];
	[tilespmem:s15+$0x18600] =	vst v3;
	v3 =	vadd.f32 v26, v25  }
0x2f1: {  	v28 =	vadd.f32 v28, v27;
	v19 =	vld [tilespmem:s15+$0x13200];
	[tilespmem:s15+$0x18610] =	vst v24  }
0x2f2: {  	v63 =	vld [tilespmem:s15+$0x13240];
	[tilespmem:s15+$0x18620] =	vst v3;
	v3 =	vadd.f32 v30, v29  }
0x2f3: {  	v32 =	vadd.f32 v32, v31;
	v36 =	vadd.f32 v36, v35;
	v35 =	vld [tilespmem:s15+$0x13250];
	[tilespmem:s15+$0x18630] =	vst v28  }
0x2f4: {  	v56 =	vadd.f32 v40, v39;
	v39 =	vld [tilespmem:s15+$0xD270];
	[tilespmem:s15+$0x18640] =	vst v3;
	v3 =	vadd.f32 v34, v33  }
0x2f5: {  	v40 =	vld [tilespmem:s15+$0x13270];
	[tilespmem:s15+$0x18650] =	vst v32  }
0x2f6: {  	v59 =	vadd.f32 v44, v43;
	v43 =	vld [tilespmem:s15+$0x13600];
	[tilespmem:s15+$0x18660] =	vst v3;
	v3 =	vadd.f32 v38, v37  }
0x2f7: {  	v44 =	vld [tilespmem:s15+$0xD610];
	[tilespmem:s15+$0x18670] =	vst v36  }
0x2f8: {  	v62 =	vadd.f32 v48, v47;
	v47 =	vld [tilespmem:s15+$0xD620];
	[tilespmem:s15+$0x18A00] =	vst v3;
	v3 =	vadd.f32 v42, v41  }
0x2f9: {  	v20 =	vld [tilespmem:s15+$0xD210];
	[tilespmem:s15+$0x18A10] =	vst v56  }
0x2fa: {  	v21 =	vld [tilespmem:s15+$0x13210];
	[tilespmem:s15+$0x18A20] =	vst v3;
	v3 =	vadd.f32 v46, v45  }
0x2fb: {  	v12 =	vld [tilespmem:s15+$0xCE50];
	[tilespmem:s15+$0x18A30] =	vst v59  }
0x2fc: {  	v13 =	vld [tilespmem:s15+$0x12E50];
	[tilespmem:s15+$0x18A40] =	vst v3;
	v3 =	vadd.f32 v50, v49  }
0x2fd: {  	v14 =	vld [tilespmem:s15+$0xCE60];
	[tilespmem:s15+$0x18A50] =	vst v62;
	v4 =	vadd.f32 v8, v4  }
0x2fe: {  	v16 =	vld [tilespmem:s15+$0xCE70];
	[tilespmem:s15+$0x18A60] =	vst v3;
	v3 =	vadd.f32 v54, v53  }
0x2ff: {  	v36 =	vld [tilespmem:s15+$0xD260];
	[tilespmem:s15+$0x18E30] =	vst v4;
	v48 =	vadd.f32 v21, v20  }
0x300: {  	v56 =	vld [tilespmem:s15+$0xD650];
	[tilespmem:s15+$0x18E00] =	vst v3;
	v3 =	vadd.f32 v7, v6  }
0x301: {  	v18 =	vld [tilespmem:s15+$0xD200];
	v34 =	vadd.f32 v52, v51;
	[tilespmem:s15+$0x19210] =	vst v48  }
0x302: {  	v59 =	vld [tilespmem:s15+$0xD660];
	[tilespmem:s15+$0x18E20] =	vst v3;
	v3 =	vadd.f32 v11, v9  }
0x303: {  	v22 =	vld [tilespmem:s15+$0xD220];
	v51 =	vadd.f32 v60, v58;
	[tilespmem:s15+$0x18A70] =	vst v34  }
0x304: {  	v17 =	vld [tilespmem:s15+$0x12E70];
	[tilespmem:s15+$0x18E40] =	vst v3;
	v3 =	vadd.f32 v15, v14  }
0x305: {  	v33 =	vld [tilespmem:s15+$0xD250];
	v37 =	vadd.f32 v10, v55;
	[tilespmem:s15+$0x19230] =	vst v51  }
0x306: {  	v52 =	vld [tilespmem:s15+$0x13630];
	[tilespmem:s15+$0x18E60] =	vst v3;
	v3 =	vadd.f32 v19, v18  }
0x307: {  	v38 =	vld [tilespmem:s15+$0x13260];
	[tilespmem:s15+$0x18E10] =	vst v37;
	v42 =	vadd.f32 v13, v12  }
0x308: {  	v46 =	vld [tilespmem:s15+$0x13610];
	[tilespmem:s15+$0x19200] =	vst v3;
	v3 =	vadd.f32 v57, v22  }
0x309: {  	v41 =	vld [tilespmem:s15+$0xD600];
	[tilespmem:s15+$0x18E50] =	vst v42;
	v45 =	vadd.f32 v17, v16  }
0x30a: {  	v50 =	vld [tilespmem:s15+$0xD630];
	[tilespmem:s15+$0x19220] =	vst v3;
	v3 =	vadd.f32 v63, v61  }
0x30b: {  	[tilespmem:s15+$0x18E70] =	vst v45;
	v49 =	vld [tilespmem:s15+$0x13620];
	v54 =	vadd.f32 v35, v33  }
0x30c: {  	v55 =	vld [tilespmem:s15+$0x13640];
	[tilespmem:s15+$0x19240] =	vst v3;
	v3 =	vadd.f32 v38, v36  }
0x30d: {  	v53 =	vld [tilespmem:s15+$0xD640];
	v60 =	vadd.f32 v46, v44;
	[tilespmem:s15+$0x19250] =	vst v54  }
0x30e: {  	v58 =	vld [tilespmem:s15+$0x13650];
	[tilespmem:s15+$0x19260] =	vst v3;
	v3 =	vadd.f32 v43, v41  }
0x30f: {  	[tilespmem:s15+$0x19610] =	vst v60;
	v62 =	vadd.f32 v52, v50;
	v61 =	vld [tilespmem:s15+$0x13660]  }
0x310: {  	[tilespmem:s15+$0x19600] =	vst v3;
	v3 =	vadd.f32 v49, v47  }
0x311: {  	[tilespmem:s15+$0x19630] =	vst v62;
	v57 =	vadd.f32 v40, v39  }
0x312: {  	[tilespmem:s15+$0x19620] =	vst v3;
	v3 =	vadd.f32 v55, v53  }
0x313: {  	[tilespmem:s15+$0x19270] =	vst v57;
	v63 =	vadd.f32 v58, v56  }
0x314: {  	s2 =	sadd.s32 $0x1, s2;
	[tilespmem:s15+$0x19640] =	vst v3;
	v3 =	vadd.f32 v61, v59  }
0x315: {  	p0 =	sne.s32 s2, s12;
	[tilespmem:s15+$0x19650] =	vst v63  }
.Ltmp2:
0x316: {  	[tilespmem:s15+$0x19660] =	vst v3;
	(pc) =	sbr.rel @p0 .LBB2_1-.Ltmp2, $4  }
0x317: {  	[hbm4b:s11+s1] =	stream.linear.scatter [tilespmem:s30], [sflag:$0x5], $0x6000, $0x38;
	[tilespmem:$0x1E200] =	vst v63  }
0x318: {  	_ =	swait.ge [sflag:s13], $0x6000  }
0x319: {  	[sflag:s13] =	ssyncset.done $0x0  }
0x31a: {  	[sflag:s13] =	ssyncadd.s32 $0xFFFFA000  }
0x31b: {  	_ =	sfence.sel $0x180000  }
0x31c: {  	[bflag:$0x0] =	sbarrier.arrive $0xFFFF  }
0x31d: {  	_ =	strace $0x9000004A  }
0x31e: {  	s0 =	stileid.u32;
	[bflag:$0x2] =	sbarrier.arrive $0xFFFF  }
0x31f: {  	p0 =	sne.s32 s0, $0x0;
	s0 =	rddreg [dreg:$0x2]  }
0x320: {  	s0 =	sadd.s32 @!p0 $0x100000, s0  }
0x321: {  	[sflag:s0] =	ssyncadd.tile.s32 @!p0 $0x1;
	_ =	shalt  }
.Lfunc_end2:
_tile_overlayer_lowered:
.L_overlay_start_2:
0x322: {  	(tag) =	ssettag $0x2  }
0x323: {  	s0 =	rddreg [dreg:$0x0];
	s2 =	stileid.u32  }
0x324: {  	s1 =	rddreg [dreg:$0x1];
	p0 =	sne.s32 s2, $0x0  }
0x325: {  	s3 =	rddreg [dreg:$0x2];
	[bflag:$0x3] =	sbarrier.arrive $0xFFFF;
	s2 =	simm.s32 @!p0 $0x1C05  }
0x326: {  	[timem:s3], [sflag:s2] =	dma.local @!p0 [hbm:s0], s1  }
0x327: {  	s0 =	simm.s32 @!p0 $0x5  }
0x328: {  	_ =	swait.ge @!p0 [sflag:s0], s1  }
0x329: {  	s1 =	ssub.s32 @!p0 $0x0, s1;
	[sflag:s0] =	ssyncset.done @!p0 $0x0  }
0x32a: {  	[sflag:s0] =	ssyncadd.s32 @!p0 s1  }
0x32b: {  	[bflag:$0x3] =	sbarrier.arrive $0xFFFF  }
0x32c: {  	_ =	shalt  }

// kernel: kernel.7.cloned.1.call-start
scs
__scs_entry_jumppad:
0x0: {  	(pc) =	sbr.rel $0x88, $3  }
0x1: {  	(tag) =	ssettag $0x0;
	lr =	simm.s32 $0x1  }
0x2: {  	[smem:$0x3F9D] =	sst lr;
	_ =	strace $0xD0000000  }
0x3: {  	_ = 	snop  }
0x4: {  	_ = 	snop  }
0x5: {  	_ = 	snop  }
0x6: {  	_ = 	snop  }
0x7: {  	_ = 	snop  }
__scs_overlays_trampoline_lowered:
0x8: {  	[smem:$0x3FAC] =	sst s0  }
0x9: {  	[smem:$0x3FAD] =	sst s1  }
0xa: {  	[smem:$0x3FAE] =	sst s2  }
0xb: {  	[smem:$0x3FAF] =	sst s3  }
0xc: {  	[smem:$0x3FB0] =	sst s4  }
0xd: {  	[smem:$0x3FB1] =	sst s5  }
0xe: {  	[smem:$0x3FB2] =	sst s6  }
0xf: {  	[smem:$0x3FB3] =	sst s7  }
0x10: {  	[smem:$0x3FB4] =	sst s8  }
0x11: {  	[smem:$0x3FB5] =	sst s9;
	s0 =	simm.s32 @!p0 $0x0  }
0x12: {  	s1 =	sld [smem:$0x3F9B];
	s0 =	simm.s32 @p0 $0x1  }
0x13: {  	[smem:$0x3FB6] =	sst s0;
	s0 =	simm.s32 @!p1 $0x0  }
0x14: {  	s2 =	sld [smem:$0x3F9A];
	s0 =	simm.s32 @p1 $0x1  }
0x15: {  	[smem:$0x3FB7] =	sst s0;
	s0 =	simm.s32 @!p2 $0x0  }
0x16: {  	s3 =	sld [smem:$0x3FDB];
	s0 =	simm.s32 @p2 $0x1  }
0x17: {  	s4 =	simm.s32 $0x1BF5;
	[smem:$0x3FB9] =	sst s0  }
0x18: {  	s0 =	sld [smem:$0x3F9C];
	_ =	swait.ge [sflag:s4], $0x0  }
0x19: {  	s7 =	sld [smem:$0x3F9D]  }
0x1a: {  	s8 =	sadd.s32 $0xFFFFE003, lr  }
0x1b: {  	s9 =	sadd.s32 $0xFFFFFEF7, lr;
	s5 =	simm.s32 $0xFFFFFFFF;
	p2 =	slt.u32 s8, $0xFFFFF086  }
0x1c: {  	p1 =	slt.u32 s9, $0xF7A;
	s5 =	simm.s32 @!p2 $0x0  }
0x1d: {  	s5 =	simm.s32 @p1 $0x1;
	p0 =	seq.s32 s7, s2  }
0x1e: {  	s7 =	smul.u32 @!p0 $0xF7A, s2;
	p2 =	seq.s32 @!p0 s5, $0x0  }
0x1f: {  	s9 =	smul.u32 $0xF7A, s1;
	s8 =	simm.s32 @!p0 $0x1BF5;
	p2 =	por !p2, p0  }
0x20: {  	[sflag:s8] =	ssyncset.s32 @!p0 $0xFFFFF086;
	s6 =	sadd.s32 @!p0 s3, s7;
	s7 =	simm.s32 @!p0 $0x108  }
0x21: {  	s3 =	sadd.s32 s3, s9;
	s6 =	sadd.s32 @!p0 $0x88, s6;
	s7 =	simm.s32 @p2 $0x1082  }
0x22: {  	[simem:s7], [sflag:s8] =	dma.local @!p0 [hbm:s6], $0xF7A  }
0x23: {  	s9 =	sor.u32 $0xD0000000, s2;
	s6 =	simm.s32 $0x108;
	_ =	swait.ge @!p0 [sflag:s8], $0x0  }
0x24: {  	s3 =	sadd.s32 $0x88, s3;
	s6 =	simm.s32 @!p1 $0x1082;
	[sflag:s4] =	ssyncset.s32 $0xFFFFF086  }
0x25: {  	[simem:s6], [sflag:s4] =	dma.local [hbm:s3], $0xF7A  }
0x26: {  	[smem:$0x3F9D] =	sst s1;
	(tag) =	ssettag s2;
	_ =	strace s9  }
0x27: {  	s1 =	sld [smem:$0x3FAD]  }
0x28: {  	s2 =	sld [smem:$0x3FAE]  }
0x29: {  	s4 =	sld [smem:$0x3FB0]  }
0x2a: {  	p0 =	seq.s32 s5, $0x0;
	s5 =	sld [smem:$0x3FB1]  }
0x2b: {  	s6 =	sld [smem:$0x3FB2]  }
0x2c: {  	s7 =	sld [smem:$0x3FB3]  }
0x2d: {  	s3 =	simm.s32 $0x108;
	s8 =	sld [smem:$0x3FB4]  }
0x2e: {  	s3 =	simm.s32 @!p0 $0x1082;
	s9 =	sld [smem:$0x3FB5]  }
0x2f: {  	lr =	sadd.s32 s0, s3;
	s0 =	sld [smem:$0x3FAC]  }
0x30: {  	s3 =	sld [smem:$0x3FAF]  }
0x31: {  	[smem:$0x3FB8] =	sst s10  }
0x32: {  	s10 =	sld [smem:$0x3FB6];
	_ =	sdelay $0x3  }
0x33: {  	p0 =	seq.s32 s10, $0x1;
	s10 =	sld [smem:$0x3FB8];
	_ =	sdelay $0x3  }
0x34: {  	[smem:$0x3FB8] =	sst s10  }
0x35: {  	s10 =	sld [smem:$0x3FB7];
	_ =	sdelay $0x3  }
0x36: {  	p1 =	seq.s32 s10, $0x1;
	s10 =	sld [smem:$0x3FB8];
	_ =	sdelay $0x3  }
0x37: {  	[smem:$0x3FB8] =	sst s10  }
0x38: {  	s10 =	sld [smem:$0x3FB9]  }
0x39: {  	_ = 	snop;
	(pc) =	sbr.ind lr, $3  }
0x3a: {  	_ = 	snop  }
0x3b: {  	_ = 	snop  }
0x3c: {  	p2 =	seq.s32 s10, $0x1;
	s10 =	sld [smem:$0x3FB8]  }
0x3d: {  	_ =	shalt  }
0x3e: {  	_ =	shalt  }
0x3f: {  	_ =	shalt  }
0x40: {  	_ =	shalt  }
0x41: {  	_ =	shalt  }
0x42: {  	_ =	shalt  }
0x43: {  	_ =	shalt  }
0x44: {  	_ =	shalt  }
0x45: {  	_ =	shalt  }
0x46: {  	_ =	shalt  }
0x47: {  	_ =	shalt  }
0x48: {  	_ =	shalt  }
0x49: {  	_ =	shalt  }
0x4a: {  	_ =	shalt  }
0x4b: {  	_ =	shalt  }
0x4c: {  	_ =	shalt  }
0x4d: {  	_ =	shalt  }
0x4e: {  	_ =	shalt  }
0x4f: {  	_ =	shalt  }
0x50: {  	_ =	shalt  }
0x51: {  	_ =	shalt  }
0x52: {  	_ =	shalt  }
0x53: {  	_ =	shalt  }
0x54: {  	_ =	shalt  }
0x55: {  	_ =	shalt  }
0x56: {  	_ =	shalt  }
0x57: {  	_ =	shalt  }
0x58: {  	_ =	shalt  }
0x59: {  	_ =	shalt  }
0x5a: {  	_ =	shalt  }
0x5b: {  	_ =	shalt  }
0x5c: {  	_ =	shalt  }
0x5d: {  	_ =	shalt  }
0x5e: {  	_ =	shalt  }
0x5f: {  	_ =	shalt  }
0x60: {  	_ =	shalt  }
0x61: {  	_ =	shalt  }
0x62: {  	_ =	shalt  }
0x63: {  	_ =	shalt  }
0x64: {  	_ =	shalt  }
0x65: {  	_ =	shalt  }
0x66: {  	_ =	shalt  }
0x67: {  	_ =	shalt  }
0x68: {  	_ =	shalt  }
0x69: {  	_ =	shalt  }
0x6a: {  	_ =	shalt  }
0x6b: {  	_ =	shalt  }
0x6c: {  	_ =	shalt  }
0x6d: {  	_ =	shalt  }
0x6e: {  	_ =	shalt  }
0x6f: {  	_ =	shalt  }
0x70: {  	_ =	shalt  }
0x71: {  	_ =	shalt  }
0x72: {  	_ =	shalt  }
0x73: {  	_ =	shalt  }
0x74: {  	_ =	shalt  }
0x75: {  	_ =	shalt  }
0x76: {  	_ =	shalt  }
0x77: {  	_ =	shalt  }
0x78: {  	_ =	shalt  }
0x79: {  	_ =	shalt  }
0x7a: {  	_ =	shalt  }
0x7b: {  	_ =	shalt  }
0x7c: {  	_ =	shalt  }
0x7d: {  	_ =	shalt  }
0x7e: {  	_ =	shalt  }
0x7f: {  	_ =	shalt  }
0x80: {  	_ =	shalt  }
0x81: {  	_ =	shalt  }
0x82: {  	_ =	shalt  }
0x83: {  	_ =	shalt  }
0x84: {  	_ =	shalt  }
0x85: {  	_ =	shalt  }
0x86: {  	_ =	shalt  }
0x87: {  	_ =	shalt  }
.Lfunc_end0:
.L_simem_size_0:
called_computation_lowered:
.L_overlay_start_0:
0x88: {  	s2 =	sld [smem:$0x3FD9]  }
0x89: {  	s3 =	sld [smem:$0x3FFE];
	_ =	sdelay $0x1  }
0x8a: {  	s1 =	srdreg.scid  }
0x8b: {  	s0 =	sand.u32 $0x1, s1  }
0x8c: {  	s17 =	sshll.u32 s0, $0xA;
	s2 =	sadd.s32 s3, s2  }
0x8d: {  	s2 =	sadd.s32 s2, s17  }
0x8e: {  	[smem:$0x3FC4] =	sst s2  }
0x8f: {  	_ = 	snop  }
0x90: {  	s2 =	sld [smem:$0x3FC9];
	(tm) =	ssettm $0x1  }
0x91: {  	s18 =	sld [smem:$0x3FFB];
	_ =	sdelay $0x3  }
0x92: {  	_ =	strace s18  }
0x93: {  	s3 =	sld [smem:$0x3FFC];
	_ =	sdelay $0x3  }
0x94: {  	_ =	strace s3  }
0x95: {  	s3 =	sld [smem:$0x3FFD];
	_ =	sdelay $0x3  }
0x96: {  	_ =	strace s3  }
0x97: {  	_ =	strace $0x8FFFFFFF  }
0x98: {  	s19 =	sld [smem:$0x3FDB];
	_ =	sdelay $0x1  }
0x99: {  	s4 =	simm.s32 $_scs_section_size  }
0x9a: {  	s5 =	simm.s32 $_size__tile_overlayer_lowered;
	s6 =	simm.s32 $_tile_overlayer_lowered  }
0x9b: {  	s22 =	simm.s32 $0x1BFF;
	s21 =	sshll.u32 s6, $0x1;
	s3 =	sadd.s32 s4, s19  }
0x9c: {  	s7 =	simm.s32 $0x0;
	s20 =	sshll.u32 s5, $0x1;
	s5 =	sadd.s32 s21, s3  }
0x9d: {  	[timem:s7], [sflag:s22] =	dma.local [hbm:s5], s20  }
0x9e: {  	_ =	swait.ge [sflag:s22], s20  }
0x9f: {  	s4 =	ssub.s32 $0x0, s20;
	[sflag:s22] =	ssyncset.done $0x0  }
0xa0: {  	[sflag:s22] =	ssyncadd.s32 s4;
	_ =	sdelay $0x1  }
0xa1: {  	s23 =	simm.s32 $0x1B8B  }
0xa2: {  	_ =	swait.ge [sflag:s23], $0x1  }
0xa3: {  	[sflag:s23] =	ssyncset.done $0x0  }
0xa4: {  	s25 =	simm.s32 $0x1B8E;
	s24 =	sld [smem:$0x3FFE];
	[sflag:s23] =	ssyncadd.s32 $0xFFFFFFFF  }
0xa5: {  	s26 =	simm.s32 $execute0_lowered;
	[smem:$0x3FD2] =	sst s25  }
0xa6: {  	s5 =	sshll.u32 s26, $0x1;
	_ =	strace $0x80000046;
	[dreg:$0x1] =	wrdreg $0xFFFFFFFF  }
0xa7: {  	s28 =	simm.s32 $_size_execute0_lowered;
	s3 =	sadd.s32 s3, s5;
	[dreg:$0x0] =	wrdreg $0x0  }
0xa8: {  	s5 =	sshll.u32 s28, $0x1;
	[dreg:$0x2] =	wrdreg s3  }
0xa9: {  	[dreg:$0x3] =	wrdreg s5  }
0xaa: {  	[dreg:$0x4] =	wrdreg $0xC0  }
0xab: {  	_ =	task [dreg:s7], $0x5FFFF  }
0xac: {  	[dreg:$0x1] =	wrdreg $0xFFFFFFFF  }
0xad: {  	[dreg:$0x0] =	wrdreg $0x60  }
0xae: {  	[dreg:$0x2] =	wrdreg s2  }
0xaf: {  	[dreg:$0x3] =	wrdreg s24  }
0xb0: {  	[dreg:$0x4] =	wrdreg $0x9  }
0xb1: {  	_ =	task.clear_ibuf [dreg:s7], $0x5FFFF;
	_ =	strace $0x90000046  }
0xb2: {  	s29 =	simm.s32 $0x9;
	_ =	strace $0x80000048  }
0xb3: {  	_ =	swait.ge [sflag:s29], $0x1  }
0xb4: {  	[sflag:s29] =	ssyncadd.s32 $0xFFFFFFFF  }
0xb5: {  	_ =	strace $0x90000048  }
0xb6: {  	_ =	sfence  }
0xb7: {  	s30 =	sld [smem:$0x0];
	_ =	sdelay $0x2  }
0xb8: {  	s31 =	sshll.u32 s1, $0xD;
	s1 =	sshrl.u32 s1, $0x2  }
0xb9: {  	s3 =	sand.u32 $0x4000, s31;
	s1 =	sadd.s32 s1, s30  }
0xba: {  	s0 =	sor.u32 s3, s0;
	s1 =	sshll.u32 s1, $0x11  }
0xbb: {  	s0 =	sor.u32 s1, s0  }
0xbc: {  	s0 =	sadd.s32 $0x8F2B, s0  }
0xbd: {  	[sflag:s0] =	ssyncadd.remote.s32 $0x1  }
0xbe: {  	_ =	sfence.sel $0xFFFF  }
0xbf: {  	[dreg:$0x0] =	wrdreg $0xFFFFFFFF;
	(pc) =	sbr.abs _section_cstart, $3  }
0xc0: {  	[dreg:$0x1] =	wrdreg $0xFFFFFFFF  }
0xc1: {  	_ =	task.clear_ibuf [dreg:s7], $0x2FFFF;
	_ =	strace $0x9FFFFFFF  }
0xc2: {  	(tm) =	ssettm $0x7FFFFFFF  }
0xc3: {  	_ =	shalt  }
tec
execute0_lowered:
.L_overlay_start_1:
0x0: {  	(tag) =	ssettag $0x1  }
0x1: {  	s0 =	srdreg.scid;
	s2 =	rddreg [dreg:$0x0]  }
0x2: {  	s1 =	stileid.u32;
	s8 =	rddreg [dreg:$0x1];
	s25 =	simm.s32 $0x80  }
0x3: {  	s26 =	simm.s32 $0xC0;
	s19 =	simm.s32 $0x1100;
	s20 =	simm.s32 $0x1900  }
0x4: {  	s21 =	simm.s32 $0x2100;
	s22 =	simm.s32 $0x2900;
	s23 =	simm.s32 $0x3100  }
0x5: {  	s28 =	simm.s32 $0x5100;
	s29 =	simm.s32 $0x5900;
	s30 =	simm.s32 $0x6100  }
0x6: {  	s31 =	simm.s32 $0x6900;
	s14 =	simm.s32 $0x9900;
	s15 =	simm.s32 $0xA100  }
0x7: {  	s16 =	simm.s32 $0xA900;
	s10 =	simm.s32 $0xB100;
	s0 =	sand.u32 $0x1, s0  }
0x8: {  	s1 =	sshll.u32 s1, $0x7;
	s7 =	sadd.s32 $0xB00, s8;
	s3 =	sshll.u32 s0, $0x6  }
0x9: {  	s0 =	ssub.s32 $0x2, s0;
	s1 =	sor.u32 s3, s1;
	s3 =	simm.s32 $0x0  }
0xa: {  	v6 =	vlaneseq.u32;
	s6 =	sshrl.u32 s0, $0x1;
	s4 =	sshrl.u32 s1, $0x3;
	[smem:$0x7FF] =	sst s3  }
0xb: {  	s0 =	ssub.s32 s0, s6;
	s11 =	sor.u32 $0x10, s1;
	s12 =	sor.u32 $0x20, s1;
	v0 =	vor.u32 s1, v6  }
0xc: {  	s13 =	sor.u32 $0x30, s1;
	s6 =	sadd.s32 $0x200, s2;
	s1 =	simm.s32 $0x7100;
	v1 =	vshrl.u32 v0, $0x3  }
0xd: {  	s4 =	sadd.s32 s4, s8;
	_ =	strace $0x80000047;
	[dreg:$0x5] =	wrdreg s25;
	v2 =	vmul.u32 $0x30, v1  }
0xe: {  	v3 =	vshrl.u32 v6, $0x3;
	s9 =	smax.u32 s0, $0x1;
	[dreg:$0x6] =	wrdreg s26;
	s25 =	simm.s32 $0x4100;
	v1 =	vand.u32 $0x7, v6  }
0xf: {  	v5 =	vor.u32 s12, v6;
	s26 =	simm.s32 $0x4900;
	s12 =	simm.s32 $0x8900;
	s5 =	sadd.s32 $0x600, s4;
	v4 =	vor.u32 v1, v2;
	v2 =	vor.u32 $0x8, v6  }
0x10: {  	v3 =	vmul.u32 $0x8, v3;
	s24 =	sadd.s32 $0x800, s4;
	s4 =	sadd.s32 $0xA00, s8;
	[dreg:$0x3] =	wrdreg s5;
	v7 =	vperm.xlane v4, v1;
	v8 =	vperm.xlane v4, v2  }
0x11: {  	vm0 =	vmmov $0xffff;
	s8 =	sadd.s32 $0xC00, s8;
	[dreg:$0x4] =	wrdreg s24;
	s5 =	sadd.s32 $0x100, s2;
	v4 =	vor.u32 s11, v6  }
0x12: {  	s24 =	simm.s32 $0x3900;
	v6 =	vor.u32 s13, v6;
	s11 =	simm.s32 $0x8100;
	s13 =	simm.s32 $0x9100;
	v7 =	vadd.s32 v3, v7;
	v8 =	vadd.s32 v3, v8  }
.LBB2_1:
0x13: {  	s17 =	rddreg [dreg:$0x3]  }
0x14: {  	s18 =	rddreg [dreg:$0x5];
	s0 =	simm.s32 $0x3  }
0x15: {  	[tilespmem:s18], [sflag:$0x3] =	stream.linear.gather [hbm4b:s17+s3], $0x40, $0x38;
	[tilespmem:$0x18100] =	vst v63  }
0x16: {  	_ =	swait.ge [sflag:s0], $0x40  }
0x17: {  	s17 =	rddreg [dreg:$0x4];
	[sflag:s0] =	ssyncset.done $0x0  }
0x18: {  	s18 =	rddreg [dreg:$0x6];
	[sflag:s0] =	ssyncadd.s32 $0xFFFFFFC0  }
0x19: {  	[tilespmem:s18], [sflag:$0x3] =	stream.linear.gather [hbm4b:s17+s3], $0x40, $0x38;
	[tilespmem:$0x18100] =	vst v63  }
0x1a: {  	_ =	swait.ge [sflag:s0], $0x40  }
0x1b: {  	[sflag:s0] =	ssyncset.done $0x0  }
0x1c: {  	[sflag:s0] =	ssyncadd.s32 $0xFFFFFFC0  }
0x1d: {  	[tilespmem:$0x0] =	vst v0  }
0x1e: {  	[tilespmem:$0x40] =	vst v0  }
0x1f: {  	[tilespmem:$0x10] =	vst v4  }
0x20: {  	[tilespmem:$0x50] =	vst v4  }
0x21: {  	[tilespmem:$0x20] =	vst v5  }
0x22: {  	[tilespmem:$0x60] =	vst v5  }
0x23: {  	[tilespmem:$0x30] =	vst v6  }
0x24: {  	s17 =	simm.s32 $0x100;
	[tilespmem:$0x70] =	vst v6  }
0x25: {  	[tilespmem:s17], [sflag:$0x1] =	stream.indirect_vreg.gather [hbm4b:s2+s3], $0x80, v7, vm0, $0xb8;
	[tilespmem:$0x18100] =	vst v63  }
0x26: {  	s18 =	simm.s32 $0x900  }
0x27: {  	[tilespmem:s18], [sflag:$0x1] =	stream.indirect_vreg.gather [hbm4b:s5+s3], $0x80, v7, vm0, $0xb8;
	[tilespmem:$0x18100] =	vst v63  }
0x28: {  	_ = 	snop  }
0x29: {  	[tilespmem:s19], [sflag:$0x1] =	stream.indirect_vreg.gather [hbm4b:s6+s3], $0x80, v7, vm0, $0xb8;
	[tilespmem:$0x18100] =	vst v63  }
0x2a: {  	_ = 	snop  }
0x2b: {  	[tilespmem:s20], [sflag:$0x1] =	stream.indirect_vreg.gather [hbm4b:s2+s3], $0x80, v8, vm0, $0xb8;
	[tilespmem:$0x18100] =	vst v63  }
0x2c: {  	_ = 	snop  }
0x2d: {  	[tilespmem:s21], [sflag:$0x1] =	stream.indirect_vreg.gather [hbm4b:s5+s3], $0x80, v8, vm0, $0xb8;
	[tilespmem:$0x18100] =	vst v63  }
0x2e: {  	_ = 	snop  }
0x2f: {  	[tilespmem:s22], [sflag:$0x1] =	stream.indirect_vreg.gather [hbm4b:s6+s3], $0x80, v8, vm0, $0xb8;
	[tilespmem:$0x18100] =	vst v63  }
0x30: {  	v9 =	vld [tilespmem:$0x10];
	_ =	sdelay $0x4  }
0x31: {  	v10 =	vshrl.u32 v9, $0x3  }
0x32: {  	v10 =	vmul.u32 $0x30, v10  }
0x33: {  	v9 =	vand.u32 $0x7, v9  }
0x34: {  	v9 =	vor.u32 v9, v10  }
0x35: {  	v10 =	vperm.xlane v9, v1;
	_ =	sdelay $0x1  }
0x36: {  	v10 =	vadd.s32 v3, v10;
	_ =	sdelay $0x3  }
0x37: {  	v9 =	vperm.xlane v9, v2  }
0x38: {  	[tilespmem:s23], [sflag:$0x1] =	stream.indirect_vreg.gather [hbm4b:s2+s3], $0x80, v10, vm0, $0xb8;
	[tilespmem:$0x18100] =	vst v63  }
0x39: {  	v9 =	vadd.s32 v3, v9  }
0x3a: {  	[tilespmem:s24], [sflag:$0x1] =	stream.indirect_vreg.gather [hbm4b:s5+s3], $0x80, v10, vm0, $0xb8;
	[tilespmem:$0x18100] =	vst v63  }
0x3b: {  	_ = 	snop  }
0x3c: {  	[tilespmem:s25], [sflag:$0x1] =	stream.indirect_vreg.gather [hbm4b:s6+s3], $0x80, v10, vm0, $0xb8;
	[tilespmem:$0x18100] =	vst v63  }
0x3d: {  	_ = 	snop  }
0x3e: {  	[tilespmem:s26], [sflag:$0x1] =	stream.indirect_vreg.gather [hbm4b:s2+s3], $0x80, v9, vm0, $0xb8;
	[tilespmem:$0x18100] =	vst v63  }
0x3f: {  	_ = 	snop  }
0x40: {  	[tilespmem:s28], [sflag:$0x1] =	stream.indirect_vreg.gather [hbm4b:s5+s3], $0x80, v9, vm0, $0xb8;
	[tilespmem:$0x18100] =	vst v63  }
0x41: {  	_ = 	snop  }
0x42: {  	[tilespmem:s29], [sflag:$0x1] =	stream.indirect_vreg.gather [hbm4b:s6+s3], $0x80, v9, vm0, $0xb8;
	[tilespmem:$0x18100] =	vst v63  }
0x43: {  	v9 =	vld [tilespmem:$0x20];
	_ =	sdelay $0x4  }
0x44: {  	v10 =	vshrl.u32 v9, $0x3  }
0x45: {  	v10 =	vmul.u32 $0x30, v10  }
0x46: {  	v9 =	vand.u32 $0x7, v9  }
0x47: {  	v9 =	vor.u32 v9, v10  }
0x48: {  	v10 =	vperm.xlane v9, v1;
	_ =	sdelay $0x1  }
0x49: {  	v10 =	vadd.s32 v3, v10;
	_ =	sdelay $0x3  }
0x4a: {  	v9 =	vperm.xlane v9, v2  }
0x4b: {  	[tilespmem:s30], [sflag:$0x1] =	stream.indirect_vreg.gather [hbm4b:s2+s3], $0x80, v10, vm0, $0xb8;
	[tilespmem:$0x18100] =	vst v63  }
0x4c: {  	v9 =	vadd.s32 v3, v9  }
0x4d: {  	[tilespmem:s31], [sflag:$0x1] =	stream.indirect_vreg.gather [hbm4b:s5+s3], $0x80, v10, vm0, $0xb8;
	[tilespmem:$0x18100] =	vst v63  }
0x4e: {  	_ = 	snop  }
0x4f: {  	[tilespmem:s1], [sflag:$0x1] =	stream.indirect_vreg.gather [hbm4b:s6+s3], $0x80, v10, vm0, $0xb8;
	[tilespmem:$0x18100] =	vst v63  }
0x50: {  	s0 =	simm.s32 $0x7900  }
0x51: {  	[tilespmem:s0], [sflag:$0x1] =	stream.indirect_vreg.gather [hbm4b:s2+s3], $0x80, v9, vm0, $0xb8;
	[tilespmem:$0x18100] =	vst v63  }
0x52: {  	_ = 	snop  }
0x53: {  	[tilespmem:s11], [sflag:$0x1] =	stream.indirect_vreg.gather [hbm4b:s5+s3], $0x80, v9, vm0, $0xb8;
	[tilespmem:$0x18100] =	vst v63  }
0x54: {  	_ = 	snop  }
0x55: {  	[tilespmem:s12], [sflag:$0x1] =	stream.indirect_vreg.gather [hbm4b:s6+s3], $0x80, v9, vm0, $0xb8;
	[tilespmem:$0x18100] =	vst v63  }
0x56: {  	v9 =	vld [tilespmem:$0x30];
	_ =	sdelay $0x4  }
0x57: {  	v10 =	vshrl.u32 v9, $0x3  }
0x58: {  	v10 =	vmul.u32 $0x30, v10  }
0x59: {  	v9 =	vand.u32 $0x7, v9  }
0x5a: {  	v9 =	vor.u32 v9, v10  }
0x5b: {  	v10 =	vperm.xlane v9, v1;
	_ =	sdelay $0x1  }
0x5c: {  	v10 =	vadd.s32 v3, v10;
	_ =	sdelay $0x3  }
0x5d: {  	v9 =	vperm.xlane v9, v2  }
0x5e: {  	[tilespmem:s13], [sflag:$0x1] =	stream.indirect_vreg.gather [hbm4b:s2+s3], $0x80, v10, vm0, $0xb8;
	[tilespmem:$0x18100] =	vst v63  }
0x5f: {  	v9 =	vadd.s32 v3, v9  }
0x60: {  	[tilespmem:s14], [sflag:$0x1] =	stream.indirect_vreg.gather [hbm4b:s5+s3], $0x80, v10, vm0, $0xb8;
	[tilespmem:$0x18100] =	vst v63  }
0x61: {  	_ = 	snop  }
0x62: {  	[tilespmem:s15], [sflag:$0x1] =	stream.indirect_vreg.gather [hbm4b:s6+s3], $0x80, v10, vm0, $0xb8;
	[tilespmem:$0x18100] =	vst v63  }
0x63: {  	_ = 	snop  }
0x64: {  	[tilespmem:s16], [sflag:$0x1] =	stream.indirect_vreg.gather [hbm4b:s2+s3], $0x80, v9, vm0, $0xb8;
	[tilespmem:$0x18100] =	vst v63  }
0x65: {  	_ = 	snop  }
0x66: {  	[tilespmem:s10], [sflag:$0x1] =	stream.indirect_vreg.gather [hbm4b:s5+s3], $0x80, v9, vm0, $0xb8;
	[tilespmem:$0x18100] =	vst v63  }
0x67: {  	s0 =	simm.s32 $0xB900  }
0x68: {  	[tilespmem:s0], [sflag:$0x1] =	stream.indirect_vreg.gather [hbm4b:s6+s3], $0x80, v9, vm0, $0xb8;
	[tilespmem:$0x18100] =	vst v63  }
0x69: {  	v9 =	vld [tilespmem:$0x40];
	_ =	sdelay $0x4  }
0x6a: {  	v10 =	vshrl.u32 v9, $0x3  }
0x6b: {  	v10 =	vmul.u32 $0x30, v10  }
0x6c: {  	v9 =	vand.u32 $0x7, v9  }
0x6d: {  	v9 =	vor.u32 v9, v10  }
0x6e: {  	v10 =	vperm.xlane v9, v1;
	_ =	sdelay $0x1  }
0x6f: {  	v10 =	vadd.s32 v3, v10;
	_ =	sdelay $0x3  }
0x70: {  	s0 =	simm.s32 $0xC100;
	v9 =	vperm.xlane v9, v2  }
0x71: {  	[tilespmem:s0], [sflag:$0x1] =	stream.indirect_vreg.gather [hbm4b:s2+s3], $0x80, v10, vm0, $0xb8;
	[tilespmem:$0x18100] =	vst v63  }
0x72: {  	v9 =	vadd.s32 v3, v9;
	s0 =	simm.s32 $0xC900  }
0x73: {  	[tilespmem:s0], [sflag:$0x1] =	stream.indirect_vreg.gather [hbm4b:s5+s3], $0x80, v10, vm0, $0xb8;
	[tilespmem:$0x18100] =	vst v63  }
0x74: {  	s0 =	simm.s32 $0xD100  }
0x75: {  	[tilespmem:s0], [sflag:$0x1] =	stream.indirect_vreg.gather [hbm4b:s6+s3], $0x80, v10, vm0, $0xb8;
	[tilespmem:$0x18100] =	vst v63  }
0x76: {  	s0 =	simm.s32 $0xD900  }
0x77: {  	[tilespmem:s0], [sflag:$0x1] =	stream.indirect_vreg.gather [hbm4b:s2+s3], $0x80, v9, vm0, $0xb8;
	[tilespmem:$0x18100] =	vst v63  }
0x78: {  	s0 =	simm.s32 $0xE100  }
0x79: {  	[tilespmem:s0], [sflag:$0x1] =	stream.indirect_vreg.gather [hbm4b:s5+s3], $0x80, v9, vm0, $0xb8;
	[tilespmem:$0x18100] =	vst v63  }
0x7a: {  	s0 =	simm.s32 $0xE900  }
0x7b: {  	[tilespmem:s0], [sflag:$0x1] =	stream.indirect_vreg.gather [hbm4b:s6+s3], $0x80, v9, vm0, $0xb8;
	[tilespmem:$0x18100] =	vst v63  }
0x7c: {  	v9 =	vld [tilespmem:$0x50];
	_ =	sdelay $0x4  }
0x7d: {  	v10 =	vshrl.u32 v9, $0x3  }
0x7e: {  	v10 =	vmul.u32 $0x30, v10  }
0x7f: {  	v9 =	vand.u32 $0x7, v9  }
0x80: {  	v9 =	vor.u32 v9, v10  }
0x81: {  	v10 =	vperm.xlane v9, v1;
	_ =	sdelay $0x1  }
0x82: {  	v10 =	vadd.s32 v3, v10;
	_ =	sdelay $0x3  }
0x83: {  	s0 =	simm.s32 $0xF100;
	v9 =	vperm.xlane v9, v2  }
0x84: {  	[tilespmem:s0], [sflag:$0x1] =	stream.indirect_vreg.gather [hbm4b:s2+s3], $0x80, v10, vm0, $0xb8;
	[tilespmem:$0x18100] =	vst v63  }
0x85: {  	v9 =	vadd.s32 v3, v9;
	s0 =	simm.s32 $0xF900  }
0x86: {  	[tilespmem:s0], [sflag:$0x1] =	stream.indirect_vreg.gather [hbm4b:s5+s3], $0x80, v10, vm0, $0xb8;
	[tilespmem:$0x18100] =	vst v63  }
0x87: {  	s0 =	simm.s32 $0x10100  }
0x88: {  	[tilespmem:s0], [sflag:$0x1] =	stream.indirect_vreg.gather [hbm4b:s6+s3], $0x80, v10, vm0, $0xb8;
	[tilespmem:$0x18100] =	vst v63  }
0x89: {  	s0 =	simm.s32 $0x10900  }
0x8a: {  	[tilespmem:s0], [sflag:$0x1] =	stream.indirect_vreg.gather [hbm4b:s2+s3], $0x80, v9, vm0, $0xb8;
	[tilespmem:$0x18100] =	vst v63  }
0x8b: {  	s0 =	simm.s32 $0x11100  }
0x8c: {  	[tilespmem:s0], [sflag:$0x1] =	stream.indirect_vreg.gather [hbm4b:s5+s3], $0x80, v9, vm0, $0xb8;
	[tilespmem:$0x18100] =	vst v63  }
0x8d: {  	s0 =	simm.s32 $0x11900  }
0x8e: {  	[tilespmem:s0], [sflag:$0x1] =	stream.indirect_vreg.gather [hbm4b:s6+s3], $0x80, v9, vm0, $0xb8;
	[tilespmem:$0x18100] =	vst v63  }
0x8f: {  	v9 =	vld [tilespmem:$0x60];
	_ =	sdelay $0x4  }
0x90: {  	v10 =	vshrl.u32 v9, $0x3  }
0x91: {  	v10 =	vmul.u32 $0x30, v10  }
0x92: {  	v9 =	vand.u32 $0x7, v9  }
0x93: {  	v9 =	vor.u32 v9, v10  }
0x94: {  	v10 =	vperm.xlane v9, v1;
	_ =	sdelay $0x1  }
0x95: {  	v10 =	vadd.s32 v3, v10;
	_ =	sdelay $0x3  }
0x96: {  	s0 =	simm.s32 $0x12100;
	v9 =	vperm.xlane v9, v2  }
0x97: {  	[tilespmem:s0], [sflag:$0x1] =	stream.indirect_vreg.gather [hbm4b:s2+s3], $0x80, v10, vm0, $0xb8;
	[tilespmem:$0x18100] =	vst v63  }
0x98: {  	v9 =	vadd.s32 v3, v9;
	s0 =	simm.s32 $0x12900  }
0x99: {  	[tilespmem:s0], [sflag:$0x1] =	stream.indirect_vreg.gather [hbm4b:s5+s3], $0x80, v10, vm0, $0xb8;
	[tilespmem:$0x18100] =	vst v63  }
0x9a: {  	s0 =	simm.s32 $0x13100  }
0x9b: {  	[tilespmem:s0], [sflag:$0x1] =	stream.indirect_vreg.gather [hbm4b:s6+s3], $0x80, v10, vm0, $0xb8;
	[tilespmem:$0x18100] =	vst v63  }
0x9c: {  	s0 =	simm.s32 $0x13900  }
0x9d: {  	[tilespmem:s0], [sflag:$0x1] =	stream.indirect_vreg.gather [hbm4b:s2+s3], $0x80, v9, vm0, $0xb8;
	[tilespmem:$0x18100] =	vst v63  }
0x9e: {  	s0 =	simm.s32 $0x14100  }
0x9f: {  	[tilespmem:s0], [sflag:$0x1] =	stream.indirect_vreg.gather [hbm4b:s5+s3], $0x80, v9, vm0, $0xb8;
	[tilespmem:$0x18100] =	vst v63  }
0xa0: {  	s0 =	simm.s32 $0x14900  }
0xa1: {  	[tilespmem:s0], [sflag:$0x1] =	stream.indirect_vreg.gather [hbm4b:s6+s3], $0x80, v9, vm0, $0xb8;
	[tilespmem:$0x18100] =	vst v63  }
0xa2: {  	v9 =	vld [tilespmem:$0x70];
	_ =	sdelay $0x4  }
0xa3: {  	v10 =	vshrl.u32 v9, $0x3  }
0xa4: {  	v10 =	vmul.u32 $0x30, v10  }
0xa5: {  	v9 =	vand.u32 $0x7, v9  }
0xa6: {  	v9 =	vor.u32 v9, v10  }
0xa7: {  	v10 =	vperm.xlane v9, v1;
	_ =	sdelay $0x1  }
0xa8: {  	v10 =	vadd.s32 v3, v10;
	_ =	sdelay $0x3  }
0xa9: {  	s0 =	simm.s32 $0x15100;
	v9 =	vperm.xlane v9, v2  }
0xaa: {  	[tilespmem:s0], [sflag:$0x1] =	stream.indirect_vreg.gather [hbm4b:s2+s3], $0x80, v10, vm0, $0xb8;
	[tilespmem:$0x18100] =	vst v63  }
0xab: {  	v9 =	vadd.s32 v3, v9;
	s0 =	simm.s32 $0x15900  }
0xac: {  	[tilespmem:s0], [sflag:$0x1] =	stream.indirect_vreg.gather [hbm4b:s5+s3], $0x80, v10, vm0, $0xb8;
	[tilespmem:$0x18100] =	vst v63  }
0xad: {  	s0 =	simm.s32 $0x16100  }
0xae: {  	[tilespmem:s0], [sflag:$0x1] =	stream.indirect_vreg.gather [hbm4b:s6+s3], $0x80, v10, vm0, $0xb8;
	[tilespmem:$0x18100] =	vst v63  }
0xaf: {  	s0 =	simm.s32 $0x16900  }
0xb0: {  	[tilespmem:s0], [sflag:$0x1] =	stream.indirect_vreg.gather [hbm4b:s2+s3], $0x80, v9, vm0, $0xb8;
	[tilespmem:$0x18100] =	vst v63  }
0xb1: {  	s0 =	simm.s32 $0x17100  }
0xb2: {  	[tilespmem:s0], [sflag:$0x1] =	stream.indirect_vreg.gather [hbm4b:s5+s3], $0x80, v9, vm0, $0xb8;
	[tilespmem:$0x18100] =	vst v63  }
0xb3: {  	s0 =	simm.s32 $0x17900  }
0xb4: {  	[tilespmem:s0], [sflag:$0x1] =	stream.indirect_vreg.gather [hbm4b:s6+s3], $0x80, v9, vm0, $0xb8;
	[tilespmem:$0x18100] =	vst v63  }
0xb5: {  	s0 =	simm.s32 $0x1  }
0xb6: {  	_ =	swait.ge [sflag:s0], $0x18000  }
0xb7: {  	[sflag:s0] =	ssyncset.done $0x0  }
0xb8: {  	[sflag:s0] =	ssyncadd.s32 $0xFFFE8000  }
0xb9: {  	v9 =	vld [tilespmem:$0x80];
	_ =	sdelay $0x4  }
0xba: {  	v10 =	vshrl.u32 v9, $0x3  }
0xbb: {  	v10 =	vmul.u32 $0x30, v10  }
0xbc: {  	v9 =	vand.u32 $0x7, v9  }
0xbd: {  	v9 =	vor.u32 v9, v10  }
0xbe: {  	v10 =	vperm.xlane v9, v1;
	_ =	sdelay $0x1  }
0xbf: {  	v10 =	vadd.s32 v3, v10;
	_ =	sdelay $0x3  }
0xc0: {  	v9 =	vperm.xlane v9, v2  }
0xc1: {  	[hbm4b:s4+s3] =	stream.indirect_vreg.scatter [tilespmem:s17], [sflag:$0x2], $0x80, v10, vm0, $0xb8;
	[tilespmem:$0x18100] =	vst v63  }
0xc2: {  	v9 =	vadd.s32 v3, v9  }
0xc3: {  	[hbm4b:s7+s3] =	stream.indirect_vreg.scatter [tilespmem:s18], [sflag:$0x2], $0x80, v10, vm0, $0xb8;
	[tilespmem:$0x18100] =	vst v63  }
0xc4: {  	_ = 	snop  }
0xc5: {  	[hbm4b:s8+s3] =	stream.indirect_vreg.scatter [tilespmem:s19], [sflag:$0x2], $0x80, v10, vm0, $0xb8;
	[tilespmem:$0x18100] =	vst v63  }
0xc6: {  	_ = 	snop  }
0xc7: {  	[hbm4b:s4+s3] =	stream.indirect_vreg.scatter [tilespmem:s20], [sflag:$0x2], $0x80, v9, vm0, $0xb8;
	[tilespmem:$0x18100] =	vst v63  }
0xc8: {  	_ = 	snop  }
0xc9: {  	[hbm4b:s7+s3] =	stream.indirect_vreg.scatter [tilespmem:s21], [sflag:$0x2], $0x80, v9, vm0, $0xb8;
	[tilespmem:$0x18100] =	vst v63  }
0xca: {  	_ = 	snop  }
0xcb: {  	[hbm4b:s8+s3] =	stream.indirect_vreg.scatter [tilespmem:s22], [sflag:$0x2], $0x80, v9, vm0, $0xb8;
	[tilespmem:$0x18100] =	vst v63  }
0xcc: {  	v9 =	vld [tilespmem:$0x90];
	_ =	sdelay $0x4  }
0xcd: {  	v10 =	vshrl.u32 v9, $0x3  }
0xce: {  	v10 =	vmul.u32 $0x30, v10  }
0xcf: {  	v9 =	vand.u32 $0x7, v9  }
0xd0: {  	v9 =	vor.u32 v9, v10  }
0xd1: {  	v10 =	vperm.xlane v9, v1;
	_ =	sdelay $0x1  }
0xd2: {  	v10 =	vadd.s32 v3, v10;
	_ =	sdelay $0x3  }
0xd3: {  	v9 =	vperm.xlane v9, v2  }
0xd4: {  	[hbm4b:s4+s3] =	stream.indirect_vreg.scatter [tilespmem:s23], [sflag:$0x2], $0x80, v10, vm0, $0xb8;
	[tilespmem:$0x18100] =	vst v63  }
0xd5: {  	v9 =	vadd.s32 v3, v9  }
0xd6: {  	[hbm4b:s7+s3] =	stream.indirect_vreg.scatter [tilespmem:s24], [sflag:$0x2], $0x80, v10, vm0, $0xb8;
	[tilespmem:$0x18100] =	vst v63  }
0xd7: {  	_ = 	snop  }
0xd8: {  	[hbm4b:s8+s3] =	stream.indirect_vreg.scatter [tilespmem:s25], [sflag:$0x2], $0x80, v10, vm0, $0xb8;
	[tilespmem:$0x18100] =	vst v63  }
0xd9: {  	_ = 	snop  }
0xda: {  	[hbm4b:s4+s3] =	stream.indirect_vreg.scatter [tilespmem:s26], [sflag:$0x2], $0x80, v9, vm0, $0xb8;
	[tilespmem:$0x18100] =	vst v63  }
0xdb: {  	_ = 	snop  }
0xdc: {  	[hbm4b:s7+s3] =	stream.indirect_vreg.scatter [tilespmem:s28], [sflag:$0x2], $0x80, v9, vm0, $0xb8;
	[tilespmem:$0x18100] =	vst v63  }
0xdd: {  	_ = 	snop  }
0xde: {  	[hbm4b:s8+s3] =	stream.indirect_vreg.scatter [tilespmem:s29], [sflag:$0x2], $0x80, v9, vm0, $0xb8;
	[tilespmem:$0x18100] =	vst v63  }
0xdf: {  	v9 =	vld [tilespmem:$0xA0];
	_ =	sdelay $0x4  }
0xe0: {  	v10 =	vshrl.u32 v9, $0x3  }
0xe1: {  	v10 =	vmul.u32 $0x30, v10  }
0xe2: {  	v9 =	vand.u32 $0x7, v9  }
0xe3: {  	v9 =	vor.u32 v9, v10  }
0xe4: {  	v10 =	vperm.xlane v9, v1;
	_ =	sdelay $0x1  }
0xe5: {  	v10 =	vadd.s32 v3, v10;
	_ =	sdelay $0x3  }
0xe6: {  	v9 =	vperm.xlane v9, v2  }
0xe7: {  	[hbm4b:s4+s3] =	stream.indirect_vreg.scatter [tilespmem:s30], [sflag:$0x2], $0x80, v10, vm0, $0xb8;
	[tilespmem:$0x18100] =	vst v63  }
0xe8: {  	v9 =	vadd.s32 v3, v9  }
0xe9: {  	[hbm4b:s7+s3] =	stream.indirect_vreg.scatter [tilespmem:s31], [sflag:$0x2], $0x80, v10, vm0, $0xb8;
	[tilespmem:$0x18100] =	vst v63  }
0xea: {  	_ = 	snop  }
0xeb: {  	[hbm4b:s8+s3] =	stream.indirect_vreg.scatter [tilespmem:s1], [sflag:$0x2], $0x80, v10, vm0, $0xb8;
	[tilespmem:$0x18100] =	vst v63  }
0xec: {  	s18 =	simm.s32 $0x7900  }
0xed: {  	[hbm4b:s4+s3] =	stream.indirect_vreg.scatter [tilespmem:s18], [sflag:$0x2], $0x80, v9, vm0, $0xb8;
	[tilespmem:$0x18100] =	vst v63  }
0xee: {  	_ = 	snop  }
0xef: {  	[hbm4b:s7+s3] =	stream.indirect_vreg.scatter [tilespmem:s11], [sflag:$0x2], $0x80, v9, vm0, $0xb8;
	[tilespmem:$0x18100] =	vst v63  }
0xf0: {  	_ = 	snop  }
0xf1: {  	[hbm4b:s8+s3] =	stream.indirect_vreg.scatter [tilespmem:s12], [sflag:$0x2], $0x80, v9, vm0, $0xb8;
	[tilespmem:$0x18100] =	vst v63  }
0xf2: {  	v9 =	vld [tilespmem:$0xB0];
	_ =	sdelay $0x4  }
0xf3: {  	v10 =	vshrl.u32 v9, $0x3  }
0xf4: {  	v10 =	vmul.u32 $0x30, v10  }
0xf5: {  	v9 =	vand.u32 $0x7, v9  }
0xf6: {  	v9 =	vor.u32 v9, v10  }
0xf7: {  	v10 =	vperm.xlane v9, v1;
	_ =	sdelay $0x1  }
0xf8: {  	v10 =	vadd.s32 v3, v10;
	_ =	sdelay $0x3  }
0xf9: {  	v9 =	vperm.xlane v9, v2  }
0xfa: {  	[hbm4b:s4+s3] =	stream.indirect_vreg.scatter [tilespmem:s13], [sflag:$0x2], $0x80, v10, vm0, $0xb8;
	[tilespmem:$0x18100] =	vst v63  }
0xfb: {  	v9 =	vadd.s32 v3, v9  }
0xfc: {  	[hbm4b:s7+s3] =	stream.indirect_vreg.scatter [tilespmem:s14], [sflag:$0x2], $0x80, v10, vm0, $0xb8;
	[tilespmem:$0x18100] =	vst v63  }
0xfd: {  	_ = 	snop  }
0xfe: {  	[hbm4b:s8+s3] =	stream.indirect_vreg.scatter [tilespmem:s15], [sflag:$0x2], $0x80, v10, vm0, $0xb8;
	[tilespmem:$0x18100] =	vst v63  }
0xff: {  	_ = 	snop  }
0x100: {  	[hbm4b:s4+s3] =	stream.indirect_vreg.scatter [tilespmem:s16], [sflag:$0x2], $0x80, v9, vm0, $0xb8;
	[tilespmem:$0x18100] =	vst v63  }
0x101: {  	_ = 	snop  }
0x102: {  	[hbm4b:s7+s3] =	stream.indirect_vreg.scatter [tilespmem:s10], [sflag:$0x2], $0x80, v9, vm0, $0xb8;
	[tilespmem:$0x18100] =	vst v63  }
0x103: {  	s17 =	simm.s32 $0xB900  }
0x104: {  	[hbm4b:s8+s3] =	stream.indirect_vreg.scatter [tilespmem:s17], [sflag:$0x2], $0x80, v9, vm0, $0xb8;
	[tilespmem:$0x18100] =	vst v63  }
0x105: {  	v9 =	vld [tilespmem:$0xC0];
	_ =	sdelay $0x4  }
0x106: {  	v10 =	vshrl.u32 v9, $0x3  }
0x107: {  	v10 =	vmul.u32 $0x30, v10  }
0x108: {  	v9 =	vand.u32 $0x7, v9  }
0x109: {  	v9 =	vor.u32 v9, v10  }
0x10a: {  	v10 =	vperm.xlane v9, v1;
	_ =	sdelay $0x1  }
0x10b: {  	v10 =	vadd.s32 v3, v10;
	_ =	sdelay $0x3  }
0x10c: {  	s18 =	simm.s32 $0xC100;
	v9 =	vperm.xlane v9, v2  }
0x10d: {  	[hbm4b:s4+s3] =	stream.indirect_vreg.scatter [tilespmem:s18], [sflag:$0x2], $0x80, v10, vm0, $0xb8;
	[tilespmem:$0x18100] =	vst v63  }
0x10e: {  	s17 =	simm.s32 $0xC900;
	v9 =	vadd.s32 v3, v9  }
0x10f: {  	[hbm4b:s7+s3] =	stream.indirect_vreg.scatter [tilespmem:s17], [sflag:$0x2], $0x80, v10, vm0, $0xb8;
	[tilespmem:$0x18100] =	vst v63  }
0x110: {  	s18 =	simm.s32 $0xD100  }
0x111: {  	[hbm4b:s8+s3] =	stream.indirect_vreg.scatter [tilespmem:s18], [sflag:$0x2], $0x80, v10, vm0, $0xb8;
	[tilespmem:$0x18100] =	vst v63  }
0x112: {  	s17 =	simm.s32 $0xD900  }
0x113: {  	[hbm4b:s4+s3] =	stream.indirect_vreg.scatter [tilespmem:s17], [sflag:$0x2], $0x80, v9, vm0, $0xb8;
	[tilespmem:$0x18100] =	vst v63  }
0x114: {  	s18 =	simm.s32 $0xE100  }
0x115: {  	[hbm4b:s7+s3] =	stream.indirect_vreg.scatter [tilespmem:s18], [sflag:$0x2], $0x80, v9, vm0, $0xb8;
	[tilespmem:$0x18100] =	vst v63  }
0x116: {  	s17 =	simm.s32 $0xE900  }
0x117: {  	[hbm4b:s8+s3] =	stream.indirect_vreg.scatter [tilespmem:s17], [sflag:$0x2], $0x80, v9, vm0, $0xb8;
	[tilespmem:$0x18100] =	vst v63  }
0x118: {  	v9 =	vld [tilespmem:$0xD0];
	_ =	sdelay $0x4  }
0x119: {  	v10 =	vshrl.u32 v9, $0x3  }
0x11a: {  	v10 =	vmul.u32 $0x30, v10  }
0x11b: {  	v9 =	vand.u32 $0x7, v9  }
0x11c: {  	v9 =	vor.u32 v9, v10  }
0x11d: {  	v10 =	vperm.xlane v9, v1;
	_ =	sdelay $0x1  }
0x11e: {  	v10 =	vadd.s32 v3, v10;
	_ =	sdelay $0x3  }
0x11f: {  	s18 =	simm.s32 $0xF100;
	v9 =	vperm.xlane v9, v2  }
0x120: {  	[hbm4b:s4+s3] =	stream.indirect_vreg.scatter [tilespmem:s18], [sflag:$0x2], $0x80, v10, vm0, $0xb8;
	[tilespmem:$0x18100] =	vst v63  }
0x121: {  	s17 =	simm.s32 $0xF900;
	v9 =	vadd.s32 v3, v9  }
0x122: {  	[hbm4b:s7+s3] =	stream.indirect_vreg.scatter [tilespmem:s17], [sflag:$0x2], $0x80, v10, vm0, $0xb8;
	[tilespmem:$0x18100] =	vst v63  }
0x123: {  	s18 =	simm.s32 $0x10100  }
0x124: {  	[hbm4b:s8+s3] =	stream.indirect_vreg.scatter [tilespmem:s18], [sflag:$0x2], $0x80, v10, vm0, $0xb8;
	[tilespmem:$0x18100] =	vst v63  }
0x125: {  	s17 =	simm.s32 $0x10900  }
0x126: {  	[hbm4b:s4+s3] =	stream.indirect_vreg.scatter [tilespmem:s17], [sflag:$0x2], $0x80, v9, vm0, $0xb8;
	[tilespmem:$0x18100] =	vst v63  }
0x127: {  	s18 =	simm.s32 $0x11100  }
0x128: {  	[hbm4b:s7+s3] =	stream.indirect_vreg.scatter [tilespmem:s18], [sflag:$0x2], $0x80, v9, vm0, $0xb8;
	[tilespmem:$0x18100] =	vst v63  }
0x129: {  	s17 =	simm.s32 $0x11900  }
0x12a: {  	[hbm4b:s8+s3] =	stream.indirect_vreg.scatter [tilespmem:s17], [sflag:$0x2], $0x80, v9, vm0, $0xb8;
	[tilespmem:$0x18100] =	vst v63  }
0x12b: {  	v9 =	vld [tilespmem:$0xE0];
	_ =	sdelay $0x4  }
0x12c: {  	v10 =	vshrl.u32 v9, $0x3  }
0x12d: {  	v10 =	vmul.u32 $0x30, v10  }
0x12e: {  	v9 =	vand.u32 $0x7, v9  }
0x12f: {  	v9 =	vor.u32 v9, v10  }
0x130: {  	v10 =	vperm.xlane v9, v1;
	_ =	sdelay $0x1  }
0x131: {  	v10 =	vadd.s32 v3, v10;
	_ =	sdelay $0x3  }
0x132: {  	s18 =	simm.s32 $0x12100;
	v9 =	vperm.xlane v9, v2  }
0x133: {  	[hbm4b:s4+s3] =	stream.indirect_vreg.scatter [tilespmem:s18], [sflag:$0x2], $0x80, v10, vm0, $0xb8;
	[tilespmem:$0x18100] =	vst v63  }
0x134: {  	s17 =	simm.s32 $0x12900;
	v9 =	vadd.s32 v3, v9  }
0x135: {  	[hbm4b:s7+s3] =	stream.indirect_vreg.scatter [tilespmem:s17], [sflag:$0x2], $0x80, v10, vm0, $0xb8;
	[tilespmem:$0x18100] =	vst v63  }
0x136: {  	s18 =	simm.s32 $0x13100  }
0x137: {  	[hbm4b:s8+s3] =	stream.indirect_vreg.scatter [tilespmem:s18], [sflag:$0x2], $0x80, v10, vm0, $0xb8;
	[tilespmem:$0x18100] =	vst v63  }
0x138: {  	s17 =	simm.s32 $0x13900  }
0x139: {  	[hbm4b:s4+s3] =	stream.indirect_vreg.scatter [tilespmem:s17], [sflag:$0x2], $0x80, v9, vm0, $0xb8;
	[tilespmem:$0x18100] =	vst v63  }
0x13a: {  	s18 =	simm.s32 $0x14100  }
0x13b: {  	[hbm4b:s7+s3] =	stream.indirect_vreg.scatter [tilespmem:s18], [sflag:$0x2], $0x80, v9, vm0, $0xb8;
	[tilespmem:$0x18100] =	vst v63  }
0x13c: {  	s17 =	simm.s32 $0x14900  }
0x13d: {  	[hbm4b:s8+s3] =	stream.indirect_vreg.scatter [tilespmem:s17], [sflag:$0x2], $0x80, v9, vm0, $0xb8;
	[tilespmem:$0x18100] =	vst v63  }
0x13e: {  	v9 =	vld [tilespmem:$0xF0];
	_ =	sdelay $0x4  }
0x13f: {  	v10 =	vshrl.u32 v9, $0x3  }
0x140: {  	v10 =	vmul.u32 $0x30, v10  }
0x141: {  	v9 =	vand.u32 $0x7, v9  }
0x142: {  	v9 =	vor.u32 v9, v10  }
0x143: {  	v10 =	vperm.xlane v9, v1;
	_ =	sdelay $0x1  }
0x144: {  	v10 =	vadd.s32 v3, v10;
	_ =	sdelay $0x3  }
0x145: {  	s18 =	simm.s32 $0x15100;
	v9 =	vperm.xlane v9, v2  }
0x146: {  	[hbm4b:s4+s3] =	stream.indirect_vreg.scatter [tilespmem:s18], [sflag:$0x2], $0x80, v10, vm0, $0xb8;
	[tilespmem:$0x18100] =	vst v63  }
0x147: {  	s17 =	simm.s32 $0x15900;
	v9 =	vadd.s32 v3, v9  }
0x148: {  	[hbm4b:s7+s3] =	stream.indirect_vreg.scatter [tilespmem:s17], [sflag:$0x2], $0x80, v10, vm0, $0xb8;
	[tilespmem:$0x18100] =	vst v63  }
0x149: {  	s18 =	simm.s32 $0x16100  }
0x14a: {  	[hbm4b:s8+s3] =	stream.indirect_vreg.scatter [tilespmem:s18], [sflag:$0x2], $0x80, v10, vm0, $0xb8;
	[tilespmem:$0x18100] =	vst v63  }
0x14b: {  	s17 =	simm.s32 $0x16900  }
0x14c: {  	[hbm4b:s4+s3] =	stream.indirect_vreg.scatter [tilespmem:s17], [sflag:$0x2], $0x80, v9, vm0, $0xb8;
	[tilespmem:$0x18100] =	vst v63  }
0x14d: {  	p0 =	sne.s32 s9, $0x1;
	s18 =	simm.s32 $0x17100  }
0x14e: {  	[hbm4b:s7+s3] =	stream.indirect_vreg.scatter [tilespmem:s18], [sflag:$0x2], $0x80, v9, vm0, $0xb8;
	[tilespmem:$0x18100] =	vst v63  }
.Ltmp0:
0x14f: {  	s17 =	simm.s32 $0x17900;
	s18 =	simm.s32 $0x2;
	(pc) =	sbr.rel @p0 .LBB2_1-.Ltmp0, $4  }
0x150: {  	[hbm4b:s8+s3] =	stream.indirect_vreg.scatter [tilespmem:s17], [sflag:$0x2], $0x80, v9, vm0, $0xb8;
	[tilespmem:$0x18100] =	vst v63  }
0x151: {  	_ =	swait.ge [sflag:s18], $0x18000  }
0x152: {  	[sflag:s18] =	ssyncset.done $0x0  }
0x153: {  	s9 =	sadd.s32 $0xFFFFFFFF, s9;
	[sflag:s18] =	ssyncadd.s32 $0xFFFE8000  }
0x154: {  	_ =	sfence.sel $0x180000  }
0x155: {  	[bflag:$0x0] =	sbarrier.arrive $0xFFFF  }
0x156: {  	_ =	strace $0x90000047  }
0x157: {  	s0 =	stileid.u32;
	[bflag:$0x2] =	sbarrier.arrive $0xFFFF  }
0x158: {  	p0 =	sne.s32 s0, $0x0;
	s0 =	rddreg [dreg:$0x2]  }
0x159: {  	s0 =	sadd.s32 @!p0 $0x100000, s0  }
0x15a: {  	[sflag:s0] =	ssyncadd.tile.s32 @!p0 $0x1;
	_ =	shalt  }
.Lfunc_end2:
_tile_overlayer_lowered:
.L_overlay_start_2:
0x15b: {  	(tag) =	ssettag $0x2  }
0x15c: {  	s0 =	rddreg [dreg:$0x0];
	s2 =	stileid.u32  }
0x15d: {  	s1 =	rddreg [dreg:$0x1];
	p0 =	sne.s32 s2, $0x0  }
0x15e: {  	s3 =	rddreg [dreg:$0x2];
	[bflag:$0x3] =	sbarrier.arrive $0xFFFF;
	s2 =	simm.s32 @!p0 $0x1C03  }
0x15f: {  	[timem:s3], [sflag:s2] =	dma.local @!p0 [hbm:s0], s1  }
0x160: {  	s0 =	simm.s32 @!p0 $0x3  }
0x161: {  	_ =	swait.ge @!p0 [sflag:s0], s1  }
0x162: {  	s1 =	ssub.s32 @!p0 $0x0, s1;
	[sflag:s0] =	ssyncset.done @!p0 $0x0  }
0x163: {  	[sflag:s0] =	ssyncadd.s32 @!p0 s1  }
0x164: {  	[bflag:$0x3] =	sbarrier.arrive $0xFFFF  }
0x165: {  	_ =	shalt  }

</sc_bundles>
